<compile_context>
chip_gen: v7x
topology: tpu7x:2x2x1
jax: 0.10.2.dev20260603
libtpu: 0.0.44.dev20260713+nightly
codegen_flags: <defaults>
</compile_context>

<pallas_src>
import functools

import jax
import jax.numpy as jnp
from jax import lax
from jax.experimental import pallas as pl
from jax.experimental.pallas import tpu as pltpu
from jax.experimental.pallas import tpu_sc as plsc

_N = 10000
_NP = 10240
_E = 320000
_G = 64
_NC = 2
_NS = 16
_NW = _NC * _NS
_K = 128
_NCHB = 79
_EP = _NW * _NCHB * _K
_RPT = _NP // _NS
_ZCH = 80
_DEGW = 16

_mesh = plsc.VectorSubcoreMesh(core_axis_name="c", subcore_axis_name="s")
_sc_params = pltpu.CompilerParams(use_tc_tiling_on_sc=False)


@functools.partial(
    pl.kernel,
    mesh=_mesh,
    compiler_params=_sc_params,
    out_type=jax.ShapeDtypeStruct((_NC, _NP, _DEGW), jnp.float32),
    scratch_types=[
        pltpu.VMEM((_NCHB, _K), jnp.int32),
        pltpu.VMEM((_K, _DEGW), jnp.float32),
        pltpu.VMEM((_ZCH, _DEGW), jnp.float32),
        pltpu.VMEM_SHARED((_NP, _DEGW), jnp.float32),
        pltpu.SemaphoreType.DMA,
    ],
)
def _deg(dst_hbm, out_hbm, didx, ones_v, zbuf_v, table_s, sem):
    c = lax.axis_index("c")
    s = lax.axis_index("s")
    wid = s * _NC + c
    pltpu.sync_copy(dst_hbm.at[wid], didx)

    def _fill(i, _):
        ones_v[i, :] = jnp.ones((_DEGW,), jnp.float32)
        return 0

    lax.fori_loop(0, _K, _fill, 0)

    def _zfill(i, _):
        zbuf_v[i, :] = jnp.zeros((_DEGW,), jnp.float32)
        return 0

    lax.fori_loop(0, _ZCH, _zfill, 0)
    r0 = s * _RPT

    def _zero(z, _):
        pltpu.sync_copy(zbuf_v, table_s.at[pl.ds(r0 + z * _ZCH, _ZCH)])
        return 0

    lax.fori_loop(0, _RPT // _ZCH, _zero, 0)
    plsc.subcore_barrier()

    def _step(t, _):
        pltpu.async_copy(ones_v, table_s.at[didx.at[t]], sem, add=True)
        return 0

    lax.fori_loop(0, _NCHB, _step, 0)

    def _drain(t, _):
        pltpu.make_async_copy(ones_v, table_s.at[didx.at[0]], sem).wait()
        return 0

    lax.fori_loop(0, _NCHB, _drain, 0)
    plsc.subcore_barrier()

    def _out(z, _):
        rr = r0 + z * _ZCH
        pltpu.sync_copy(table_s.at[pl.ds(rr, _ZCH)], out_hbm.at[c, pl.ds(rr, _ZCH)])
        return 0

    lax.fori_loop(0, _RPT // _ZCH, _out, 0)


def _zero_stripe(rows0, table, feat, k, r0):
    nv = feat // 16

    def _zfill(i, _):
        for j in range(nv):
            rows0[i, pl.ds(j * 16, 16)] = jnp.zeros((16,), jnp.float32)
        return 0

    lax.fori_loop(0, k, _zfill, 0)

    def _zero(z, _):
        pltpu.sync_copy(rows0, table.at[pl.ds(r0 + z * k, k)])
        return 0

    lax.fori_loop(0, _RPT // k, _zero, 0)


def _ring_loop(yref, table, sidx, didx, rows, gsems, ssems, nchb, hdeep):
    nbuf = len(rows)

    def issue_gather(t, b):
        pltpu.async_copy(yref.at[sidx.at[t]], rows[b], gsems[b])

    def wait_gather(b):
        pltpu.make_async_copy(yref.at[sidx.at[0]], rows[b], gsems[b]).wait()

    def issue_scatter(t, b):
        pltpu.async_copy(rows[b], table.at[didx.at[t]], ssems[b], add=True)

    def wait_scatter(b):
        pltpu.make_async_copy(rows[b], table.at[didx.at[0]], ssems[b]).wait()

    for b in range(hdeep):
        issue_gather(b, b)
    nq = nchb // nbuf

    def _q(q, _):
        for b in range(nbuf):
            kk = nbuf * q + b
            bh = (b + hdeep) % nbuf

            @pl.when(kk >= hdeep)
            def _():
                wait_scatter(bh)

            @pl.when(kk + hdeep < nchb)
            def _():
                issue_gather(kk + hdeep, bh)

            wait_gather(b)
            issue_scatter(kk, b)
        return 0

    lax.fori_loop(0, nq, _q, 0)
    for kk in range(nbuf * nq, nchb):
        b = kk % nbuf
        bh = (b + hdeep) % nbuf
        if kk >= hdeep:
            wait_scatter(bh)
        if kk + hdeep < nchb:
            issue_gather(kk + hdeep, bh)
        wait_gather(b)
        issue_scatter(kk, b)
    for kk in range(max(nchb - hdeep, 0), nchb):
        wait_scatter(kk % nbuf)


def _make_scatter64(k, nchb, nbuf, hdeep):
    feat = 64

    @functools.partial(
        pl.kernel,
        mesh=_mesh,
        compiler_params=_sc_params,
        out_type=jax.ShapeDtypeStruct((_NC, _NP, feat), jnp.float32),
        scratch_types=(
            [pltpu.VMEM((nchb, k), jnp.int32),
             pltpu.VMEM((nchb, k), jnp.int32)]
            + [pltpu.VMEM((k, feat), jnp.float32) for _ in range(nbuf)]
            + [pltpu.VMEM_SHARED((_NP, feat), jnp.float32)]
            + [pltpu.SemaphoreType.DMA for _ in range(2 * nbuf)]
        ),
    )
    def _scatter(y_hbm, src_hbm, dst_hbm, out_hbm, *scr):
        sidx, didx = scr[0], scr[1]
        rows = scr[2:2 + nbuf]
        table = scr[2 + nbuf]
        gsems = scr[3 + nbuf:3 + 2 * nbuf]
        ssems = scr[3 + 2 * nbuf:3 + 3 * nbuf]
        c = lax.axis_index("c")
        s = lax.axis_index("s")
        wid = s * _NC + c
        pltpu.sync_copy(src_hbm.at[wid], sidx)
        pltpu.sync_copy(dst_hbm.at[wid], didx)
        r0 = s * _RPT
        _zero_stripe(rows[0], table, feat, k, r0)
        plsc.subcore_barrier()
        _ring_loop(y_hbm, table, sidx, didx, rows, gsems, ssems, nchb, hdeep)
        plsc.subcore_barrier()

        def _out(z, _):
            rr = r0 + z * _ZCH
            pltpu.sync_copy(table.at[pl.ds(rr, _ZCH)],
                            out_hbm.at[c, pl.ds(rr, _ZCH)])
            return 0

        lax.fori_loop(0, _RPT // _ZCH, _out, 0)

    return _scatter


def _make_scatter_fs(k, nchb, nbuf, hdeep):
    feat = 64

    @functools.partial(
        pl.kernel,
        mesh=_mesh,
        compiler_params=_sc_params,
        out_type=jax.ShapeDtypeStruct((_NC, _NP, feat), jnp.float32),
        scratch_types=(
            [pltpu.VMEM((nchb, k), jnp.int32),
             pltpu.VMEM((nchb, k), jnp.int32)]
            + [pltpu.VMEM((k, feat), jnp.float32) for _ in range(nbuf)]
            + [pltpu.VMEM_SHARED((_NP, feat), jnp.float32)]
            + [pltpu.SemaphoreType.DMA for _ in range(2 * nbuf)]
        ),
    )
    def _scatter(ya_hbm, yb_hbm, src_hbm, dst_hbm, out_hbm, *scr):
        sidx, didx = scr[0], scr[1]
        rows = scr[2:2 + nbuf]
        table = scr[2 + nbuf]
        gsems = scr[3 + nbuf:3 + 2 * nbuf]
        ssems = scr[3 + 2 * nbuf:3 + 3 * nbuf]
        c = lax.axis_index("c")
        s = lax.axis_index("s")
        pltpu.sync_copy(src_hbm.at[s], sidx)
        pltpu.sync_copy(dst_hbm.at[s], didx)
        r0 = s * _RPT
        _zero_stripe(rows[0], table, feat, k, r0)
        plsc.subcore_barrier()

        @pl.when(c == 0)
        def _():
            _ring_loop(ya_hbm, table, sidx, didx, rows, gsems, ssems, nchb,
                       hdeep)

        @pl.when(c == 1)
        def _():
            _ring_loop(yb_hbm, table, sidx, didx, rows, gsems, ssems, nchb,
                       hdeep)

        plsc.subcore_barrier()

        def _out(z, _):
            rr = r0 + z * _ZCH
            pltpu.sync_copy(table.at[pl.ds(rr, _ZCH)],
                            out_hbm.at[c, pl.ds(rr, _ZCH)])
            return 0

        lax.fori_loop(0, _RPT // _ZCH, _out, 0)

    return _scatter


_scatter128 = _make_scatter_fs(_K, 2 * _NCHB, 4, 2)
_scatter64 = _make_scatter64(_K, _NCHB, 6, 3)


def _dinv_of(degt):
    def body(d_ref, o_ref):
        d = d_ref[0] + d_ref[1]
        o_ref[...] = lax.rsqrt(d[:, 0:1] + 1.0)

    return pl.pallas_call(
        body,
        out_shape=jax.ShapeDtypeStruct((_NP, 1), jnp.float32),
    )(degt)


def _matmul_scale(h, w, dinv, f_in, f_out):
    blk = 1024

    def body(h_ref, w_ref, d_ref, o_ref):
        o_ref[...] = d_ref[...] * jnp.dot(
            h_ref[...], w_ref[...], preferred_element_type=jnp.float32)

    return pl.pallas_call(
        body,
        grid=(_NP // blk,),
        in_specs=[
            pl.BlockSpec((blk, f_in), lambda i: (i, 0)),
            pl.BlockSpec((f_in, f_out), lambda i: (0, 0)),
            pl.BlockSpec((blk, 1), lambda i: (i, 0)),
        ],
        out_specs=pl.BlockSpec((blk, f_out), lambda i: (i, 0)),
        out_shape=jax.ShapeDtypeStruct((_NP, f_out), jnp.float32),
    )(h, w, dinv)


def _matmul_scale2(h, w, dinv):
    blk = 1024

    def body(h_ref, w_ref, d_ref, oa_ref, ob_ref):
        y = d_ref[...] * jnp.dot(h_ref[...], w_ref[...],
                                 preferred_element_type=jnp.float32)
        oa_ref[...] = y[:, :64]
        ob_ref[...] = y[:, 64:]

    return pl.pallas_call(
        body,
        grid=(_NP // blk,),
        in_specs=[
            pl.BlockSpec((blk, 128), lambda i: (i, 0)),
            pl.BlockSpec((128, 128), lambda i: (0, 0)),
            pl.BlockSpec((blk, 1), lambda i: (i, 0)),
        ],
        out_specs=[pl.BlockSpec((blk, 64), lambda i: (i, 0)),
                   pl.BlockSpec((blk, 64), lambda i: (i, 0))],
        out_shape=[jax.ShapeDtypeStruct((_NP, 64), jnp.float32),
                   jax.ShapeDtypeStruct((_NP, 64), jnp.float32)],
    )(h, w, dinv)


def _combine_fs(agg, ya, yb, dinv, b):
    blk = 1024

    def body(a_ref, ya_ref, yb_ref, d_ref, b_ref, o_ref):
        left = a_ref[0] + ya_ref[...]
        right = a_ref[1] + yb_ref[...]
        t = jnp.concatenate([left, right], axis=1)
        o_ref[...] = jnp.maximum(d_ref[...] * t + b_ref[...], 0.0)

    return pl.pallas_call(
        body,
        grid=(_NP // blk,),
        in_specs=[
            pl.BlockSpec((_NC, blk, 64), lambda i: (0, i, 0)),
            pl.BlockSpec((blk, 64), lambda i: (i, 0)),
            pl.BlockSpec((blk, 64), lambda i: (i, 0)),
            pl.BlockSpec((blk, 1), lambda i: (i, 0)),
            pl.BlockSpec((1, 128), lambda i: (0, 0)),
        ],
        out_specs=pl.BlockSpec((blk, 128), lambda i: (i, 0)),
        out_shape=jax.ShapeDtypeStruct((_NP, 128), jnp.float32),
    )(agg, ya, yb, dinv, b)


def _combine(agg, y, dinv, b, feat):
    blk = 1024

    def body(a_ref, y_ref, d_ref, b_ref, o_ref):
        t = a_ref[0] + a_ref[1] + y_ref[...]
        o_ref[...] = jnp.maximum(d_ref[...] * t + b_ref[...], 0.0)

    return pl.pallas_call(
        body,
        grid=(_NP // blk,),
        in_specs=[
            pl.BlockSpec((_NC, blk, feat), lambda i: (0, i, 0)),
            pl.BlockSpec((blk, feat), lambda i: (i, 0)),
            pl.BlockSpec((blk, 1), lambda i: (i, 0)),
            pl.BlockSpec((1, feat), lambda i: (0, 0)),
        ],
        out_specs=pl.BlockSpec((blk, feat), lambda i: (i, 0)),
        out_shape=jax.ShapeDtypeStruct((_NP, feat), jnp.float32),
    )(agg, y, dinv, b)


def _pool(h, batchp, feat):
    def body(h_ref, b_ref, o_ref):
        hv = h_ref[...]
        bv = b_ref[...]

        def g_step(g, _):
            m = bv == g
            col = jnp.where(m, hv, -jnp.inf)
            o_ref[pl.ds(g, 1), :] = jnp.max(col, axis=0, keepdims=True)
            return 0

        lax.fori_loop(0, _G, g_step, 0)

    return pl.pallas_call(
        body,
        out_shape=jax.ShapeDtypeStruct((_G, feat), jnp.float32),
    )(h, batchp)


def kernel(x, edge_index, batch, W1, b1, W2, b2, W3, b3, W4, b4):
    pad_e = _EP - _E
    src1 = jnp.concatenate([edge_index[0], jnp.zeros((pad_e,), jnp.int32)])
    dst1 = jnp.concatenate([edge_index[1],
                            jnp.full((pad_e,), _NP - 1, jnp.int32)])
    srcp = src1.reshape(_NW, _NCHB, _K)
    dstp = dst1.reshape(_NW, _NCHB, _K)
    srcf = src1.reshape(_NS, 2 * _NCHB, _K)
    dstf = dst1.reshape(_NS, 2 * _NCHB, _K)
    xp = jnp.pad(x.astype(jnp.float32), ((0, _NP - _N), (0, 0)))
    batchp = jnp.pad(batch, (0, _NP - _N), constant_values=-1).reshape(_NP, 1)

    degt = _deg(dstp)
    dinv = _dinv_of(degt)

    ya, yb = _matmul_scale2(xp, W1, dinv)
    agg = _scatter128(ya, yb, srcf, dstf)
    h = _combine_fs(agg, ya, yb, dinv, b1.reshape(1, 128))

    for W, b, f_in in ((W2, b2, 128), (W3, b3, 64), (W4, b4, 64)):
        y = _matmul_scale(h, W, dinv, f_in, 64)
        agg = _scatter64(y, srcp, dstp)
        h = _combine(agg, y, dinv, b.reshape(1, 64), 64)

    return _pool(h, batchp, 64)

# --- scband reference (transcript-rebuilt; emitter-appended) ---
"""Pipeline reference for scband-gcnbackbone-33767032881754 (READ-ONLY COPY).

The authoritative reference and input builder live on the scoring server;
editing this copy changes nothing except your own understanding.
"""

import jax, jax.numpy as jnp
import numpy as np

N = 10000
E = 320000
F_IN = 128
NUM_GRAPHS = 64
DIMS = [(128, 128), (128, 64), (64, 64), (64, 64)]


def setup_inputs(seed: int = 0) -> dict:
    key = jax.random.key(seed)
    ks = jax.random.split(key, 12)
    inp = {}
    inp["x"] = jax.random.normal(ks[0], (N, F_IN), jnp.float32)
    inp["edge_index"] = jax.random.randint(ks[1], (2, E), 0, N, jnp.int32)
    inp["batch"] = jnp.sort(jax.random.randint(ks[2], (N,), 0, NUM_GRAPHS, jnp.int32))
    for i, (fi, fo) in enumerate(DIMS):
        scale = (2.0 / (fi + fo)) ** 0.5
        inp["W%d" % (i + 1)] = jax.random.normal(ks[3 + 2 * i], (fi, fo), jnp.float32) * scale
        inp["b%d" % (i + 1)] = jnp.zeros((fo,), jnp.float32)
    return inp


def gcn_conv(x, edge_index, W, b):
    # PyG GCNConv: add self-loops, symmetric degree normalization, linear transform, scatter-add aggregation
    n = x.shape[0]
    loop = jnp.arange(n, dtype=edge_index.dtype)
    src = jnp.concatenate([edge_index[0], loop])
    dst = jnp.concatenate([edge_index[1], loop])
    ew = jnp.ones(src.shape[0], x.dtype)
    deg = jax.ops.segment_sum(ew, dst, num_segments=n)
    dinv = jnp.where(deg > 0, deg ** -0.5, 0.0)
    norm = dinv[src] * dinv[dst]
    xw = x @ W
    msg = xw[src] * norm[:, None]
    out = jax.ops.segment_sum(msg, dst, num_segments=n)
    return out + b


def reference(x, edge_index, batch, W1, b1, W2, b2, W3, b3, W4, b4):
    h = x.astype(jnp.float32)
    for W, b in ((W1, b1), (W2, b2), (W3, b3), (W4, b4)):
        h = jax.nn.relu(gcn_conv(h, edge_index, W, b))
        # dropout: eval mode -> identity
    pooled = jax.ops.segment_max(h, batch, num_segments=NUM_GRAPHS)
    return pooled

if __name__ == "__main__":
    import jax
    _d = setup_inputs()
    print(jax.jit(kernel)(*tuple(_d.values())))

</pallas_src>

<mosaic_0001>
#map = affine_map<(d0, d1) -> (0, 0)>
#map1 = affine_map<(d0, d1) -> (0, 0, 0)>
module attributes {stable_mosaic.version = 14 : i64} {
  func.func @_scatter(%arg0: i32, %arg1: i32, %arg2: memref<10240x64xf32, #tpu.memory_space<hbm>>, %arg3: memref<32x79x128xi32, #tpu.memory_space<hbm>>, %arg4: memref<32x79x128xi32, #tpu.memory_space<hbm>>, %arg5: memref<2x10240x64xf32, #tpu.memory_space<hbm>>, %arg6: memref<79x128xi32, #tpu.memory_space<vmem>>, %arg7: memref<79x128xi32, #tpu.memory_space<vmem>>, %arg8: memref<128x64xf32, #tpu.memory_space<vmem>>, %arg9: memref<128x64xf32, #tpu.memory_space<vmem>>, %arg10: memref<128x64xf32, #tpu.memory_space<vmem>>, %arg11: memref<128x64xf32, #tpu.memory_space<vmem>>, %arg12: memref<128x64xf32, #tpu.memory_space<vmem>>, %arg13: memref<128x64xf32, #tpu.memory_space<vmem>>, %arg14: memref<10240x64xf32, #tpu.memory_space<vmem_shared>>, %arg15: memref<!tpu.dma_semaphore, #tpu.memory_space<semaphore_mem>>, %arg16: memref<!tpu.dma_semaphore, #tpu.memory_space<semaphore_mem>>, %arg17: memref<!tpu.dma_semaphore, #tpu.memory_space<semaphore_mem>>, %arg18: memref<!tpu.dma_semaphore, #tpu.memory_space<semaphore_mem>>, %arg19: memref<!tpu.dma_semaphore, #tpu.memory_space<semaphore_mem>>, %arg20: memref<!tpu.dma_semaphore, #tpu.memory_space<semaphore_mem>>, %arg21: memref<!tpu.dma_semaphore, #tpu.memory_space<semaphore_mem>>, %arg22: memref<!tpu.dma_semaphore, #tpu.memory_space<semaphore_mem>>, %arg23: memref<!tpu.dma_semaphore, #tpu.memory_space<semaphore_mem>>, %arg24: memref<!tpu.dma_semaphore, #tpu.memory_space<semaphore_mem>>, %arg25: memref<!tpu.dma_semaphore, #tpu.memory_space<semaphore_mem>>, %arg26: memref<!tpu.dma_semaphore, #tpu.memory_space<semaphore_mem>>) attributes {dimension_semantics = [#tpu.dimension_semantics<core_parallel>, #tpu.dimension_semantics<subcore_parallel>], iteration_bounds = array<i64: 2, 16>, scalar_prefetch = 0 : i64, scratch_operands = 21 : i64, tpu.core_type = #tpu.core_type<sc_vector_subcore>, window_params = [{transform_indices = #map}, {transform_indices = #map1}, {transform_indices = #map1}, {transform_indices = #map1}]} {
    %mul3A = arith.constant 2 : i32
    %mul3A_0 = arith.muli %arg1, %mul3A : i32
    %add3A = arith.addi %mul3A_0, %arg0 : i32
    "tpu.region"() ({
      %run_scoped3A = tpu.sem_alloc : memref<!tpu.dma_semaphore, #tpu.memory_space<semaphore_mem>>
      %dma_start3A_92 = arith.constant 0 : i32
      %dma_start3A_93 = arith.constant 0 : i32
      %dma_start3A_94 = tpu.memref_slice %arg3[%add3A, %dma_start3A_92, %dma_start3A_93] : memref<32x79x128xi32, #tpu.memory_space<hbm>> -> memref<1x79x128xi32, #tpu.memory_space<hbm>>
      %dma_start3A_95 = tpu.memref_squeeze %dma_start3A_94 : memref<1x79x128xi32, #tpu.memory_space<hbm>> -> memref<79x128xi32, #tpu.memory_space<hbm>>
      %dma_start3A_96 = arith.constant 0 : i32
      %dma_start3A_97 = arith.constant 0 : i32
      %dma_start3A_98 = tpu.memref_slice %arg3[%add3A, %dma_start3A_96, %dma_start3A_97] : memref<32x79x128xi32, #tpu.memory_space<hbm>> -> memref<1x79x128xi32, #tpu.memory_space<hbm>>
      %dma_start3A_99 = tpu.memref_squeeze %dma_start3A_98 : memref<1x79x128xi32, #tpu.memory_space<hbm>> -> memref<79x128xi32, #tpu.memory_space<hbm>>
      tpu.enqueue_dma source(%dma_start3A_99 : memref<79x128xi32, #tpu.memory_space<hbm>>) target(%arg6 : memref<79x128xi32, #tpu.memory_space<vmem>>) target_semaphore(%run_scoped3A : memref<!tpu.dma_semaphore, #tpu.memory_space<semaphore_mem>>)
      %dma_wait3A_100 = arith.constant 0 : i32
      %dma_wait3A_101 = arith.constant 0 : i32
      %dma_wait3A_102 = tpu.memref_slice %arg3[%add3A, %dma_wait3A_100, %dma_wait3A_101] : memref<32x79x128xi32, #tpu.memory_space<hbm>> -> memref<1x79x128xi32, #tpu.memory_space<hbm>>
      %dma_wait3A_103 = tpu.memref_squeeze %dma_wait3A_102 : memref<1x79x128xi32, #tpu.memory_space<hbm>> -> memref<79x128xi32, #tpu.memory_space<hbm>>
      %dma_wait3A_104 = arith.constant 0 : i32
      %dma_wait3A_105 = arith.constant 0 : i32
      %dma_wait3A_106 = tpu.memref_slice %arg3[%add3A, %dma_wait3A_104, %dma_wait3A_105] : memref<32x79x128xi32, #tpu.memory_space<hbm>> -> memref<1x79x128xi32, #tpu.memory_space<hbm>>
      %dma_wait3A_107 = tpu.memref_squeeze %dma_wait3A_106 : memref<1x79x128xi32, #tpu.memory_space<hbm>> -> memref<79x128xi32, #tpu.memory_space<hbm>>
      tpu.wait_dma2 semaphore(%run_scoped3A : memref<!tpu.dma_semaphore, #tpu.memory_space<semaphore_mem>>) src(%dma_wait3A_107 : memref<79x128xi32, #tpu.memory_space<hbm>>) dst(%arg6 : memref<79x128xi32, #tpu.memory_space<vmem>>)
      tpu.yield
    }) : () -> ()
    "tpu.region"() ({
      %run_scoped3A = tpu.sem_alloc : memref<!tpu.dma_semaphore, #tpu.memory_space<semaphore_mem>>
      %dma_start3A_92 = arith.constant 0 : i32
      %dma_start3A_93 = arith.constant 0 : i32
      %dma_start3A_94 = tpu.memref_slice %arg4[%add3A, %dma_start3A_92, %dma_start3A_93] : memref<32x79x128xi32, #tpu.memory_space<hbm>> -> memref<1x79x128xi32, #tpu.memory_space<hbm>>
      %dma_start3A_95 = tpu.memref_squeeze %dma_start3A_94 : memref<1x79x128xi32, #tpu.memory_space<hbm>> -> memref<79x128xi32, #tpu.memory_space<hbm>>
      %dma_start3A_96 = arith.constant 0 : i32
      %dma_start3A_97 = arith.constant 0 : i32
      %dma_start3A_98 = tpu.memref_slice %arg4[%add3A, %dma_start3A_96, %dma_start3A_97] : memref<32x79x128xi32, #tpu.memory_space<hbm>> -> memref<1x79x128xi32, #tpu.memory_space<hbm>>
      %dma_start3A_99 = tpu.memref_squeeze %dma_start3A_98 : memref<1x79x128xi32, #tpu.memory_space<hbm>> -> memref<79x128xi32, #tpu.memory_space<hbm>>
      tpu.enqueue_dma source(%dma_start3A_99 : memref<79x128xi32, #tpu.memory_space<hbm>>) target(%arg7 : memref<79x128xi32, #tpu.memory_space<vmem>>) target_semaphore(%run_scoped3A : memref<!tpu.dma_semaphore, #tpu.memory_space<semaphore_mem>>)
      %dma_wait3A_100 = arith.constant 0 : i32
      %dma_wait3A_101 = arith.constant 0 : i32
      %dma_wait3A_102 = tpu.memref_slice %arg4[%add3A, %dma_wait3A_100, %dma_wait3A_101] : memref<32x79x128xi32, #tpu.memory_space<hbm>> -> memref<1x79x128xi32, #tpu.memory_space<hbm>>
      %dma_wait3A_103 = tpu.memref_squeeze %dma_wait3A_102 : memref<1x79x128xi32, #tpu.memory_space<hbm>> -> memref<79x128xi32, #tpu.memory_space<hbm>>
      %dma_wait3A_104 = arith.constant 0 : i32
      %dma_wait3A_105 = arith.constant 0 : i32
      %dma_wait3A_106 = tpu.memref_slice %arg4[%add3A, %dma_wait3A_104, %dma_wait3A_105] : memref<32x79x128xi32, #tpu.memory_space<hbm>> -> memref<1x79x128xi32, #tpu.memory_space<hbm>>
      %dma_wait3A_107 = tpu.memref_squeeze %dma_wait3A_106 : memref<1x79x128xi32, #tpu.memory_space<hbm>> -> memref<79x128xi32, #tpu.memory_space<hbm>>
      tpu.wait_dma2 semaphore(%run_scoped3A : memref<!tpu.dma_semaphore, #tpu.memory_space<semaphore_mem>>) src(%dma_wait3A_107 : memref<79x128xi32, #tpu.memory_space<hbm>>) dst(%arg7 : memref<79x128xi32, #tpu.memory_space<vmem>>)
      tpu.yield
    }) : () -> ()
    %mul3A_1 = arith.constant 640 : i32
    %mul3A_2 = arith.muli %arg1, %mul3A_1 : i32
    %scan3A = arith.constant 0 : i32
    %scan3A_3 = arith.constant 0 : i32
    %scan3A_4 = arith.constant 128 : i32
    %scan3A_5 = arith.addi %scan3A_3, %scan3A_4 : i32
    %scan3A_6 = arith.constant 1 : i32
    %scan3A_7 = scf.for %scan3A_92 = %scan3A_3 to %scan3A_5 step %scan3A_6 iter_args(%scan3A_93 = %scan3A) -> (i32)  : i32 {
      %broadcast_in_dim3A = arith.constant 0.000000e+00 : f32
      %broadcast_in_dim3A_94 = vector.broadcast %broadcast_in_dim3A : f32 to vector<16xf32>
      %swap3A = arith.index_cast %scan3A_92 : i32 to index
      %swap3A_95 = arith.constant 0 : index
      %swap3A_96 = tpu.vector_load %arg8[%swap3A, %swap3A_95] {strides = array<i32>} : memref<128x64xf32, #tpu.memory_space<vmem>>, vector<1x16xf32>,
      %swap3A_97 = vector.shape_cast %swap3A_96 : vector<1x16xf32> to vector<16xf32>
      %swap3A_98 = vector.shape_cast %broadcast_in_dim3A_94 : vector<16xf32> to vector<1x16xf32>
      tpu.vector_store %arg8[%swap3A, %swap3A_95], %swap3A_98 {strides = array<i32>} : memref<128x64xf32, #tpu.memory_space<vmem>>, vector<1x16xf32>,
      %broadcast_in_dim3A_99 = arith.constant 0.000000e+00 : f32
      %broadcast_in_dim3A_100 = vector.broadcast %broadcast_in_dim3A_99 : f32 to vector<16xf32>
      %swap3A_101 = arith.index_cast %scan3A_92 : i32 to index
      %swap3A_102 = arith.constant 16 : index
      %swap3A_103 = tpu.vector_load %arg8[%swap3A_101, %swap3A_102] {strides = array<i32>} : memref<128x64xf32, #tpu.memory_space<vmem>>, vector<1x16xf32>,
      %swap3A_104 = vector.shape_cast %swap3A_103 : vector<1x16xf32> to vector<16xf32>
      %swap3A_105 = vector.shape_cast %broadcast_in_dim3A_100 : vector<16xf32> to vector<1x16xf32>
      tpu.vector_store %arg8[%swap3A_101, %swap3A_102], %swap3A_105 {strides = array<i32>} : memref<128x64xf32, #tpu.memory_space<vmem>>, vector<1x16xf32>,
      %broadcast_in_dim3A_106 = arith.constant 0.000000e+00 : f32
      %broadcast_in_dim3A_107 = vector.broadcast %broadcast_in_dim3A_106 : f32 to vector<16xf32>
      %swap3A_108 = arith.index_cast %scan3A_92 : i32 to index
      %swap3A_109 = arith.constant 32 : index
      %swap3A_110 = tpu.vector_load %arg8[%swap3A_108, %swap3A_109] {strides = array<i32>} : memref<128x64xf32, #tpu.memory_space<vmem>>, vector<1x16xf32>,
      %swap3A_111 = vector.shape_cast %swap3A_110 : vector<1x16xf32> to vector<16xf32>
      %swap3A_112 = vector.shape_cast %broadcast_in_dim3A_107 : vector<16xf32> to vector<1x16xf32>
      tpu.vector_store %arg8[%swap3A_108, %swap3A_109], %swap3A_112 {strides = array<i32>} : memref<128x64xf32, #tpu.memory_space<vmem>>, vector<1x16xf32>,
      %broadcast_in_dim3A_113 = arith.constant 0.000000e+00 : f32
      %broadcast_in_dim3A_114 = vector.broadcast %broadcast_in_dim3A_113 : f32 to vector<16xf32>
      %swap3A_115 = arith.index_cast %scan3A_92 : i32 to index
      %swap3A_116 = arith.constant 48 : index
      %swap3A_117 = tpu.vector_load %arg8[%swap3A_115, %swap3A_116] {strides = array<i32>} : memref<128x64xf32, #tpu.memory_space<vmem>>, vector<1x16xf32>,
      %swap3A_118 = vector.shape_cast %swap3A_117 : vector<1x16xf32> to vector<16xf32>
      %swap3A_119 = vector.shape_cast %broadcast_in_dim3A_114 : vector<16xf32> to vector<1x16xf32>
      tpu.vector_store %arg8[%swap3A_115, %swap3A_116], %swap3A_119 {strides = array<i32>} : memref<128x64xf32, #tpu.memory_space<vmem>>, vector<1x16xf32>,
      %scan3A_120 = arith.constant 0 : i32
      scf.yield %scan3A_120 : i32
    }
    %scan3A_8 = arith.constant 128 : i32
    %scan3A_9 = arith.constant 0 : i32
    %scan3A_10 = arith.constant 0 : i32
    %scan3A_11 = arith.constant 5 : i32
    %scan3A_12 = arith.addi %scan3A_10, %scan3A_11 : i32
    %scan3A_13 = arith.constant 1 : i32
    %scan3A_14 = scf.for %scan3A_92 = %scan3A_10 to %scan3A_12 step %scan3A_13 iter_args(%scan3A_93 = %scan3A_9) -> (i32)  : i32 {
      %mul3A_94 = arith.constant 128 : i32
      %mul3A_95 = arith.muli %scan3A_92, %mul3A_94 : i32
      %add3A_96 = arith.addi %mul3A_2, %mul3A_95 : i32
      "tpu.region"() ({
        %run_scoped3A = tpu.sem_alloc : memref<!tpu.dma_semaphore, #tpu.memory_space<semaphore_mem>>
        %dma_start3A_98 = arith.constant 0 : i32
        %dma_start3A_99 = tpu.memref_slice %arg14[%add3A_96, %dma_start3A_98] : memref<10240x64xf32, #tpu.memory_space<vmem_shared>> -> memref<128x64xf32, #tpu.memory_space<vmem_shared>>
        %dma_start3A_100 = arith.constant 0 : i32
        %dma_start3A_101 = tpu.memref_slice %arg14[%add3A_96, %dma_start3A_100] : memref<10240x64xf32, #tpu.memory_space<vmem_shared>> -> memref<128x64xf32, #tpu.memory_space<vmem_shared>>
        tpu.enqueue_dma source(%arg8 : memref<128x64xf32, #tpu.memory_space<vmem>>) target(%dma_start3A_101 : memref<128x64xf32, #tpu.memory_space<vmem_shared>>) target_semaphore(%run_scoped3A : memref<!tpu.dma_semaphore, #tpu.memory_space<semaphore_mem>>)
        %dma_wait3A_102 = arith.constant 0 : i32
        %dma_wait3A_103 = tpu.memref_slice %arg14[%add3A_96, %dma_wait3A_102] : memref<10240x64xf32, #tpu.memory_space<vmem_shared>> -> memref<128x64xf32, #tpu.memory_space<vmem_shared>>
        %dma_wait3A_104 = arith.constant 0 : i32
        %dma_wait3A_105 = tpu.memref_slice %arg14[%add3A_96, %dma_wait3A_104] : memref<10240x64xf32, #tpu.memory_space<vmem_shared>> -> memref<128x64xf32, #tpu.memory_space<vmem_shared>>
        tpu.wait_dma2 semaphore(%run_scoped3A : memref<!tpu.dma_semaphore, #tpu.memory_space<semaphore_mem>>) src(%arg8 : memref<128x64xf32, #tpu.memory_space<vmem>>) dst(%dma_wait3A_105 : memref<128x64xf32, #tpu.memory_space<vmem_shared>>)
        tpu.yield
      }) : () -> ()
      %scan3A_97 = arith.constant 0 : i32
      scf.yield %scan3A_97 : i32
    }
    %scan3A_15 = arith.constant 5 : i32
    %barrier3A = arith.constant 0 : index
    tpu.barrier barrier_id(%barrier3A)
    %dma_start3A = arith.constant 0 : i32
    %dma_start3A_16 = arith.constant 0 : i32
    %dma_start3A_17 = tpu.memref_slice %arg6[%dma_start3A, %dma_start3A_16] : memref<79x128xi32, #tpu.memory_space<vmem>> -> memref<1x128xi32, #tpu.memory_space<vmem>>
    %dma_start3A_18 = tpu.memref_squeeze %dma_start3A_17 : memref<1x128xi32, #tpu.memory_space<vmem>> -> memref<128xi32, #tpu.memory_space<vmem>>
    %dma_start3A_19 = arith.constant 0 : i32
    %dma_start3A_20 = arith.constant 0 : i32
    %dma_start3A_21 = tpu.memref_slice %arg2[%dma_start3A_19, %dma_start3A_20] : memref<10240x64xf32, #tpu.memory_space<hbm>> -> memref<10240x64xf32, #tpu.memory_space<hbm>>
    tpu.enqueue_indirect_dma source(%dma_start3A_21 : memref<10240x64xf32, #tpu.memory_space<hbm>>) target(%arg8 : memref<128x64xf32, #tpu.memory_space<vmem>>) offsets(%dma_start3A_18 : memref<128xi32, #tpu.memory_space<vmem>>) semaphore(%arg15 : memref<!tpu.dma_semaphore, #tpu.memory_space<semaphore_mem>>)
    %dma_start3A_22 = arith.constant 1 : i32
    %dma_start3A_23 = arith.constant 0 : i32
    %dma_start3A_24 = tpu.memref_slice %arg6[%dma_start3A_22, %dma_start3A_23] : memref<79x128xi32, #tpu.memory_space<vmem>> -> memref<1x128xi32, #tpu.memory_space<vmem>>
    %dma_start3A_25 = tpu.memref_squeeze %dma_start3A_24 : memref<1x128xi32, #tpu.memory_space<vmem>> -> memref<128xi32, #tpu.memory_space<vmem>>
    %dma_start3A_26 = arith.constant 0 : i32
    %dma_start3A_27 = arith.constant 0 : i32
    %dma_start3A_28 = tpu.memref_slice %arg2[%dma_start3A_26, %dma_start3A_27] : memref<10240x64xf32, #tpu.memory_space<hbm>> -> memref<10240x64xf32, #tpu.memory_space<hbm>>
    tpu.enqueue_indirect_dma source(%dma_start3A_28 : memref<10240x64xf32, #tpu.memory_space<hbm>>) target(%arg9 : memref<128x64xf32, #tpu.memory_space<vmem>>) offsets(%dma_start3A_25 : memref<128xi32, #tpu.memory_space<vmem>>) semaphore(%arg16 : memref<!tpu.dma_semaphore, #tpu.memory_space<semaphore_mem>>)
    %dma_start3A_29 = arith.constant 2 : i32
    %dma_start3A_30 = arith.constant 0 : i32
    %dma_start3A_31 = tpu.memref_slice %arg6[%dma_start3A_29, %dma_start3A_30] : memref<79x128xi32, #tpu.memory_space<vmem>> -> memref<1x128xi32, #tpu.memory_space<vmem>>
    %dma_start3A_32 = tpu.memref_squeeze %dma_start3A_31 : memref<1x128xi32, #tpu.memory_space<vmem>> -> memref<128xi32, #tpu.memory_space<vmem>>
    %dma_start3A_33 = arith.constant 0 : i32
    %dma_start3A_34 = arith.constant 0 : i32
    %dma_start3A_35 = tpu.memref_slice %arg2[%dma_start3A_33, %dma_start3A_34] : memref<10240x64xf32, #tpu.memory_space<hbm>> -> memref<10240x64xf32, #tpu.memory_space<hbm>>
    tpu.enqueue_indirect_dma source(%dma_start3A_35 : memref<10240x64xf32, #tpu.memory_space<hbm>>) target(%arg10 : memref<128x64xf32, #tpu.memory_space<vmem>>) offsets(%dma_start3A_32 : memref<128xi32, #tpu.memory_space<vmem>>) semaphore(%arg17 : memref<!tpu.dma_semaphore, #tpu.memory_space<semaphore_mem>>)
    %scan3A_36 = arith.constant 0 : i32
    %scan3A_37 = arith.constant 0 : i32
    %scan3A_38 = arith.constant 13 : i32
    %scan3A_39 = arith.addi %scan3A_37, %scan3A_38 : i32
    %scan3A_40 = arith.constant 1 : i32
    %scan3A_41 = scf.for %scan3A_92 = %scan3A_37 to %scan3A_39 step %scan3A_40 iter_args(%scan3A_93 = %scan3A_36) -> (i32)  : i32 {
      %mul3A_94 = arith.constant 6 : i32
      %mul3A_95 = arith.muli %mul3A_94, %scan3A_92 : i32
      %add3A_96 = arith.constant 0 : i32
      %add3A_97 = arith.addi %mul3A_95, %add3A_96 : i32
      %ge3A = arith.constant 3 : i32
      %ge3A_98 = arith.cmpi sge, %add3A_97, %ge3A : i32
      %convert_element_type3A = arith.extui %ge3A_98 : i1 to i32
      %cond3A = arith.constant 0 : i32
      %cond3A_99 = arith.cmpi ne, %convert_element_type3A, %cond3A : i32
      scf.if %cond3A_99 {
        %dma_wait3A_265 = arith.constant 0 : i32
        %dma_wait3A_266 = arith.constant 0 : i32
        %dma_wait3A_267 = tpu.memref_slice %arg7[%dma_wait3A_265, %dma_wait3A_266] : memref<79x128xi32, #tpu.memory_space<vmem>> -> memref<1x128xi32, #tpu.memory_space<vmem>>
        %dma_wait3A_268 = tpu.memref_squeeze %dma_wait3A_267 : memref<1x128xi32, #tpu.memory_space<vmem>> -> memref<128xi32, #tpu.memory_space<vmem>>
        %dma_wait3A_269 = arith.constant 0 : i32
        %dma_wait3A_270 = arith.constant 0 : i32
        %dma_wait3A_271 = tpu.memref_slice %arg14[%dma_wait3A_269, %dma_wait3A_270] : memref<10240x64xf32, #tpu.memory_space<vmem_shared>> -> memref<10240x64xf32, #tpu.memory_space<vmem_shared>>
        tpu.wait_indirect_dma semaphore(%arg24 : memref<!tpu.dma_semaphore, #tpu.memory_space<semaphore_mem>>) src(%arg11 : memref<128x64xf32, #tpu.memory_space<vmem>>) dst(%dma_wait3A_271 : memref<10240x64xf32, #tpu.memory_space<vmem_shared>>)
      } else {
      }
      %add3A_100 = arith.constant 3 : i32
      %add3A_101 = arith.addi %add3A_97, %add3A_100 : i32
      %lt3A = arith.constant 79 : i32
      %lt3A_102 = arith.cmpi slt, %add3A_101, %lt3A : i32
      %convert_element_type3A_103 = arith.extui %lt3A_102 : i1 to i32
      %cond3A_104 = arith.constant 0 : i32
      %cond3A_105 = arith.cmpi ne, %convert_element_type3A_103, %cond3A_104 : i32
      scf.if %cond3A_105 {
        %add3A_265 = arith.constant 3 : i32
        %add3A_266 = arith.addi %add3A_97, %add3A_265 : i32
        %dma_start3A_267 = arith.constant 0 : i32
        %dma_start3A_268 = tpu.memref_slice %arg6[%add3A_266, %dma_start3A_267] : memref<79x128xi32, #tpu.memory_space<vmem>> -> memref<1x128xi32, #tpu.memory_space<vmem>>
        %dma_start3A_269 = tpu.memref_squeeze %dma_start3A_268 : memref<1x128xi32, #tpu.memory_space<vmem>> -> memref<128xi32, #tpu.memory_space<vmem>>
        %dma_start3A_270 = arith.constant 0 : i32
        %dma_start3A_271 = arith.constant 0 : i32
        %dma_start3A_272 = tpu.memref_slice %arg2[%dma_start3A_270, %dma_start3A_271] : memref<10240x64xf32, #tpu.memory_space<hbm>> -> memref<10240x64xf32, #tpu.memory_space<hbm>>
        tpu.enqueue_indirect_dma source(%dma_start3A_272 : memref<10240x64xf32, #tpu.memory_space<hbm>>) target(%arg11 : memref<128x64xf32, #tpu.memory_space<vmem>>) offsets(%dma_start3A_269 : memref<128xi32, #tpu.memory_space<vmem>>) semaphore(%arg18 : memref<!tpu.dma_semaphore, #tpu.memory_space<semaphore_mem>>)
      } else {
      }
      %dma_wait3A_106 = arith.constant 0 : i32
      %dma_wait3A_107 = arith.constant 0 : i32
      %dma_wait3A_108 = tpu.memref_slice %arg6[%dma_wait3A_106, %dma_wait3A_107] : memref<79x128xi32, #tpu.memory_space<vmem>> -> memref<1x128xi32, #tpu.memory_space<vmem>>
      %dma_wait3A_109 = tpu.memref_squeeze %dma_wait3A_108 : memref<1x128xi32, #tpu.memory_space<vmem>> -> memref<128xi32, #tpu.memory_space<vmem>>
      %dma_wait3A_110 = arith.constant 0 : i32
      %dma_wait3A_111 = arith.constant 0 : i32
      %dma_wait3A_112 = tpu.memref_slice %arg2[%dma_wait3A_110, %dma_wait3A_111] : memref<10240x64xf32, #tpu.memory_space<hbm>> -> memref<10240x64xf32, #tpu.memory_space<hbm>>
      tpu.wait_indirect_dma semaphore(%arg15 : memref<!tpu.dma_semaphore, #tpu.memory_space<semaphore_mem>>) src(%dma_wait3A_112 : memref<10240x64xf32, #tpu.memory_space<hbm>>) dst(%arg8 : memref<128x64xf32, #tpu.memory_space<vmem>>)
      %dma_start3A_113 = arith.constant 0 : i32
      %dma_start3A_114 = tpu.memref_slice %arg7[%add3A_97, %dma_start3A_113] : memref<79x128xi32, #tpu.memory_space<vmem>> -> memref<1x128xi32, #tpu.memory_space<vmem>>
      %dma_start3A_115 = tpu.memref_squeeze %dma_start3A_114 : memref<1x128xi32, #tpu.memory_space<vmem>> -> memref<128xi32, #tpu.memory_space<vmem>>
      %dma_start3A_116 = arith.constant 0 : i32
      %dma_start3A_117 = arith.constant 0 : i32
      %dma_start3A_118 = tpu.memref_slice %arg14[%dma_start3A_116, %dma_start3A_117] : memref<10240x64xf32, #tpu.memory_space<vmem_shared>> -> memref<10240x64xf32, #tpu.memory_space<vmem_shared>>
      tpu.enqueue_indirect_dma source(%arg8 : memref<128x64xf32, #tpu.memory_space<vmem>>) target(%dma_start3A_118 : memref<10240x64xf32, #tpu.memory_space<vmem_shared>>) offsets(%dma_start3A_115 : memref<128xi32, #tpu.memory_space<vmem>>) semaphore(%arg21 : memref<!tpu.dma_semaphore, #tpu.memory_space<semaphore_mem>>) {add = true}
      %mul3A_119 = arith.constant 6 : i32
      %mul3A_120 = arith.muli %mul3A_119, %scan3A_92 : i32
      %add3A_121 = arith.constant 1 : i32
      %add3A_122 = arith.addi %mul3A_120, %add3A_121 : i32
      %ge3A_123 = arith.constant 3 : i32
      %ge3A_124 = arith.cmpi sge, %add3A_122, %ge3A_123 : i32
      %convert_element_type3A_125 = arith.extui %ge3A_124 : i1 to i32
      %cond3A_126 = arith.constant 0 : i32
      %cond3A_127 = arith.cmpi ne, %convert_element_type3A_125, %cond3A_126 : i32
      scf.if %cond3A_127 {
        %dma_wait3A_265 = arith.constant 0 : i32
        %dma_wait3A_266 = arith.constant 0 : i32
        %dma_wait3A_267 = tpu.memref_slice %arg7[%dma_wait3A_265, %dma_wait3A_266] : memref<79x128xi32, #tpu.memory_space<vmem>> -> memref<1x128xi32, #tpu.memory_space<vmem>>
        %dma_wait3A_268 = tpu.memref_squeeze %dma_wait3A_267 : memref<1x128xi32, #tpu.memory_space<vmem>> -> memref<128xi32, #tpu.memory_space<vmem>>
        %dma_wait3A_269 = arith.constant 0 : i32
        %dma_wait3A_270 = arith.constant 0 : i32
        %dma_wait3A_271 = tpu.memref_slice %arg14[%dma_wait3A_269, %dma_wait3A_270] : memref<10240x64xf32, #tpu.memory_space<vmem_shared>> -> memref<10240x64xf32, #tpu.memory_space<vmem_shared>>
        tpu.wait_indirect_dma semaphore(%arg25 : memref<!tpu.dma_semaphore, #tpu.memory_space<semaphore_mem>>) src(%arg12 : memref<128x64xf32, #tpu.memory_space<vmem>>) dst(%dma_wait3A_271 : memref<10240x64xf32, #tpu.memory_space<vmem_shared>>)
      } else {
      }
      %add3A_128 = arith.constant 3 : i32
      %add3A_129 = arith.addi %add3A_122, %add3A_128 : i32
      %lt3A_130 = arith.constant 79 : i32
      %lt3A_131 = arith.cmpi slt, %add3A_129, %lt3A_130 : i32
      %convert_element_type3A_132 = arith.extui %lt3A_131 : i1 to i32
      %cond3A_133 = arith.constant 0 : i32
      %cond3A_134 = arith.cmpi ne, %convert_element_type3A_132, %cond3A_133 : i32
      scf.if %cond3A_134 {
        %add3A_265 = arith.constant 3 : i32
        %add3A_266 = arith.addi %add3A_122, %add3A_265 : i32
        %dma_start3A_267 = arith.constant 0 : i32
        %dma_start3A_268 = tpu.memref_slice %arg6[%add3A_266, %dma_start3A_267] : memref<79x128xi32, #tpu.memory_space<vmem>> -> memref<1x128xi32, #tpu.memory_space<vmem>>
        %dma_start3A_269 = tpu.memref_squeeze %dma_start3A_268 : memref<1x128xi32, #tpu.memory_space<vmem>> -> memref<128xi32, #tpu.memory_space<vmem>>
        %dma_start3A_270 = arith.constant 0 : i32
        %dma_start3A_271 = arith.constant 0 : i32
        %dma_start3A_272 = tpu.memref_slice %arg2[%dma_start3A_270, %dma_start3A_271] : memref<10240x64xf32, #tpu.memory_space<hbm>> -> memref<10240x64xf32, #tpu.memory_space<hbm>>
        tpu.enqueue_indirect_dma source(%dma_start3A_272 : memref<10240x64xf32, #tpu.memory_space<hbm>>) target(%arg12 : memref<128x64xf32, #tpu.memory_space<vmem>>) offsets(%dma_start3A_269 : memref<128xi32, #tpu.memory_space<vmem>>) semaphore(%arg19 : memref<!tpu.dma_semaphore, #tpu.memory_space<semaphore_mem>>)
      } else {
      }
      %dma_wait3A_135 = arith.constant 0 : i32
      %dma_wait3A_136 = arith.constant 0 : i32
      %dma_wait3A_137 = tpu.memref_slice %arg6[%dma_wait3A_135, %dma_wait3A_136] : memref<79x128xi32, #tpu.memory_space<vmem>> -> memref<1x128xi32, #tpu.memory_space<vmem>>
      %dma_wait3A_138 = tpu.memref_squeeze %dma_wait3A_137 : memref<1x128xi32, #tpu.memory_space<vmem>> -> memref<128xi32, #tpu.memory_space<vmem>>
      %dma_wait3A_139 = arith.constant 0 : i32
      %dma_wait3A_140 = arith.constant 0 : i32
      %dma_wait3A_141 = tpu.memref_slice %arg2[%dma_wait3A_139, %dma_wait3A_140] : memref<10240x64xf32, #tpu.memory_space<hbm>> -> memref<10240x64xf32, #tpu.memory_space<hbm>>
      tpu.wait_indirect_dma semaphore(%arg16 : memref<!tpu.dma_semaphore, #tpu.memory_space<semaphore_mem>>) src(%dma_wait3A_141 : memref<10240x64xf32, #tpu.memory_space<hbm>>) dst(%arg9 : memref<128x64xf32, #tpu.memory_space<vmem>>)
      %dma_start3A_142 = arith.constant 0 : i32
      %dma_start3A_143 = tpu.memref_slice %arg7[%add3A_122, %dma_start3A_142] : memref<79x128xi32, #tpu.memory_space<vmem>> -> memref<1x128xi32, #tpu.memory_space<vmem>>
      %dma_start3A_144 = tpu.memref_squeeze %dma_start3A_143 : memref<1x128xi32, #tpu.memory_space<vmem>> -> memref<128xi32, #tpu.memory_space<vmem>>
      %dma_start3A_145 = arith.constant 0 : i32
      %dma_start3A_146 = arith.constant 0 : i32
      %dma_start3A_147 = tpu.memref_slice %arg14[%dma_start3A_145, %dma_start3A_146] : memref<10240x64xf32, #tpu.memory_space<vmem_shared>> -> memref<10240x64xf32, #tpu.memory_space<vmem_shared>>
      tpu.enqueue_indirect_dma source(%arg9 : memref<128x64xf32, #tpu.memory_space<vmem>>) target(%dma_start3A_147 : memref<10240x64xf32, #tpu.memory_space<vmem_shared>>) offsets(%dma_start3A_144 : memref<128xi32, #tpu.memory_space<vmem>>) semaphore(%arg22 : memref<!tpu.dma_semaphore, #tpu.memory_space<semaphore_mem>>) {add = true}
      %mul3A_148 = arith.constant 6 : i32
      %mul3A_149 = arith.muli %mul3A_148, %scan3A_92 : i32
      %add3A_150 = arith.constant 2 : i32
      %add3A_151 = arith.addi %mul3A_149, %add3A_150 : i32
      %ge3A_152 = arith.constant 3 : i32
      %ge3A_153 = arith.cmpi sge, %add3A_151, %ge3A_152 : i32
      %convert_element_type3A_154 = arith.extui %ge3A_153 : i1 to i32
      %cond3A_155 = arith.constant 0 : i32
      %cond3A_156 = arith.cmpi ne, %convert_element_type3A_154, %cond3A_155 : i32
      scf.if %cond3A_156 {
        %dma_wait3A_265 = arith.constant 0 : i32
        %dma_wait3A_266 = arith.constant 0 : i32
        %dma_wait3A_267 = tpu.memref_slice %arg7[%dma_wait3A_265, %dma_wait3A_266] : memref<79x128xi32, #tpu.memory_space<vmem>> -> memref<1x128xi32, #tpu.memory_space<vmem>>
        %dma_wait3A_268 = tpu.memref_squeeze %dma_wait3A_267 : memref<1x128xi32, #tpu.memory_space<vmem>> -> memref<128xi32, #tpu.memory_space<vmem>>
        %dma_wait3A_269 = arith.constant 0 : i32
        %dma_wait3A_270 = arith.constant 0 : i32
        %dma_wait3A_271 = tpu.memref_slice %arg14[%dma_wait3A_269, %dma_wait3A_270] : memref<10240x64xf32, #tpu.memory_space<vmem_shared>> -> memref<10240x64xf32, #tpu.memory_space<vmem_shared>>
        tpu.wait_indirect_dma semaphore(%arg26 : memref<!tpu.dma_semaphore, #tpu.memory_space<semaphore_mem>>) src(%arg13 : memref<128x64xf32, #tpu.memory_space<vmem>>) dst(%dma_wait3A_271 : memref<10240x64xf32, #tpu.memory_space<vmem_shared>>)
      } else {
      }
      %add3A_157 = arith.constant 3 : i32
      %add3A_158 = arith.addi %add3A_151, %add3A_157 : i32
      %lt3A_159 = arith.constant 79 : i32
      %lt3A_160 = arith.cmpi slt, %add3A_158, %lt3A_159 : i32
      %convert_element_type3A_161 = arith.extui %lt3A_160 : i1 to i32
      %cond3A_162 = arith.constant 0 : i32
      %cond3A_163 = arith.cmpi ne, %convert_element_type3A_161, %cond3A_162 : i32
      scf.if %cond3A_163 {
        %add3A_265 = arith.constant 3 : i32
        %add3A_266 = arith.addi %add3A_151, %add3A_265 : i32
        %dma_start3A_267 = arith.constant 0 : i32
        %dma_start3A_268 = tpu.memref_slice %arg6[%add3A_266, %dma_start3A_267] : memref<79x128xi32, #tpu.memory_space<vmem>> -> memref<1x128xi32, #tpu.memory_space<vmem>>
        %dma_start3A_269 = tpu.memref_squeeze %dma_start3A_268 : memref<1x128xi32, #tpu.memory_space<vmem>> -> memref<128xi32, #tpu.memory_space<vmem>>
        %dma_start3A_270 = arith.constant 0 : i32
        %dma_start3A_271 = arith.constant 0 : i32
        %dma_start3A_272 = tpu.memref_slice %arg2[%dma_start3A_270, %dma_start3A_271] : memref<10240x64xf32, #tpu.memory_space<hbm>> -> memref<10240x64xf32, #tpu.memory_space<hbm>>
        tpu.enqueue_indirect_dma source(%dma_start3A_272 : memref<10240x64xf32, #tpu.memory_space<hbm>>) target(%arg13 : memref<128x64xf32, #tpu.memory_space<vmem>>) offsets(%dma_start3A_269 : memref<128xi32, #tpu.memory_space<vmem>>) semaphore(%arg20 : memref<!tpu.dma_semaphore, #tpu.memory_space<semaphore_mem>>)
      } else {
      }
      %dma_wait3A_164 = arith.constant 0 : i32
      %dma_wait3A_165 = arith.constant 0 : i32
      %dma_wait3A_166 = tpu.memref_slice %arg6[%dma_wait3A_164, %dma_wait3A_165] : memref<79x128xi32, #tpu.memory_space<vmem>> -> memref<1x128xi32, #tpu.memory_space<vmem>>
      %dma_wait3A_167 = tpu.memref_squeeze %dma_wait3A_166 : memref<1x128xi32, #tpu.memory_space<vmem>> -> memref<128xi32, #tpu.memory_space<vmem>>
      %dma_wait3A_168 = arith.constant 0 : i32
      %dma_wait3A_169 = arith.constant 0 : i32
      %dma_wait3A_170 = tpu.memref_slice %arg2[%dma_wait3A_168, %dma_wait3A_169] : memref<10240x64xf32, #tpu.memory_space<hbm>> -> memref<10240x64xf32, #tpu.memory_space<hbm>>
      tpu.wait_indirect_dma semaphore(%arg17 : memref<!tpu.dma_semaphore, #tpu.memory_space<semaphore_mem>>) src(%dma_wait3A_170 : memref<10240x64xf32, #tpu.memory_space<hbm>>) dst(%arg10 : memref<128x64xf32, #tpu.memory_space<vmem>>)
      %dma_start3A_171 = arith.constant 0 : i32
      %dma_start3A_172 = tpu.memref_slice %arg7[%add3A_151, %dma_start3A_171] : memref<79x128xi32, #tpu.memory_space<vmem>> -> memref<1x128xi32, #tpu.memory_space<vmem>>
      %dma_start3A_173 = tpu.memref_squeeze %dma_start3A_172 : memref<1x128xi32, #tpu.memory_space<vmem>> -> memref<128xi32, #tpu.memory_space<vmem>>
      %dma_start3A_174 = arith.constant 0 : i32
      %dma_start3A_175 = arith.constant 0 : i32
      %dma_start3A_176 = tpu.memref_slice %arg14[%dma_start3A_174, %dma_start3A_175] : memref<10240x64xf32, #tpu.memory_space<vmem_shared>> -> memref<10240x64xf32, #tpu.memory_space<vmem_shared>>
      tpu.enqueue_indirect_dma source(%arg10 : memref<128x64xf32, #tpu.memory_space<vmem>>) target(%dma_start3A_176 : memref<10240x64xf32, #tpu.memory_space<vmem_shared>>) offsets(%dma_start3A_173 : memref<128xi32, #tpu.memory_space<vmem>>) semaphore(%arg23 : memref<!tpu.dma_semaphore, #tpu.memory_space<semaphore_mem>>) {add = true}
      %mul3A_177 = arith.constant 6 : i32
      %mul3A_178 = arith.muli %mul3A_177, %scan3A_92 : i32
      %add3A_179 = arith.constant 3 : i32
      %add3A_180 = arith.addi %mul3A_178, %add3A_179 : i32
      %ge3A_181 = arith.constant 3 : i32
      %ge3A_182 = arith.cmpi sge, %add3A_180, %ge3A_181 : i32
      %convert_element_type3A_183 = arith.extui %ge3A_182 : i1 to i32
      %cond3A_184 = arith.constant 0 : i32
      %cond3A_185 = arith.cmpi ne, %convert_element_type3A_183, %cond3A_184 : i32
      scf.if %cond3A_185 {
        %dma_wait3A_265 = arith.constant 0 : i32
        %dma_wait3A_266 = arith.constant 0 : i32
        %dma_wait3A_267 = tpu.memref_slice %arg7[%dma_wait3A_265, %dma_wait3A_266] : memref<79x128xi32, #tpu.memory_space<vmem>> -> memref<1x128xi32, #tpu.memory_space<vmem>>
        %dma_wait3A_268 = tpu.memref_squeeze %dma_wait3A_267 : memref<1x128xi32, #tpu.memory_space<vmem>> -> memref<128xi32, #tpu.memory_space<vmem>>
        %dma_wait3A_269 = arith.constant 0 : i32
        %dma_wait3A_270 = arith.constant 0 : i32
        %dma_wait3A_271 = tpu.memref_slice %arg14[%dma_wait3A_269, %dma_wait3A_270] : memref<10240x64xf32, #tpu.memory_space<vmem_shared>> -> memref<10240x64xf32, #tpu.memory_space<vmem_shared>>
        tpu.wait_indirect_dma semaphore(%arg21 : memref<!tpu.dma_semaphore, #tpu.memory_space<semaphore_mem>>) src(%arg8 : memref<128x64xf32, #tpu.memory_space<vmem>>) dst(%dma_wait3A_271 : memref<10240x64xf32, #tpu.memory_space<vmem_shared>>)
      } else {
      }
      %add3A_186 = arith.constant 3 : i32
      %add3A_187 = arith.addi %add3A_180, %add3A_186 : i32
      %lt3A_188 = arith.constant 79 : i32
      %lt3A_189 = arith.cmpi slt, %add3A_187, %lt3A_188 : i32
      %convert_element_type3A_190 = arith.extui %lt3A_189 : i1 to i32
      %cond3A_191 = arith.constant 0 : i32
      %cond3A_192 = arith.cmpi ne, %convert_element_type3A_190, %cond3A_191 : i32
      scf.if %cond3A_192 {
        %add3A_265 = arith.constant 3 : i32
        %add3A_266 = arith.addi %add3A_180, %add3A_265 : i32
        %dma_start3A_267 = arith.constant 0 : i32
        %dma_start3A_268 = tpu.memref_slice %arg6[%add3A_266, %dma_start3A_267] : memref<79x128xi32, #tpu.memory_space<vmem>> -> memref<1x128xi32, #tpu.memory_space<vmem>>
        %dma_start3A_269 = tpu.memref_squeeze %dma_start3A_268 : memref<1x128xi32, #tpu.memory_space<vmem>> -> memref<128xi32, #tpu.memory_space<vmem>>
        %dma_start3A_270 = arith.constant 0 : i32
        %dma_start3A_271 = arith.constant 0 : i32
        %dma_start3A_272 = tpu.memref_slice %arg2[%dma_start3A_270, %dma_start3A_271] : memref<10240x64xf32, #tpu.memory_space<hbm>> -> memref<10240x64xf32, #tpu.memory_space<hbm>>
        tpu.enqueue_indirect_dma source(%dma_start3A_272 : memref<10240x64xf32, #tpu.memory_space<hbm>>) target(%arg8 : memref<128x64xf32, #tpu.memory_space<vmem>>) offsets(%dma_start3A_269 : memref<128xi32, #tpu.memory_space<vmem>>) semaphore(%arg15 : memref<!tpu.dma_semaphore, #tpu.memory_space<semaphore_mem>>)
      } else {
      }
      %dma_wait3A_193 = arith.constant 0 : i32
      %dma_wait3A_194 = arith.constant 0 : i32
      %dma_wait3A_195 = tpu.memref_slice %arg6[%dma_wait3A_193, %dma_wait3A_194] : memref<79x128xi32, #tpu.memory_space<vmem>> -> memref<1x128xi32, #tpu.memory_space<vmem>>
      %dma_wait3A_196 = tpu.memref_squeeze %dma_wait3A_195 : memref<1x128xi32, #tpu.memory_space<vmem>> -> memref<128xi32, #tpu.memory_space<vmem>>
      %dma_wait3A_197 = arith.constant 0 : i32
      %dma_wait3A_198 = arith.constant 0 : i32
      %dma_wait3A_199 = tpu.memref_slice %arg2[%dma_wait3A_197, %dma_wait3A_198] : memref<10240x64xf32, #tpu.memory_space<hbm>> -> memref<10240x64xf32, #tpu.memory_space<hbm>>
      tpu.wait_indirect_dma semaphore(%arg18 : memref<!tpu.dma_semaphore, #tpu.memory_space<semaphore_mem>>) src(%dma_wait3A_199 : memref<10240x64xf32, #tpu.memory_space<hbm>>) dst(%arg11 : memref<128x64xf32, #tpu.memory_space<vmem>>)
      %dma_start3A_200 = arith.constant 0 : i32
      %dma_start3A_201 = tpu.memref_slice %arg7[%add3A_180, %dma_start3A_200] : memref<79x128xi32, #tpu.memory_space<vmem>> -> memref<1x128xi32, #tpu.memory_space<vmem>>
      %dma_start3A_202 = tpu.memref_squeeze %dma_start3A_201 : memref<1x128xi32, #tpu.memory_space<vmem>> -> memref<128xi32, #tpu.memory_space<vmem>>
      %dma_start3A_203 = arith.constant 0 : i32
      %dma_start3A_204 = arith.constant 0 : i32
      %dma_start3A_205 = tpu.memref_slice %arg14[%dma_start3A_203, %dma_start3A_204] : memref<10240x64xf32, #tpu.memory_space<vmem_shared>> -> memref<10240x64xf32, #tpu.memory_space<vmem_shared>>
      tpu.enqueue_indirect_dma source(%arg11 : memref<128x64xf32, #tpu.memory_space<vmem>>) target(%dma_start3A_205 : memref<10240x64xf32, #tpu.memory_space<vmem_shared>>) offsets(%dma_start3A_202 : memref<128xi32, #tpu.memory_space<vmem>>) semaphore(%arg24 : memref<!tpu.dma_semaphore, #tpu.memory_space<semaphore_mem>>) {add = true}
      %mul3A_206 = arith.constant 6 : i32
      %mul3A_207 = arith.muli %mul3A_206, %scan3A_92 : i32
      %add3A_208 = arith.constant 4 : i32
      %add3A_209 = arith.addi %mul3A_207, %add3A_208 : i32
      %ge3A_210 = arith.constant 3 : i32
      %ge3A_211 = arith.cmpi sge, %add3A_209, %ge3A_210 : i32
      %convert_element_type3A_212 = arith.extui %ge3A_211 : i1 to i32
      %cond3A_213 = arith.constant 0 : i32
      %cond3A_214 = arith.cmpi ne, %convert_element_type3A_212, %cond3A_213 : i32
      scf.if %cond3A_214 {
        %dma_wait3A_265 = arith.constant 0 : i32
        %dma_wait3A_266 = arith.constant 0 : i32
        %dma_wait3A_267 = tpu.memref_slice %arg7[%dma_wait3A_265, %dma_wait3A_266] : memref<79x128xi32, #tpu.memory_space<vmem>> -> memref<1x128xi32, #tpu.memory_space<vmem>>
        %dma_wait3A_268 = tpu.memref_squeeze %dma_wait3A_267 : memref<1x128xi32, #tpu.memory_space<vmem>> -> memref<128xi32, #tpu.memory_space<vmem>>
        %dma_wait3A_269 = arith.constant 0 : i32
        %dma_wait3A_270 = arith.constant 0 : i32
        %dma_wait3A_271 = tpu.memref_slice %arg14[%dma_wait3A_269, %dma_wait3A_270] : memref<10240x64xf32, #tpu.memory_space<vmem_shared>> -> memref<10240x64xf32, #tpu.memory_space<vmem_shared>>
        tpu.wait_indirect_dma semaphore(%arg22 : memref<!tpu.dma_semaphore, #tpu.memory_space<semaphore_mem>>) src(%arg9 : memref<128x64xf32, #tpu.memory_space<vmem>>) dst(%dma_wait3A_271 : memref<10240x64xf32, #tpu.memory_space<vmem_shared>>)
      } else {
      }
      %add3A_215 = arith.constant 3 : i32
      %add3A_216 = arith.addi %add3A_209, %add3A_215 : i32
      %lt3A_217 = arith.constant 79 : i32
      %lt3A_218 = arith.cmpi slt, %add3A_216, %lt3A_217 : i32
      %convert_element_type3A_219 = arith.extui %lt3A_218 : i1 to i32
      %cond3A_220 = arith.constant 0 : i32
      %cond3A_221 = arith.cmpi ne, %convert_element_type3A_219, %cond3A_220 : i32
      scf.if %cond3A_221 {
        %add3A_265 = arith.constant 3 : i32
        %add3A_266 = arith.addi %add3A_209, %add3A_265 : i32
        %dma_start3A_267 = arith.constant 0 : i32
        %dma_start3A_268 = tpu.memref_slice %arg6[%add3A_266, %dma_start3A_267] : memref<79x128xi32, #tpu.memory_space<vmem>> -> memref<1x128xi32, #tpu.memory_space<vmem>>
        %dma_start3A_269 = tpu.memref_squeeze %dma_start3A_268 : memref<1x128xi32, #tpu.memory_space<vmem>> -> memref<128xi32, #tpu.memory_space<vmem>>
        %dma_start3A_270 = arith.constant 0 : i32
        %dma_start3A_271 = arith.constant 0 : i32
        %dma_start3A_272 = tpu.memref_slice %arg2[%dma_start3A_270, %dma_start3A_271] : memref<10240x64xf32, #tpu.memory_space<hbm>> -> memref<10240x64xf32, #tpu.memory_space<hbm>>
        tpu.enqueue_indirect_dma source(%dma_start3A_272 : memref<10240x64xf32, #tpu.memory_space<hbm>>) target(%arg9 : memref<128x64xf32, #tpu.memory_space<vmem>>) offsets(%dma_start3A_269 : memref<128xi32, #tpu.memory_space<vmem>>) semaphore(%arg16 : memref<!tpu.dma_semaphore, #tpu.memory_space<semaphore_mem>>)
      } else {
      }
      %dma_wait3A_222 = arith.constant 0 : i32
      %dma_wait3A_223 = arith.constant 0 : i32
      %dma_wait3A_224 = tpu.memref_slice %arg6[%dma_wait3A_222, %dma_wait3A_223] : memref<79x128xi32, #tpu.memory_space<vmem>> -> memref<1x128xi32, #tpu.memory_space<vmem>>
      %dma_wait3A_225 = tpu.memref_squeeze %dma_wait3A_224 : memref<1x128xi32, #tpu.memory_space<vmem>> -> memref<128xi32, #tpu.memory_space<vmem>>
      %dma_wait3A_226 = arith.constant 0 : i32
      %dma_wait3A_227 = arith.constant 0 : i32
      %dma_wait3A_228 = tpu.memref_slice %arg2[%dma_wait3A_226, %dma_wait3A_227] : memref<10240x64xf32, #tpu.memory_space<hbm>> -> memref<10240x64xf32, #tpu.memory_space<hbm>>
      tpu.wait_indirect_dma semaphore(%arg19 : memref<!tpu.dma_semaphore, #tpu.memory_space<semaphore_mem>>) src(%dma_wait3A_228 : memref<10240x64xf32, #tpu.memory_space<hbm>>) dst(%arg12 : memref<128x64xf32, #tpu.memory_space<vmem>>)
      %dma_start3A_229 = arith.constant 0 : i32
      %dma_start3A_230 = tpu.memref_slice %arg7[%add3A_209, %dma_start3A_229] : memref<79x128xi32, #tpu.memory_space<vmem>> -> memref<1x128xi32, #tpu.memory_space<vmem>>
      %dma_start3A_231 = tpu.memref_squeeze %dma_start3A_230 : memref<1x128xi32, #tpu.memory_space<vmem>> -> memref<128xi32, #tpu.memory_space<vmem>>
      %dma_start3A_232 = arith.constant 0 : i32
      %dma_start3A_233 = arith.constant 0 : i32
      %dma_start3A_234 = tpu.memref_slice %arg14[%dma_start3A_232, %dma_start3A_233] : memref<10240x64xf32, #tpu.memory_space<vmem_shared>> -> memref<10240x64xf32, #tpu.memory_space<vmem_shared>>
      tpu.enqueue_indirect_dma source(%arg12 : memref<128x64xf32, #tpu.memory_space<vmem>>) target(%dma_start3A_234 : memref<10240x64xf32, #tpu.memory_space<vmem_shared>>) offsets(%dma_start3A_231 : memref<128xi32, #tpu.memory_space<vmem>>) semaphore(%arg25 : memref<!tpu.dma_semaphore, #tpu.memory_space<semaphore_mem>>) {add = true}
      %mul3A_235 = arith.constant 6 : i32
      %mul3A_236 = arith.muli %mul3A_235, %scan3A_92 : i32
      %add3A_237 = arith.constant 5 : i32
      %add3A_238 = arith.addi %mul3A_236, %add3A_237 : i32
      %ge3A_239 = arith.constant 3 : i32
      %ge3A_240 = arith.cmpi sge, %add3A_238, %ge3A_239 : i32
      %convert_element_type3A_241 = arith.extui %ge3A_240 : i1 to i32
      %cond3A_242 = arith.constant 0 : i32
      %cond3A_243 = arith.cmpi ne, %convert_element_type3A_241, %cond3A_242 : i32
      scf.if %cond3A_243 {
        %dma_wait3A_265 = arith.constant 0 : i32
        %dma_wait3A_266 = arith.constant 0 : i32
        %dma_wait3A_267 = tpu.memref_slice %arg7[%dma_wait3A_265, %dma_wait3A_266] : memref<79x128xi32, #tpu.memory_space<vmem>> -> memref<1x128xi32, #tpu.memory_space<vmem>>
        %dma_wait3A_268 = tpu.memref_squeeze %dma_wait3A_267 : memref<1x128xi32, #tpu.memory_space<vmem>> -> memref<128xi32, #tpu.memory_space<vmem>>
        %dma_wait3A_269 = arith.constant 0 : i32
        %dma_wait3A_270 = arith.constant 0 : i32
        %dma_wait3A_271 = tpu.memref_slice %arg14[%dma_wait3A_269, %dma_wait3A_270] : memref<10240x64xf32, #tpu.memory_space<vmem_shared>> -> memref<10240x64xf32, #tpu.memory_space<vmem_shared>>
        tpu.wait_indirect_dma semaphore(%arg23 : memref<!tpu.dma_semaphore, #tpu.memory_space<semaphore_mem>>) src(%arg10 : memref<128x64xf32, #tpu.memory_space<vmem>>) dst(%dma_wait3A_271 : memref<10240x64xf32, #tpu.memory_space<vmem_shared>>)
      } else {
      }
      %add3A_244 = arith.constant 3 : i32
      %add3A_245 = arith.addi %add3A_238, %add3A_244 : i32
      %lt3A_246 = arith.constant 79 : i32
      %lt3A_247 = arith.cmpi slt, %add3A_245, %lt3A_246 : i32
      %convert_element_type3A_248 = arith.extui %lt3A_247 : i1 to i32
      %cond3A_249 = arith.constant 0 : i32
      %cond3A_250 = arith.cmpi ne, %convert_element_type3A_248, %cond3A_249 : i32
      scf.if %cond3A_250 {
        %add3A_265 = arith.constant 3 : i32
        %add3A_266 = arith.addi %add3A_238, %add3A_265 : i32
        %dma_start3A_267 = arith.constant 0 : i32
        %dma_start3A_268 = tpu.memref_slice %arg6[%add3A_266, %dma_start3A_267] : memref<79x128xi32, #tpu.memory_space<vmem>> -> memref<1x128xi32, #tpu.memory_space<vmem>>
        %dma_start3A_269 = tpu.memref_squeeze %dma_start3A_268 : memref<1x128xi32, #tpu.memory_space<vmem>> -> memref<128xi32, #tpu.memory_space<vmem>>
        %dma_start3A_270 = arith.constant 0 : i32
        %dma_start3A_271 = arith.constant 0 : i32
        %dma_start3A_272 = tpu.memref_slice %arg2[%dma_start3A_270, %dma_start3A_271] : memref<10240x64xf32, #tpu.memory_space<hbm>> -> memref<10240x64xf32, #tpu.memory_space<hbm>>
        tpu.enqueue_indirect_dma source(%dma_start3A_272 : memref<10240x64xf32, #tpu.memory_space<hbm>>) target(%arg10 : memref<128x64xf32, #tpu.memory_space<vmem>>) offsets(%dma_start3A_269 : memref<128xi32, #tpu.memory_space<vmem>>) semaphore(%arg17 : memref<!tpu.dma_semaphore, #tpu.memory_space<semaphore_mem>>)
      } else {
      }
      %dma_wait3A_251 = arith.constant 0 : i32
      %dma_wait3A_252 = arith.constant 0 : i32
      %dma_wait3A_253 = tpu.memref_slice %arg6[%dma_wait3A_251, %dma_wait3A_252] : memref<79x128xi32, #tpu.memory_space<vmem>> -> memref<1x128xi32, #tpu.memory_space<vmem>>
      %dma_wait3A_254 = tpu.memref_squeeze %dma_wait3A_253 : memref<1x128xi32, #tpu.memory_space<vmem>> -> memref<128xi32, #tpu.memory_space<vmem>>
      %dma_wait3A_255 = arith.constant 0 : i32
      %dma_wait3A_256 = arith.constant 0 : i32
      %dma_wait3A_257 = tpu.memref_slice %arg2[%dma_wait3A_255, %dma_wait3A_256] : memref<10240x64xf32, #tpu.memory_space<hbm>> -> memref<10240x64xf32, #tpu.memory_space<hbm>>
      tpu.wait_indirect_dma semaphore(%arg20 : memref<!tpu.dma_semaphore, #tpu.memory_space<semaphore_mem>>) src(%dma_wait3A_257 : memref<10240x64xf32, #tpu.memory_space<hbm>>) dst(%arg13 : memref<128x64xf32, #tpu.memory_space<vmem>>)
      %dma_start3A_258 = arith.constant 0 : i32
      %dma_start3A_259 = tpu.memref_slice %arg7[%add3A_238, %dma_start3A_258] : memref<79x128xi32, #tpu.memory_space<vmem>> -> memref<1x128xi32, #tpu.memory_space<vmem>>
      %dma_start3A_260 = tpu.memref_squeeze %dma_start3A_259 : memref<1x128xi32, #tpu.memory_space<vmem>> -> memref<128xi32, #tpu.memory_space<vmem>>
      %dma_start3A_261 = arith.constant 0 : i32
      %dma_start3A_262 = arith.constant 0 : i32
      %dma_start3A_263 = tpu.memref_slice %arg14[%dma_start3A_261, %dma_start3A_262] : memref<10240x64xf32, #tpu.memory_space<vmem_shared>> -> memref<10240x64xf32, #tpu.memory_space<vmem_shared>>
      tpu.enqueue_indirect_dma source(%arg13 : memref<128x64xf32, #tpu.memory_space<vmem>>) target(%dma_start3A_263 : memref<10240x64xf32, #tpu.memory_space<vmem_shared>>) offsets(%dma_start3A_260 : memref<128xi32, #tpu.memory_space<vmem>>) semaphore(%arg26 : memref<!tpu.dma_semaphore, #tpu.memory_space<semaphore_mem>>) {add = true}
      %scan3A_264 = arith.constant 0 : i32
      scf.yield %scan3A_264 : i32
    }
    %scan3A_42 = arith.constant 13 : i32
    %dma_wait3A = arith.constant 0 : i32
    %dma_wait3A_43 = arith.constant 0 : i32
    %dma_wait3A_44 = tpu.memref_slice %arg7[%dma_wait3A, %dma_wait3A_43] : memref<79x128xi32, #tpu.memory_space<vmem>> -> memref<1x128xi32, #tpu.memory_space<vmem>>
    %dma_wait3A_45 = tpu.memref_squeeze %dma_wait3A_44 : memref<1x128xi32, #tpu.memory_space<vmem>> -> memref<128xi32, #tpu.memory_space<vmem>>
    %dma_wait3A_46 = arith.constant 0 : i32
    %dma_wait3A_47 = arith.constant 0 : i32
    %dma_wait3A_48 = tpu.memref_slice %arg14[%dma_wait3A_46, %dma_wait3A_47] : memref<10240x64xf32, #tpu.memory_space<vmem_shared>> -> memref<10240x64xf32, #tpu.memory_space<vmem_shared>>
    tpu.wait_indirect_dma semaphore(%arg24 : memref<!tpu.dma_semaphore, #tpu.memory_space<semaphore_mem>>) src(%arg11 : memref<128x64xf32, #tpu.memory_space<vmem>>) dst(%dma_wait3A_48 : memref<10240x64xf32, #tpu.memory_space<vmem_shared>>)
    %dma_wait3A_49 = arith.constant 0 : i32
    %dma_wait3A_50 = arith.constant 0 : i32
    %dma_wait3A_51 = tpu.memref_slice %arg6[%dma_wait3A_49, %dma_wait3A_50] : memref<79x128xi32, #tpu.memory_space<vmem>> -> memref<1x128xi32, #tpu.memory_space<vmem>>
    %dma_wait3A_52 = tpu.memref_squeeze %dma_wait3A_51 : memref<1x128xi32, #tpu.memory_space<vmem>> -> memref<128xi32, #tpu.memory_space<vmem>>
    %dma_wait3A_53 = arith.constant 0 : i32
    %dma_wait3A_54 = arith.constant 0 : i32
    %dma_wait3A_55 = tpu.memref_slice %arg2[%dma_wait3A_53, %dma_wait3A_54] : memref<10240x64xf32, #tpu.memory_space<hbm>> -> memref<10240x64xf32, #tpu.memory_space<hbm>>
    tpu.wait_indirect_dma semaphore(%arg15 : memref<!tpu.dma_semaphore, #tpu.memory_space<semaphore_mem>>) src(%dma_wait3A_55 : memref<10240x64xf32, #tpu.memory_space<hbm>>) dst(%arg8 : memref<128x64xf32, #tpu.memory_space<vmem>>)
    %dma_start3A_56 = arith.constant 78 : i32
    %dma_start3A_57 = arith.constant 0 : i32
    %dma_start3A_58 = tpu.memref_slice %arg7[%dma_start3A_56, %dma_start3A_57] : memref<79x128xi32, #tpu.memory_space<vmem>> -> memref<1x128xi32, #tpu.memory_space<vmem>>
    %dma_start3A_59 = tpu.memref_squeeze %dma_start3A_58 : memref<1x128xi32, #tpu.memory_space<vmem>> -> memref<128xi32, #tpu.memory_space<vmem>>
    %dma_start3A_60 = arith.constant 0 : i32
    %dma_start3A_61 = arith.constant 0 : i32
    %dma_start3A_62 = tpu.memref_slice %arg14[%dma_start3A_60, %dma_start3A_61] : memref<10240x64xf32, #tpu.memory_space<vmem_shared>> -> memref<10240x64xf32, #tpu.memory_space<vmem_shared>>
    tpu.enqueue_indirect_dma source(%arg8 : memref<128x64xf32, #tpu.memory_space<vmem>>) target(%dma_start3A_62 : memref<10240x64xf32, #tpu.memory_space<vmem_shared>>) offsets(%dma_start3A_59 : memref<128xi32, #tpu.memory_space<vmem>>) semaphore(%arg21 : memref<!tpu.dma_semaphore, #tpu.memory_space<semaphore_mem>>) {add = true}
    %dma_wait3A_63 = arith.constant 0 : i32
    %dma_wait3A_64 = arith.constant 0 : i32
    %dma_wait3A_65 = tpu.memref_slice %arg7[%dma_wait3A_63, %dma_wait3A_64] : memref<79x128xi32, #tpu.memory_space<vmem>> -> memref<1x128xi32, #tpu.memory_space<vmem>>
    %dma_wait3A_66 = tpu.memref_squeeze %dma_wait3A_65 : memref<1x128xi32, #tpu.memory_space<vmem>> -> memref<128xi32, #tpu.memory_space<vmem>>
    %dma_wait3A_67 = arith.constant 0 : i32
    %dma_wait3A_68 = arith.constant 0 : i32
    %dma_wait3A_69 = tpu.memref_slice %arg14[%dma_wait3A_67, %dma_wait3A_68] : memref<10240x64xf32, #tpu.memory_space<vmem_shared>> -> memref<10240x64xf32, #tpu.memory_space<vmem_shared>>
    tpu.wait_indirect_dma semaphore(%arg25 : memref<!tpu.dma_semaphore, #tpu.memory_space<semaphore_mem>>) src(%arg12 : memref<128x64xf32, #tpu.memory_space<vmem>>) dst(%dma_wait3A_69 : memref<10240x64xf32, #tpu.memory_space<vmem_shared>>)
    %dma_wait3A_70 = arith.constant 0 : i32
    %dma_wait3A_71 = arith.constant 0 : i32
    %dma_wait3A_72 = tpu.memref_slice %arg7[%dma_wait3A_70, %dma_wait3A_71] : memref<79x128xi32, #tpu.memory_space<vmem>> -> memref<1x128xi32, #tpu.memory_space<vmem>>
    %dma_wait3A_73 = tpu.memref_squeeze %dma_wait3A_72 : memref<1x128xi32, #tpu.memory_space<vmem>> -> memref<128xi32, #tpu.memory_space<vmem>>
    %dma_wait3A_74 = arith.constant 0 : i32
    %dma_wait3A_75 = arith.constant 0 : i32
    %dma_wait3A_76 = tpu.memref_slice %arg14[%dma_wait3A_74, %dma_wait3A_75] : memref<10240x64xf32, #tpu.memory_space<vmem_shared>> -> memref<10240x64xf32, #tpu.memory_space<vmem_shared>>
    tpu.wait_indirect_dma semaphore(%arg26 : memref<!tpu.dma_semaphore, #tpu.memory_space<semaphore_mem>>) src(%arg13 : memref<128x64xf32, #tpu.memory_space<vmem>>) dst(%dma_wait3A_76 : memref<10240x64xf32, #tpu.memory_space<vmem_shared>>)
    %dma_wait3A_77 = arith.constant 0 : i32
    %dma_wait3A_78 = arith.constant 0 : i32
    %dma_wait3A_79 = tpu.memref_slice %arg7[%dma_wait3A_77, %dma_wait3A_78] : memref<79x128xi32, #tpu.memory_space<vmem>> -> memref<1x128xi32, #tpu.memory_space<vmem>>
    %dma_wait3A_80 = tpu.memref_squeeze %dma_wait3A_79 : memref<1x128xi32, #tpu.memory_space<vmem>> -> memref<128xi32, #tpu.memory_space<vmem>>
    %dma_wait3A_81 = arith.constant 0 : i32
    %dma_wait3A_82 = arith.constant 0 : i32
    %dma_wait3A_83 = tpu.memref_slice %arg14[%dma_wait3A_81, %dma_wait3A_82] : memref<10240x64xf32, #tpu.memory_space<vmem_shared>> -> memref<10240x64xf32, #tpu.memory_space<vmem_shared>>
    tpu.wait_indirect_dma semaphore(%arg21 : memref<!tpu.dma_semaphore, #tpu.memory_space<semaphore_mem>>) src(%arg8 : memref<128x64xf32, #tpu.memory_space<vmem>>) dst(%dma_wait3A_83 : memref<10240x64xf32, #tpu.memory_space<vmem_shared>>)
    %barrier3A_84 = arith.constant 0 : index
    tpu.barrier barrier_id(%barrier3A_84)
    %scan3A_85 = arith.constant 0 : i32
    %scan3A_86 = arith.constant 0 : i32
    %scan3A_87 = arith.constant 8 : i32
    %scan3A_88 = arith.addi %scan3A_86, %scan3A_87 : i32
    %scan3A_89 = arith.constant 1 : i32
    %scan3A_90 = scf.for %scan3A_92 = %scan3A_86 to %scan3A_88 step %scan3A_89 iter_args(%scan3A_93 = %scan3A_85) -> (i32)  : i32 {
      %mul3A_94 = arith.constant 80 : i32
      %mul3A_95 = arith.muli %scan3A_92, %mul3A_94 : i32
      %add3A_96 = arith.addi %mul3A_2, %mul3A_95 : i32
      "tpu.region"() ({
        %run_scoped3A = tpu.sem_alloc : memref<!tpu.dma_semaphore, #tpu.memory_space<semaphore_mem>>
        %dma_start3A_98 = arith.constant 0 : i32
        %dma_start3A_99 = tpu.memref_slice %arg5[%arg0, %add3A_96, %dma_start3A_98] : memref<2x10240x64xf32, #tpu.memory_space<hbm>> -> memref<1x80x64xf32, #tpu.memory_space<hbm>>
        %dma_start3A_100 = tpu.memref_squeeze %dma_start3A_99 : memref<1x80x64xf32, #tpu.memory_space<hbm>> -> memref<80x64xf32, #tpu.memory_space<hbm>>
        %dma_start3A_101 = arith.constant 0 : i32
        %dma_start3A_102 = tpu.memref_slice %arg14[%add3A_96, %dma_start3A_101] : memref<10240x64xf32, #tpu.memory_space<vmem_shared>> -> memref<80x64xf32, #tpu.memory_space<vmem_shared>>
        tpu.enqueue_dma source(%dma_start3A_102 : memref<80x64xf32, #tpu.memory_space<vmem_shared>>) target(%dma_start3A_100 : memref<80x64xf32, #tpu.memory_space<hbm>>) target_semaphore(%run_scoped3A : memref<!tpu.dma_semaphore, #tpu.memory_space<semaphore_mem>>)
        %dma_wait3A_103 = arith.constant 0 : i32
        %dma_wait3A_104 = tpu.memref_slice %arg5[%arg0, %add3A_96, %dma_wait3A_103] : memref<2x10240x64xf32, #tpu.memory_space<hbm>> -> memref<1x80x64xf32, #tpu.memory_space<hbm>>
        %dma_wait3A_105 = tpu.memref_squeeze %dma_wait3A_104 : memref<1x80x64xf32, #tpu.memory_space<hbm>> -> memref<80x64xf32, #tpu.memory_space<hbm>>
        %dma_wait3A_106 = arith.constant 0 : i32
        %dma_wait3A_107 = tpu.memref_slice %arg14[%add3A_96, %dma_wait3A_106] : memref<10240x64xf32, #tpu.memory_space<vmem_shared>> -> memref<80x64xf32, #tpu.memory_space<vmem_shared>>
        tpu.wait_dma2 semaphore(%run_scoped3A : memref<!tpu.dma_semaphore, #tpu.memory_space<semaphore_mem>>) src(%dma_wait3A_107 : memref<80x64xf32, #tpu.memory_space<vmem_shared>>) dst(%dma_wait3A_105 : memref<80x64xf32, #tpu.memory_space<hbm>>)
        tpu.yield
      }) : () -> ()
      %scan3A_97 = arith.constant 0 : i32
      scf.yield %scan3A_97 : i32
    }
    %scan3A_91 = arith.constant 8 : i32
    return
  }
}

#map = affine_map<(d0, d1) -> (0, 0)>
#map1 = affine_map<(d0, d1) -> (0, 0, 0)>
module attributes {stable_mosaic.version = 14 : i64} {
  func.func @_scatter(%arg0: i32, %arg1: i32, %arg2: memref<10240x64xf32, #tpu.memory_space<hbm>>, %arg3: memref<10240x64xf32, #tpu.memory_space<hbm>>, %arg4: memref<16x158x128xi32, #tpu.memory_space<hbm>>, %arg5: memref<16x158x128xi32, #tpu.memory_space<hbm>>, %arg6: memref<2x10240x64xf32, #tpu.memory_space<hbm>>, %arg7: memref<158x128xi32, #tpu.memory_space<vmem>>, %arg8: memref<158x128xi32, #tpu.memory_space<vmem>>, %arg9: memref<128x64xf32, #tpu.memory_space<vmem>>, %arg10: memref<128x64xf32, #tpu.memory_space<vmem>>, %arg11: memref<128x64xf32, #tpu.memory_space<vmem>>, %arg12: memref<128x64xf32, #tpu.memory_space<vmem>>, %arg13: memref<10240x64xf32, #tpu.memory_space<vmem_shared>>, %arg14: memref<!tpu.dma_semaphore, #tpu.memory_space<semaphore_mem>>, %arg15: memref<!tpu.dma_semaphore, #tpu.memory_space<semaphore_mem>>, %arg16: memref<!tpu.dma_semaphore, #tpu.memory_space<semaphore_mem>>, %arg17: memref<!tpu.dma_semaphore, #tpu.memory_space<semaphore_mem>>, %arg18: memref<!tpu.dma_semaphore, #tpu.memory_space<semaphore_mem>>, %arg19: memref<!tpu.dma_semaphore, #tpu.memory_space<semaphore_mem>>, %arg20: memref<!tpu.dma_semaphore, #tpu.memory_space<semaphore_mem>>, %arg21: memref<!tpu.dma_semaphore, #tpu.memory_space<semaphore_mem>>) attributes {dimension_semantics = [#tpu.dimension_semantics<core_parallel>, #tpu.dimension_semantics<subcore_parallel>], iteration_bounds = array<i64: 2, 16>, scalar_prefetch = 0 : i64, scratch_operands = 15 : i64, tpu.core_type = #tpu.core_type<sc_vector_subcore>, window_params = [{transform_indices = #map}, {transform_indices = #map}, {transform_indices = #map1}, {transform_indices = #map1}, {transform_indices = #map1}]} {
    "tpu.region"() ({
      %run_scoped3A = tpu.sem_alloc : memref<!tpu.dma_semaphore, #tpu.memory_space<semaphore_mem>>
      %dma_start3A = arith.constant 0 : i32
      %dma_start3A_29 = arith.constant 0 : i32
      %dma_start3A_30 = tpu.memref_slice %arg4[%arg1, %dma_start3A, %dma_start3A_29] : memref<16x158x128xi32, #tpu.memory_space<hbm>> -> memref<1x158x128xi32, #tpu.memory_space<hbm>>
      %dma_start3A_31 = tpu.memref_squeeze %dma_start3A_30 : memref<1x158x128xi32, #tpu.memory_space<hbm>> -> memref<158x128xi32, #tpu.memory_space<hbm>>
      %dma_start3A_32 = arith.constant 0 : i32
      %dma_start3A_33 = arith.constant 0 : i32
      %dma_start3A_34 = tpu.memref_slice %arg4[%arg1, %dma_start3A_32, %dma_start3A_33] : memref<16x158x128xi32, #tpu.memory_space<hbm>> -> memref<1x158x128xi32, #tpu.memory_space<hbm>>
      %dma_start3A_35 = tpu.memref_squeeze %dma_start3A_34 : memref<1x158x128xi32, #tpu.memory_space<hbm>> -> memref<158x128xi32, #tpu.memory_space<hbm>>
      tpu.enqueue_dma source(%dma_start3A_35 : memref<158x128xi32, #tpu.memory_space<hbm>>) target(%arg7 : memref<158x128xi32, #tpu.memory_space<vmem>>) target_semaphore(%run_scoped3A : memref<!tpu.dma_semaphore, #tpu.memory_space<semaphore_mem>>)
      %dma_wait3A = arith.constant 0 : i32
      %dma_wait3A_36 = arith.constant 0 : i32
      %dma_wait3A_37 = tpu.memref_slice %arg4[%arg1, %dma_wait3A, %dma_wait3A_36] : memref<16x158x128xi32, #tpu.memory_space<hbm>> -> memref<1x158x128xi32, #tpu.memory_space<hbm>>
      %dma_wait3A_38 = tpu.memref_squeeze %dma_wait3A_37 : memref<1x158x128xi32, #tpu.memory_space<hbm>> -> memref<158x128xi32, #tpu.memory_space<hbm>>
      %dma_wait3A_39 = arith.constant 0 : i32
      %dma_wait3A_40 = arith.constant 0 : i32
      %dma_wait3A_41 = tpu.memref_slice %arg4[%arg1, %dma_wait3A_39, %dma_wait3A_40] : memref<16x158x128xi32, #tpu.memory_space<hbm>> -> memref<1x158x128xi32, #tpu.memory_space<hbm>>
      %dma_wait3A_42 = tpu.memref_squeeze %dma_wait3A_41 : memref<1x158x128xi32, #tpu.memory_space<hbm>> -> memref<158x128xi32, #tpu.memory_space<hbm>>
      tpu.wait_dma2 semaphore(%run_scoped3A : memref<!tpu.dma_semaphore, #tpu.memory_space<semaphore_mem>>) src(%dma_wait3A_42 : memref<158x128xi32, #tpu.memory_space<hbm>>) dst(%arg7 : memref<158x128xi32, #tpu.memory_space<vmem>>)
      tpu.yield
    }) : () -> ()
    "tpu.region"() ({
      %run_scoped3A = tpu.sem_alloc : memref<!tpu.dma_semaphore, #tpu.memory_space<semaphore_mem>>
      %dma_start3A = arith.constant 0 : i32
      %dma_start3A_29 = arith.constant 0 : i32
      %dma_start3A_30 = tpu.memref_slice %arg5[%arg1, %dma_start3A, %dma_start3A_29] : memref<16x158x128xi32, #tpu.memory_space<hbm>> -> memref<1x158x128xi32, #tpu.memory_space<hbm>>
      %dma_start3A_31 = tpu.memref_squeeze %dma_start3A_30 : memref<1x158x128xi32, #tpu.memory_space<hbm>> -> memref<158x128xi32, #tpu.memory_space<hbm>>
      %dma_start3A_32 = arith.constant 0 : i32
      %dma_start3A_33 = arith.constant 0 : i32
      %dma_start3A_34 = tpu.memref_slice %arg5[%arg1, %dma_start3A_32, %dma_start3A_33] : memref<16x158x128xi32, #tpu.memory_space<hbm>> -> memref<1x158x128xi32, #tpu.memory_space<hbm>>
      %dma_start3A_35 = tpu.memref_squeeze %dma_start3A_34 : memref<1x158x128xi32, #tpu.memory_space<hbm>> -> memref<158x128xi32, #tpu.memory_space<hbm>>
      tpu.enqueue_dma source(%dma_start3A_35 : memref<158x128xi32, #tpu.memory_space<hbm>>) target(%arg8 : memref<158x128xi32, #tpu.memory_space<vmem>>) target_semaphore(%run_scoped3A : memref<!tpu.dma_semaphore, #tpu.memory_space<semaphore_mem>>)
      %dma_wait3A = arith.constant 0 : i32
      %dma_wait3A_36 = arith.constant 0 : i32
      %dma_wait3A_37 = tpu.memref_slice %arg5[%arg1, %dma_wait3A, %dma_wait3A_36] : memref<16x158x128xi32, #tpu.memory_space<hbm>> -> memref<1x158x128xi32, #tpu.memory_space<hbm>>
      %dma_wait3A_38 = tpu.memref_squeeze %dma_wait3A_37 : memref<1x158x128xi32, #tpu.memory_space<hbm>> -> memref<158x128xi32, #tpu.memory_space<hbm>>
      %dma_wait3A_39 = arith.constant 0 : i32
      %dma_wait3A_40 = arith.constant 0 : i32
      %dma_wait3A_41 = tpu.memref_slice %arg5[%arg1, %dma_wait3A_39, %dma_wait3A_40] : memref<16x158x128xi32, #tpu.memory_space<hbm>> -> memref<1x158x128xi32, #tpu.memory_space<hbm>>
      %dma_wait3A_42 = tpu.memref_squeeze %dma_wait3A_41 : memref<1x158x128xi32, #tpu.memory_space<hbm>> -> memref<158x128xi32, #tpu.memory_space<hbm>>
      tpu.wait_dma2 semaphore(%run_scoped3A : memref<!tpu.dma_semaphore, #tpu.memory_space<semaphore_mem>>) src(%dma_wait3A_42 : memref<158x128xi32, #tpu.memory_space<hbm>>) dst(%arg8 : memref<158x128xi32, #tpu.memory_space<vmem>>)
      tpu.yield
    }) : () -> ()
    %mul3A = arith.constant 640 : i32
    %mul3A_0 = arith.muli %arg1, %mul3A : i32
    %scan3A = arith.constant 0 : i32
    %scan3A_1 = arith.constant 0 : i32
    %scan3A_2 = arith.constant 128 : i32
    %scan3A_3 = arith.addi %scan3A_1, %scan3A_2 : i32
    %scan3A_4 = arith.constant 1 : i32
    %scan3A_5 = scf.for %scan3A_29 = %scan3A_1 to %scan3A_3 step %scan3A_4 iter_args(%scan3A_30 = %scan3A) -> (i32)  : i32 {
      %broadcast_in_dim3A = arith.constant 0.000000e+00 : f32
      %broadcast_in_dim3A_31 = vector.broadcast %broadcast_in_dim3A : f32 to vector<16xf32>
      %swap3A = arith.index_cast %scan3A_29 : i32 to index
      %swap3A_32 = arith.constant 0 : index
      %swap3A_33 = tpu.vector_load %arg9[%swap3A, %swap3A_32] {strides = array<i32>} : memref<128x64xf32, #tpu.memory_space<vmem>>, vector<1x16xf32>,
      %swap3A_34 = vector.shape_cast %swap3A_33 : vector<1x16xf32> to vector<16xf32>
      %swap3A_35 = vector.shape_cast %broadcast_in_dim3A_31 : vector<16xf32> to vector<1x16xf32>
      tpu.vector_store %arg9[%swap3A, %swap3A_32], %swap3A_35 {strides = array<i32>} : memref<128x64xf32, #tpu.memory_space<vmem>>, vector<1x16xf32>,
      %broadcast_in_dim3A_36 = arith.constant 0.000000e+00 : f32
      %broadcast_in_dim3A_37 = vector.broadcast %broadcast_in_dim3A_36 : f32 to vector<16xf32>
      %swap3A_38 = arith.index_cast %scan3A_29 : i32 to index
      %swap3A_39 = arith.constant 16 : index
      %swap3A_40 = tpu.vector_load %arg9[%swap3A_38, %swap3A_39] {strides = array<i32>} : memref<128x64xf32, #tpu.memory_space<vmem>>, vector<1x16xf32>,
      %swap3A_41 = vector.shape_cast %swap3A_40 : vector<1x16xf32> to vector<16xf32>
      %swap3A_42 = vector.shape_cast %broadcast_in_dim3A_37 : vector<16xf32> to vector<1x16xf32>
      tpu.vector_store %arg9[%swap3A_38, %swap3A_39], %swap3A_42 {strides = array<i32>} : memref<128x64xf32, #tpu.memory_space<vmem>>, vector<1x16xf32>,
      %broadcast_in_dim3A_43 = arith.constant 0.000000e+00 : f32
      %broadcast_in_dim3A_44 = vector.broadcast %broadcast_in_dim3A_43 : f32 to vector<16xf32>
      %swap3A_45 = arith.index_cast %scan3A_29 : i32 to index
      %swap3A_46 = arith.constant 32 : index
      %swap3A_47 = tpu.vector_load %arg9[%swap3A_45, %swap3A_46] {strides = array<i32>} : memref<128x64xf32, #tpu.memory_space<vmem>>, vector<1x16xf32>,
      %swap3A_48 = vector.shape_cast %swap3A_47 : vector<1x16xf32> to vector<16xf32>
      %swap3A_49 = vector.shape_cast %broadcast_in_dim3A_44 : vector<16xf32> to vector<1x16xf32>
      tpu.vector_store %arg9[%swap3A_45, %swap3A_46], %swap3A_49 {strides = array<i32>} : memref<128x64xf32, #tpu.memory_space<vmem>>, vector<1x16xf32>,
      %broadcast_in_dim3A_50 = arith.constant 0.000000e+00 : f32
      %broadcast_in_dim3A_51 = vector.broadcast %broadcast_in_dim3A_50 : f32 to vector<16xf32>
      %swap3A_52 = arith.index_cast %scan3A_29 : i32 to index
      %swap3A_53 = arith.constant 48 : index
      %swap3A_54 = tpu.vector_load %arg9[%swap3A_52, %swap3A_53] {strides = array<i32>} : memref<128x64xf32, #tpu.memory_space<vmem>>, vector<1x16xf32>,
      %swap3A_55 = vector.shape_cast %swap3A_54 : vector<1x16xf32> to vector<16xf32>
      %swap3A_56 = vector.shape_cast %broadcast_in_dim3A_51 : vector<16xf32> to vector<1x16xf32>
      tpu.vector_store %arg9[%swap3A_52, %swap3A_53], %swap3A_56 {strides = array<i32>} : memref<128x64xf32, #tpu.memory_space<vmem>>, vector<1x16xf32>,
      %scan3A_57 = arith.constant 0 : i32
      scf.yield %scan3A_57 : i32
    }
    %scan3A_6 = arith.constant 128 : i32
    %scan3A_7 = arith.constant 0 : i32
    %scan3A_8 = arith.constant 0 : i32
    %scan3A_9 = arith.constant 5 : i32
    %scan3A_10 = arith.addi %scan3A_8, %scan3A_9 : i32
    %scan3A_11 = arith.constant 1 : i32
    %scan3A_12 = scf.for %scan3A_29 = %scan3A_8 to %scan3A_10 step %scan3A_11 iter_args(%scan3A_30 = %scan3A_7) -> (i32)  : i32 {
      %mul3A_31 = arith.constant 128 : i32
      %mul3A_32 = arith.muli %scan3A_29, %mul3A_31 : i32
      %add3A = arith.addi %mul3A_0, %mul3A_32 : i32
      "tpu.region"() ({
        %run_scoped3A = tpu.sem_alloc : memref<!tpu.dma_semaphore, #tpu.memory_space<semaphore_mem>>
        %dma_start3A = arith.constant 0 : i32
        %dma_start3A_34 = tpu.memref_slice %arg13[%add3A, %dma_start3A] : memref<10240x64xf32, #tpu.memory_space<vmem_shared>> -> memref<128x64xf32, #tpu.memory_space<vmem_shared>>
        %dma_start3A_35 = arith.constant 0 : i32
        %dma_start3A_36 = tpu.memref_slice %arg13[%add3A, %dma_start3A_35] : memref<10240x64xf32, #tpu.memory_space<vmem_shared>> -> memref<128x64xf32, #tpu.memory_space<vmem_shared>>
        tpu.enqueue_dma source(%arg9 : memref<128x64xf32, #tpu.memory_space<vmem>>) target(%dma_start3A_36 : memref<128x64xf32, #tpu.memory_space<vmem_shared>>) target_semaphore(%run_scoped3A : memref<!tpu.dma_semaphore, #tpu.memory_space<semaphore_mem>>)
        %dma_wait3A = arith.constant 0 : i32
        %dma_wait3A_37 = tpu.memref_slice %arg13[%add3A, %dma_wait3A] : memref<10240x64xf32, #tpu.memory_space<vmem_shared>> -> memref<128x64xf32, #tpu.memory_space<vmem_shared>>
        %dma_wait3A_38 = arith.constant 0 : i32
        %dma_wait3A_39 = tpu.memref_slice %arg13[%add3A, %dma_wait3A_38] : memref<10240x64xf32, #tpu.memory_space<vmem_shared>> -> memref<128x64xf32, #tpu.memory_space<vmem_shared>>
        tpu.wait_dma2 semaphore(%run_scoped3A : memref<!tpu.dma_semaphore, #tpu.memory_space<semaphore_mem>>) src(%arg9 : memref<128x64xf32, #tpu.memory_space<vmem>>) dst(%dma_wait3A_39 : memref<128x64xf32, #tpu.memory_space<vmem_shared>>)
        tpu.yield
      }) : () -> ()
      %scan3A_33 = arith.constant 0 : i32
      scf.yield %scan3A_33 : i32
    }
    %scan3A_13 = arith.constant 5 : i32
    %barrier3A = arith.constant 0 : index
    tpu.barrier barrier_id(%barrier3A)
    %eq3A = arith.constant 0 : i32
    %eq3A_14 = arith.cmpi eq, %arg0, %eq3A : i32
    %convert_element_type3A = arith.extui %eq3A_14 : i1 to i32
    %cond3A = arith.constant 0 : i32
    %cond3A_15 = arith.cmpi ne, %convert_element_type3A, %cond3A : i32
    scf.if %cond3A_15 {
      %dma_start3A = arith.constant 0 : i32
      %dma_start3A_29 = arith.constant 0 : i32
      %dma_start3A_30 = tpu.memref_slice %arg7[%dma_start3A, %dma_start3A_29] : memref<158x128xi32, #tpu.memory_space<vmem>> -> memref<1x128xi32, #tpu.memory_space<vmem>>
      %dma_start3A_31 = tpu.memref_squeeze %dma_start3A_30 : memref<1x128xi32, #tpu.memory_space<vmem>> -> memref<128xi32, #tpu.memory_space<vmem>>
      %dma_start3A_32 = arith.constant 0 : i32
      %dma_start3A_33 = arith.constant 0 : i32
      %dma_start3A_34 = tpu.memref_slice %arg2[%dma_start3A_32, %dma_start3A_33] : memref<10240x64xf32, #tpu.memory_space<hbm>> -> memref<10240x64xf32, #tpu.memory_space<hbm>>
      tpu.enqueue_indirect_dma source(%dma_start3A_34 : memref<10240x64xf32, #tpu.memory_space<hbm>>) target(%arg9 : memref<128x64xf32, #tpu.memory_space<vmem>>) offsets(%dma_start3A_31 : memref<128xi32, #tpu.memory_space<vmem>>) semaphore(%arg14 : memref<!tpu.dma_semaphore, #tpu.memory_space<semaphore_mem>>)
      %dma_start3A_35 = arith.constant 1 : i32
      %dma_start3A_36 = arith.constant 0 : i32
      %dma_start3A_37 = tpu.memref_slice %arg7[%dma_start3A_35, %dma_start3A_36] : memref<158x128xi32, #tpu.memory_space<vmem>> -> memref<1x128xi32, #tpu.memory_space<vmem>>
      %dma_start3A_38 = tpu.memref_squeeze %dma_start3A_37 : memref<1x128xi32, #tpu.memory_space<vmem>> -> memref<128xi32, #tpu.memory_space<vmem>>
      %dma_start3A_39 = arith.constant 0 : i32
      %dma_start3A_40 = arith.constant 0 : i32
      %dma_start3A_41 = tpu.memref_slice %arg2[%dma_start3A_39, %dma_start3A_40] : memref<10240x64xf32, #tpu.memory_space<hbm>> -> memref<10240x64xf32, #tpu.memory_space<hbm>>
      tpu.enqueue_indirect_dma source(%dma_start3A_41 : memref<10240x64xf32, #tpu.memory_space<hbm>>) target(%arg10 : memref<128x64xf32, #tpu.memory_space<vmem>>) offsets(%dma_start3A_38 : memref<128xi32, #tpu.memory_space<vmem>>) semaphore(%arg15 : memref<!tpu.dma_semaphore, #tpu.memory_space<semaphore_mem>>)
      %scan3A_42 = arith.constant 0 : i32
      %scan3A_43 = arith.constant 0 : i32
      %scan3A_44 = arith.constant 39 : i32
      %scan3A_45 = arith.addi %scan3A_43, %scan3A_44 : i32
      %scan3A_46 = arith.constant 1 : i32
      %scan3A_47 = scf.for %scan3A_104 = %scan3A_43 to %scan3A_45 step %scan3A_46 iter_args(%scan3A_105 = %scan3A_42) -> (i32)  : i32 {
        %mul3A_106 = arith.constant 4 : i32
        %mul3A_107 = arith.muli %mul3A_106, %scan3A_104 : i32
        %add3A = arith.constant 0 : i32
        %add3A_108 = arith.addi %mul3A_107, %add3A : i32
        %ge3A = arith.constant 2 : i32
        %ge3A_109 = arith.cmpi sge, %add3A_108, %ge3A : i32
        %convert_element_type3A_110 = arith.extui %ge3A_109 : i1 to i32
        %cond3A_111 = arith.constant 0 : i32
        %cond3A_112 = arith.cmpi ne, %convert_element_type3A_110, %cond3A_111 : i32
        scf.if %cond3A_112 {
          %dma_wait3A_220 = arith.constant 0 : i32
          %dma_wait3A_221 = arith.constant 0 : i32
          %dma_wait3A_222 = tpu.memref_slice %arg8[%dma_wait3A_220, %dma_wait3A_221] : memref<158x128xi32, #tpu.memory_space<vmem>> -> memref<1x128xi32, #tpu.memory_space<vmem>>
          %dma_wait3A_223 = tpu.memref_squeeze %dma_wait3A_222 : memref<1x128xi32, #tpu.memory_space<vmem>> -> memref<128xi32, #tpu.memory_space<vmem>>
          %dma_wait3A_224 = arith.constant 0 : i32
          %dma_wait3A_225 = arith.constant 0 : i32
          %dma_wait3A_226 = tpu.memref_slice %arg13[%dma_wait3A_224, %dma_wait3A_225] : memref<10240x64xf32, #tpu.memory_space<vmem_shared>> -> memref<10240x64xf32, #tpu.memory_space<vmem_shared>>
          tpu.wait_indirect_dma semaphore(%arg20 : memref<!tpu.dma_semaphore, #tpu.memory_space<semaphore_mem>>) src(%arg11 : memref<128x64xf32, #tpu.memory_space<vmem>>) dst(%dma_wait3A_226 : memref<10240x64xf32, #tpu.memory_space<vmem_shared>>)
        } else {
        }
        %add3A_113 = arith.constant 2 : i32
        %add3A_114 = arith.addi %add3A_108, %add3A_113 : i32
        %lt3A = arith.constant 158 : i32
        %lt3A_115 = arith.cmpi slt, %add3A_114, %lt3A : i32
        %convert_element_type3A_116 = arith.extui %lt3A_115 : i1 to i32
        %cond3A_117 = arith.constant 0 : i32
        %cond3A_118 = arith.cmpi ne, %convert_element_type3A_116, %cond3A_117 : i32
        scf.if %cond3A_118 {
          %add3A_220 = arith.constant 2 : i32
          %add3A_221 = arith.addi %add3A_108, %add3A_220 : i32
          %dma_start3A_222 = arith.constant 0 : i32
          %dma_start3A_223 = tpu.memref_slice %arg7[%add3A_221, %dma_start3A_222] : memref<158x128xi32, #tpu.memory_space<vmem>> -> memref<1x128xi32, #tpu.memory_space<vmem>>
          %dma_start3A_224 = tpu.memref_squeeze %dma_start3A_223 : memref<1x128xi32, #tpu.memory_space<vmem>> -> memref<128xi32, #tpu.memory_space<vmem>>
          %dma_start3A_225 = arith.constant 0 : i32
          %dma_start3A_226 = arith.constant 0 : i32
          %dma_start3A_227 = tpu.memref_slice %arg2[%dma_start3A_225, %dma_start3A_226] : memref<10240x64xf32, #tpu.memory_space<hbm>> -> memref<10240x64xf32, #tpu.memory_space<hbm>>
          tpu.enqueue_indirect_dma source(%dma_start3A_227 : memref<10240x64xf32, #tpu.memory_space<hbm>>) target(%arg11 : memref<128x64xf32, #tpu.memory_space<vmem>>) offsets(%dma_start3A_224 : memref<128xi32, #tpu.memory_space<vmem>>) semaphore(%arg16 : memref<!tpu.dma_semaphore, #tpu.memory_space<semaphore_mem>>)
        } else {
        }
        %dma_wait3A_119 = arith.constant 0 : i32
        %dma_wait3A_120 = arith.constant 0 : i32
        %dma_wait3A_121 = tpu.memref_slice %arg7[%dma_wait3A_119, %dma_wait3A_120] : memref<158x128xi32, #tpu.memory_space<vmem>> -> memref<1x128xi32, #tpu.memory_space<vmem>>
        %dma_wait3A_122 = tpu.memref_squeeze %dma_wait3A_121 : memref<1x128xi32, #tpu.memory_space<vmem>> -> memref<128xi32, #tpu.memory_space<vmem>>
        %dma_wait3A_123 = arith.constant 0 : i32
        %dma_wait3A_124 = arith.constant 0 : i32
        %dma_wait3A_125 = tpu.memref_slice %arg2[%dma_wait3A_123, %dma_wait3A_124] : memref<10240x64xf32, #tpu.memory_space<hbm>> -> memref<10240x64xf32, #tpu.memory_space<hbm>>
        tpu.wait_indirect_dma semaphore(%arg14 : memref<!tpu.dma_semaphore, #tpu.memory_space<semaphore_mem>>) src(%dma_wait3A_125 : memref<10240x64xf32, #tpu.memory_space<hbm>>) dst(%arg9 : memref<128x64xf32, #tpu.memory_space<vmem>>)
        %dma_start3A_126 = arith.constant 0 : i32
        %dma_start3A_127 = tpu.memref_slice %arg8[%add3A_108, %dma_start3A_126] : memref<158x128xi32, #tpu.memory_space<vmem>> -> memref<1x128xi32, #tpu.memory_space<vmem>>
        %dma_start3A_128 = tpu.memref_squeeze %dma_start3A_127 : memref<1x128xi32, #tpu.memory_space<vmem>> -> memref<128xi32, #tpu.memory_space<vmem>>
        %dma_start3A_129 = arith.constant 0 : i32
        %dma_start3A_130 = arith.constant 0 : i32
        %dma_start3A_131 = tpu.memref_slice %arg13[%dma_start3A_129, %dma_start3A_130] : memref<10240x64xf32, #tpu.memory_space<vmem_shared>> -> memref<10240x64xf32, #tpu.memory_space<vmem_shared>>
        tpu.enqueue_indirect_dma source(%arg9 : memref<128x64xf32, #tpu.memory_space<vmem>>) target(%dma_start3A_131 : memref<10240x64xf32, #tpu.memory_space<vmem_shared>>) offsets(%dma_start3A_128 : memref<128xi32, #tpu.memory_space<vmem>>) semaphore(%arg18 : memref<!tpu.dma_semaphore, #tpu.memory_space<semaphore_mem>>) {add = true}
        %mul3A_132 = arith.constant 4 : i32
        %mul3A_133 = arith.muli %mul3A_132, %scan3A_104 : i32
        %add3A_134 = arith.constant 1 : i32
        %add3A_135 = arith.addi %mul3A_133, %add3A_134 : i32
        %ge3A_136 = arith.constant 2 : i32
        %ge3A_137 = arith.cmpi sge, %add3A_135, %ge3A_136 : i32
        %convert_element_type3A_138 = arith.extui %ge3A_137 : i1 to i32
        %cond3A_139 = arith.constant 0 : i32
        %cond3A_140 = arith.cmpi ne, %convert_element_type3A_138, %cond3A_139 : i32
        scf.if %cond3A_140 {
          %dma_wait3A_220 = arith.constant 0 : i32
          %dma_wait3A_221 = arith.constant 0 : i32
          %dma_wait3A_222 = tpu.memref_slice %arg8[%dma_wait3A_220, %dma_wait3A_221] : memref<158x128xi32, #tpu.memory_space<vmem>> -> memref<1x128xi32, #tpu.memory_space<vmem>>
          %dma_wait3A_223 = tpu.memref_squeeze %dma_wait3A_222 : memref<1x128xi32, #tpu.memory_space<vmem>> -> memref<128xi32, #tpu.memory_space<vmem>>
          %dma_wait3A_224 = arith.constant 0 : i32
          %dma_wait3A_225 = arith.constant 0 : i32
          %dma_wait3A_226 = tpu.memref_slice %arg13[%dma_wait3A_224, %dma_wait3A_225] : memref<10240x64xf32, #tpu.memory_space<vmem_shared>> -> memref<10240x64xf32, #tpu.memory_space<vmem_shared>>
          tpu.wait_indirect_dma semaphore(%arg21 : memref<!tpu.dma_semaphore, #tpu.memory_space<semaphore_mem>>) src(%arg12 : memref<128x64xf32, #tpu.memory_space<vmem>>) dst(%dma_wait3A_226 : memref<10240x64xf32, #tpu.memory_space<vmem_shared>>)
        } else {
        }
        %add3A_141 = arith.constant 2 : i32
        %add3A_142 = arith.addi %add3A_135, %add3A_141 : i32
        %lt3A_143 = arith.constant 158 : i32
        %lt3A_144 = arith.cmpi slt, %add3A_142, %lt3A_143 : i32
        %convert_element_type3A_145 = arith.extui %lt3A_144 : i1 to i32
        %cond3A_146 = arith.constant 0 : i32
        %cond3A_147 = arith.cmpi ne, %convert_element_type3A_145, %cond3A_146 : i32
        scf.if %cond3A_147 {
          %add3A_220 = arith.constant 2 : i32
          %add3A_221 = arith.addi %add3A_135, %add3A_220 : i32
          %dma_start3A_222 = arith.constant 0 : i32
          %dma_start3A_223 = tpu.memref_slice %arg7[%add3A_221, %dma_start3A_222] : memref<158x128xi32, #tpu.memory_space<vmem>> -> memref<1x128xi32, #tpu.memory_space<vmem>>
          %dma_start3A_224 = tpu.memref_squeeze %dma_start3A_223 : memref<1x128xi32, #tpu.memory_space<vmem>> -> memref<128xi32, #tpu.memory_space<vmem>>
          %dma_start3A_225 = arith.constant 0 : i32
          %dma_start3A_226 = arith.constant 0 : i32
          %dma_start3A_227 = tpu.memref_slice %arg2[%dma_start3A_225, %dma_start3A_226] : memref<10240x64xf32, #tpu.memory_space<hbm>> -> memref<10240x64xf32, #tpu.memory_space<hbm>>
          tpu.enqueue_indirect_dma source(%dma_start3A_227 : memref<10240x64xf32, #tpu.memory_space<hbm>>) target(%arg12 : memref<128x64xf32, #tpu.memory_space<vmem>>) offsets(%dma_start3A_224 : memref<128xi32, #tpu.memory_space<vmem>>) semaphore(%arg17 : memref<!tpu.dma_semaphore, #tpu.memory_space<semaphore_mem>>)
        } else {
        }
        %dma_wait3A_148 = arith.constant 0 : i32
        %dma_wait3A_149 = arith.constant 0 : i32
        %dma_wait3A_150 = tpu.memref_slice %arg7[%dma_wait3A_148, %dma_wait3A_149] : memref<158x128xi32, #tpu.memory_space<vmem>> -> memref<1x128xi32, #tpu.memory_space<vmem>>
        %dma_wait3A_151 = tpu.memref_squeeze %dma_wait3A_150 : memref<1x128xi32, #tpu.memory_space<vmem>> -> memref<128xi32, #tpu.memory_space<vmem>>
        %dma_wait3A_152 = arith.constant 0 : i32
        %dma_wait3A_153 = arith.constant 0 : i32
        %dma_wait3A_154 = tpu.memref_slice %arg2[%dma_wait3A_152, %dma_wait3A_153] : memref<10240x64xf32, #tpu.memory_space<hbm>> -> memref<10240x64xf32, #tpu.memory_space<hbm>>
        tpu.wait_indirect_dma semaphore(%arg15 : memref<!tpu.dma_semaphore, #tpu.memory_space<semaphore_mem>>) src(%dma_wait3A_154 : memref<10240x64xf32, #tpu.memory_space<hbm>>) dst(%arg10 : memref<128x64xf32, #tpu.memory_space<vmem>>)
        %dma_start3A_155 = arith.constant 0 : i32
        %dma_start3A_156 = tpu.memref_slice %arg8[%add3A_135, %dma_start3A_155] : memref<158x128xi32, #tpu.memory_space<vmem>> -> memref<1x128xi32, #tpu.memory_space<vmem>>
        %dma_start3A_157 = tpu.memref_squeeze %dma_start3A_156 : memref<1x128xi32, #tpu.memory_space<vmem>> -> memref<128xi32, #tpu.memory_space<vmem>>
        %dma_start3A_158 = arith.constant 0 : i32
        %dma_start3A_159 = arith.constant 0 : i32
        %dma_start3A_160 = tpu.memref_slice %arg13[%dma_start3A_158, %dma_start3A_159] : memref<10240x64xf32, #tpu.memory_space<vmem_shared>> -> memref<10240x64xf32, #tpu.memory_space<vmem_shared>>
        tpu.enqueue_indirect_dma source(%arg10 : memref<128x64xf32, #tpu.memory_space<vmem>>) target(%dma_start3A_160 : memref<10240x64xf32, #tpu.memory_space<vmem_shared>>) offsets(%dma_start3A_157 : memref<128xi32, #tpu.memory_space<vmem>>) semaphore(%arg19 : memref<!tpu.dma_semaphore, #tpu.memory_space<semaphore_mem>>) {add = true}
        %mul3A_161 = arith.constant 4 : i32
        %mul3A_162 = arith.muli %mul3A_161, %scan3A_104 : i32
        %add3A_163 = arith.constant 2 : i32
        %add3A_164 = arith.addi %mul3A_162, %add3A_163 : i32
        %ge3A_165 = arith.constant 2 : i32
        %ge3A_166 = arith.cmpi sge, %add3A_164, %ge3A_165 : i32
        %convert_element_type3A_167 = arith.extui %ge3A_166 : i1 to i32
        %cond3A_168 = arith.constant 0 : i32
        %cond3A_169 = arith.cmpi ne, %convert_element_type3A_167, %cond3A_168 : i32
        scf.if %cond3A_169 {
          %dma_wait3A_220 = arith.constant 0 : i32
          %dma_wait3A_221 = arith.constant 0 : i32
          %dma_wait3A_222 = tpu.memref_slice %arg8[%dma_wait3A_220, %dma_wait3A_221] : memref<158x128xi32, #tpu.memory_space<vmem>> -> memref<1x128xi32, #tpu.memory_space<vmem>>
          %dma_wait3A_223 = tpu.memref_squeeze %dma_wait3A_222 : memref<1x128xi32, #tpu.memory_space<vmem>> -> memref<128xi32, #tpu.memory_space<vmem>>
          %dma_wait3A_224 = arith.constant 0 : i32
          %dma_wait3A_225 = arith.constant 0 : i32
          %dma_wait3A_226 = tpu.memref_slice %arg13[%dma_wait3A_224, %dma_wait3A_225] : memref<10240x64xf32, #tpu.memory_space<vmem_shared>> -> memref<10240x64xf32, #tpu.memory_space<vmem_shared>>
          tpu.wait_indirect_dma semaphore(%arg18 : memref<!tpu.dma_semaphore, #tpu.memory_space<semaphore_mem>>) src(%arg9 : memref<128x64xf32, #tpu.memory_space<vmem>>) dst(%dma_wait3A_226 : memref<10240x64xf32, #tpu.memory_space<vmem_shared>>)
        } else {
        }
        %add3A_170 = arith.constant 2 : i32
        %add3A_171 = arith.addi %add3A_164, %add3A_170 : i32
        %lt3A_172 = arith.constant 158 : i32
        %lt3A_173 = arith.cmpi slt, %add3A_171, %lt3A_172 : i32
        %convert_element_type3A_174 = arith.extui %lt3A_173 : i1 to i32
        %cond3A_175 = arith.constant 0 : i32
        %cond3A_176 = arith.cmpi ne, %convert_element_type3A_174, %cond3A_175 : i32
        scf.if %cond3A_176 {
          %add3A_220 = arith.constant 2 : i32
          %add3A_221 = arith.addi %add3A_164, %add3A_220 : i32
          %dma_start3A_222 = arith.constant 0 : i32
          %dma_start3A_223 = tpu.memref_slice %arg7[%add3A_221, %dma_start3A_222] : memref<158x128xi32, #tpu.memory_space<vmem>> -> memref<1x128xi32, #tpu.memory_space<vmem>>
          %dma_start3A_224 = tpu.memref_squeeze %dma_start3A_223 : memref<1x128xi32, #tpu.memory_space<vmem>> -> memref<128xi32, #tpu.memory_space<vmem>>
          %dma_start3A_225 = arith.constant 0 : i32
          %dma_start3A_226 = arith.constant 0 : i32
          %dma_start3A_227 = tpu.memref_slice %arg2[%dma_start3A_225, %dma_start3A_226] : memref<10240x64xf32, #tpu.memory_space<hbm>> -> memref<10240x64xf32, #tpu.memory_space<hbm>>
          tpu.enqueue_indirect_dma source(%dma_start3A_227 : memref<10240x64xf32, #tpu.memory_space<hbm>>) target(%arg9 : memref<128x64xf32, #tpu.memory_space<vmem>>) offsets(%dma_start3A_224 : memref<128xi32, #tpu.memory_space<vmem>>) semaphore(%arg14 : memref<!tpu.dma_semaphore, #tpu.memory_space<semaphore_mem>>)
        } else {
        }
        %dma_wait3A_177 = arith.constant 0 : i32
        %dma_wait3A_178 = arith.constant 0 : i32
        %dma_wait3A_179 = tpu.memref_slice %arg7[%dma_wait3A_177, %dma_wait3A_178] : memref<158x128xi32, #tpu.memory_space<vmem>> -> memref<1x128xi32, #tpu.memory_space<vmem>>
        %dma_wait3A_180 = tpu.memref_squeeze %dma_wait3A_179 : memref<1x128xi32, #tpu.memory_space<vmem>> -> memref<128xi32, #tpu.memory_space<vmem>>
        %dma_wait3A_181 = arith.constant 0 : i32
        %dma_wait3A_182 = arith.constant 0 : i32
        %dma_wait3A_183 = tpu.memref_slice %arg2[%dma_wait3A_181, %dma_wait3A_182] : memref<10240x64xf32, #tpu.memory_space<hbm>> -> memref<10240x64xf32, #tpu.memory_space<hbm>>
        tpu.wait_indirect_dma semaphore(%arg16 : memref<!tpu.dma_semaphore, #tpu.memory_space<semaphore_mem>>) src(%dma_wait3A_183 : memref<10240x64xf32, #tpu.memory_space<hbm>>) dst(%arg11 : memref<128x64xf32, #tpu.memory_space<vmem>>)
        %dma_start3A_184 = arith.constant 0 : i32
        %dma_start3A_185 = tpu.memref_slice %arg8[%add3A_164, %dma_start3A_184] : memref<158x128xi32, #tpu.memory_space<vmem>> -> memref<1x128xi32, #tpu.memory_space<vmem>>
        %dma_start3A_186 = tpu.memref_squeeze %dma_start3A_185 : memref<1x128xi32, #tpu.memory_space<vmem>> -> memref<128xi32, #tpu.memory_space<vmem>>
        %dma_start3A_187 = arith.constant 0 : i32
        %dma_start3A_188 = arith.constant 0 : i32
        %dma_start3A_189 = tpu.memref_slice %arg13[%dma_start3A_187, %dma_start3A_188] : memref<10240x64xf32, #tpu.memory_space<vmem_shared>> -> memref<10240x64xf32, #tpu.memory_space<vmem_shared>>
        tpu.enqueue_indirect_dma source(%arg11 : memref<128x64xf32, #tpu.memory_space<vmem>>) target(%dma_start3A_189 : memref<10240x64xf32, #tpu.memory_space<vmem_shared>>) offsets(%dma_start3A_186 : memref<128xi32, #tpu.memory_space<vmem>>) semaphore(%arg20 : memref<!tpu.dma_semaphore, #tpu.memory_space<semaphore_mem>>) {add = true}
        %mul3A_190 = arith.constant 4 : i32
        %mul3A_191 = arith.muli %mul3A_190, %scan3A_104 : i32
        %add3A_192 = arith.constant 3 : i32
        %add3A_193 = arith.addi %mul3A_191, %add3A_192 : i32
        %ge3A_194 = arith.constant 2 : i32
        %ge3A_195 = arith.cmpi sge, %add3A_193, %ge3A_194 : i32
        %convert_element_type3A_196 = arith.extui %ge3A_195 : i1 to i32
        %cond3A_197 = arith.constant 0 : i32
        %cond3A_198 = arith.cmpi ne, %convert_element_type3A_196, %cond3A_197 : i32
        scf.if %cond3A_198 {
          %dma_wait3A_220 = arith.constant 0 : i32
          %dma_wait3A_221 = arith.constant 0 : i32
          %dma_wait3A_222 = tpu.memref_slice %arg8[%dma_wait3A_220, %dma_wait3A_221] : memref<158x128xi32, #tpu.memory_space<vmem>> -> memref<1x128xi32, #tpu.memory_space<vmem>>
          %dma_wait3A_223 = tpu.memref_squeeze %dma_wait3A_222 : memref<1x128xi32, #tpu.memory_space<vmem>> -> memref<128xi32, #tpu.memory_space<vmem>>
          %dma_wait3A_224 = arith.constant 0 : i32
          %dma_wait3A_225 = arith.constant 0 : i32
          %dma_wait3A_226 = tpu.memref_slice %arg13[%dma_wait3A_224, %dma_wait3A_225] : memref<10240x64xf32, #tpu.memory_space<vmem_shared>> -> memref<10240x64xf32, #tpu.memory_space<vmem_shared>>
          tpu.wait_indirect_dma semaphore(%arg19 : memref<!tpu.dma_semaphore, #tpu.memory_space<semaphore_mem>>) src(%arg10 : memref<128x64xf32, #tpu.memory_space<vmem>>) dst(%dma_wait3A_226 : memref<10240x64xf32, #tpu.memory_space<vmem_shared>>)
        } else {
        }
        %add3A_199 = arith.constant 2 : i32
        %add3A_200 = arith.addi %add3A_193, %add3A_199 : i32
        %lt3A_201 = arith.constant 158 : i32
        %lt3A_202 = arith.cmpi slt, %add3A_200, %lt3A_201 : i32
        %convert_element_type3A_203 = arith.extui %lt3A_202 : i1 to i32
        %cond3A_204 = arith.constant 0 : i32
        %cond3A_205 = arith.cmpi ne, %convert_element_type3A_203, %cond3A_204 : i32
        scf.if %cond3A_205 {
          %add3A_220 = arith.constant 2 : i32
          %add3A_221 = arith.addi %add3A_193, %add3A_220 : i32
          %dma_start3A_222 = arith.constant 0 : i32
          %dma_start3A_223 = tpu.memref_slice %arg7[%add3A_221, %dma_start3A_222] : memref<158x128xi32, #tpu.memory_space<vmem>> -> memref<1x128xi32, #tpu.memory_space<vmem>>
          %dma_start3A_224 = tpu.memref_squeeze %dma_start3A_223 : memref<1x128xi32, #tpu.memory_space<vmem>> -> memref<128xi32, #tpu.memory_space<vmem>>
          %dma_start3A_225 = arith.constant 0 : i32
          %dma_start3A_226 = arith.constant 0 : i32
          %dma_start3A_227 = tpu.memref_slice %arg2[%dma_start3A_225, %dma_start3A_226] : memref<10240x64xf32, #tpu.memory_space<hbm>> -> memref<10240x64xf32, #tpu.memory_space<hbm>>
          tpu.enqueue_indirect_dma source(%dma_start3A_227 : memref<10240x64xf32, #tpu.memory_space<hbm>>) target(%arg10 : memref<128x64xf32, #tpu.memory_space<vmem>>) offsets(%dma_start3A_224 : memref<128xi32, #tpu.memory_space<vmem>>) semaphore(%arg15 : memref<!tpu.dma_semaphore, #tpu.memory_space<semaphore_mem>>)
        } else {
        }
        %dma_wait3A_206 = arith.constant 0 : i32
        %dma_wait3A_207 = arith.constant 0 : i32
        %dma_wait3A_208 = tpu.memref_slice %arg7[%dma_wait3A_206, %dma_wait3A_207] : memref<158x128xi32, #tpu.memory_space<vmem>> -> memref<1x128xi32, #tpu.memory_space<vmem>>
        %dma_wait3A_209 = tpu.memref_squeeze %dma_wait3A_208 : memref<1x128xi32, #tpu.memory_space<vmem>> -> memref<128xi32, #tpu.memory_space<vmem>>
        %dma_wait3A_210 = arith.constant 0 : i32
        %dma_wait3A_211 = arith.constant 0 : i32
        %dma_wait3A_212 = tpu.memref_slice %arg2[%dma_wait3A_210, %dma_wait3A_211] : memref<10240x64xf32, #tpu.memory_space<hbm>> -> memref<10240x64xf32, #tpu.memory_space<hbm>>
        tpu.wait_indirect_dma semaphore(%arg17 : memref<!tpu.dma_semaphore, #tpu.memory_space<semaphore_mem>>) src(%dma_wait3A_212 : memref<10240x64xf32, #tpu.memory_space<hbm>>) dst(%arg12 : memref<128x64xf32, #tpu.memory_space<vmem>>)
        %dma_start3A_213 = arith.constant 0 : i32
        %dma_start3A_214 = tpu.memref_slice %arg8[%add3A_193, %dma_start3A_213] : memref<158x128xi32, #tpu.memory_space<vmem>> -> memref<1x128xi32, #tpu.memory_space<vmem>>
        %dma_start3A_215 = tpu.memref_squeeze %dma_start3A_214 : memref<1x128xi32, #tpu.memory_space<vmem>> -> memref<128xi32, #tpu.memory_space<vmem>>
        %dma_start3A_216 = arith.constant 0 : i32
        %dma_start3A_217 = arith.constant 0 : i32
        %dma_start3A_218 = tpu.memref_slice %arg13[%dma_start3A_216, %dma_start3A_217] : memref<10240x64xf32, #tpu.memory_space<vmem_shared>> -> memref<10240x64xf32, #tpu.memory_space<vmem_shared>>
        tpu.enqueue_indirect_dma source(%arg12 : memref<128x64xf32, #tpu.memory_space<vmem>>) target(%dma_start3A_218 : memref<10240x64xf32, #tpu.memory_space<vmem_shared>>) offsets(%dma_start3A_215 : memref<128xi32, #tpu.memory_space<vmem>>) semaphore(%arg21 : memref<!tpu.dma_semaphore, #tpu.memory_space<semaphore_mem>>) {add = true}
        %scan3A_219 = arith.constant 0 : i32
        scf.yield %scan3A_219 : i32
      }
      %scan3A_48 = arith.constant 39 : i32
      %dma_wait3A = arith.constant 0 : i32
      %dma_wait3A_49 = arith.constant 0 : i32
      %dma_wait3A_50 = tpu.memref_slice %arg8[%dma_wait3A, %dma_wait3A_49] : memref<158x128xi32, #tpu.memory_space<vmem>> -> memref<1x128xi32, #tpu.memory_space<vmem>>
      %dma_wait3A_51 = tpu.memref_squeeze %dma_wait3A_50 : memref<1x128xi32, #tpu.memory_space<vmem>> -> memref<128xi32, #tpu.memory_space<vmem>>
      %dma_wait3A_52 = arith.constant 0 : i32
      %dma_wait3A_53 = arith.constant 0 : i32
      %dma_wait3A_54 = tpu.memref_slice %arg13[%dma_wait3A_52, %dma_wait3A_53] : memref<10240x64xf32, #tpu.memory_space<vmem_shared>> -> memref<10240x64xf32, #tpu.memory_space<vmem_shared>>
      tpu.wait_indirect_dma semaphore(%arg20 : memref<!tpu.dma_semaphore, #tpu.memory_space<semaphore_mem>>) src(%arg11 : memref<128x64xf32, #tpu.memory_space<vmem>>) dst(%dma_wait3A_54 : memref<10240x64xf32, #tpu.memory_space<vmem_shared>>)
      %dma_wait3A_55 = arith.constant 0 : i32
      %dma_wait3A_56 = arith.constant 0 : i32
      %dma_wait3A_57 = tpu.memref_slice %arg7[%dma_wait3A_55, %dma_wait3A_56] : memref<158x128xi32, #tpu.memory_space<vmem>> -> memref<1x128xi32, #tpu.memory_space<vmem>>
      %dma_wait3A_58 = tpu.memref_squeeze %dma_wait3A_57 : memref<1x128xi32, #tpu.memory_space<vmem>> -> memref<128xi32, #tpu.memory_space<vmem>>
      %dma_wait3A_59 = arith.constant 0 : i32
      %dma_wait3A_60 = arith.constant 0 : i32
      %dma_wait3A_61 = tpu.memref_slice %arg2[%dma_wait3A_59, %dma_wait3A_60] : memref<10240x64xf32, #tpu.memory_space<hbm>> -> memref<10240x64xf32, #tpu.memory_space<hbm>>
      tpu.wait_indirect_dma semaphore(%arg14 : memref<!tpu.dma_semaphore, #tpu.memory_space<semaphore_mem>>) src(%dma_wait3A_61 : memref<10240x64xf32, #tpu.memory_space<hbm>>) dst(%arg9 : memref<128x64xf32, #tpu.memory_space<vmem>>)
      %dma_start3A_62 = arith.constant 156 : i32
      %dma_start3A_63 = arith.constant 0 : i32
      %dma_start3A_64 = tpu.memref_slice %arg8[%dma_start3A_62, %dma_start3A_63] : memref<158x128xi32, #tpu.memory_space<vmem>> -> memref<1x128xi32, #tpu.memory_space<vmem>>
      %dma_start3A_65 = tpu.memref_squeeze %dma_start3A_64 : memref<1x128xi32, #tpu.memory_space<vmem>> -> memref<128xi32, #tpu.memory_space<vmem>>
      %dma_start3A_66 = arith.constant 0 : i32
      %dma_start3A_67 = arith.constant 0 : i32
      %dma_start3A_68 = tpu.memref_slice %arg13[%dma_start3A_66, %dma_start3A_67] : memref<10240x64xf32, #tpu.memory_space<vmem_shared>> -> memref<10240x64xf32, #tpu.memory_space<vmem_shared>>
      tpu.enqueue_indirect_dma source(%arg9 : memref<128x64xf32, #tpu.memory_space<vmem>>) target(%dma_start3A_68 : memref<10240x64xf32, #tpu.memory_space<vmem_shared>>) offsets(%dma_start3A_65 : memref<128xi32, #tpu.memory_space<vmem>>) semaphore(%arg18 : memref<!tpu.dma_semaphore, #tpu.memory_space<semaphore_mem>>) {add = true}
      %dma_wait3A_69 = arith.constant 0 : i32
      %dma_wait3A_70 = arith.constant 0 : i32
      %dma_wait3A_71 = tpu.memref_slice %arg8[%dma_wait3A_69, %dma_wait3A_70] : memref<158x128xi32, #tpu.memory_space<vmem>> -> memref<1x128xi32, #tpu.memory_space<vmem>>
      %dma_wait3A_72 = tpu.memref_squeeze %dma_wait3A_71 : memref<1x128xi32, #tpu.memory_space<vmem>> -> memref<128xi32, #tpu.memory_space<vmem>>
      %dma_wait3A_73 = arith.constant 0 : i32
      %dma_wait3A_74 = arith.constant 0 : i32
      %dma_wait3A_75 = tpu.memref_slice %arg13[%dma_wait3A_73, %dma_wait3A_74] : memref<10240x64xf32, #tpu.memory_space<vmem_shared>> -> memref<10240x64xf32, #tpu.memory_space<vmem_shared>>
      tpu.wait_indirect_dma semaphore(%arg21 : memref<!tpu.dma_semaphore, #tpu.memory_space<semaphore_mem>>) src(%arg12 : memref<128x64xf32, #tpu.memory_space<vmem>>) dst(%dma_wait3A_75 : memref<10240x64xf32, #tpu.memory_space<vmem_shared>>)
      %dma_wait3A_76 = arith.constant 0 : i32
      %dma_wait3A_77 = arith.constant 0 : i32
      %dma_wait3A_78 = tpu.memref_slice %arg7[%dma_wait3A_76, %dma_wait3A_77] : memref<158x128xi32, #tpu.memory_space<vmem>> -> memref<1x128xi32, #tpu.memory_space<vmem>>
      %dma_wait3A_79 = tpu.memref_squeeze %dma_wait3A_78 : memref<1x128xi32, #tpu.memory_space<vmem>> -> memref<128xi32, #tpu.memory_space<vmem>>
      %dma_wait3A_80 = arith.constant 0 : i32
      %dma_wait3A_81 = arith.constant 0 : i32
      %dma_wait3A_82 = tpu.memref_slice %arg2[%dma_wait3A_80, %dma_wait3A_81] : memref<10240x64xf32, #tpu.memory_space<hbm>> -> memref<10240x64xf32, #tpu.memory_space<hbm>>
      tpu.wait_indirect_dma semaphore(%arg15 : memref<!tpu.dma_semaphore, #tpu.memory_space<semaphore_mem>>) src(%dma_wait3A_82 : memref<10240x64xf32, #tpu.memory_space<hbm>>) dst(%arg10 : memref<128x64xf32, #tpu.memory_space<vmem>>)
      %dma_start3A_83 = arith.constant 157 : i32
      %dma_start3A_84 = arith.constant 0 : i32
      %dma_start3A_85 = tpu.memref_slice %arg8[%dma_start3A_83, %dma_start3A_84] : memref<158x128xi32, #tpu.memory_space<vmem>> -> memref<1x128xi32, #tpu.memory_space<vmem>>
      %dma_start3A_86 = tpu.memref_squeeze %dma_start3A_85 : memref<1x128xi32, #tpu.memory_space<vmem>> -> memref<128xi32, #tpu.memory_space<vmem>>
      %dma_start3A_87 = arith.constant 0 : i32
      %dma_start3A_88 = arith.constant 0 : i32
      %dma_start3A_89 = tpu.memref_slice %arg13[%dma_start3A_87, %dma_start3A_88] : memref<10240x64xf32, #tpu.memory_space<vmem_shared>> -> memref<10240x64xf32, #tpu.memory_space<vmem_shared>>
      tpu.enqueue_indirect_dma source(%arg10 : memref<128x64xf32, #tpu.memory_space<vmem>>) target(%dma_start3A_89 : memref<10240x64xf32, #tpu.memory_space<vmem_shared>>) offsets(%dma_start3A_86 : memref<128xi32, #tpu.memory_space<vmem>>) semaphore(%arg19 : memref<!tpu.dma_semaphore, #tpu.memory_space<semaphore_mem>>) {add = true}
      %dma_wait3A_90 = arith.constant 0 : i32
      %dma_wait3A_91 = arith.constant 0 : i32
      %dma_wait3A_92 = tpu.memref_slice %arg8[%dma_wait3A_90, %dma_wait3A_91] : memref<158x128xi32, #tpu.memory_space<vmem>> -> memref<1x128xi32, #tpu.memory_space<vmem>>
      %dma_wait3A_93 = tpu.memref_squeeze %dma_wait3A_92 : memref<1x128xi32, #tpu.memory_space<vmem>> -> memref<128xi32, #tpu.memory_space<vmem>>
      %dma_wait3A_94 = arith.constant 0 : i32
      %dma_wait3A_95 = arith.constant 0 : i32
      %dma_wait3A_96 = tpu.memref_slice %arg13[%dma_wait3A_94, %dma_wait3A_95] : memref<10240x64xf32, #tpu.memory_space<vmem_shared>> -> memref<10240x64xf32, #tpu.memory_space<vmem_shared>>
      tpu.wait_indirect_dma semaphore(%arg18 : memref<!tpu.dma_semaphore, #tpu.memory_space<semaphore_mem>>) src(%arg9 : memref<128x64xf32, #tpu.memory_space<vmem>>) dst(%dma_wait3A_96 : memref<10240x64xf32, #tpu.memory_space<vmem_shared>>)
      %dma_wait3A_97 = arith.constant 0 : i32
      %dma_wait3A_98 = arith.constant 0 : i32
      %dma_wait3A_99 = tpu.memref_slice %arg8[%dma_wait3A_97, %dma_wait3A_98] : memref<158x128xi32, #tpu.memory_space<vmem>> -> memref<1x128xi32, #tpu.memory_space<vmem>>
      %dma_wait3A_100 = tpu.memref_squeeze %dma_wait3A_99 : memref<1x128xi32, #tpu.memory_space<vmem>> -> memref<128xi32, #tpu.memory_space<vmem>>
      %dma_wait3A_101 = arith.constant 0 : i32
      %dma_wait3A_102 = arith.constant 0 : i32
      %dma_wait3A_103 = tpu.memref_slice %arg13[%dma_wait3A_101, %dma_wait3A_102] : memref<10240x64xf32, #tpu.memory_space<vmem_shared>> -> memref<10240x64xf32, #tpu.memory_space<vmem_shared>>
      tpu.wait_indirect_dma semaphore(%arg19 : memref<!tpu.dma_semaphore, #tpu.memory_space<semaphore_mem>>) src(%arg10 : memref<128x64xf32, #tpu.memory_space<vmem>>) dst(%dma_wait3A_103 : memref<10240x64xf32, #tpu.memory_space<vmem_shared>>)
    } else {
    }
    %eq3A_16 = arith.constant 1 : i32
    %eq3A_17 = arith.cmpi eq, %arg0, %eq3A_16 : i32
    %convert_element_type3A_18 = arith.extui %eq3A_17 : i1 to i32
    %cond3A_19 = arith.constant 0 : i32
    %cond3A_20 = arith.cmpi ne, %convert_element_type3A_18, %cond3A_19 : i32
    scf.if %cond3A_20 {
      %dma_start3A = arith.constant 0 : i32
      %dma_start3A_29 = arith.constant 0 : i32
      %dma_start3A_30 = tpu.memref_slice %arg7[%dma_start3A, %dma_start3A_29] : memref<158x128xi32, #tpu.memory_space<vmem>> -> memref<1x128xi32, #tpu.memory_space<vmem>>
      %dma_start3A_31 = tpu.memref_squeeze %dma_start3A_30 : memref<1x128xi32, #tpu.memory_space<vmem>> -> memref<128xi32, #tpu.memory_space<vmem>>
      %dma_start3A_32 = arith.constant 0 : i32
      %dma_start3A_33 = arith.constant 0 : i32
      %dma_start3A_34 = tpu.memref_slice %arg3[%dma_start3A_32, %dma_start3A_33] : memref<10240x64xf32, #tpu.memory_space<hbm>> -> memref<10240x64xf32, #tpu.memory_space<hbm>>
      tpu.enqueue_indirect_dma source(%dma_start3A_34 : memref<10240x64xf32, #tpu.memory_space<hbm>>) target(%arg9 : memref<128x64xf32, #tpu.memory_space<vmem>>) offsets(%dma_start3A_31 : memref<128xi32, #tpu.memory_space<vmem>>) semaphore(%arg14 : memref<!tpu.dma_semaphore, #tpu.memory_space<semaphore_mem>>)
      %dma_start3A_35 = arith.constant 1 : i32
      %dma_start3A_36 = arith.constant 0 : i32
      %dma_start3A_37 = tpu.memref_slice %arg7[%dma_start3A_35, %dma_start3A_36] : memref<158x128xi32, #tpu.memory_space<vmem>> -> memref<1x128xi32, #tpu.memory_space<vmem>>
      %dma_start3A_38 = tpu.memref_squeeze %dma_start3A_37 : memref<1x128xi32, #tpu.memory_space<vmem>> -> memref<128xi32, #tpu.memory_space<vmem>>
      %dma_start3A_39 = arith.constant 0 : i32
      %dma_start3A_40 = arith.constant 0 : i32
      %dma_start3A_41 = tpu.memref_slice %arg3[%dma_start3A_39, %dma_start3A_40] : memref<10240x64xf32, #tpu.memory_space<hbm>> -> memref<10240x64xf32, #tpu.memory_space<hbm>>
      tpu.enqueue_indirect_dma source(%dma_start3A_41 : memref<10240x64xf32, #tpu.memory_space<hbm>>) target(%arg10 : memref<128x64xf32, #tpu.memory_space<vmem>>) offsets(%dma_start3A_38 : memref<128xi32, #tpu.memory_space<vmem>>) semaphore(%arg15 : memref<!tpu.dma_semaphore, #tpu.memory_space<semaphore_mem>>)
      %scan3A_42 = arith.constant 0 : i32
      %scan3A_43 = arith.constant 0 : i32
      %scan3A_44 = arith.constant 39 : i32
      %scan3A_45 = arith.addi %scan3A_43, %scan3A_44 : i32
      %scan3A_46 = arith.constant 1 : i32
      %scan3A_47 = scf.for %scan3A_104 = %scan3A_43 to %scan3A_45 step %scan3A_46 iter_args(%scan3A_105 = %scan3A_42) -> (i32)  : i32 {
        %mul3A_106 = arith.constant 4 : i32
        %mul3A_107 = arith.muli %mul3A_106, %scan3A_104 : i32
        %add3A = arith.constant 0 : i32
        %add3A_108 = arith.addi %mul3A_107, %add3A : i32
        %ge3A = arith.constant 2 : i32
        %ge3A_109 = arith.cmpi sge, %add3A_108, %ge3A : i32
        %convert_element_type3A_110 = arith.extui %ge3A_109 : i1 to i32
        %cond3A_111 = arith.constant 0 : i32
        %cond3A_112 = arith.cmpi ne, %convert_element_type3A_110, %cond3A_111 : i32
        scf.if %cond3A_112 {
          %dma_wait3A_220 = arith.constant 0 : i32
          %dma_wait3A_221 = arith.constant 0 : i32
          %dma_wait3A_222 = tpu.memref_slice %arg8[%dma_wait3A_220, %dma_wait3A_221] : memref<158x128xi32, #tpu.memory_space<vmem>> -> memref<1x128xi32, #tpu.memory_space<vmem>>
          %dma_wait3A_223 = tpu.memref_squeeze %dma_wait3A_222 : memref<1x128xi32, #tpu.memory_space<vmem>> -> memref<128xi32, #tpu.memory_space<vmem>>
          %dma_wait3A_224 = arith.constant 0 : i32
          %dma_wait3A_225 = arith.constant 0 : i32
          %dma_wait3A_226 = tpu.memref_slice %arg13[%dma_wait3A_224, %dma_wait3A_225] : memref<10240x64xf32, #tpu.memory_space<vmem_shared>> -> memref<10240x64xf32, #tpu.memory_space<vmem_shared>>
          tpu.wait_indirect_dma semaphore(%arg20 : memref<!tpu.dma_semaphore, #tpu.memory_space<semaphore_mem>>) src(%arg11 : memref<128x64xf32, #tpu.memory_space<vmem>>) dst(%dma_wait3A_226 : memref<10240x64xf32, #tpu.memory_space<vmem_shared>>)
        } else {
        }
        %add3A_113 = arith.constant 2 : i32
        %add3A_114 = arith.addi %add3A_108, %add3A_113 : i32
        %lt3A = arith.constant 158 : i32
        %lt3A_115 = arith.cmpi slt, %add3A_114, %lt3A : i32
        %convert_element_type3A_116 = arith.extui %lt3A_115 : i1 to i32
        %cond3A_117 = arith.constant 0 : i32
        %cond3A_118 = arith.cmpi ne, %convert_element_type3A_116, %cond3A_117 : i32
        scf.if %cond3A_118 {
          %add3A_220 = arith.constant 2 : i32
          %add3A_221 = arith.addi %add3A_108, %add3A_220 : i32
          %dma_start3A_222 = arith.constant 0 : i32
          %dma_start3A_223 = tpu.memref_slice %arg7[%add3A_221, %dma_start3A_222] : memref<158x128xi32, #tpu.memory_space<vmem>> -> memref<1x128xi32, #tpu.memory_space<vmem>>
          %dma_start3A_224 = tpu.memref_squeeze %dma_start3A_223 : memref<1x128xi32, #tpu.memory_space<vmem>> -> memref<128xi32, #tpu.memory_space<vmem>>
          %dma_start3A_225 = arith.constant 0 : i32
          %dma_start3A_226 = arith.constant 0 : i32
          %dma_start3A_227 = tpu.memref_slice %arg3[%dma_start3A_225, %dma_start3A_226] : memref<10240x64xf32, #tpu.memory_space<hbm>> -> memref<10240x64xf32, #tpu.memory_space<hbm>>
          tpu.enqueue_indirect_dma source(%dma_start3A_227 : memref<10240x64xf32, #tpu.memory_space<hbm>>) target(%arg11 : memref<128x64xf32, #tpu.memory_space<vmem>>) offsets(%dma_start3A_224 : memref<128xi32, #tpu.memory_space<vmem>>) semaphore(%arg16 : memref<!tpu.dma_semaphore, #tpu.memory_space<semaphore_mem>>)
        } else {
        }
        %dma_wait3A_119 = arith.constant 0 : i32
        %dma_wait3A_120 = arith.constant 0 : i32
        %dma_wait3A_121 = tpu.memref_slice %arg7[%dma_wait3A_119, %dma_wait3A_120] : memref<158x128xi32, #tpu.memory_space<vmem>> -> memref<1x128xi32, #tpu.memory_space<vmem>>
        %dma_wait3A_122 = tpu.memref_squeeze %dma_wait3A_121 : memref<1x128xi32, #tpu.memory_space<vmem>> -> memref<128xi32, #tpu.memory_space<vmem>>
        %dma_wait3A_123 = arith.constant 0 : i32
        %dma_wait3A_124 = arith.constant 0 : i32
        %dma_wait3A_125 = tpu.memref_slice %arg3[%dma_wait3A_123, %dma_wait3A_124] : memref<10240x64xf32, #tpu.memory_space<hbm>> -> memref<10240x64xf32, #tpu.memory_space<hbm>>
        tpu.wait_indirect_dma semaphore(%arg14 : memref<!tpu.dma_semaphore, #tpu.memory_space<semaphore_mem>>) src(%dma_wait3A_125 : memref<10240x64xf32, #tpu.memory_space<hbm>>) dst(%arg9 : memref<128x64xf32, #tpu.memory_space<vmem>>)
        %dma_start3A_126 = arith.constant 0 : i32
        %dma_start3A_127 = tpu.memref_slice %arg8[%add3A_108, %dma_start3A_126] : memref<158x128xi32, #tpu.memory_space<vmem>> -> memref<1x128xi32, #tpu.memory_space<vmem>>
        %dma_start3A_128 = tpu.memref_squeeze %dma_start3A_127 : memref<1x128xi32, #tpu.memory_space<vmem>> -> memref<128xi32, #tpu.memory_space<vmem>>
        %dma_start3A_129 = arith.constant 0 : i32
        %dma_start3A_130 = arith.constant 0 : i32
        %dma_start3A_131 = tpu.memref_slice %arg13[%dma_start3A_129, %dma_start3A_130] : memref<10240x64xf32, #tpu.memory_space<vmem_shared>> -> memref<10240x64xf32, #tpu.memory_space<vmem_shared>>
        tpu.enqueue_indirect_dma source(%arg9 : memref<128x64xf32, #tpu.memory_space<vmem>>) target(%dma_start3A_131 : memref<10240x64xf32, #tpu.memory_space<vmem_shared>>) offsets(%dma_start3A_128 : memref<128xi32, #tpu.memory_space<vmem>>) semaphore(%arg18 : memref<!tpu.dma_semaphore, #tpu.memory_space<semaphore_mem>>) {add = true}
        %mul3A_132 = arith.constant 4 : i32
        %mul3A_133 = arith.muli %mul3A_132, %scan3A_104 : i32
        %add3A_134 = arith.constant 1 : i32
        %add3A_135 = arith.addi %mul3A_133, %add3A_134 : i32
        %ge3A_136 = arith.constant 2 : i32
        %ge3A_137 = arith.cmpi sge, %add3A_135, %ge3A_136 : i32
        %convert_element_type3A_138 = arith.extui %ge3A_137 : i1 to i32
        %cond3A_139 = arith.constant 0 : i32
        %cond3A_140 = arith.cmpi ne, %convert_element_type3A_138, %cond3A_139 : i32
        scf.if %cond3A_140 {
          %dma_wait3A_220 = arith.constant 0 : i32
          %dma_wait3A_221 = arith.constant 0 : i32
          %dma_wait3A_222 = tpu.memref_slice %arg8[%dma_wait3A_220, %dma_wait3A_221] : memref<158x128xi32, #tpu.memory_space<vmem>> -> memref<1x128xi32, #tpu.memory_space<vmem>>
          %dma_wait3A_223 = tpu.memref_squeeze %dma_wait3A_222 : memref<1x128xi32, #tpu.memory_space<vmem>> -> memref<128xi32, #tpu.memory_space<vmem>>
          %dma_wait3A_224 = arith.constant 0 : i32
          %dma_wait3A_225 = arith.constant 0 : i32
          %dma_wait3A_226 = tpu.memref_slice %arg13[%dma_wait3A_224, %dma_wait3A_225] : memref<10240x64xf32, #tpu.memory_space<vmem_shared>> -> memref<10240x64xf32, #tpu.memory_space<vmem_shared>>
          tpu.wait_indirect_dma semaphore(%arg21 : memref<!tpu.dma_semaphore, #tpu.memory_space<semaphore_mem>>) src(%arg12 : memref<128x64xf32, #tpu.memory_space<vmem>>) dst(%dma_wait3A_226 : memref<10240x64xf32, #tpu.memory_space<vmem_shared>>)
        } else {
        }
        %add3A_141 = arith.constant 2 : i32
        %add3A_142 = arith.addi %add3A_135, %add3A_141 : i32
        %lt3A_143 = arith.constant 158 : i32
        %lt3A_144 = arith.cmpi slt, %add3A_142, %lt3A_143 : i32
        %convert_element_type3A_145 = arith.extui %lt3A_144 : i1 to i32
        %cond3A_146 = arith.constant 0 : i32
        %cond3A_147 = arith.cmpi ne, %convert_element_type3A_145, %cond3A_146 : i32
        scf.if %cond3A_147 {
          %add3A_220 = arith.constant 2 : i32
          %add3A_221 = arith.addi %add3A_135, %add3A_220 : i32
          %dma_start3A_222 = arith.constant 0 : i32
          %dma_start3A_223 = tpu.memref_slice %arg7[%add3A_221, %dma_start3A_222] : memref<158x128xi32, #tpu.memory_space<vmem>> -> memref<1x128xi32, #tpu.memory_space<vmem>>
          %dma_start3A_224 = tpu.memref_squeeze %dma_start3A_223 : memref<1x128xi32, #tpu.memory_space<vmem>> -> memref<128xi32, #tpu.memory_space<vmem>>
          %dma_start3A_225 = arith.constant 0 : i32
          %dma_start3A_226 = arith.constant 0 : i32
          %dma_start3A_227 = tpu.memref_slice %arg3[%dma_start3A_225, %dma_start3A_226] : memref<10240x64xf32, #tpu.memory_space<hbm>> -> memref<10240x64xf32, #tpu.memory_space<hbm>>
          tpu.enqueue_indirect_dma source(%dma_start3A_227 : memref<10240x64xf32, #tpu.memory_space<hbm>>) target(%arg12 : memref<128x64xf32, #tpu.memory_space<vmem>>) offsets(%dma_start3A_224 : memref<128xi32, #tpu.memory_space<vmem>>) semaphore(%arg17 : memref<!tpu.dma_semaphore, #tpu.memory_space<semaphore_mem>>)
        } else {
        }
        %dma_wait3A_148 = arith.constant 0 : i32
        %dma_wait3A_149 = arith.constant 0 : i32
        %dma_wait3A_150 = tpu.memref_slice %arg7[%dma_wait3A_148, %dma_wait3A_149] : memref<158x128xi32, #tpu.memory_space<vmem>> -> memref<1x128xi32, #tpu.memory_space<vmem>>
        %dma_wait3A_151 = tpu.memref_squeeze %dma_wait3A_150 : memref<1x128xi32, #tpu.memory_space<vmem>> -> memref<128xi32, #tpu.memory_space<vmem>>
        %dma_wait3A_152 = arith.constant 0 : i32
        %dma_wait3A_153 = arith.constant 0 : i32
        %dma_wait3A_154 = tpu.memref_slice %arg3[%dma_wait3A_152, %dma_wait3A_153] : memref<10240x64xf32, #tpu.memory_space<hbm>> -> memref<10240x64xf32, #tpu.memory_space<hbm>>
        tpu.wait_indirect_dma semaphore(%arg15 : memref<!tpu.dma_semaphore, #tpu.memory_space<semaphore_mem>>) src(%dma_wait3A_154 : memref<10240x64xf32, #tpu.memory_space<hbm>>) dst(%arg10 : memref<128x64xf32, #tpu.memory_space<vmem>>)
        %dma_start3A_155 = arith.constant 0 : i32
        %dma_start3A_156 = tpu.memref_slice %arg8[%add3A_135, %dma_start3A_155] : memref<158x128xi32, #tpu.memory_space<vmem>> -> memref<1x128xi32, #tpu.memory_space<vmem>>
        %dma_start3A_157 = tpu.memref_squeeze %dma_start3A_156 : memref<1x128xi32, #tpu.memory_space<vmem>> -> memref<128xi32, #tpu.memory_space<vmem>>
        %dma_start3A_158 = arith.constant 0 : i32
        %dma_start3A_159 = arith.constant 0 : i32
        %dma_start3A_160 = tpu.memref_slice %arg13[%dma_start3A_158, %dma_start3A_159] : memref<10240x64xf32, #tpu.memory_space<vmem_shared>> -> memref<10240x64xf32, #tpu.memory_space<vmem_shared>>
        tpu.enqueue_indirect_dma source(%arg10 : memref<128x64xf32, #tpu.memory_space<vmem>>) target(%dma_start3A_160 : memref<10240x64xf32, #tpu.memory_space<vmem_shared>>) offsets(%dma_start3A_157 : memref<128xi32, #tpu.memory_space<vmem>>) semaphore(%arg19 : memref<!tpu.dma_semaphore, #tpu.memory_space<semaphore_mem>>) {add = true}
        %mul3A_161 = arith.constant 4 : i32
        %mul3A_162 = arith.muli %mul3A_161, %scan3A_104 : i32
        %add3A_163 = arith.constant 2 : i32
        %add3A_164 = arith.addi %mul3A_162, %add3A_163 : i32
        %ge3A_165 = arith.constant 2 : i32
        %ge3A_166 = arith.cmpi sge, %add3A_164, %ge3A_165 : i32
        %convert_element_type3A_167 = arith.extui %ge3A_166 : i1 to i32
        %cond3A_168 = arith.constant 0 : i32
        %cond3A_169 = arith.cmpi ne, %convert_element_type3A_167, %cond3A_168 : i32
        scf.if %cond3A_169 {
          %dma_wait3A_220 = arith.constant 0 : i32
          %dma_wait3A_221 = arith.constant 0 : i32
          %dma_wait3A_222 = tpu.memref_slice %arg8[%dma_wait3A_220, %dma_wait3A_221] : memref<158x128xi32, #tpu.memory_space<vmem>> -> memref<1x128xi32, #tpu.memory_space<vmem>>
          %dma_wait3A_223 = tpu.memref_squeeze %dma_wait3A_222 : memref<1x128xi32, #tpu.memory_space<vmem>> -> memref<128xi32, #tpu.memory_space<vmem>>
          %dma_wait3A_224 = arith.constant 0 : i32
          %dma_wait3A_225 = arith.constant 0 : i32
          %dma_wait3A_226 = tpu.memref_slice %arg13[%dma_wait3A_224, %dma_wait3A_225] : memref<10240x64xf32, #tpu.memory_space<vmem_shared>> -> memref<10240x64xf32, #tpu.memory_space<vmem_shared>>
          tpu.wait_indirect_dma semaphore(%arg18 : memref<!tpu.dma_semaphore, #tpu.memory_space<semaphore_mem>>) src(%arg9 : memref<128x64xf32, #tpu.memory_space<vmem>>) dst(%dma_wait3A_226 : memref<10240x64xf32, #tpu.memory_space<vmem_shared>>)
        } else {
        }
        %add3A_170 = arith.constant 2 : i32
        %add3A_171 = arith.addi %add3A_164, %add3A_170 : i32
        %lt3A_172 = arith.constant 158 : i32
        %lt3A_173 = arith.cmpi slt, %add3A_171, %lt3A_172 : i32
        %convert_element_type3A_174 = arith.extui %lt3A_173 : i1 to i32
        %cond3A_175 = arith.constant 0 : i32
        %cond3A_176 = arith.cmpi ne, %convert_element_type3A_174, %cond3A_175 : i32
        scf.if %cond3A_176 {
          %add3A_220 = arith.constant 2 : i32
          %add3A_221 = arith.addi %add3A_164, %add3A_220 : i32
          %dma_start3A_222 = arith.constant 0 : i32
          %dma_start3A_223 = tpu.memref_slice %arg7[%add3A_221, %dma_start3A_222] : memref<158x128xi32, #tpu.memory_space<vmem>> -> memref<1x128xi32, #tpu.memory_space<vmem>>
          %dma_start3A_224 = tpu.memref_squeeze %dma_start3A_223 : memref<1x128xi32, #tpu.memory_space<vmem>> -> memref<128xi32, #tpu.memory_space<vmem>>
          %dma_start3A_225 = arith.constant 0 : i32
          %dma_start3A_226 = arith.constant 0 : i32
          %dma_start3A_227 = tpu.memref_slice %arg3[%dma_start3A_225, %dma_start3A_226] : memref<10240x64xf32, #tpu.memory_space<hbm>> -> memref<10240x64xf32, #tpu.memory_space<hbm>>
          tpu.enqueue_indirect_dma source(%dma_start3A_227 : memref<10240x64xf32, #tpu.memory_space<hbm>>) target(%arg9 : memref<128x64xf32, #tpu.memory_space<vmem>>) offsets(%dma_start3A_224 : memref<128xi32, #tpu.memory_space<vmem>>) semaphore(%arg14 : memref<!tpu.dma_semaphore, #tpu.memory_space<semaphore_mem>>)
        } else {
        }
        %dma_wait3A_177 = arith.constant 0 : i32
        %dma_wait3A_178 = arith.constant 0 : i32
        %dma_wait3A_179 = tpu.memref_slice %arg7[%dma_wait3A_177, %dma_wait3A_178] : memref<158x128xi32, #tpu.memory_space<vmem>> -> memref<1x128xi32, #tpu.memory_space<vmem>>
        %dma_wait3A_180 = tpu.memref_squeeze %dma_wait3A_179 : memref<1x128xi32, #tpu.memory_space<vmem>> -> memref<128xi32, #tpu.memory_space<vmem>>
        %dma_wait3A_181 = arith.constant 0 : i32
        %dma_wait3A_182 = arith.constant 0 : i32
        %dma_wait3A_183 = tpu.memref_slice %arg3[%dma_wait3A_181, %dma_wait3A_182] : memref<10240x64xf32, #tpu.memory_space<hbm>> -> memref<10240x64xf32, #tpu.memory_space<hbm>>
        tpu.wait_indirect_dma semaphore(%arg16 : memref<!tpu.dma_semaphore, #tpu.memory_space<semaphore_mem>>) src(%dma_wait3A_183 : memref<10240x64xf32, #tpu.memory_space<hbm>>) dst(%arg11 : memref<128x64xf32, #tpu.memory_space<vmem>>)
        %dma_start3A_184 = arith.constant 0 : i32
        %dma_start3A_185 = tpu.memref_slice %arg8[%add3A_164, %dma_start3A_184] : memref<158x128xi32, #tpu.memory_space<vmem>> -> memref<1x128xi32, #tpu.memory_space<vmem>>
        %dma_start3A_186 = tpu.memref_squeeze %dma_start3A_185 : memref<1x128xi32, #tpu.memory_space<vmem>> -> memref<128xi32, #tpu.memory_space<vmem>>
        %dma_start3A_187 = arith.constant 0 : i32
        %dma_start3A_188 = arith.constant 0 : i32
        %dma_start3A_189 = tpu.memref_slice %arg13[%dma_start3A_187, %dma_start3A_188] : memref<10240x64xf32, #tpu.memory_space<vmem_shared>> -> memref<10240x64xf32, #tpu.memory_space<vmem_shared>>
        tpu.enqueue_indirect_dma source(%arg11 : memref<128x64xf32, #tpu.memory_space<vmem>>) target(%dma_start3A_189 : memref<10240x64xf32, #tpu.memory_space<vmem_shared>>) offsets(%dma_start3A_186 : memref<128xi32, #tpu.memory_space<vmem>>) semaphore(%arg20 : memref<!tpu.dma_semaphore, #tpu.memory_space<semaphore_mem>>) {add = true}
        %mul3A_190 = arith.constant 4 : i32
        %mul3A_191 = arith.muli %mul3A_190, %scan3A_104 : i32
        %add3A_192 = arith.constant 3 : i32
        %add3A_193 = arith.addi %mul3A_191, %add3A_192 : i32
        %ge3A_194 = arith.constant 2 : i32
        %ge3A_195 = arith.cmpi sge, %add3A_193, %ge3A_194 : i32
        %convert_element_type3A_196 = arith.extui %ge3A_195 : i1 to i32
        %cond3A_197 = arith.constant 0 : i32
        %cond3A_198 = arith.cmpi ne, %convert_element_type3A_196, %cond3A_197 : i32
        scf.if %cond3A_198 {
          %dma_wait3A_220 = arith.constant 0 : i32
          %dma_wait3A_221 = arith.constant 0 : i32
          %dma_wait3A_222 = tpu.memref_slice %arg8[%dma_wait3A_220, %dma_wait3A_221] : memref<158x128xi32, #tpu.memory_space<vmem>> -> memref<1x128xi32, #tpu.memory_space<vmem>>
          %dma_wait3A_223 = tpu.memref_squeeze %dma_wait3A_222 : memref<1x128xi32, #tpu.memory_space<vmem>> -> memref<128xi32, #tpu.memory_space<vmem>>
          %dma_wait3A_224 = arith.constant 0 : i32
          %dma_wait3A_225 = arith.constant 0 : i32
          %dma_wait3A_226 = tpu.memref_slice %arg13[%dma_wait3A_224, %dma_wait3A_225] : memref<10240x64xf32, #tpu.memory_space<vmem_shared>> -> memref<10240x64xf32, #tpu.memory_space<vmem_shared>>
          tpu.wait_indirect_dma semaphore(%arg19 : memref<!tpu.dma_semaphore, #tpu.memory_space<semaphore_mem>>) src(%arg10 : memref<128x64xf32, #tpu.memory_space<vmem>>) dst(%dma_wait3A_226 : memref<10240x64xf32, #tpu.memory_space<vmem_shared>>)
        } else {
        }
        %add3A_199 = arith.constant 2 : i32
        %add3A_200 = arith.addi %add3A_193, %add3A_199 : i32
        %lt3A_201 = arith.constant 158 : i32
        %lt3A_202 = arith.cmpi slt, %add3A_200, %lt3A_201 : i32
        %convert_element_type3A_203 = arith.extui %lt3A_202 : i1 to i32
        %cond3A_204 = arith.constant 0 : i32
        %cond3A_205 = arith.cmpi ne, %convert_element_type3A_203, %cond3A_204 : i32
        scf.if %cond3A_205 {
          %add3A_220 = arith.constant 2 : i32
          %add3A_221 = arith.addi %add3A_193, %add3A_220 : i32
          %dma_start3A_222 = arith.constant 0 : i32
          %dma_start3A_223 = tpu.memref_slice %arg7[%add3A_221, %dma_start3A_222] : memref<158x128xi32, #tpu.memory_space<vmem>> -> memref<1x128xi32, #tpu.memory_space<vmem>>
          %dma_start3A_224 = tpu.memref_squeeze %dma_start3A_223 : memref<1x128xi32, #tpu.memory_space<vmem>> -> memref<128xi32, #tpu.memory_space<vmem>>
          %dma_start3A_225 = arith.constant 0 : i32
          %dma_start3A_226 = arith.constant 0 : i32
          %dma_start3A_227 = tpu.memref_slice %arg3[%dma_start3A_225, %dma_start3A_226] : memref<10240x64xf32, #tpu.memory_space<hbm>> -> memref<10240x64xf32, #tpu.memory_space<hbm>>
          tpu.enqueue_indirect_dma source(%dma_start3A_227 : memref<10240x64xf32, #tpu.memory_space<hbm>>) target(%arg10 : memref<128x64xf32, #tpu.memory_space<vmem>>) offsets(%dma_start3A_224 : memref<128xi32, #tpu.memory_space<vmem>>) semaphore(%arg15 : memref<!tpu.dma_semaphore, #tpu.memory_space<semaphore_mem>>)
        } else {
        }
        %dma_wait3A_206 = arith.constant 0 : i32
        %dma_wait3A_207 = arith.constant 0 : i32
        %dma_wait3A_208 = tpu.memref_slice %arg7[%dma_wait3A_206, %dma_wait3A_207] : memref<158x128xi32, #tpu.memory_space<vmem>> -> memref<1x128xi32, #tpu.memory_space<vmem>>
        %dma_wait3A_209 = tpu.memref_squeeze %dma_wait3A_208 : memref<1x128xi32, #tpu.memory_space<vmem>> -> memref<128xi32, #tpu.memory_space<vmem>>
        %dma_wait3A_210 = arith.constant 0 : i32
        %dma_wait3A_211 = arith.constant 0 : i32
        %dma_wait3A_212 = tpu.memref_slice %arg3[%dma_wait3A_210, %dma_wait3A_211] : memref<10240x64xf32, #tpu.memory_space<hbm>> -> memref<10240x64xf32, #tpu.memory_space<hbm>>
        tpu.wait_indirect_dma semaphore(%arg17 : memref<!tpu.dma_semaphore, #tpu.memory_space<semaphore_mem>>) src(%dma_wait3A_212 : memref<10240x64xf32, #tpu.memory_space<hbm>>) dst(%arg12 : memref<128x64xf32, #tpu.memory_space<vmem>>)
        %dma_start3A_213 = arith.constant 0 : i32
        %dma_start3A_214 = tpu.memref_slice %arg8[%add3A_193, %dma_start3A_213] : memref<158x128xi32, #tpu.memory_space<vmem>> -> memref<1x128xi32, #tpu.memory_space<vmem>>
        %dma_start3A_215 = tpu.memref_squeeze %dma_start3A_214 : memref<1x128xi32, #tpu.memory_space<vmem>> -> memref<128xi32, #tpu.memory_space<vmem>>
        %dma_start3A_216 = arith.constant 0 : i32
        %dma_start3A_217 = arith.constant 0 : i32
        %dma_start3A_218 = tpu.memref_slice %arg13[%dma_start3A_216, %dma_start3A_217] : memref<10240x64xf32, #tpu.memory_space<vmem_shared>> -> memref<10240x64xf32, #tpu.memory_space<vmem_shared>>
        tpu.enqueue_indirect_dma source(%arg12 : memref<128x64xf32, #tpu.memory_space<vmem>>) target(%dma_start3A_218 : memref<10240x64xf32, #tpu.memory_space<vmem_shared>>) offsets(%dma_start3A_215 : memref<128xi32, #tpu.memory_space<vmem>>) semaphore(%arg21 : memref<!tpu.dma_semaphore, #tpu.memory_space<semaphore_mem>>) {add = true}
        %scan3A_219 = arith.constant 0 : i32
        scf.yield %scan3A_219 : i32
      }
      %scan3A_48 = arith.constant 39 : i32
      %dma_wait3A = arith.constant 0 : i32
      %dma_wait3A_49 = arith.constant 0 : i32
      %dma_wait3A_50 = tpu.memref_slice %arg8[%dma_wait3A, %dma_wait3A_49] : memref<158x128xi32, #tpu.memory_space<vmem>> -> memref<1x128xi32, #tpu.memory_space<vmem>>
      %dma_wait3A_51 = tpu.memref_squeeze %dma_wait3A_50 : memref<1x128xi32, #tpu.memory_space<vmem>> -> memref<128xi32, #tpu.memory_space<vmem>>
      %dma_wait3A_52 = arith.constant 0 : i32
      %dma_wait3A_53 = arith.constant 0 : i32
      %dma_wait3A_54 = tpu.memref_slice %arg13[%dma_wait3A_52, %dma_wait3A_53] : memref<10240x64xf32, #tpu.memory_space<vmem_shared>> -> memref<10240x64xf32, #tpu.memory_space<vmem_shared>>
      tpu.wait_indirect_dma semaphore(%arg20 : memref<!tpu.dma_semaphore, #tpu.memory_space<semaphore_mem>>) src(%arg11 : memref<128x64xf32, #tpu.memory_space<vmem>>) dst(%dma_wait3A_54 : memref<10240x64xf32, #tpu.memory_space<vmem_shared>>)
      %dma_wait3A_55 = arith.constant 0 : i32
      %dma_wait3A_56 = arith.constant 0 : i32
      %dma_wait3A_57 = tpu.memref_slice %arg7[%dma_wait3A_55, %dma_wait3A_56] : memref<158x128xi32, #tpu.memory_space<vmem>> -> memref<1x128xi32, #tpu.memory_space<vmem>>
      %dma_wait3A_58 = tpu.memref_squeeze %dma_wait3A_57 : memref<1x128xi32, #tpu.memory_space<vmem>> -> memref<128xi32, #tpu.memory_space<vmem>>
      %dma_wait3A_59 = arith.constant 0 : i32
      %dma_wait3A_60 = arith.constant 0 : i32
      %dma_wait3A_61 = tpu.memref_slice %arg3[%dma_wait3A_59, %dma_wait3A_60] : memref<10240x64xf32, #tpu.memory_space<hbm>> -> memref<10240x64xf32, #tpu.memory_space<hbm>>
      tpu.wait_indirect_dma semaphore(%arg14 : memref<!tpu.dma_semaphore, #tpu.memory_space<semaphore_mem>>) src(%dma_wait3A_61 : memref<10240x64xf32, #tpu.memory_space<hbm>>) dst(%arg9 : memref<128x64xf32, #tpu.memory_space<vmem>>)
      %dma_start3A_62 = arith.constant 156 : i32
      %dma_start3A_63 = arith.constant 0 : i32
      %dma_start3A_64 = tpu.memref_slice %arg8[%dma_start3A_62, %dma_start3A_63] : memref<158x128xi32, #tpu.memory_space<vmem>> -> memref<1x128xi32, #tpu.memory_space<vmem>>
      %dma_start3A_65 = tpu.memref_squeeze %dma_start3A_64 : memref<1x128xi32, #tpu.memory_space<vmem>> -> memref<128xi32, #tpu.memory_space<vmem>>
      %dma_start3A_66 = arith.constant 0 : i32
      %dma_start3A_67 = arith.constant 0 : i32
      %dma_start3A_68 = tpu.memref_slice %arg13[%dma_start3A_66, %dma_start3A_67] : memref<10240x64xf32, #tpu.memory_space<vmem_shared>> -> memref<10240x64xf32, #tpu.memory_space<vmem_shared>>
      tpu.enqueue_indirect_dma source(%arg9 : memref<128x64xf32, #tpu.memory_space<vmem>>) target(%dma_start3A_68 : memref<10240x64xf32, #tpu.memory_space<vmem_shared>>) offsets(%dma_start3A_65 : memref<128xi32, #tpu.memory_space<vmem>>) semaphore(%arg18 : memref<!tpu.dma_semaphore, #tpu.memory_space<semaphore_mem>>) {add = true}
      %dma_wait3A_69 = arith.constant 0 : i32
      %dma_wait3A_70 = arith.constant 0 : i32
      %dma_wait3A_71 = tpu.memref_slice %arg8[%dma_wait3A_69, %dma_wait3A_70] : memref<158x128xi32, #tpu.memory_space<vmem>> -> memref<1x128xi32, #tpu.memory_space<vmem>>
      %dma_wait3A_72 = tpu.memref_squeeze %dma_wait3A_71 : memref<1x128xi32, #tpu.memory_space<vmem>> -> memref<128xi32, #tpu.memory_space<vmem>>
      %dma_wait3A_73 = arith.constant 0 : i32
      %dma_wait3A_74 = arith.constant 0 : i32
      %dma_wait3A_75 = tpu.memref_slice %arg13[%dma_wait3A_73, %dma_wait3A_74] : memref<10240x64xf32, #tpu.memory_space<vmem_shared>> -> memref<10240x64xf32, #tpu.memory_space<vmem_shared>>
      tpu.wait_indirect_dma semaphore(%arg21 : memref<!tpu.dma_semaphore, #tpu.memory_space<semaphore_mem>>) src(%arg12 : memref<128x64xf32, #tpu.memory_space<vmem>>) dst(%dma_wait3A_75 : memref<10240x64xf32, #tpu.memory_space<vmem_shared>>)
      %dma_wait3A_76 = arith.constant 0 : i32
      %dma_wait3A_77 = arith.constant 0 : i32
      %dma_wait3A_78 = tpu.memref_slice %arg7[%dma_wait3A_76, %dma_wait3A_77] : memref<158x128xi32, #tpu.memory_space<vmem>> -> memref<1x128xi32, #tpu.memory_space<vmem>>
      %dma_wait3A_79 = tpu.memref_squeeze %dma_wait3A_78 : memref<1x128xi32, #tpu.memory_space<vmem>> -> memref<128xi32, #tpu.memory_space<vmem>>
      %dma_wait3A_80 = arith.constant 0 : i32
      %dma_wait3A_81 = arith.constant 0 : i32
      %dma_wait3A_82 = tpu.memref_slice %arg3[%dma_wait3A_80, %dma_wait3A_81] : memref<10240x64xf32, #tpu.memory_space<hbm>> -> memref<10240x64xf32, #tpu.memory_space<hbm>>
      tpu.wait_indirect_dma semaphore(%arg15 : memref<!tpu.dma_semaphore, #tpu.memory_space<semaphore_mem>>) src(%dma_wait3A_82 : memref<10240x64xf32, #tpu.memory_space<hbm>>) dst(%arg10 : memref<128x64xf32, #tpu.memory_space<vmem>>)
      %dma_start3A_83 = arith.constant 157 : i32
      %dma_start3A_84 = arith.constant 0 : i32
      %dma_start3A_85 = tpu.memref_slice %arg8[%dma_start3A_83, %dma_start3A_84] : memref<158x128xi32, #tpu.memory_space<vmem>> -> memref<1x128xi32, #tpu.memory_space<vmem>>
      %dma_start3A_86 = tpu.memref_squeeze %dma_start3A_85 : memref<1x128xi32, #tpu.memory_space<vmem>> -> memref<128xi32, #tpu.memory_space<vmem>>
      %dma_start3A_87 = arith.constant 0 : i32
      %dma_start3A_88 = arith.constant 0 : i32
      %dma_start3A_89 = tpu.memref_slice %arg13[%dma_start3A_87, %dma_start3A_88] : memref<10240x64xf32, #tpu.memory_space<vmem_shared>> -> memref<10240x64xf32, #tpu.memory_space<vmem_shared>>
      tpu.enqueue_indirect_dma source(%arg10 : memref<128x64xf32, #tpu.memory_space<vmem>>) target(%dma_start3A_89 : memref<10240x64xf32, #tpu.memory_space<vmem_shared>>) offsets(%dma_start3A_86 : memref<128xi32, #tpu.memory_space<vmem>>) semaphore(%arg19 : memref<!tpu.dma_semaphore, #tpu.memory_space<semaphore_mem>>) {add = true}
      %dma_wait3A_90 = arith.constant 0 : i32
      %dma_wait3A_91 = arith.constant 0 : i32
      %dma_wait3A_92 = tpu.memref_slice %arg8[%dma_wait3A_90, %dma_wait3A_91] : memref<158x128xi32, #tpu.memory_space<vmem>> -> memref<1x128xi32, #tpu.memory_space<vmem>>
      %dma_wait3A_93 = tpu.memref_squeeze %dma_wait3A_92 : memref<1x128xi32, #tpu.memory_space<vmem>> -> memref<128xi32, #tpu.memory_space<vmem>>
      %dma_wait3A_94 = arith.constant 0 : i32
      %dma_wait3A_95 = arith.constant 0 : i32
      %dma_wait3A_96 = tpu.memref_slice %arg13[%dma_wait3A_94, %dma_wait3A_95] : memref<10240x64xf32, #tpu.memory_space<vmem_shared>> -> memref<10240x64xf32, #tpu.memory_space<vmem_shared>>
      tpu.wait_indirect_dma semaphore(%arg18 : memref<!tpu.dma_semaphore, #tpu.memory_space<semaphore_mem>>) src(%arg9 : memref<128x64xf32, #tpu.memory_space<vmem>>) dst(%dma_wait3A_96 : memref<10240x64xf32, #tpu.memory_space<vmem_shared>>)
      %dma_wait3A_97 = arith.constant 0 : i32
      %dma_wait3A_98 = arith.constant 0 : i32
      %dma_wait3A_99 = tpu.memref_slice %arg8[%dma_wait3A_97, %dma_wait3A_98] : memref<158x128xi32, #tpu.memory_space<vmem>> -> memref<1x128xi32, #tpu.memory_space<vmem>>
      %dma_wait3A_100 = tpu.memref_squeeze %dma_wait3A_99 : memref<1x128xi32, #tpu.memory_space<vmem>> -> memref<128xi32, #tpu.memory_space<vmem>>
      %dma_wait3A_101 = arith.constant 0 : i32
      %dma_wait3A_102 = arith.constant 0 : i32
      %dma_wait3A_103 = tpu.memref_slice %arg13[%dma_wait3A_101, %dma_wait3A_102] : memref<10240x64xf32, #tpu.memory_space<vmem_shared>> -> memref<10240x64xf32, #tpu.memory_space<vmem_shared>>
      tpu.wait_indirect_dma semaphore(%arg19 : memref<!tpu.dma_semaphore, #tpu.memory_space<semaphore_mem>>) src(%arg10 : memref<128x64xf32, #tpu.memory_space<vmem>>) dst(%dma_wait3A_103 : memref<10240x64xf32, #tpu.memory_space<vmem_shared>>)
    } else {
    }
    %barrier3A_21 = arith.constant 0 : index
    tpu.barrier barrier_id(%barrier3A_21)
    %scan3A_22 = arith.constant 0 : i32
    %scan3A_23 = arith.constant 0 : i32
    %scan3A_24 = arith.constant 8 : i32
    %scan3A_25 = arith.addi %scan3A_23, %scan3A_24 : i32
    %scan3A_26 = arith.constant 1 : i32
    %scan3A_27 = scf.for %scan3A_29 = %scan3A_23 to %scan3A_25 step %scan3A_26 iter_args(%scan3A_30 = %scan3A_22) -> (i32)  : i32 {
      %mul3A_31 = arith.constant 80 : i32
      %mul3A_32 = arith.muli %scan3A_29, %mul3A_31 : i32
      %add3A = arith.addi %mul3A_0, %mul3A_32 : i32
      "tpu.region"() ({
        %run_scoped3A = tpu.sem_alloc : memref<!tpu.dma_semaphore, #tpu.memory_space<semaphore_mem>>
        %dma_start3A = arith.constant 0 : i32
        %dma_start3A_34 = tpu.memref_slice %arg6[%arg0, %add3A, %dma_start3A] : memref<2x10240x64xf32, #tpu.memory_space<hbm>> -> memref<1x80x64xf32, #tpu.memory_space<hbm>>
        %dma_start3A_35 = tpu.memref_squeeze %dma_start3A_34 : memref<1x80x64xf32, #tpu.memory_space<hbm>> -> memref<80x64xf32, #tpu.memory_space<hbm>>
        %dma_start3A_36 = arith.constant 0 : i32
        %dma_start3A_37 = tpu.memref_slice %arg13[%add3A, %dma_start3A_36] : memref<10240x64xf32, #tpu.memory_space<vmem_shared>> -> memref<80x64xf32, #tpu.memory_space<vmem_shared>>
        tpu.enqueue_dma source(%dma_start3A_37 : memref<80x64xf32, #tpu.memory_space<vmem_shared>>) target(%dma_start3A_35 : memref<80x64xf32, #tpu.memory_space<hbm>>) target_semaphore(%run_scoped3A : memref<!tpu.dma_semaphore, #tpu.memory_space<semaphore_mem>>)
        %dma_wait3A = arith.constant 0 : i32
        %dma_wait3A_38 = tpu.memref_slice %arg6[%arg0, %add3A, %dma_wait3A] : memref<2x10240x64xf32, #tpu.memory_space<hbm>> -> memref<1x80x64xf32, #tpu.memory_space<hbm>>
        %dma_wait3A_39 = tpu.memref_squeeze %dma_wait3A_38 : memref<1x80x64xf32, #tpu.memory_space<hbm>> -> memref<80x64xf32, #tpu.memory_space<hbm>>
        %dma_wait3A_40 = arith.constant 0 : i32
        %dma_wait3A_41 = tpu.memref_slice %arg13[%add3A, %dma_wait3A_40] : memref<10240x64xf32, #tpu.memory_space<vmem_shared>> -> memref<80x64xf32, #tpu.memory_space<vmem_shared>>
        tpu.wait_dma2 semaphore(%run_scoped3A : memref<!tpu.dma_semaphore, #tpu.memory_space<semaphore_mem>>) src(%dma_wait3A_41 : memref<80x64xf32, #tpu.memory_space<vmem_shared>>) dst(%dma_wait3A_39 : memref<80x64xf32, #tpu.memory_space<hbm>>)
        tpu.yield
      }) : () -> ()
      %scan3A_33 = arith.constant 0 : i32
      scf.yield %scan3A_33 : i32
    }
    %scan3A_28 = arith.constant 8 : i32
    return
  }
}

#map = affine_map<(d0, d1) -> (0, 0, 0)>
module attributes {stable_mosaic.version = 14 : i64} {
  func.func @_deg(%arg0: i32, %arg1: i32, %arg2: memref<32x79x128xi32, #tpu.memory_space<hbm>>, %arg3: memref<2x10240x16xf32, #tpu.memory_space<hbm>>, %arg4: memref<79x128xi32, #tpu.memory_space<vmem>>, %arg5: memref<128x16xf32, #tpu.memory_space<vmem>>, %arg6: memref<80x16xf32, #tpu.memory_space<vmem>>, %arg7: memref<10240x16xf32, #tpu.memory_space<vmem_shared>>, %arg8: memref<!tpu.dma_semaphore, #tpu.memory_space<semaphore_mem>>) attributes {dimension_semantics = [#tpu.dimension_semantics<core_parallel>, #tpu.dimension_semantics<subcore_parallel>], iteration_bounds = array<i64: 2, 16>, scalar_prefetch = 0 : i64, scratch_operands = 5 : i64, tpu.core_type = #tpu.core_type<sc_vector_subcore>, window_params = [{transform_indices = #map}, {transform_indices = #map}]} {
    %mul3A = arith.constant 2 : i32
    %mul3A_0 = arith.muli %arg1, %mul3A : i32
    %add3A = arith.addi %mul3A_0, %arg0 : i32
    "tpu.region"() ({
      %run_scoped3A = tpu.sem_alloc : memref<!tpu.dma_semaphore, #tpu.memory_space<semaphore_mem>>
      %dma_start3A = arith.constant 0 : i32
      %dma_start3A_45 = arith.constant 0 : i32
      %dma_start3A_46 = tpu.memref_slice %arg2[%add3A, %dma_start3A, %dma_start3A_45] : memref<32x79x128xi32, #tpu.memory_space<hbm>> -> memref<1x79x128xi32, #tpu.memory_space<hbm>>
      %dma_start3A_47 = tpu.memref_squeeze %dma_start3A_46 : memref<1x79x128xi32, #tpu.memory_space<hbm>> -> memref<79x128xi32, #tpu.memory_space<hbm>>
      %dma_start3A_48 = arith.constant 0 : i32
      %dma_start3A_49 = arith.constant 0 : i32
      %dma_start3A_50 = tpu.memref_slice %arg2[%add3A, %dma_start3A_48, %dma_start3A_49] : memref<32x79x128xi32, #tpu.memory_space<hbm>> -> memref<1x79x128xi32, #tpu.memory_space<hbm>>
      %dma_start3A_51 = tpu.memref_squeeze %dma_start3A_50 : memref<1x79x128xi32, #tpu.memory_space<hbm>> -> memref<79x128xi32, #tpu.memory_space<hbm>>
      tpu.enqueue_dma source(%dma_start3A_51 : memref<79x128xi32, #tpu.memory_space<hbm>>) target(%arg4 : memref<79x128xi32, #tpu.memory_space<vmem>>) target_semaphore(%run_scoped3A : memref<!tpu.dma_semaphore, #tpu.memory_space<semaphore_mem>>)
      %dma_wait3A = arith.constant 0 : i32
      %dma_wait3A_52 = arith.constant 0 : i32
      %dma_wait3A_53 = tpu.memref_slice %arg2[%add3A, %dma_wait3A, %dma_wait3A_52] : memref<32x79x128xi32, #tpu.memory_space<hbm>> -> memref<1x79x128xi32, #tpu.memory_space<hbm>>
      %dma_wait3A_54 = tpu.memref_squeeze %dma_wait3A_53 : memref<1x79x128xi32, #tpu.memory_space<hbm>> -> memref<79x128xi32, #tpu.memory_space<hbm>>
      %dma_wait3A_55 = arith.constant 0 : i32
      %dma_wait3A_56 = arith.constant 0 : i32
      %dma_wait3A_57 = tpu.memref_slice %arg2[%add3A, %dma_wait3A_55, %dma_wait3A_56] : memref<32x79x128xi32, #tpu.memory_space<hbm>> -> memref<1x79x128xi32, #tpu.memory_space<hbm>>
      %dma_wait3A_58 = tpu.memref_squeeze %dma_wait3A_57 : memref<1x79x128xi32, #tpu.memory_space<hbm>> -> memref<79x128xi32, #tpu.memory_space<hbm>>
      tpu.wait_dma2 semaphore(%run_scoped3A : memref<!tpu.dma_semaphore, #tpu.memory_space<semaphore_mem>>) src(%dma_wait3A_58 : memref<79x128xi32, #tpu.memory_space<hbm>>) dst(%arg4 : memref<79x128xi32, #tpu.memory_space<vmem>>)
      tpu.yield
    }) : () -> ()
    %scan3A = arith.constant 0 : i32
    %scan3A_1 = arith.constant 0 : i32
    %scan3A_2 = arith.constant 128 : i32
    %scan3A_3 = arith.addi %scan3A_1, %scan3A_2 : i32
    %scan3A_4 = arith.constant 1 : i32
    %scan3A_5 = scf.for %scan3A_45 = %scan3A_1 to %scan3A_3 step %scan3A_4 iter_args(%scan3A_46 = %scan3A) -> (i32)  : i32 {
      %broadcast_in_dim3A = arith.constant 1.000000e+00 : f32
      %broadcast_in_dim3A_47 = vector.broadcast %broadcast_in_dim3A : f32 to vector<16xf32>
      %swap3A = arith.index_cast %scan3A_45 : i32 to index
      %swap3A_48 = arith.constant 0 : index
      %swap3A_49 = tpu.vector_load %arg5[%swap3A, %swap3A_48] {strides = array<i32>} : memref<128x16xf32, #tpu.memory_space<vmem>>, vector<1x16xf32>,
      %swap3A_50 = vector.shape_cast %swap3A_49 : vector<1x16xf32> to vector<16xf32>
      %swap3A_51 = vector.shape_cast %broadcast_in_dim3A_47 : vector<16xf32> to vector<1x16xf32>
      tpu.vector_store %arg5[%swap3A, %swap3A_48], %swap3A_51 {strides = array<i32>} : memref<128x16xf32, #tpu.memory_space<vmem>>, vector<1x16xf32>,
      %scan3A_52 = arith.constant 0 : i32
      scf.yield %scan3A_52 : i32
    }
    %scan3A_6 = arith.constant 128 : i32
    %scan3A_7 = arith.constant 0 : i32
    %scan3A_8 = arith.constant 0 : i32
    %scan3A_9 = arith.constant 80 : i32
    %scan3A_10 = arith.addi %scan3A_8, %scan3A_9 : i32
    %scan3A_11 = arith.constant 1 : i32
    %scan3A_12 = scf.for %scan3A_45 = %scan3A_8 to %scan3A_10 step %scan3A_11 iter_args(%scan3A_46 = %scan3A_7) -> (i32)  : i32 {
      %broadcast_in_dim3A = arith.constant 0.000000e+00 : f32
      %broadcast_in_dim3A_47 = vector.broadcast %broadcast_in_dim3A : f32 to vector<16xf32>
      %swap3A = arith.index_cast %scan3A_45 : i32 to index
      %swap3A_48 = arith.constant 0 : index
      %swap3A_49 = tpu.vector_load %arg6[%swap3A, %swap3A_48] {strides = array<i32>} : memref<80x16xf32, #tpu.memory_space<vmem>>, vector<1x16xf32>,
      %swap3A_50 = vector.shape_cast %swap3A_49 : vector<1x16xf32> to vector<16xf32>
      %swap3A_51 = vector.shape_cast %broadcast_in_dim3A_47 : vector<16xf32> to vector<1x16xf32>
      tpu.vector_store %arg6[%swap3A, %swap3A_48], %swap3A_51 {strides = array<i32>} : memref<80x16xf32, #tpu.memory_space<vmem>>, vector<1x16xf32>,
      %scan3A_52 = arith.constant 0 : i32
      scf.yield %scan3A_52 : i32
    }
    %scan3A_13 = arith.constant 80 : i32
    %mul3A_14 = arith.constant 640 : i32
    %mul3A_15 = arith.muli %arg1, %mul3A_14 : i32
    %scan3A_16 = arith.constant 0 : i32
    %scan3A_17 = arith.constant 0 : i32
    %scan3A_18 = arith.constant 8 : i32
    %scan3A_19 = arith.addi %scan3A_17, %scan3A_18 : i32
    %scan3A_20 = arith.constant 1 : i32
    %scan3A_21 = scf.for %scan3A_45 = %scan3A_17 to %scan3A_19 step %scan3A_20 iter_args(%scan3A_46 = %scan3A_16) -> (i32)  : i32 {
      %mul3A_47 = arith.constant 80 : i32
      %mul3A_48 = arith.muli %scan3A_45, %mul3A_47 : i32
      %add3A_49 = arith.addi %mul3A_15, %mul3A_48 : i32
      "tpu.region"() ({
        %run_scoped3A = tpu.sem_alloc : memref<!tpu.dma_semaphore, #tpu.memory_space<semaphore_mem>>
        %dma_start3A = arith.constant 0 : i32
        %dma_start3A_51 = tpu.memref_slice %arg7[%add3A_49, %dma_start3A] : memref<10240x16xf32, #tpu.memory_space<vmem_shared>> -> memref<80x16xf32, #tpu.memory_space<vmem_shared>>
        %dma_start3A_52 = arith.constant 0 : i32
        %dma_start3A_53 = tpu.memref_slice %arg7[%add3A_49, %dma_start3A_52] : memref<10240x16xf32, #tpu.memory_space<vmem_shared>> -> memref<80x16xf32, #tpu.memory_space<vmem_shared>>
        tpu.enqueue_dma source(%arg6 : memref<80x16xf32, #tpu.memory_space<vmem>>) target(%dma_start3A_53 : memref<80x16xf32, #tpu.memory_space<vmem_shared>>) target_semaphore(%run_scoped3A : memref<!tpu.dma_semaphore, #tpu.memory_space<semaphore_mem>>)
        %dma_wait3A = arith.constant 0 : i32
        %dma_wait3A_54 = tpu.memref_slice %arg7[%add3A_49, %dma_wait3A] : memref<10240x16xf32, #tpu.memory_space<vmem_shared>> -> memref<80x16xf32, #tpu.memory_space<vmem_shared>>
        %dma_wait3A_55 = arith.constant 0 : i32
        %dma_wait3A_56 = tpu.memref_slice %arg7[%add3A_49, %dma_wait3A_55] : memref<10240x16xf32, #tpu.memory_space<vmem_shared>> -> memref<80x16xf32, #tpu.memory_space<vmem_shared>>
        tpu.wait_dma2 semaphore(%run_scoped3A : memref<!tpu.dma_semaphore, #tpu.memory_space<semaphore_mem>>) src(%arg6 : memref<80x16xf32, #tpu.memory_space<vmem>>) dst(%dma_wait3A_56 : memref<80x16xf32, #tpu.memory_space<vmem_shared>>)
        tpu.yield
      }) : () -> ()
      %scan3A_50 = arith.constant 0 : i32
      scf.yield %scan3A_50 : i32
    }
    %scan3A_22 = arith.constant 8 : i32
    %barrier3A = arith.constant 0 : index
    tpu.barrier barrier_id(%barrier3A)
    %scan3A_23 = arith.constant 0 : i32
    %scan3A_24 = arith.constant 0 : i32
    %scan3A_25 = arith.constant 79 : i32
    %scan3A_26 = arith.addi %scan3A_24, %scan3A_25 : i32
    %scan3A_27 = arith.constant 1 : i32
    %scan3A_28 = scf.for %scan3A_45 = %scan3A_24 to %scan3A_26 step %scan3A_27 iter_args(%scan3A_46 = %scan3A_23) -> (i32)  : i32 {
      %dma_start3A = arith.constant 0 : i32
      %dma_start3A_47 = tpu.memref_slice %arg4[%scan3A_45, %dma_start3A] : memref<79x128xi32, #tpu.memory_space<vmem>> -> memref<1x128xi32, #tpu.memory_space<vmem>>
      %dma_start3A_48 = tpu.memref_squeeze %dma_start3A_47 : memref<1x128xi32, #tpu.memory_space<vmem>> -> memref<128xi32, #tpu.memory_space<vmem>>
      %dma_start3A_49 = arith.constant 0 : i32
      %dma_start3A_50 = arith.constant 0 : i32
      %dma_start3A_51 = tpu.memref_slice %arg7[%dma_start3A_49, %dma_start3A_50] : memref<10240x16xf32, #tpu.memory_space<vmem_shared>> -> memref<10240x16xf32, #tpu.memory_space<vmem_shared>>
      tpu.enqueue_indirect_dma source(%arg5 : memref<128x16xf32, #tpu.memory_space<vmem>>) target(%dma_start3A_51 : memref<10240x16xf32, #tpu.memory_space<vmem_shared>>) offsets(%dma_start3A_48 : memref<128xi32, #tpu.memory_space<vmem>>) semaphore(%arg8 : memref<!tpu.dma_semaphore, #tpu.memory_space<semaphore_mem>>) {add = true}
      %scan3A_52 = arith.constant 0 : i32
      scf.yield %scan3A_52 : i32
    }
    %scan3A_29 = arith.constant 79 : i32
    %scan3A_30 = arith.constant 0 : i32
    %scan3A_31 = arith.constant 0 : i32
    %scan3A_32 = arith.constant 79 : i32
    %scan3A_33 = arith.addi %scan3A_31, %scan3A_32 : i32
    %scan3A_34 = arith.constant 1 : i32
    %scan3A_35 = scf.for %scan3A_45 = %scan3A_31 to %scan3A_33 step %scan3A_34 iter_args(%scan3A_46 = %scan3A_30) -> (i32)  : i32 {
      %dma_wait3A = arith.constant 0 : i32
      %dma_wait3A_47 = arith.constant 0 : i32
      %dma_wait3A_48 = tpu.memref_slice %arg4[%dma_wait3A, %dma_wait3A_47] : memref<79x128xi32, #tpu.memory_space<vmem>> -> memref<1x128xi32, #tpu.memory_space<vmem>>
      %dma_wait3A_49 = tpu.memref_squeeze %dma_wait3A_48 : memref<1x128xi32, #tpu.memory_space<vmem>> -> memref<128xi32, #tpu.memory_space<vmem>>
      %dma_wait3A_50 = arith.constant 0 : i32
      %dma_wait3A_51 = arith.constant 0 : i32
      %dma_wait3A_52 = tpu.memref_slice %arg7[%dma_wait3A_50, %dma_wait3A_51] : memref<10240x16xf32, #tpu.memory_space<vmem_shared>> -> memref<10240x16xf32, #tpu.memory_space<vmem_shared>>
      tpu.wait_indirect_dma semaphore(%arg8 : memref<!tpu.dma_semaphore, #tpu.memory_space<semaphore_mem>>) src(%arg5 : memref<128x16xf32, #tpu.memory_space<vmem>>) dst(%dma_wait3A_52 : memref<10240x16xf32, #tpu.memory_space<vmem_shared>>)
      %scan3A_53 = arith.constant 0 : i32
      scf.yield %scan3A_53 : i32
    }
    %scan3A_36 = arith.constant 79 : i32
    %barrier3A_37 = arith.constant 0 : index
    tpu.barrier barrier_id(%barrier3A_37)
    %scan3A_38 = arith.constant 0 : i32
    %scan3A_39 = arith.constant 0 : i32
    %scan3A_40 = arith.constant 8 : i32
    %scan3A_41 = arith.addi %scan3A_39, %scan3A_40 : i32
    %scan3A_42 = arith.constant 1 : i32
    %scan3A_43 = scf.for %scan3A_45 = %scan3A_39 to %scan3A_41 step %scan3A_42 iter_args(%scan3A_46 = %scan3A_38) -> (i32)  : i32 {
      %mul3A_47 = arith.constant 80 : i32
      %mul3A_48 = arith.muli %scan3A_45, %mul3A_47 : i32
      %add3A_49 = arith.addi %mul3A_15, %mul3A_48 : i32
      "tpu.region"() ({
        %run_scoped3A = tpu.sem_alloc : memref<!tpu.dma_semaphore, #tpu.memory_space<semaphore_mem>>
        %dma_start3A = arith.constant 0 : i32
        %dma_start3A_51 = tpu.memref_slice %arg3[%arg0, %add3A_49, %dma_start3A] : memref<2x10240x16xf32, #tpu.memory_space<hbm>> -> memref<1x80x16xf32, #tpu.memory_space<hbm>>
        %dma_start3A_52 = tpu.memref_squeeze %dma_start3A_51 : memref<1x80x16xf32, #tpu.memory_space<hbm>> -> memref<80x16xf32, #tpu.memory_space<hbm>>
        %dma_start3A_53 = arith.constant 0 : i32
        %dma_start3A_54 = tpu.memref_slice %arg7[%add3A_49, %dma_start3A_53] : memref<10240x16xf32, #tpu.memory_space<vmem_shared>> -> memref<80x16xf32, #tpu.memory_space<vmem_shared>>
        tpu.enqueue_dma source(%dma_start3A_54 : memref<80x16xf32, #tpu.memory_space<vmem_shared>>) target(%dma_start3A_52 : memref<80x16xf32, #tpu.memory_space<hbm>>) target_semaphore(%run_scoped3A : memref<!tpu.dma_semaphore, #tpu.memory_space<semaphore_mem>>)
        %dma_wait3A = arith.constant 0 : i32
        %dma_wait3A_55 = tpu.memref_slice %arg3[%arg0, %add3A_49, %dma_wait3A] : memref<2x10240x16xf32, #tpu.memory_space<hbm>> -> memref<1x80x16xf32, #tpu.memory_space<hbm>>
        %dma_wait3A_56 = tpu.memref_squeeze %dma_wait3A_55 : memref<1x80x16xf32, #tpu.memory_space<hbm>> -> memref<80x16xf32, #tpu.memory_space<hbm>>
        %dma_wait3A_57 = arith.constant 0 : i32
        %dma_wait3A_58 = tpu.memref_slice %arg7[%add3A_49, %dma_wait3A_57] : memref<10240x16xf32, #tpu.memory_space<vmem_shared>> -> memref<80x16xf32, #tpu.memory_space<vmem_shared>>
        tpu.wait_dma2 semaphore(%run_scoped3A : memref<!tpu.dma_semaphore, #tpu.memory_space<semaphore_mem>>) src(%dma_wait3A_58 : memref<80x16xf32, #tpu.memory_space<vmem_shared>>) dst(%dma_wait3A_56 : memref<80x16xf32, #tpu.memory_space<hbm>>)
        tpu.yield
      }) : () -> ()
      %scan3A_50 = arith.constant 0 : i32
      scf.yield %scan3A_50 : i32
    }
    %scan3A_44 = arith.constant 8 : i32
    return
  }
}

#map = affine_map<(d0, d1) -> (0, 0)>
#map1 = affine_map<(d0, d1) -> (0, 0, 0)>
module attributes {stable_mosaic.version = 14 : i64} {
  func.func @_scatter(%arg0: i32, %arg1: i32, %arg2: memref<10240x64xf32, #tpu.memory_space<hbm>>, %arg3: memref<32x79x128xi32, #tpu.memory_space<hbm>>, %arg4: memref<32x79x128xi32, #tpu.memory_space<hbm>>, %arg5: memref<2x10240x64xf32, #tpu.memory_space<hbm>>, %arg6: memref<79x128xi32, #tpu.memory_space<vmem>>, %arg7: memref<79x128xi32, #tpu.memory_space<vmem>>, %arg8: memref<128x64xf32, #tpu.memory_space<vmem>>, %arg9: memref<128x64xf32, #tpu.memory_space<vmem>>, %arg10: memref<128x64xf32, #tpu.memory_space<vmem>>, %arg11: memref<128x64xf32, #tpu.memory_space<vmem>>, %arg12: memref<128x64xf32, #tpu.memory_space<vmem>>, %arg13: memref<128x64xf32, #tpu.memory_space<vmem>>, %arg14: memref<10240x64xf32, #tpu.memory_space<vmem_shared>>, %arg15: memref<!tpu.dma_semaphore, #tpu.memory_space<semaphore_mem>>, %arg16: memref<!tpu.dma_semaphore, #tpu.memory_space<semaphore_mem>>, %arg17: memref<!tpu.dma_semaphore, #tpu.memory_space<semaphore_mem>>, %arg18: memref<!tpu.dma_semaphore, #tpu.memory_space<semaphore_mem>>, %arg19: memref<!tpu.dma_semaphore, #tpu.memory_space<semaphore_mem>>, %arg20: memref<!tpu.dma_semaphore, #tpu.memory_space<semaphore_mem>>, %arg21: memref<!tpu.dma_semaphore, #tpu.memory_space<semaphore_mem>>, %arg22: memref<!tpu.dma_semaphore, #tpu.memory_space<semaphore_mem>>, %arg23: memref<!tpu.dma_semaphore, #tpu.memory_space<semaphore_mem>>, %arg24: memref<!tpu.dma_semaphore, #tpu.memory_space<semaphore_mem>>, %arg25: memref<!tpu.dma_semaphore, #tpu.memory_space<semaphore_mem>>, %arg26: memref<!tpu.dma_semaphore, #tpu.memory_space<semaphore_mem>>) attributes {dimension_semantics = [#tpu.dimension_semantics<core_parallel>, #tpu.dimension_semantics<subcore_parallel>], iteration_bounds = array<i64: 2, 16>, scalar_prefetch = 0 : i64, scratch_operands = 21 : i64, tpu.core_type = #tpu.core_type<sc_vector_subcore>, window_params = [{transform_indices = #map}, {transform_indices = #map1}, {transform_indices = #map1}, {transform_indices = #map1}]} {
    %mul3A = arith.constant 2 : i32
    %mul3A_0 = arith.muli %arg1, %mul3A : i32
    %add3A = arith.addi %mul3A_0, %arg0 : i32
    "tpu.region"() ({
      %run_scoped3A = tpu.sem_alloc : memref<!tpu.dma_semaphore, #tpu.memory_space<semaphore_mem>>
      %dma_start3A_92 = arith.constant 0 : i32
      %dma_start3A_93 = arith.constant 0 : i32
      %dma_start3A_94 = tpu.memref_slice %arg3[%add3A, %dma_start3A_92, %dma_start3A_93] : memref<32x79x128xi32, #tpu.memory_space<hbm>> -> memref<1x79x128xi32, #tpu.memory_space<hbm>>
      %dma_start3A_95 = tpu.memref_squeeze %dma_start3A_94 : memref<1x79x128xi32, #tpu.memory_space<hbm>> -> memref<79x128xi32, #tpu.memory_space<hbm>>
      %dma_start3A_96 = arith.constant 0 : i32
      %dma_start3A_97 = arith.constant 0 : i32
      %dma_start3A_98 = tpu.memref_slice %arg3[%add3A, %dma_start3A_96, %dma_start3A_97] : memref<32x79x128xi32, #tpu.memory_space<hbm>> -> memref<1x79x128xi32, #tpu.memory_space<hbm>>
      %dma_start3A_99 = tpu.memref_squeeze %dma_start3A_98 : memref<1x79x128xi32, #tpu.memory_space<hbm>> -> memref<79x128xi32, #tpu.memory_space<hbm>>
      tpu.enqueue_dma source(%dma_start3A_99 : memref<79x128xi32, #tpu.memory_space<hbm>>) target(%arg6 : memref<79x128xi32, #tpu.memory_space<vmem>>) target_semaphore(%run_scoped3A : memref<!tpu.dma_semaphore, #tpu.memory_space<semaphore_mem>>)
      %dma_wait3A_100 = arith.constant 0 : i32
      %dma_wait3A_101 = arith.constant 0 : i32
      %dma_wait3A_102 = tpu.memref_slice %arg3[%add3A, %dma_wait3A_100, %dma_wait3A_101] : memref<32x79x128xi32, #tpu.memory_space<hbm>> -> memref<1x79x128xi32, #tpu.memory_space<hbm>>
      %dma_wait3A_103 = tpu.memref_squeeze %dma_wait3A_102 : memref<1x79x128xi32, #tpu.memory_space<hbm>> -> memref<79x128xi32, #tpu.memory_space<hbm>>
      %dma_wait3A_104 = arith.constant 0 : i32
      %dma_wait3A_105 = arith.constant 0 : i32
      %dma_wait3A_106 = tpu.memref_slice %arg3[%add3A, %dma_wait3A_104, %dma_wait3A_105] : memref<32x79x128xi32, #tpu.memory_space<hbm>> -> memref<1x79x128xi32, #tpu.memory_space<hbm>>
      %dma_wait3A_107 = tpu.memref_squeeze %dma_wait3A_106 : memref<1x79x128xi32, #tpu.memory_space<hbm>> -> memref<79x128xi32, #tpu.memory_space<hbm>>
      tpu.wait_dma2 semaphore(%run_scoped3A : memref<!tpu.dma_semaphore, #tpu.memory_space<semaphore_mem>>) src(%dma_wait3A_107 : memref<79x128xi32, #tpu.memory_space<hbm>>) dst(%arg6 : memref<79x128xi32, #tpu.memory_space<vmem>>)
      tpu.yield
    }) : () -> ()
    "tpu.region"() ({
      %run_scoped3A = tpu.sem_alloc : memref<!tpu.dma_semaphore, #tpu.memory_space<semaphore_mem>>
      %dma_start3A_92 = arith.constant 0 : i32
      %dma_start3A_93 = arith.constant 0 : i32
      %dma_start3A_94 = tpu.memref_slice %arg4[%add3A, %dma_start3A_92, %dma_start3A_93] : memref<32x79x128xi32, #tpu.memory_space<hbm>> -> memref<1x79x128xi32, #tpu.memory_space<hbm>>
      %dma_start3A_95 = tpu.memref_squeeze %dma_start3A_94 : memref<1x79x128xi32, #tpu.memory_space<hbm>> -> memref<79x128xi32, #tpu.memory_space<hbm>>
      %dma_start3A_96 = arith.constant 0 : i32
      %dma_start3A_97 = arith.constant 0 : i32
      %dma_start3A_98 = tpu.memref_slice %arg4[%add3A, %dma_start3A_96, %dma_start3A_97] : memref<32x79x128xi32, #tpu.memory_space<hbm>> -> memref<1x79x128xi32, #tpu.memory_space<hbm>>
      %dma_start3A_99 = tpu.memref_squeeze %dma_start3A_98 : memref<1x79x128xi32, #tpu.memory_space<hbm>> -> memref<79x128xi32, #tpu.memory_space<hbm>>
      tpu.enqueue_dma source(%dma_start3A_99 : memref<79x128xi32, #tpu.memory_space<hbm>>) target(%arg7 : memref<79x128xi32, #tpu.memory_space<vmem>>) target_semaphore(%run_scoped3A : memref<!tpu.dma_semaphore, #tpu.memory_space<semaphore_mem>>)
      %dma_wait3A_100 = arith.constant 0 : i32
      %dma_wait3A_101 = arith.constant 0 : i32
      %dma_wait3A_102 = tpu.memref_slice %arg4[%add3A, %dma_wait3A_100, %dma_wait3A_101] : memref<32x79x128xi32, #tpu.memory_space<hbm>> -> memref<1x79x128xi32, #tpu.memory_space<hbm>>
      %dma_wait3A_103 = tpu.memref_squeeze %dma_wait3A_102 : memref<1x79x128xi32, #tpu.memory_space<hbm>> -> memref<79x128xi32, #tpu.memory_space<hbm>>
      %dma_wait3A_104 = arith.constant 0 : i32
      %dma_wait3A_105 = arith.constant 0 : i32
      %dma_wait3A_106 = tpu.memref_slice %arg4[%add3A, %dma_wait3A_104, %dma_wait3A_105] : memref<32x79x128xi32, #tpu.memory_space<hbm>> -> memref<1x79x128xi32, #tpu.memory_space<hbm>>
      %dma_wait3A_107 = tpu.memref_squeeze %dma_wait3A_106 : memref<1x79x128xi32, #tpu.memory_space<hbm>> -> memref<79x128xi32, #tpu.memory_space<hbm>>
      tpu.wait_dma2 semaphore(%run_scoped3A : memref<!tpu.dma_semaphore, #tpu.memory_space<semaphore_mem>>) src(%dma_wait3A_107 : memref<79x128xi32, #tpu.memory_space<hbm>>) dst(%arg7 : memref<79x128xi32, #tpu.memory_space<vmem>>)
      tpu.yield
    }) : () -> ()
    %mul3A_1 = arith.constant 640 : i32
    %mul3A_2 = arith.muli %arg1, %mul3A_1 : i32
    %scan3A = arith.constant 0 : i32
    %scan3A_3 = arith.constant 0 : i32
    %scan3A_4 = arith.constant 128 : i32
    %scan3A_5 = arith.addi %scan3A_3, %scan3A_4 : i32
    %scan3A_6 = arith.constant 1 : i32
    %scan3A_7 = scf.for %scan3A_92 = %scan3A_3 to %scan3A_5 step %scan3A_6 iter_args(%scan3A_93 = %scan3A) -> (i32)  : i32 {
      %broadcast_in_dim3A = arith.constant 0.000000e+00 : f32
      %broadcast_in_dim3A_94 = vector.broadcast %broadcast_in_dim3A : f32 to vector<16xf32>
      %swap3A = arith.index_cast %scan3A_92 : i32 to index
      %swap3A_95 = arith.constant 0 : index
      %swap3A_96 = tpu.vector_load %arg8[%swap3A, %swap3A_95] {strides = array<i32>} : memref<128x64xf32, #tpu.memory_space<vmem>>, vector<1x16xf32>,
      %swap3A_97 = vector.shape_cast %swap3A_96 : vector<1x16xf32> to vector<16xf32>
      %swap3A_98 = vector.shape_cast %broadcast_in_dim3A_94 : vector<16xf32> to vector<1x16xf32>
      tpu.vector_store %arg8[%swap3A, %swap3A_95], %swap3A_98 {strides = array<i32>} : memref<128x64xf32, #tpu.memory_space<vmem>>, vector<1x16xf32>,
      %broadcast_in_dim3A_99 = arith.constant 0.000000e+00 : f32
      %broadcast_in_dim3A_100 = vector.broadcast %broadcast_in_dim3A_99 : f32 to vector<16xf32>
      %swap3A_101 = arith.index_cast %scan3A_92 : i32 to index
      %swap3A_102 = arith.constant 16 : index
      %swap3A_103 = tpu.vector_load %arg8[%swap3A_101, %swap3A_102] {strides = array<i32>} : memref<128x64xf32, #tpu.memory_space<vmem>>, vector<1x16xf32>,
      %swap3A_104 = vector.shape_cast %swap3A_103 : vector<1x16xf32> to vector<16xf32>
      %swap3A_105 = vector.shape_cast %broadcast_in_dim3A_100 : vector<16xf32> to vector<1x16xf32>
      tpu.vector_store %arg8[%swap3A_101, %swap3A_102], %swap3A_105 {strides = array<i32>} : memref<128x64xf32, #tpu.memory_space<vmem>>, vector<1x16xf32>,
      %broadcast_in_dim3A_106 = arith.constant 0.000000e+00 : f32
      %broadcast_in_dim3A_107 = vector.broadcast %broadcast_in_dim3A_106 : f32 to vector<16xf32>
      %swap3A_108 = arith.index_cast %scan3A_92 : i32 to index
      %swap3A_109 = arith.constant 32 : index
      %swap3A_110 = tpu.vector_load %arg8[%swap3A_108, %swap3A_109] {strides = array<i32>} : memref<128x64xf32, #tpu.memory_space<vmem>>, vector<1x16xf32>,
      %swap3A_111 = vector.shape_cast %swap3A_110 : vector<1x16xf32> to vector<16xf32>
      %swap3A_112 = vector.shape_cast %broadcast_in_dim3A_107 : vector<16xf32> to vector<1x16xf32>
      tpu.vector_store %arg8[%swap3A_108, %swap3A_109], %swap3A_112 {strides = array<i32>} : memref<128x64xf32, #tpu.memory_space<vmem>>, vector<1x16xf32>,
      %broadcast_in_dim3A_113 = arith.constant 0.000000e+00 : f32
      %broadcast_in_dim3A_114 = vector.broadcast %broadcast_in_dim3A_113 : f32 to vector<16xf32>
      %swap3A_115 = arith.index_cast %scan3A_92 : i32 to index
      %swap3A_116 = arith.constant 48 : index
      %swap3A_117 = tpu.vector_load %arg8[%swap3A_115, %swap3A_116] {strides = array<i32>} : memref<128x64xf32, #tpu.memory_space<vmem>>, vector<1x16xf32>,
      %swap3A_118 = vector.shape_cast %swap3A_117 : vector<1x16xf32> to vector<16xf32>
      %swap3A_119 = vector.shape_cast %broadcast_in_dim3A_114 : vector<16xf32> to vector<1x16xf32>
      tpu.vector_store %arg8[%swap3A_115, %swap3A_116], %swap3A_119 {strides = array<i32>} : memref<128x64xf32, #tpu.memory_space<vmem>>, vector<1x16xf32>,
      %scan3A_120 = arith.constant 0 : i32
      scf.yield %scan3A_120 : i32
    }
    %scan3A_8 = arith.constant 128 : i32
    %scan3A_9 = arith.constant 0 : i32
    %scan3A_10 = arith.constant 0 : i32
    %scan3A_11 = arith.constant 5 : i32
    %scan3A_12 = arith.addi %scan3A_10, %scan3A_11 : i32
    %scan3A_13 = arith.constant 1 : i32
    %scan3A_14 = scf.for %scan3A_92 = %scan3A_10 to %scan3A_12 step %scan3A_13 iter_args(%scan3A_93 = %scan3A_9) -> (i32)  : i32 {
      %mul3A_94 = arith.constant 128 : i32
      %mul3A_95 = arith.muli %scan3A_92, %mul3A_94 : i32
      %add3A_96 = arith.addi %mul3A_2, %mul3A_95 : i32
      "tpu.region"() ({
        %run_scoped3A = tpu.sem_alloc : memref<!tpu.dma_semaphore, #tpu.memory_space<semaphore_mem>>
        %dma_start3A_98 = arith.constant 0 : i32
        %dma_start3A_99 = tpu.memref_slice %arg14[%add3A_96, %dma_start3A_98] : memref<10240x64xf32, #tpu.memory_space<vmem_shared>> -> memref<128x64xf32, #tpu.memory_space<vmem_shared>>
        %dma_start3A_100 = arith.constant 0 : i32
        %dma_start3A_101 = tpu.memref_slice %arg14[%add3A_96, %dma_start3A_100] : memref<10240x64xf32, #tpu.memory_space<vmem_shared>> -> memref<128x64xf32, #tpu.memory_space<vmem_shared>>
        tpu.enqueue_dma source(%arg8 : memref<128x64xf32, #tpu.memory_space<vmem>>) target(%dma_start3A_101 : memref<128x64xf32, #tpu.memory_space<vmem_shared>>) target_semaphore(%run_scoped3A : memref<!tpu.dma_semaphore, #tpu.memory_space<semaphore_mem>>)
        %dma_wait3A_102 = arith.constant 0 : i32
        %dma_wait3A_103 = tpu.memref_slice %arg14[%add3A_96, %dma_wait3A_102] : memref<10240x64xf32, #tpu.memory_space<vmem_shared>> -> memref<128x64xf32, #tpu.memory_space<vmem_shared>>
        %dma_wait3A_104 = arith.constant 0 : i32
        %dma_wait3A_105 = tpu.memref_slice %arg14[%add3A_96, %dma_wait3A_104] : memref<10240x64xf32, #tpu.memory_space<vmem_shared>> -> memref<128x64xf32, #tpu.memory_space<vmem_shared>>
        tpu.wait_dma2 semaphore(%run_scoped3A : memref<!tpu.dma_semaphore, #tpu.memory_space<semaphore_mem>>) src(%arg8 : memref<128x64xf32, #tpu.memory_space<vmem>>) dst(%dma_wait3A_105 : memref<128x64xf32, #tpu.memory_space<vmem_shared>>)
        tpu.yield
      }) : () -> ()
      %scan3A_97 = arith.constant 0 : i32
      scf.yield %scan3A_97 : i32
    }
    %scan3A_15 = arith.constant 5 : i32
    %barrier3A = arith.constant 0 : index
    tpu.barrier barrier_id(%barrier3A)
    %dma_start3A = arith.constant 0 : i32
    %dma_start3A_16 = arith.constant 0 : i32
    %dma_start3A_17 = tpu.memref_slice %arg6[%dma_start3A, %dma_start3A_16] : memref<79x128xi32, #tpu.memory_space<vmem>> -> memref<1x128xi32, #tpu.memory_space<vmem>>
    %dma_start3A_18 = tpu.memref_squeeze %dma_start3A_17 : memref<1x128xi32, #tpu.memory_space<vmem>> -> memref<128xi32, #tpu.memory_space<vmem>>
    %dma_start3A_19 = arith.constant 0 : i32
    %dma_start3A_20 = arith.constant 0 : i32
    %dma_start3A_21 = tpu.memref_slice %arg2[%dma_start3A_19, %dma_start3A_20] : memref<10240x64xf32, #tpu.memory_space<hbm>> -> memref<10240x64xf32, #tpu.memory_space<hbm>>
    tpu.enqueue_indirect_dma source(%dma_start3A_21 : memref<10240x64xf32, #tpu.memory_space<hbm>>) target(%arg8 : memref<128x64xf32, #tpu.memory_space<vmem>>) offsets(%dma_start3A_18 : memref<128xi32, #tpu.memory_space<vmem>>) semaphore(%arg15 : memref<!tpu.dma_semaphore, #tpu.memory_space<semaphore_mem>>)
    %dma_start3A_22 = arith.constant 1 : i32
    %dma_start3A_23 = arith.constant 0 : i32
    %dma_start3A_24 = tpu.memref_slice %arg6[%dma_start3A_22, %dma_start3A_23] : memref<79x128xi32, #tpu.memory_space<vmem>> -> memref<1x128xi32, #tpu.memory_space<vmem>>
    %dma_start3A_25 = tpu.memref_squeeze %dma_start3A_24 : memref<1x128xi32, #tpu.memory_space<vmem>> -> memref<128xi32, #tpu.memory_space<vmem>>
    %dma_start3A_26 = arith.constant 0 : i32
    %dma_start3A_27 = arith.constant 0 : i32
    %dma_start3A_28 = tpu.memref_slice %arg2[%dma_start3A_26, %dma_start3A_27] : memref<10240x64xf32, #tpu.memory_space<hbm>> -> memref<10240x64xf32, #tpu.memory_space<hbm>>
    tpu.enqueue_indirect_dma source(%dma_start3A_28 : memref<10240x64xf32, #tpu.memory_space<hbm>>) target(%arg9 : memref<128x64xf32, #tpu.memory_space<vmem>>) offsets(%dma_start3A_25 : memref<128xi32, #tpu.memory_space<vmem>>) semaphore(%arg16 : memref<!tpu.dma_semaphore, #tpu.memory_space<semaphore_mem>>)
    %dma_start3A_29 = arith.constant 2 : i32
    %dma_start3A_30 = arith.constant 0 : i32
    %dma_start3A_31 = tpu.memref_slice %arg6[%dma_start3A_29, %dma_start3A_30] : memref<79x128xi32, #tpu.memory_space<vmem>> -> memref<1x128xi32, #tpu.memory_space<vmem>>
    %dma_start3A_32 = tpu.memref_squeeze %dma_start3A_31 : memref<1x128xi32, #tpu.memory_space<vmem>> -> memref<128xi32, #tpu.memory_space<vmem>>
    %dma_start3A_33 = arith.constant 0 : i32
    %dma_start3A_34 = arith.constant 0 : i32
    %dma_start3A_35 = tpu.memref_slice %arg2[%dma_start3A_33, %dma_start3A_34] : memref<10240x64xf32, #tpu.memory_space<hbm>> -> memref<10240x64xf32, #tpu.memory_space<hbm>>
    tpu.enqueue_indirect_dma source(%dma_start3A_35 : memref<10240x64xf32, #tpu.memory_space<hbm>>) target(%arg10 : memref<128x64xf32, #tpu.memory_space<vmem>>) offsets(%dma_start3A_32 : memref<128xi32, #tpu.memory_space<vmem>>) semaphore(%arg17 : memref<!tpu.dma_semaphore, #tpu.memory_space<semaphore_mem>>)
    %scan3A_36 = arith.constant 0 : i32
    %scan3A_37 = arith.constant 0 : i32
    %scan3A_38 = arith.constant 13 : i32
    %scan3A_39 = arith.addi %scan3A_37, %scan3A_38 : i32
    %scan3A_40 = arith.constant 1 : i32
    %scan3A_41 = scf.for %scan3A_92 = %scan3A_37 to %scan3A_39 step %scan3A_40 iter_args(%scan3A_93 = %scan3A_36) -> (i32)  : i32 {
      %mul3A_94 = arith.constant 6 : i32
      %mul3A_95 = arith.muli %mul3A_94, %scan3A_92 : i32
      %add3A_96 = arith.constant 0 : i32
      %add3A_97 = arith.addi %mul3A_95, %add3A_96 : i32
      %ge3A = arith.constant 3 : i32
      %ge3A_98 = arith.cmpi sge, %add3A_97, %ge3A : i32
      %convert_element_type3A = arith.extui %ge3A_98 : i1 to i32
      %cond3A = arith.constant 0 : i32
      %cond3A_99 = arith.cmpi ne, %convert_element_type3A, %cond3A : i32
      scf.if %cond3A_99 {
        %dma_wait3A_265 = arith.constant 0 : i32
        %dma_wait3A_266 = arith.constant 0 : i32
        %dma_wait3A_267 = tpu.memref_slice %arg7[%dma_wait3A_265, %dma_wait3A_266] : memref<79x128xi32, #tpu.memory_space<vmem>> -> memref<1x128xi32, #tpu.memory_space<vmem>>
        %dma_wait3A_268 = tpu.memref_squeeze %dma_wait3A_267 : memref<1x128xi32, #tpu.memory_space<vmem>> -> memref<128xi32, #tpu.memory_space<vmem>>
        %dma_wait3A_269 = arith.constant 0 : i32
        %dma_wait3A_270 = arith.constant 0 : i32
        %dma_wait3A_271 = tpu.memref_slice %arg14[%dma_wait3A_269, %dma_wait3A_270] : memref<10240x64xf32, #tpu.memory_space<vmem_shared>> -> memref<10240x64xf32, #tpu.memory_space<vmem_shared>>
        tpu.wait_indirect_dma semaphore(%arg24 : memref<!tpu.dma_semaphore, #tpu.memory_space<semaphore_mem>>) src(%arg11 : memref<128x64xf32, #tpu.memory_space<vmem>>) dst(%dma_wait3A_271 : memref<10240x64xf32, #tpu.memory_space<vmem_shared>>)
      } else {
      }
      %add3A_100 = arith.constant 3 : i32
      %add3A_101 = arith.addi %add3A_97, %add3A_100 : i32
      %lt3A = arith.constant 79 : i32
      %lt3A_102 = arith.cmpi slt, %add3A_101, %lt3A : i32
      %convert_element_type3A_103 = arith.extui %lt3A_102 : i1 to i32
      %cond3A_104 = arith.constant 0 : i32
      %cond3A_105 = arith.cmpi ne, %convert_element_type3A_103, %cond3A_104 : i32
      scf.if %cond3A_105 {
        %add3A_265 = arith.constant 3 : i32
        %add3A_266 = arith.addi %add3A_97, %add3A_265 : i32
        %dma_start3A_267 = arith.constant 0 : i32
        %dma_start3A_268 = tpu.memref_slice %arg6[%add3A_266, %dma_start3A_267] : memref<79x128xi32, #tpu.memory_space<vmem>> -> memref<1x128xi32, #tpu.memory_space<vmem>>
        %dma_start3A_269 = tpu.memref_squeeze %dma_start3A_268 : memref<1x128xi32, #tpu.memory_space<vmem>> -> memref<128xi32, #tpu.memory_space<vmem>>
        %dma_start3A_270 = arith.constant 0 : i32
        %dma_start3A_271 = arith.constant 0 : i32
        %dma_start3A_272 = tpu.memref_slice %arg2[%dma_start3A_270, %dma_start3A_271] : memref<10240x64xf32, #tpu.memory_space<hbm>> -> memref<10240x64xf32, #tpu.memory_space<hbm>>
        tpu.enqueue_indirect_dma source(%dma_start3A_272 : memref<10240x64xf32, #tpu.memory_space<hbm>>) target(%arg11 : memref<128x64xf32, #tpu.memory_space<vmem>>) offsets(%dma_start3A_269 : memref<128xi32, #tpu.memory_space<vmem>>) semaphore(%arg18 : memref<!tpu.dma_semaphore, #tpu.memory_space<semaphore_mem>>)
      } else {
      }
      %dma_wait3A_106 = arith.constant 0 : i32
      %dma_wait3A_107 = arith.constant 0 : i32
      %dma_wait3A_108 = tpu.memref_slice %arg6[%dma_wait3A_106, %dma_wait3A_107] : memref<79x128xi32, #tpu.memory_space<vmem>> -> memref<1x128xi32, #tpu.memory_space<vmem>>
      %dma_wait3A_109 = tpu.memref_squeeze %dma_wait3A_108 : memref<1x128xi32, #tpu.memory_space<vmem>> -> memref<128xi32, #tpu.memory_space<vmem>>
      %dma_wait3A_110 = arith.constant 0 : i32
      %dma_wait3A_111 = arith.constant 0 : i32
      %dma_wait3A_112 = tpu.memref_slice %arg2[%dma_wait3A_110, %dma_wait3A_111] : memref<10240x64xf32, #tpu.memory_space<hbm>> -> memref<10240x64xf32, #tpu.memory_space<hbm>>
      tpu.wait_indirect_dma semaphore(%arg15 : memref<!tpu.dma_semaphore, #tpu.memory_space<semaphore_mem>>) src(%dma_wait3A_112 : memref<10240x64xf32, #tpu.memory_space<hbm>>) dst(%arg8 : memref<128x64xf32, #tpu.memory_space<vmem>>)
      %dma_start3A_113 = arith.constant 0 : i32
      %dma_start3A_114 = tpu.memref_slice %arg7[%add3A_97, %dma_start3A_113] : memref<79x128xi32, #tpu.memory_space<vmem>> -> memref<1x128xi32, #tpu.memory_space<vmem>>
      %dma_start3A_115 = tpu.memref_squeeze %dma_start3A_114 : memref<1x128xi32, #tpu.memory_space<vmem>> -> memref<128xi32, #tpu.memory_space<vmem>>
      %dma_start3A_116 = arith.constant 0 : i32
      %dma_start3A_117 = arith.constant 0 : i32
      %dma_start3A_118 = tpu.memref_slice %arg14[%dma_start3A_116, %dma_start3A_117] : memref<10240x64xf32, #tpu.memory_space<vmem_shared>> -> memref<10240x64xf32, #tpu.memory_space<vmem_shared>>
      tpu.enqueue_indirect_dma source(%arg8 : memref<128x64xf32, #tpu.memory_space<vmem>>) target(%dma_start3A_118 : memref<10240x64xf32, #tpu.memory_space<vmem_shared>>) offsets(%dma_start3A_115 : memref<128xi32, #tpu.memory_space<vmem>>) semaphore(%arg21 : memref<!tpu.dma_semaphore, #tpu.memory_space<semaphore_mem>>) {add = true}
      %mul3A_119 = arith.constant 6 : i32
      %mul3A_120 = arith.muli %mul3A_119, %scan3A_92 : i32
      %add3A_121 = arith.constant 1 : i32
      %add3A_122 = arith.addi %mul3A_120, %add3A_121 : i32
      %ge3A_123 = arith.constant 3 : i32
      %ge3A_124 = arith.cmpi sge, %add3A_122, %ge3A_123 : i32
      %convert_element_type3A_125 = arith.extui %ge3A_124 : i1 to i32
      %cond3A_126 = arith.constant 0 : i32
      %cond3A_127 = arith.cmpi ne, %convert_element_type3A_125, %cond3A_126 : i32
      scf.if %cond3A_127 {
        %dma_wait3A_265 = arith.constant 0 : i32
        %dma_wait3A_266 = arith.constant 0 : i32
        %dma_wait3A_267 = tpu.memref_slice %arg7[%dma_wait3A_265, %dma_wait3A_266] : memref<79x128xi32, #tpu.memory_space<vmem>> -> memref<1x128xi32, #tpu.memory_space<vmem>>
        %dma_wait3A_268 = tpu.memref_squeeze %dma_wait3A_267 : memref<1x128xi32, #tpu.memory_space<vmem>> -> memref<128xi32, #tpu.memory_space<vmem>>
        %dma_wait3A_269 = arith.constant 0 : i32
        %dma_wait3A_270 = arith.constant 0 : i32
        %dma_wait3A_271 = tpu.memref_slice %arg14[%dma_wait3A_269, %dma_wait3A_270] : memref<10240x64xf32, #tpu.memory_space<vmem_shared>> -> memref<10240x64xf32, #tpu.memory_space<vmem_shared>>
        tpu.wait_indirect_dma semaphore(%arg25 : memref<!tpu.dma_semaphore, #tpu.memory_space<semaphore_mem>>) src(%arg12 : memref<128x64xf32, #tpu.memory_space<vmem>>) dst(%dma_wait3A_271 : memref<10240x64xf32, #tpu.memory_space<vmem_shared>>)
      } else {
      }
      %add3A_128 = arith.constant 3 : i32
      %add3A_129 = arith.addi %add3A_122, %add3A_128 : i32
      %lt3A_130 = arith.constant 79 : i32
      %lt3A_131 = arith.cmpi slt, %add3A_129, %lt3A_130 : i32
      %convert_element_type3A_132 = arith.extui %lt3A_131 : i1 to i32
      %cond3A_133 = arith.constant 0 : i32
      %cond3A_134 = arith.cmpi ne, %convert_element_type3A_132, %cond3A_133 : i32
      scf.if %cond3A_134 {
        %add3A_265 = arith.constant 3 : i32
        %add3A_266 = arith.addi %add3A_122, %add3A_265 : i32
        %dma_start3A_267 = arith.constant 0 : i32
        %dma_start3A_268 = tpu.memref_slice %arg6[%add3A_266, %dma_start3A_267] : memref<79x128xi32, #tpu.memory_space<vmem>> -> memref<1x128xi32, #tpu.memory_space<vmem>>
        %dma_start3A_269 = tpu.memref_squeeze %dma_start3A_268 : memref<1x128xi32, #tpu.memory_space<vmem>> -> memref<128xi32, #tpu.memory_space<vmem>>
        %dma_start3A_270 = arith.constant 0 : i32
        %dma_start3A_271 = arith.constant 0 : i32
        %dma_start3A_272 = tpu.memref_slice %arg2[%dma_start3A_270, %dma_start3A_271] : memref<10240x64xf32, #tpu.memory_space<hbm>> -> memref<10240x64xf32, #tpu.memory_space<hbm>>
        tpu.enqueue_indirect_dma source(%dma_start3A_272 : memref<10240x64xf32, #tpu.memory_space<hbm>>) target(%arg12 : memref<128x64xf32, #tpu.memory_space<vmem>>) offsets(%dma_start3A_269 : memref<128xi32, #tpu.memory_space<vmem>>) semaphore(%arg19 : memref<!tpu.dma_semaphore, #tpu.memory_space<semaphore_mem>>)
      } else {
      }
      %dma_wait3A_135 = arith.constant 0 : i32
      %dma_wait3A_136 = arith.constant 0 : i32
      %dma_wait3A_137 = tpu.memref_slice %arg6[%dma_wait3A_135, %dma_wait3A_136] : memref<79x128xi32, #tpu.memory_space<vmem>> -> memref<1x128xi32, #tpu.memory_space<vmem>>
      %dma_wait3A_138 = tpu.memref_squeeze %dma_wait3A_137 : memref<1x128xi32, #tpu.memory_space<vmem>> -> memref<128xi32, #tpu.memory_space<vmem>>
      %dma_wait3A_139 = arith.constant 0 : i32
      %dma_wait3A_140 = arith.constant 0 : i32
      %dma_wait3A_141 = tpu.memref_slice %arg2[%dma_wait3A_139, %dma_wait3A_140] : memref<10240x64xf32, #tpu.memory_space<hbm>> -> memref<10240x64xf32, #tpu.memory_space<hbm>>
      tpu.wait_indirect_dma semaphore(%arg16 : memref<!tpu.dma_semaphore, #tpu.memory_space<semaphore_mem>>) src(%dma_wait3A_141 : memref<10240x64xf32, #tpu.memory_space<hbm>>) dst(%arg9 : memref<128x64xf32, #tpu.memory_space<vmem>>)
      %dma_start3A_142 = arith.constant 0 : i32
      %dma_start3A_143 = tpu.memref_slice %arg7[%add3A_122, %dma_start3A_142] : memref<79x128xi32, #tpu.memory_space<vmem>> -> memref<1x128xi32, #tpu.memory_space<vmem>>
      %dma_start3A_144 = tpu.memref_squeeze %dma_start3A_143 : memref<1x128xi32, #tpu.memory_space<vmem>> -> memref<128xi32, #tpu.memory_space<vmem>>
      %dma_start3A_145 = arith.constant 0 : i32
      %dma_start3A_146 = arith.constant 0 : i32
      %dma_start3A_147 = tpu.memref_slice %arg14[%dma_start3A_145, %dma_start3A_146] : memref<10240x64xf32, #tpu.memory_space<vmem_shared>> -> memref<10240x64xf32, #tpu.memory_space<vmem_shared>>
      tpu.enqueue_indirect_dma source(%arg9 : memref<128x64xf32, #tpu.memory_space<vmem>>) target(%dma_start3A_147 : memref<10240x64xf32, #tpu.memory_space<vmem_shared>>) offsets(%dma_start3A_144 : memref<128xi32, #tpu.memory_space<vmem>>) semaphore(%arg22 : memref<!tpu.dma_semaphore, #tpu.memory_space<semaphore_mem>>) {add = true}
      %mul3A_148 = arith.constant 6 : i32
      %mul3A_149 = arith.muli %mul3A_148, %scan3A_92 : i32
      %add3A_150 = arith.constant 2 : i32
      %add3A_151 = arith.addi %mul3A_149, %add3A_150 : i32
      %ge3A_152 = arith.constant 3 : i32
      %ge3A_153 = arith.cmpi sge, %add3A_151, %ge3A_152 : i32
      %convert_element_type3A_154 = arith.extui %ge3A_153 : i1 to i32
      %cond3A_155 = arith.constant 0 : i32
      %cond3A_156 = arith.cmpi ne, %convert_element_type3A_154, %cond3A_155 : i32
      scf.if %cond3A_156 {
        %dma_wait3A_265 = arith.constant 0 : i32
        %dma_wait3A_266 = arith.constant 0 : i32
        %dma_wait3A_267 = tpu.memref_slice %arg7[%dma_wait3A_265, %dma_wait3A_266] : memref<79x128xi32, #tpu.memory_space<vmem>> -> memref<1x128xi32, #tpu.memory_space<vmem>>
        %dma_wait3A_268 = tpu.memref_squeeze %dma_wait3A_267 : memref<1x128xi32, #tpu.memory_space<vmem>> -> memref<128xi32, #tpu.memory_space<vmem>>
        %dma_wait3A_269 = arith.constant 0 : i32
        %dma_wait3A_270 = arith.constant 0 : i32
        %dma_wait3A_271 = tpu.memref_slice %arg14[%dma_wait3A_269, %dma_wait3A_270] : memref<10240x64xf32, #tpu.memory_space<vmem_shared>> -> memref<10240x64xf32, #tpu.memory_space<vmem_shared>>
        tpu.wait_indirect_dma semaphore(%arg26 : memref<!tpu.dma_semaphore, #tpu.memory_space<semaphore_mem>>) src(%arg13 : memref<128x64xf32, #tpu.memory_space<vmem>>) dst(%dma_wait3A_271 : memref<10240x64xf32, #tpu.memory_space<vmem_shared>>)
      } else {
      }
      %add3A_157 = arith.constant 3 : i32
      %add3A_158 = arith.addi %add3A_151, %add3A_157 : i32
      %lt3A_159 = arith.constant 79 : i32
      %lt3A_160 = arith.cmpi slt, %add3A_158, %lt3A_159 : i32
      %convert_element_type3A_161 = arith.extui %lt3A_160 : i1 to i32
      %cond3A_162 = arith.constant 0 : i32
      %cond3A_163 = arith.cmpi ne, %convert_element_type3A_161, %cond3A_162 : i32
      scf.if %cond3A_163 {
        %add3A_265 = arith.constant 3 : i32
        %add3A_266 = arith.addi %add3A_151, %add3A_265 : i32
        %dma_start3A_267 = arith.constant 0 : i32
        %dma_start3A_268 = tpu.memref_slice %arg6[%add3A_266, %dma_start3A_267] : memref<79x128xi32, #tpu.memory_space<vmem>> -> memref<1x128xi32, #tpu.memory_space<vmem>>
        %dma_start3A_269 = tpu.memref_squeeze %dma_start3A_268 : memref<1x128xi32, #tpu.memory_space<vmem>> -> memref<128xi32, #tpu.memory_space<vmem>>
        %dma_start3A_270 = arith.constant 0 : i32
        %dma_start3A_271 = arith.constant 0 : i32
        %dma_start3A_272 = tpu.memref_slice %arg2[%dma_start3A_270, %dma_start3A_271] : memref<10240x64xf32, #tpu.memory_space<hbm>> -> memref<10240x64xf32, #tpu.memory_space<hbm>>
        tpu.enqueue_indirect_dma source(%dma_start3A_272 : memref<10240x64xf32, #tpu.memory_space<hbm>>) target(%arg13 : memref<128x64xf32, #tpu.memory_space<vmem>>) offsets(%dma_start3A_269 : memref<128xi32, #tpu.memory_space<vmem>>) semaphore(%arg20 : memref<!tpu.dma_semaphore, #tpu.memory_space<semaphore_mem>>)
      } else {
      }
      %dma_wait3A_164 = arith.constant 0 : i32
      %dma_wait3A_165 = arith.constant 0 : i32
      %dma_wait3A_166 = tpu.memref_slice %arg6[%dma_wait3A_164, %dma_wait3A_165] : memref<79x128xi32, #tpu.memory_space<vmem>> -> memref<1x128xi32, #tpu.memory_space<vmem>>
      %dma_wait3A_167 = tpu.memref_squeeze %dma_wait3A_166 : memref<1x128xi32, #tpu.memory_space<vmem>> -> memref<128xi32, #tpu.memory_space<vmem>>
      %dma_wait3A_168 = arith.constant 0 : i32
      %dma_wait3A_169 = arith.constant 0 : i32
      %dma_wait3A_170 = tpu.memref_slice %arg2[%dma_wait3A_168, %dma_wait3A_169] : memref<10240x64xf32, #tpu.memory_space<hbm>> -> memref<10240x64xf32, #tpu.memory_space<hbm>>
      tpu.wait_indirect_dma semaphore(%arg17 : memref<!tpu.dma_semaphore, #tpu.memory_space<semaphore_mem>>) src(%dma_wait3A_170 : memref<10240x64xf32, #tpu.memory_space<hbm>>) dst(%arg10 : memref<128x64xf32, #tpu.memory_space<vmem>>)
      %dma_start3A_171 = arith.constant 0 : i32
      %dma_start3A_172 = tpu.memref_slice %arg7[%add3A_151, %dma_start3A_171] : memref<79x128xi32, #tpu.memory_space<vmem>> -> memref<1x128xi32, #tpu.memory_space<vmem>>
      %dma_start3A_173 = tpu.memref_squeeze %dma_start3A_172 : memref<1x128xi32, #tpu.memory_space<vmem>> -> memref<128xi32, #tpu.memory_space<vmem>>
      %dma_start3A_174 = arith.constant 0 : i32
      %dma_start3A_175 = arith.constant 0 : i32
      %dma_start3A_176 = tpu.memref_slice %arg14[%dma_start3A_174, %dma_start3A_175] : memref<10240x64xf32, #tpu.memory_space<vmem_shared>> -> memref<10240x64xf32, #tpu.memory_space<vmem_shared>>
      tpu.enqueue_indirect_dma source(%arg10 : memref<128x64xf32, #tpu.memory_space<vmem>>) target(%dma_start3A_176 : memref<10240x64xf32, #tpu.memory_space<vmem_shared>>) offsets(%dma_start3A_173 : memref<128xi32, #tpu.memory_space<vmem>>) semaphore(%arg23 : memref<!tpu.dma_semaphore, #tpu.memory_space<semaphore_mem>>) {add = true}
      %mul3A_177 = arith.constant 6 : i32
      %mul3A_178 = arith.muli %mul3A_177, %scan3A_92 : i32
      %add3A_179 = arith.constant 3 : i32
      %add3A_180 = arith.addi %mul3A_178, %add3A_179 : i32
      %ge3A_181 = arith.constant 3 : i32
      %ge3A_182 = arith.cmpi sge, %add3A_180, %ge3A_181 : i32
      %convert_element_type3A_183 = arith.extui %ge3A_182 : i1 to i32
      %cond3A_184 = arith.constant 0 : i32
      %cond3A_185 = arith.cmpi ne, %convert_element_type3A_183, %cond3A_184 : i32
      scf.if %cond3A_185 {
        %dma_wait3A_265 = arith.constant 0 : i32
        %dma_wait3A_266 = arith.constant 0 : i32
        %dma_wait3A_267 = tpu.memref_slice %arg7[%dma_wait3A_265, %dma_wait3A_266] : memref<79x128xi32, #tpu.memory_space<vmem>> -> memref<1x128xi32, #tpu.memory_space<vmem>>
        %dma_wait3A_268 = tpu.memref_squeeze %dma_wait3A_267 : memref<1x128xi32, #tpu.memory_space<vmem>> -> memref<128xi32, #tpu.memory_space<vmem>>
        %dma_wait3A_269 = arith.constant 0 : i32
        %dma_wait3A_270 = arith.constant 0 : i32
        %dma_wait3A_271 = tpu.memref_slice %arg14[%dma_wait3A_269, %dma_wait3A_270] : memref<10240x64xf32, #tpu.memory_space<vmem_shared>> -> memref<10240x64xf32, #tpu.memory_space<vmem_shared>>
        tpu.wait_indirect_dma semaphore(%arg21 : memref<!tpu.dma_semaphore, #tpu.memory_space<semaphore_mem>>) src(%arg8 : memref<128x64xf32, #tpu.memory_space<vmem>>) dst(%dma_wait3A_271 : memref<10240x64xf32, #tpu.memory_space<vmem_shared>>)
      } else {
      }
      %add3A_186 = arith.constant 3 : i32
      %add3A_187 = arith.addi %add3A_180, %add3A_186 : i32
      %lt3A_188 = arith.constant 79 : i32
      %lt3A_189 = arith.cmpi slt, %add3A_187, %lt3A_188 : i32
      %convert_element_type3A_190 = arith.extui %lt3A_189 : i1 to i32
      %cond3A_191 = arith.constant 0 : i32
      %cond3A_192 = arith.cmpi ne, %convert_element_type3A_190, %cond3A_191 : i32
      scf.if %cond3A_192 {
        %add3A_265 = arith.constant 3 : i32
        %add3A_266 = arith.addi %add3A_180, %add3A_265 : i32
        %dma_start3A_267 = arith.constant 0 : i32
        %dma_start3A_268 = tpu.memref_slice %arg6[%add3A_266, %dma_start3A_267] : memref<79x128xi32, #tpu.memory_space<vmem>> -> memref<1x128xi32, #tpu.memory_space<vmem>>
        %dma_start3A_269 = tpu.memref_squeeze %dma_start3A_268 : memref<1x128xi32, #tpu.memory_space<vmem>> -> memref<128xi32, #tpu.memory_space<vmem>>
        %dma_start3A_270 = arith.constant 0 : i32
        %dma_start3A_271 = arith.constant 0 : i32
        %dma_start3A_272 = tpu.memref_slice %arg2[%dma_start3A_270, %dma_start3A_271] : memref<10240x64xf32, #tpu.memory_space<hbm>> -> memref<10240x64xf32, #tpu.memory_space<hbm>>
        tpu.enqueue_indirect_dma source(%dma_start3A_272 : memref<10240x64xf32, #tpu.memory_space<hbm>>) target(%arg8 : memref<128x64xf32, #tpu.memory_space<vmem>>) offsets(%dma_start3A_269 : memref<128xi32, #tpu.memory_space<vmem>>) semaphore(%arg15 : memref<!tpu.dma_semaphore, #tpu.memory_space<semaphore_mem>>)
      } else {
      }
      %dma_wait3A_193 = arith.constant 0 : i32
      %dma_wait3A_194 = arith.constant 0 : i32
      %dma_wait3A_195 = tpu.memref_slice %arg6[%dma_wait3A_193, %dma_wait3A_194] : memref<79x128xi32, #tpu.memory_space<vmem>> -> memref<1x128xi32, #tpu.memory_space<vmem>>
      %dma_wait3A_196 = tpu.memref_squeeze %dma_wait3A_195 : memref<1x128xi32, #tpu.memory_space<vmem>> -> memref<128xi32, #tpu.memory_space<vmem>>
      %dma_wait3A_197 = arith.constant 0 : i32
      %dma_wait3A_198 = arith.constant 0 : i32
      %dma_wait3A_199 = tpu.memref_slice %arg2[%dma_wait3A_197, %dma_wait3A_198] : memref<10240x64xf32, #tpu.memory_space<hbm>> -> memref<10240x64xf32, #tpu.memory_space<hbm>>
      tpu.wait_indirect_dma semaphore(%arg18 : memref<!tpu.dma_semaphore, #tpu.memory_space<semaphore_mem>>) src(%dma_wait3A_199 : memref<10240x64xf32, #tpu.memory_space<hbm>>) dst(%arg11 : memref<128x64xf32, #tpu.memory_space<vmem>>)
      %dma_start3A_200 = arith.constant 0 : i32
      %dma_start3A_201 = tpu.memref_slice %arg7[%add3A_180, %dma_start3A_200] : memref<79x128xi32, #tpu.memory_space<vmem>> -> memref<1x128xi32, #tpu.memory_space<vmem>>
      %dma_start3A_202 = tpu.memref_squeeze %dma_start3A_201 : memref<1x128xi32, #tpu.memory_space<vmem>> -> memref<128xi32, #tpu.memory_space<vmem>>
      %dma_start3A_203 = arith.constant 0 : i32
      %dma_start3A_204 = arith.constant 0 : i32
      %dma_start3A_205 = tpu.memref_slice %arg14[%dma_start3A_203, %dma_start3A_204] : memref<10240x64xf32, #tpu.memory_space<vmem_shared>> -> memref<10240x64xf32, #tpu.memory_space<vmem_shared>>
      tpu.enqueue_indirect_dma source(%arg11 : memref<128x64xf32, #tpu.memory_space<vmem>>) target(%dma_start3A_205 : memref<10240x64xf32, #tpu.memory_space<vmem_shared>>) offsets(%dma_start3A_202 : memref<128xi32, #tpu.memory_space<vmem>>) semaphore(%arg24 : memref<!tpu.dma_semaphore, #tpu.memory_space<semaphore_mem>>) {add = true}
      %mul3A_206 = arith.constant 6 : i32
      %mul3A_207 = arith.muli %mul3A_206, %scan3A_92 : i32
      %add3A_208 = arith.constant 4 : i32
      %add3A_209 = arith.addi %mul3A_207, %add3A_208 : i32
      %ge3A_210 = arith.constant 3 : i32
      %ge3A_211 = arith.cmpi sge, %add3A_209, %ge3A_210 : i32
      %convert_element_type3A_212 = arith.extui %ge3A_211 : i1 to i32
      %cond3A_213 = arith.constant 0 : i32
      %cond3A_214 = arith.cmpi ne, %convert_element_type3A_212, %cond3A_213 : i32
      scf.if %cond3A_214 {
        %dma_wait3A_265 = arith.constant 0 : i32
        %dma_wait3A_266 = arith.constant 0 : i32
        %dma_wait3A_267 = tpu.memref_slice %arg7[%dma_wait3A_265, %dma_wait3A_266] : memref<79x128xi32, #tpu.memory_space<vmem>> -> memref<1x128xi32, #tpu.memory_space<vmem>>
        %dma_wait3A_268 = tpu.memref_squeeze %dma_wait3A_267 : memref<1x128xi32, #tpu.memory_space<vmem>> -> memref<128xi32, #tpu.memory_space<vmem>>
        %dma_wait3A_269 = arith.constant 0 : i32
        %dma_wait3A_270 = arith.constant 0 : i32
        %dma_wait3A_271 = tpu.memref_slice %arg14[%dma_wait3A_269, %dma_wait3A_270] : memref<10240x64xf32, #tpu.memory_space<vmem_shared>> -> memref<10240x64xf32, #tpu.memory_space<vmem_shared>>
        tpu.wait_indirect_dma semaphore(%arg22 : memref<!tpu.dma_semaphore, #tpu.memory_space<semaphore_mem>>) src(%arg9 : memref<128x64xf32, #tpu.memory_space<vmem>>) dst(%dma_wait3A_271 : memref<10240x64xf32, #tpu.memory_space<vmem_shared>>)
      } else {
      }
      %add3A_215 = arith.constant 3 : i32
      %add3A_216 = arith.addi %add3A_209, %add3A_215 : i32
      %lt3A_217 = arith.constant 79 : i32
      %lt3A_218 = arith.cmpi slt, %add3A_216, %lt3A_217 : i32
      %convert_element_type3A_219 = arith.extui %lt3A_218 : i1 to i32
      %cond3A_220 = arith.constant 0 : i32
      %cond3A_221 = arith.cmpi ne, %convert_element_type3A_219, %cond3A_220 : i32
      scf.if %cond3A_221 {
        %add3A_265 = arith.constant 3 : i32
        %add3A_266 = arith.addi %add3A_209, %add3A_265 : i32
        %dma_start3A_267 = arith.constant 0 : i32
        %dma_start3A_268 = tpu.memref_slice %arg6[%add3A_266, %dma_start3A_267] : memref<79x128xi32, #tpu.memory_space<vmem>> -> memref<1x128xi32, #tpu.memory_space<vmem>>
        %dma_start3A_269 = tpu.memref_squeeze %dma_start3A_268 : memref<1x128xi32, #tpu.memory_space<vmem>> -> memref<128xi32, #tpu.memory_space<vmem>>
        %dma_start3A_270 = arith.constant 0 : i32
        %dma_start3A_271 = arith.constant 0 : i32
        %dma_start3A_272 = tpu.memref_slice %arg2[%dma_start3A_270, %dma_start3A_271] : memref<10240x64xf32, #tpu.memory_space<hbm>> -> memref<10240x64xf32, #tpu.memory_space<hbm>>
        tpu.enqueue_indirect_dma source(%dma_start3A_272 : memref<10240x64xf32, #tpu.memory_space<hbm>>) target(%arg9 : memref<128x64xf32, #tpu.memory_space<vmem>>) offsets(%dma_start3A_269 : memref<128xi32, #tpu.memory_space<vmem>>) semaphore(%arg16 : memref<!tpu.dma_semaphore, #tpu.memory_space<semaphore_mem>>)
      } else {
      }
      %dma_wait3A_222 = arith.constant 0 : i32
      %dma_wait3A_223 = arith.constant 0 : i32
      %dma_wait3A_224 = tpu.memref_slice %arg6[%dma_wait3A_222, %dma_wait3A_223] : memref<79x128xi32, #tpu.memory_space<vmem>> -> memref<1x128xi32, #tpu.memory_space<vmem>>
      %dma_wait3A_225 = tpu.memref_squeeze %dma_wait3A_224 : memref<1x128xi32, #tpu.memory_space<vmem>> -> memref<128xi32, #tpu.memory_space<vmem>>
      %dma_wait3A_226 = arith.constant 0 : i32
      %dma_wait3A_227 = arith.constant 0 : i32
      %dma_wait3A_228 = tpu.memref_slice %arg2[%dma_wait3A_226, %dma_wait3A_227] : memref<10240x64xf32, #tpu.memory_space<hbm>> -> memref<10240x64xf32, #tpu.memory_space<hbm>>
      tpu.wait_indirect_dma semaphore(%arg19 : memref<!tpu.dma_semaphore, #tpu.memory_space<semaphore_mem>>) src(%dma_wait3A_228 : memref<10240x64xf32, #tpu.memory_space<hbm>>) dst(%arg12 : memref<128x64xf32, #tpu.memory_space<vmem>>)
      %dma_start3A_229 = arith.constant 0 : i32
      %dma_start3A_230 = tpu.memref_slice %arg7[%add3A_209, %dma_start3A_229] : memref<79x128xi32, #tpu.memory_space<vmem>> -> memref<1x128xi32, #tpu.memory_space<vmem>>
      %dma_start3A_231 = tpu.memref_squeeze %dma_start3A_230 : memref<1x128xi32, #tpu.memory_space<vmem>> -> memref<128xi32, #tpu.memory_space<vmem>>
      %dma_start3A_232 = arith.constant 0 : i32
      %dma_start3A_233 = arith.constant 0 : i32
      %dma_start3A_234 = tpu.memref_slice %arg14[%dma_start3A_232, %dma_start3A_233] : memref<10240x64xf32, #tpu.memory_space<vmem_shared>> -> memref<10240x64xf32, #tpu.memory_space<vmem_shared>>
      tpu.enqueue_indirect_dma source(%arg12 : memref<128x64xf32, #tpu.memory_space<vmem>>) target(%dma_start3A_234 : memref<10240x64xf32, #tpu.memory_space<vmem_shared>>) offsets(%dma_start3A_231 : memref<128xi32, #tpu.memory_space<vmem>>) semaphore(%arg25 : memref<!tpu.dma_semaphore, #tpu.memory_space<semaphore_mem>>) {add = true}
      %mul3A_235 = arith.constant 6 : i32
      %mul3A_236 = arith.muli %mul3A_235, %scan3A_92 : i32
      %add3A_237 = arith.constant 5 : i32
      %add3A_238 = arith.addi %mul3A_236, %add3A_237 : i32
      %ge3A_239 = arith.constant 3 : i32
      %ge3A_240 = arith.cmpi sge, %add3A_238, %ge3A_239 : i32
      %convert_element_type3A_241 = arith.extui %ge3A_240 : i1 to i32
      %cond3A_242 = arith.constant 0 : i32
      %cond3A_243 = arith.cmpi ne, %convert_element_type3A_241, %cond3A_242 : i32
      scf.if %cond3A_243 {
        %dma_wait3A_265 = arith.constant 0 : i32
        %dma_wait3A_266 = arith.constant 0 : i32
        %dma_wait3A_267 = tpu.memref_slice %arg7[%dma_wait3A_265, %dma_wait3A_266] : memref<79x128xi32, #tpu.memory_space<vmem>> -> memref<1x128xi32, #tpu.memory_space<vmem>>
        %dma_wait3A_268 = tpu.memref_squeeze %dma_wait3A_267 : memref<1x128xi32, #tpu.memory_space<vmem>> -> memref<128xi32, #tpu.memory_space<vmem>>
        %dma_wait3A_269 = arith.constant 0 : i32
        %dma_wait3A_270 = arith.constant 0 : i32
        %dma_wait3A_271 = tpu.memref_slice %arg14[%dma_wait3A_269, %dma_wait3A_270] : memref<10240x64xf32, #tpu.memory_space<vmem_shared>> -> memref<10240x64xf32, #tpu.memory_space<vmem_shared>>
        tpu.wait_indirect_dma semaphore(%arg23 : memref<!tpu.dma_semaphore, #tpu.memory_space<semaphore_mem>>) src(%arg10 : memref<128x64xf32, #tpu.memory_space<vmem>>) dst(%dma_wait3A_271 : memref<10240x64xf32, #tpu.memory_space<vmem_shared>>)
      } else {
      }
      %add3A_244 = arith.constant 3 : i32
      %add3A_245 = arith.addi %add3A_238, %add3A_244 : i32
      %lt3A_246 = arith.constant 79 : i32
      %lt3A_247 = arith.cmpi slt, %add3A_245, %lt3A_246 : i32
      %convert_element_type3A_248 = arith.extui %lt3A_247 : i1 to i32
      %cond3A_249 = arith.constant 0 : i32
      %cond3A_250 = arith.cmpi ne, %convert_element_type3A_248, %cond3A_249 : i32
      scf.if %cond3A_250 {
        %add3A_265 = arith.constant 3 : i32
        %add3A_266 = arith.addi %add3A_238, %add3A_265 : i32
        %dma_start3A_267 = arith.constant 0 : i32
        %dma_start3A_268 = tpu.memref_slice %arg6[%add3A_266, %dma_start3A_267] : memref<79x128xi32, #tpu.memory_space<vmem>> -> memref<1x128xi32, #tpu.memory_space<vmem>>
        %dma_start3A_269 = tpu.memref_squeeze %dma_start3A_268 : memref<1x128xi32, #tpu.memory_space<vmem>> -> memref<128xi32, #tpu.memory_space<vmem>>
        %dma_start3A_270 = arith.constant 0 : i32
        %dma_start3A_271 = arith.constant 0 : i32
        %dma_start3A_272 = tpu.memref_slice %arg2[%dma_start3A_270, %dma_start3A_271] : memref<10240x64xf32, #tpu.memory_space<hbm>> -> memref<10240x64xf32, #tpu.memory_space<hbm>>
        tpu.enqueue_indirect_dma source(%dma_start3A_272 : memref<10240x64xf32, #tpu.memory_space<hbm>>) target(%arg10 : memref<128x64xf32, #tpu.memory_space<vmem>>) offsets(%dma_start3A_269 : memref<128xi32, #tpu.memory_space<vmem>>) semaphore(%arg17 : memref<!tpu.dma_semaphore, #tpu.memory_space<semaphore_mem>>)
      } else {
      }
      %dma_wait3A_251 = arith.constant 0 : i32
      %dma_wait3A_252 = arith.constant 0 : i32
      %dma_wait3A_253 = tpu.memref_slice %arg6[%dma_wait3A_251, %dma_wait3A_252] : memref<79x128xi32, #tpu.memory_space<vmem>> -> memref<1x128xi32, #tpu.memory_space<vmem>>
      %dma_wait3A_254 = tpu.memref_squeeze %dma_wait3A_253 : memref<1x128xi32, #tpu.memory_space<vmem>> -> memref<128xi32, #tpu.memory_space<vmem>>
      %dma_wait3A_255 = arith.constant 0 : i32
      %dma_wait3A_256 = arith.constant 0 : i32
      %dma_wait3A_257 = tpu.memref_slice %arg2[%dma_wait3A_255, %dma_wait3A_256] : memref<10240x64xf32, #tpu.memory_space<hbm>> -> memref<10240x64xf32, #tpu.memory_space<hbm>>
      tpu.wait_indirect_dma semaphore(%arg20 : memref<!tpu.dma_semaphore, #tpu.memory_space<semaphore_mem>>) src(%dma_wait3A_257 : memref<10240x64xf32, #tpu.memory_space<hbm>>) dst(%arg13 : memref<128x64xf32, #tpu.memory_space<vmem>>)
      %dma_start3A_258 = arith.constant 0 : i32
      %dma_start3A_259 = tpu.memref_slice %arg7[%add3A_238, %dma_start3A_258] : memref<79x128xi32, #tpu.memory_space<vmem>> -> memref<1x128xi32, #tpu.memory_space<vmem>>
      %dma_start3A_260 = tpu.memref_squeeze %dma_start3A_259 : memref<1x128xi32, #tpu.memory_space<vmem>> -> memref<128xi32, #tpu.memory_space<vmem>>
      %dma_start3A_261 = arith.constant 0 : i32
      %dma_start3A_262 = arith.constant 0 : i32
      %dma_start3A_263 = tpu.memref_slice %arg14[%dma_start3A_261, %dma_start3A_262] : memref<10240x64xf32, #tpu.memory_space<vmem_shared>> -> memref<10240x64xf32, #tpu.memory_space<vmem_shared>>
      tpu.enqueue_indirect_dma source(%arg13 : memref<128x64xf32, #tpu.memory_space<vmem>>) target(%dma_start3A_263 : memref<10240x64xf32, #tpu.memory_space<vmem_shared>>) offsets(%dma_start3A_260 : memref<128xi32, #tpu.memory_space<vmem>>) semaphore(%arg26 : memref<!tpu.dma_semaphore, #tpu.memory_space<semaphore_mem>>) {add = true}
      %scan3A_264 = arith.constant 0 : i32
      scf.yield %scan3A_264 : i32
    }
    %scan3A_42 = arith.constant 13 : i32
    %dma_wait3A = arith.constant 0 : i32
    %dma_wait3A_43 = arith.constant 0 : i32
    %dma_wait3A_44 = tpu.memref_slice %arg7[%dma_wait3A, %dma_wait3A_43] : memref<79x128xi32, #tpu.memory_space<vmem>> -> memref<1x128xi32, #tpu.memory_space<vmem>>
    %dma_wait3A_45 = tpu.memref_squeeze %dma_wait3A_44 : memref<1x128xi32, #tpu.memory_space<vmem>> -> memref<128xi32, #tpu.memory_space<vmem>>
    %dma_wait3A_46 = arith.constant 0 : i32
    %dma_wait3A_47 = arith.constant 0 : i32
    %dma_wait3A_48 = tpu.memref_slice %arg14[%dma_wait3A_46, %dma_wait3A_47] : memref<10240x64xf32, #tpu.memory_space<vmem_shared>> -> memref<10240x64xf32, #tpu.memory_space<vmem_shared>>
    tpu.wait_indirect_dma semaphore(%arg24 : memref<!tpu.dma_semaphore, #tpu.memory_space<semaphore_mem>>) src(%arg11 : memref<128x64xf32, #tpu.memory_space<vmem>>) dst(%dma_wait3A_48 : memref<10240x64xf32, #tpu.memory_space<vmem_shared>>)
    %dma_wait3A_49 = arith.constant 0 : i32
    %dma_wait3A_50 = arith.constant 0 : i32
    %dma_wait3A_51 = tpu.memref_slice %arg6[%dma_wait3A_49, %dma_wait3A_50] : memref<79x128xi32, #tpu.memory_space<vmem>> -> memref<1x128xi32, #tpu.memory_space<vmem>>
    %dma_wait3A_52 = tpu.memref_squeeze %dma_wait3A_51 : memref<1x128xi32, #tpu.memory_space<vmem>> -> memref<128xi32, #tpu.memory_space<vmem>>
    %dma_wait3A_53 = arith.constant 0 : i32
    %dma_wait3A_54 = arith.constant 0 : i32
    %dma_wait3A_55 = tpu.memref_slice %arg2[%dma_wait3A_53, %dma_wait3A_54] : memref<10240x64xf32, #tpu.memory_space<hbm>> -> memref<10240x64xf32, #tpu.memory_space<hbm>>
    tpu.wait_indirect_dma semaphore(%arg15 : memref<!tpu.dma_semaphore, #tpu.memory_space<semaphore_mem>>) src(%dma_wait3A_55 : memref<10240x64xf32, #tpu.memory_space<hbm>>) dst(%arg8 : memref<128x64xf32, #tpu.memory_space<vmem>>)
    %dma_start3A_56 = arith.constant 78 : i32
    %dma_start3A_57 = arith.constant 0 : i32
    %dma_start3A_58 = tpu.memref_slice %arg7[%dma_start3A_56, %dma_start3A_57] : memref<79x128xi32, #tpu.memory_space<vmem>> -> memref<1x128xi32, #tpu.memory_space<vmem>>
    %dma_start3A_59 = tpu.memref_squeeze %dma_start3A_58 : memref<1x128xi32, #tpu.memory_space<vmem>> -> memref<128xi32, #tpu.memory_space<vmem>>
    %dma_start3A_60 = arith.constant 0 : i32
    %dma_start3A_61 = arith.constant 0 : i32
    %dma_start3A_62 = tpu.memref_slice %arg14[%dma_start3A_60, %dma_start3A_61] : memref<10240x64xf32, #tpu.memory_space<vmem_shared>> -> memref<10240x64xf32, #tpu.memory_space<vmem_shared>>
    tpu.enqueue_indirect_dma source(%arg8 : memref<128x64xf32, #tpu.memory_space<vmem>>) target(%dma_start3A_62 : memref<10240x64xf32, #tpu.memory_space<vmem_shared>>) offsets(%dma_start3A_59 : memref<128xi32, #tpu.memory_space<vmem>>) semaphore(%arg21 : memref<!tpu.dma_semaphore, #tpu.memory_space<semaphore_mem>>) {add = true}
    %dma_wait3A_63 = arith.constant 0 : i32
    %dma_wait3A_64 = arith.constant 0 : i32
    %dma_wait3A_65 = tpu.memref_slice %arg7[%dma_wait3A_63, %dma_wait3A_64] : memref<79x128xi32, #tpu.memory_space<vmem>> -> memref<1x128xi32, #tpu.memory_space<vmem>>
    %dma_wait3A_66 = tpu.memref_squeeze %dma_wait3A_65 : memref<1x128xi32, #tpu.memory_space<vmem>> -> memref<128xi32, #tpu.memory_space<vmem>>
    %dma_wait3A_67 = arith.constant 0 : i32
    %dma_wait3A_68 = arith.constant 0 : i32
    %dma_wait3A_69 = tpu.memref_slice %arg14[%dma_wait3A_67, %dma_wait3A_68] : memref<10240x64xf32, #tpu.memory_space<vmem_shared>> -> memref<10240x64xf32, #tpu.memory_space<vmem_shared>>
    tpu.wait_indirect_dma semaphore(%arg25 : memref<!tpu.dma_semaphore, #tpu.memory_space<semaphore_mem>>) src(%arg12 : memref<128x64xf32, #tpu.memory_space<vmem>>) dst(%dma_wait3A_69 : memref<10240x64xf32, #tpu.memory_space<vmem_shared>>)
    %dma_wait3A_70 = arith.constant 0 : i32
    %dma_wait3A_71 = arith.constant 0 : i32
    %dma_wait3A_72 = tpu.memref_slice %arg7[%dma_wait3A_70, %dma_wait3A_71] : memref<79x128xi32, #tpu.memory_space<vmem>> -> memref<1x128xi32, #tpu.memory_space<vmem>>
    %dma_wait3A_73 = tpu.memref_squeeze %dma_wait3A_72 : memref<1x128xi32, #tpu.memory_space<vmem>> -> memref<128xi32, #tpu.memory_space<vmem>>
    %dma_wait3A_74 = arith.constant 0 : i32
    %dma_wait3A_75 = arith.constant 0 : i32
    %dma_wait3A_76 = tpu.memref_slice %arg14[%dma_wait3A_74, %dma_wait3A_75] : memref<10240x64xf32, #tpu.memory_space<vmem_shared>> -> memref<10240x64xf32, #tpu.memory_space<vmem_shared>>
    tpu.wait_indirect_dma semaphore(%arg26 : memref<!tpu.dma_semaphore, #tpu.memory_space<semaphore_mem>>) src(%arg13 : memref<128x64xf32, #tpu.memory_space<vmem>>) dst(%dma_wait3A_76 : memref<10240x64xf32, #tpu.memory_space<vmem_shared>>)
    %dma_wait3A_77 = arith.constant 0 : i32
    %dma_wait3A_78 = arith.constant 0 : i32
    %dma_wait3A_79 = tpu.memref_slice %arg7[%dma_wait3A_77, %dma_wait3A_78] : memref<79x128xi32, #tpu.memory_space<vmem>> -> memref<1x128xi32, #tpu.memory_space<vmem>>
    %dma_wait3A_80 = tpu.memref_squeeze %dma_wait3A_79 : memref<1x128xi32, #tpu.memory_space<vmem>> -> memref<128xi32, #tpu.memory_space<vmem>>
    %dma_wait3A_81 = arith.constant 0 : i32
    %dma_wait3A_82 = arith.constant 0 : i32
    %dma_wait3A_83 = tpu.memref_slice %arg14[%dma_wait3A_81, %dma_wait3A_82] : memref<10240x64xf32, #tpu.memory_space<vmem_shared>> -> memref<10240x64xf32, #tpu.memory_space<vmem_shared>>
    tpu.wait_indirect_dma semaphore(%arg21 : memref<!tpu.dma_semaphore, #tpu.memory_space<semaphore_mem>>) src(%arg8 : memref<128x64xf32, #tpu.memory_space<vmem>>) dst(%dma_wait3A_83 : memref<10240x64xf32, #tpu.memory_space<vmem_shared>>)
    %barrier3A_84 = arith.constant 0 : index
    tpu.barrier barrier_id(%barrier3A_84)
    %scan3A_85 = arith.constant 0 : i32
    %scan3A_86 = arith.constant 0 : i32
    %scan3A_87 = arith.constant 8 : i32
    %scan3A_88 = arith.addi %scan3A_86, %scan3A_87 : i32
    %scan3A_89 = arith.constant 1 : i32
    %scan3A_90 = scf.for %scan3A_92 = %scan3A_86 to %scan3A_88 step %scan3A_89 iter_args(%scan3A_93 = %scan3A_85) -> (i32)  : i32 {
      %mul3A_94 = arith.constant 80 : i32
      %mul3A_95 = arith.muli %scan3A_92, %mul3A_94 : i32
      %add3A_96 = arith.addi %mul3A_2, %mul3A_95 : i32
      "tpu.region"() ({
        %run_scoped3A = tpu.sem_alloc : memref<!tpu.dma_semaphore, #tpu.memory_space<semaphore_mem>>
        %dma_start3A_98 = arith.constant 0 : i32
        %dma_start3A_99 = tpu.memref_slice %arg5[%arg0, %add3A_96, %dma_start3A_98] : memref<2x10240x64xf32, #tpu.memory_space<hbm>> -> memref<1x80x64xf32, #tpu.memory_space<hbm>>
        %dma_start3A_100 = tpu.memref_squeeze %dma_start3A_99 : memref<1x80x64xf32, #tpu.memory_space<hbm>> -> memref<80x64xf32, #tpu.memory_space<hbm>>
        %dma_start3A_101 = arith.constant 0 : i32
        %dma_start3A_102 = tpu.memref_slice %arg14[%add3A_96, %dma_start3A_101] : memref<10240x64xf32, #tpu.memory_space<vmem_shared>> -> memref<80x64xf32, #tpu.memory_space<vmem_shared>>
        tpu.enqueue_dma source(%dma_start3A_102 : memref<80x64xf32, #tpu.memory_space<vmem_shared>>) target(%dma_start3A_100 : memref<80x64xf32, #tpu.memory_space<hbm>>) target_semaphore(%run_scoped3A : memref<!tpu.dma_semaphore, #tpu.memory_space<semaphore_mem>>)
        %dma_wait3A_103 = arith.constant 0 : i32
        %dma_wait3A_104 = tpu.memref_slice %arg5[%arg0, %add3A_96, %dma_wait3A_103] : memref<2x10240x64xf32, #tpu.memory_space<hbm>> -> memref<1x80x64xf32, #tpu.memory_space<hbm>>
        %dma_wait3A_105 = tpu.memref_squeeze %dma_wait3A_104 : memref<1x80x64xf32, #tpu.memory_space<hbm>> -> memref<80x64xf32, #tpu.memory_space<hbm>>
        %dma_wait3A_106 = arith.constant 0 : i32
        %dma_wait3A_107 = tpu.memref_slice %arg14[%add3A_96, %dma_wait3A_106] : memref<10240x64xf32, #tpu.memory_space<vmem_shared>> -> memref<80x64xf32, #tpu.memory_space<vmem_shared>>
        tpu.wait_dma2 semaphore(%run_scoped3A : memref<!tpu.dma_semaphore, #tpu.memory_space<semaphore_mem>>) src(%dma_wait3A_107 : memref<80x64xf32, #tpu.memory_space<vmem_shared>>) dst(%dma_wait3A_105 : memref<80x64xf32, #tpu.memory_space<hbm>>)
        tpu.yield
      }) : () -> ()
      %scan3A_97 = arith.constant 0 : i32
      scf.yield %scan3A_97 : i32
    }
    %scan3A_91 = arith.constant 8 : i32
    return
  }
}

#map = affine_map<(d0, d1) -> (0, 0)>
#map1 = affine_map<(d0, d1) -> (0, 0, 0)>
module attributes {stable_mosaic.version = 14 : i64} {
  func.func @_scatter(%arg0: i32, %arg1: i32, %arg2: memref<10240x64xf32, #tpu.memory_space<hbm>>, %arg3: memref<32x79x128xi32, #tpu.memory_space<hbm>>, %arg4: memref<32x79x128xi32, #tpu.memory_space<hbm>>, %arg5: memref<2x10240x64xf32, #tpu.memory_space<hbm>>, %arg6: memref<79x128xi32, #tpu.memory_space<vmem>>, %arg7: memref<79x128xi32, #tpu.memory_space<vmem>>, %arg8: memref<128x64xf32, #tpu.memory_space<vmem>>, %arg9: memref<128x64xf32, #tpu.memory_space<vmem>>, %arg10: memref<128x64xf32, #tpu.memory_space<vmem>>, %arg11: memref<128x64xf32, #tpu.memory_space<vmem>>, %arg12: memref<128x64xf32, #tpu.memory_space<vmem>>, %arg13: memref<128x64xf32, #tpu.memory_space<vmem>>, %arg14: memref<10240x64xf32, #tpu.memory_space<vmem_shared>>, %arg15: memref<!tpu.dma_semaphore, #tpu.memory_space<semaphore_mem>>, %arg16: memref<!tpu.dma_semaphore, #tpu.memory_space<semaphore_mem>>, %arg17: memref<!tpu.dma_semaphore, #tpu.memory_space<semaphore_mem>>, %arg18: memref<!tpu.dma_semaphore, #tpu.memory_space<semaphore_mem>>, %arg19: memref<!tpu.dma_semaphore, #tpu.memory_space<semaphore_mem>>, %arg20: memref<!tpu.dma_semaphore, #tpu.memory_space<semaphore_mem>>, %arg21: memref<!tpu.dma_semaphore, #tpu.memory_space<semaphore_mem>>, %arg22: memref<!tpu.dma_semaphore, #tpu.memory_space<semaphore_mem>>, %arg23: memref<!tpu.dma_semaphore, #tpu.memory_space<semaphore_mem>>, %arg24: memref<!tpu.dma_semaphore, #tpu.memory_space<semaphore_mem>>, %arg25: memref<!tpu.dma_semaphore, #tpu.memory_space<semaphore_mem>>, %arg26: memref<!tpu.dma_semaphore, #tpu.memory_space<semaphore_mem>>) attributes {dimension_semantics = [#tpu.dimension_semantics<core_parallel>, #tpu.dimension_semantics<subcore_parallel>], iteration_bounds = array<i64: 2, 16>, scalar_prefetch = 0 : i64, scratch_operands = 21 : i64, tpu.core_type = #tpu.core_type<sc_vector_subcore>, window_params = [{transform_indices = #map}, {transform_indices = #map1}, {transform_indices = #map1}, {transform_indices = #map1}]} {
    %mul3A = arith.constant 2 : i32
    %mul3A_0 = arith.muli %arg1, %mul3A : i32
    %add3A = arith.addi %mul3A_0, %arg0 : i32
    "tpu.region"() ({
      %run_scoped3A = tpu.sem_alloc : memref<!tpu.dma_semaphore, #tpu.memory_space<semaphore_mem>>
      %dma_start3A_92 = arith.constant 0 : i32
      %dma_start3A_93 = arith.constant 0 : i32
      %dma_start3A_94 = tpu.memref_slice %arg3[%add3A, %dma_start3A_92, %dma_start3A_93] : memref<32x79x128xi32, #tpu.memory_space<hbm>> -> memref<1x79x128xi32, #tpu.memory_space<hbm>>
      %dma_start3A_95 = tpu.memref_squeeze %dma_start3A_94 : memref<1x79x128xi32, #tpu.memory_space<hbm>> -> memref<79x128xi32, #tpu.memory_space<hbm>>
      %dma_start3A_96 = arith.constant 0 : i32
      %dma_start3A_97 = arith.constant 0 : i32
      %dma_start3A_98 = tpu.memref_slice %arg3[%add3A, %dma_start3A_96, %dma_start3A_97] : memref<32x79x128xi32, #tpu.memory_space<hbm>> -> memref<1x79x128xi32, #tpu.memory_space<hbm>>
      %dma_start3A_99 = tpu.memref_squeeze %dma_start3A_98 : memref<1x79x128xi32, #tpu.memory_space<hbm>> -> memref<79x128xi32, #tpu.memory_space<hbm>>
      tpu.enqueue_dma source(%dma_start3A_99 : memref<79x128xi32, #tpu.memory_space<hbm>>) target(%arg6 : memref<79x128xi32, #tpu.memory_space<vmem>>) target_semaphore(%run_scoped3A : memref<!tpu.dma_semaphore, #tpu.memory_space<semaphore_mem>>)
      %dma_wait3A_100 = arith.constant 0 : i32
      %dma_wait3A_101 = arith.constant 0 : i32
      %dma_wait3A_102 = tpu.memref_slice %arg3[%add3A, %dma_wait3A_100, %dma_wait3A_101] : memref<32x79x128xi32, #tpu.memory_space<hbm>> -> memref<1x79x128xi32, #tpu.memory_space<hbm>>
      %dma_wait3A_103 = tpu.memref_squeeze %dma_wait3A_102 : memref<1x79x128xi32, #tpu.memory_space<hbm>> -> memref<79x128xi32, #tpu.memory_space<hbm>>
      %dma_wait3A_104 = arith.constant 0 : i32
      %dma_wait3A_105 = arith.constant 0 : i32
      %dma_wait3A_106 = tpu.memref_slice %arg3[%add3A, %dma_wait3A_104, %dma_wait3A_105] : memref<32x79x128xi32, #tpu.memory_space<hbm>> -> memref<1x79x128xi32, #tpu.memory_space<hbm>>
      %dma_wait3A_107 = tpu.memref_squeeze %dma_wait3A_106 : memref<1x79x128xi32, #tpu.memory_space<hbm>> -> memref<79x128xi32, #tpu.memory_space<hbm>>
      tpu.wait_dma2 semaphore(%run_scoped3A : memref<!tpu.dma_semaphore, #tpu.memory_space<semaphore_mem>>) src(%dma_wait3A_107 : memref<79x128xi32, #tpu.memory_space<hbm>>) dst(%arg6 : memref<79x128xi32, #tpu.memory_space<vmem>>)
      tpu.yield
    }) : () -> ()
    "tpu.region"() ({
      %run_scoped3A = tpu.sem_alloc : memref<!tpu.dma_semaphore, #tpu.memory_space<semaphore_mem>>
      %dma_start3A_92 = arith.constant 0 : i32
      %dma_start3A_93 = arith.constant 0 : i32
      %dma_start3A_94 = tpu.memref_slice %arg4[%add3A, %dma_start3A_92, %dma_start3A_93] : memref<32x79x128xi32, #tpu.memory_space<hbm>> -> memref<1x79x128xi32, #tpu.memory_space<hbm>>
      %dma_start3A_95 = tpu.memref_squeeze %dma_start3A_94 : memref<1x79x128xi32, #tpu.memory_space<hbm>> -> memref<79x128xi32, #tpu.memory_space<hbm>>
      %dma_start3A_96 = arith.constant 0 : i32
      %dma_start3A_97 = arith.constant 0 : i32
      %dma_start3A_98 = tpu.memref_slice %arg4[%add3A, %dma_start3A_96, %dma_start3A_97] : memref<32x79x128xi32, #tpu.memory_space<hbm>> -> memref<1x79x128xi32, #tpu.memory_space<hbm>>
      %dma_start3A_99 = tpu.memref_squeeze %dma_start3A_98 : memref<1x79x128xi32, #tpu.memory_space<hbm>> -> memref<79x128xi32, #tpu.memory_space<hbm>>
      tpu.enqueue_dma source(%dma_start3A_99 : memref<79x128xi32, #tpu.memory_space<hbm>>) target(%arg7 : memref<79x128xi32, #tpu.memory_space<vmem>>) target_semaphore(%run_scoped3A : memref<!tpu.dma_semaphore, #tpu.memory_space<semaphore_mem>>)
      %dma_wait3A_100 = arith.constant 0 : i32
      %dma_wait3A_101 = arith.constant 0 : i32
      %dma_wait3A_102 = tpu.memref_slice %arg4[%add3A, %dma_wait3A_100, %dma_wait3A_101] : memref<32x79x128xi32, #tpu.memory_space<hbm>> -> memref<1x79x128xi32, #tpu.memory_space<hbm>>
      %dma_wait3A_103 = tpu.memref_squeeze %dma_wait3A_102 : memref<1x79x128xi32, #tpu.memory_space<hbm>> -> memref<79x128xi32, #tpu.memory_space<hbm>>
      %dma_wait3A_104 = arith.constant 0 : i32
      %dma_wait3A_105 = arith.constant 0 : i32
      %dma_wait3A_106 = tpu.memref_slice %arg4[%add3A, %dma_wait3A_104, %dma_wait3A_105] : memref<32x79x128xi32, #tpu.memory_space<hbm>> -> memref<1x79x128xi32, #tpu.memory_space<hbm>>
      %dma_wait3A_107 = tpu.memref_squeeze %dma_wait3A_106 : memref<1x79x128xi32, #tpu.memory_space<hbm>> -> memref<79x128xi32, #tpu.memory_space<hbm>>
      tpu.wait_dma2 semaphore(%run_scoped3A : memref<!tpu.dma_semaphore, #tpu.memory_space<semaphore_mem>>) src(%dma_wait3A_107 : memref<79x128xi32, #tpu.memory_space<hbm>>) dst(%arg7 : memref<79x128xi32, #tpu.memory_space<vmem>>)
      tpu.yield
    }) : () -> ()
    %mul3A_1 = arith.constant 640 : i32
    %mul3A_2 = arith.muli %arg1, %mul3A_1 : i32
    %scan3A = arith.constant 0 : i32
    %scan3A_3 = arith.constant 0 : i32
    %scan3A_4 = arith.constant 128 : i32
    %scan3A_5 = arith.addi %scan3A_3, %scan3A_4 : i32
    %scan3A_6 = arith.constant 1 : i32
    %scan3A_7 = scf.for %scan3A_92 = %scan3A_3 to %scan3A_5 step %scan3A_6 iter_args(%scan3A_93 = %scan3A) -> (i32)  : i32 {
      %broadcast_in_dim3A = arith.constant 0.000000e+00 : f32
      %broadcast_in_dim3A_94 = vector.broadcast %broadcast_in_dim3A : f32 to vector<16xf32>
      %swap3A = arith.index_cast %scan3A_92 : i32 to index
      %swap3A_95 = arith.constant 0 : index
      %swap3A_96 = tpu.vector_load %arg8[%swap3A, %swap3A_95] {strides = array<i32>} : memref<128x64xf32, #tpu.memory_space<vmem>>, vector<1x16xf32>,
      %swap3A_97 = vector.shape_cast %swap3A_96 : vector<1x16xf32> to vector<16xf32>
      %swap3A_98 = vector.shape_cast %broadcast_in_dim3A_94 : vector<16xf32> to vector<1x16xf32>
      tpu.vector_store %arg8[%swap3A, %swap3A_95], %swap3A_98 {strides = array<i32>} : memref<128x64xf32, #tpu.memory_space<vmem>>, vector<1x16xf32>,
      %broadcast_in_dim3A_99 = arith.constant 0.000000e+00 : f32
      %broadcast_in_dim3A_100 = vector.broadcast %broadcast_in_dim3A_99 : f32 to vector<16xf32>
      %swap3A_101 = arith.index_cast %scan3A_92 : i32 to index
      %swap3A_102 = arith.constant 16 : index
      %swap3A_103 = tpu.vector_load %arg8[%swap3A_101, %swap3A_102] {strides = array<i32>} : memref<128x64xf32, #tpu.memory_space<vmem>>, vector<1x16xf32>,
      %swap3A_104 = vector.shape_cast %swap3A_103 : vector<1x16xf32> to vector<16xf32>
      %swap3A_105 = vector.shape_cast %broadcast_in_dim3A_100 : vector<16xf32> to vector<1x16xf32>
      tpu.vector_store %arg8[%swap3A_101, %swap3A_102], %swap3A_105 {strides = array<i32>} : memref<128x64xf32, #tpu.memory_space<vmem>>, vector<1x16xf32>,
      %broadcast_in_dim3A_106 = arith.constant 0.000000e+00 : f32
      %broadcast_in_dim3A_107 = vector.broadcast %broadcast_in_dim3A_106 : f32 to vector<16xf32>
      %swap3A_108 = arith.index_cast %scan3A_92 : i32 to index
      %swap3A_109 = arith.constant 32 : index
      %swap3A_110 = tpu.vector_load %arg8[%swap3A_108, %swap3A_109] {strides = array<i32>} : memref<128x64xf32, #tpu.memory_space<vmem>>, vector<1x16xf32>,
      %swap3A_111 = vector.shape_cast %swap3A_110 : vector<1x16xf32> to vector<16xf32>
      %swap3A_112 = vector.shape_cast %broadcast_in_dim3A_107 : vector<16xf32> to vector<1x16xf32>
      tpu.vector_store %arg8[%swap3A_108, %swap3A_109], %swap3A_112 {strides = array<i32>} : memref<128x64xf32, #tpu.memory_space<vmem>>, vector<1x16xf32>,
      %broadcast_in_dim3A_113 = arith.constant 0.000000e+00 : f32
      %broadcast_in_dim3A_114 = vector.broadcast %broadcast_in_dim3A_113 : f32 to vector<16xf32>
      %swap3A_115 = arith.index_cast %scan3A_92 : i32 to index
      %swap3A_116 = arith.constant 48 : index
      %swap3A_117 = tpu.vector_load %arg8[%swap3A_115, %swap3A_116] {strides = array<i32>} : memref<128x64xf32, #tpu.memory_space<vmem>>, vector<1x16xf32>,
      %swap3A_118 = vector.shape_cast %swap3A_117 : vector<1x16xf32> to vector<16xf32>
      %swap3A_119 = vector.shape_cast %broadcast_in_dim3A_114 : vector<16xf32> to vector<1x16xf32>
      tpu.vector_store %arg8[%swap3A_115, %swap3A_116], %swap3A_119 {strides = array<i32>} : memref<128x64xf32, #tpu.memory_space<vmem>>, vector<1x16xf32>,
      %scan3A_120 = arith.constant 0 : i32
      scf.yield %scan3A_120 : i32
    }
    %scan3A_8 = arith.constant 128 : i32
    %scan3A_9 = arith.constant 0 : i32
    %scan3A_10 = arith.constant 0 : i32
    %scan3A_11 = arith.constant 5 : i32
    %scan3A_12 = arith.addi %scan3A_10, %scan3A_11 : i32
    %scan3A_13 = arith.constant 1 : i32
    %scan3A_14 = scf.for %scan3A_92 = %scan3A_10 to %scan3A_12 step %scan3A_13 iter_args(%scan3A_93 = %scan3A_9) -> (i32)  : i32 {
      %mul3A_94 = arith.constant 128 : i32
      %mul3A_95 = arith.muli %scan3A_92, %mul3A_94 : i32
      %add3A_96 = arith.addi %mul3A_2, %mul3A_95 : i32
      "tpu.region"() ({
        %run_scoped3A = tpu.sem_alloc : memref<!tpu.dma_semaphore, #tpu.memory_space<semaphore_mem>>
        %dma_start3A_98 = arith.constant 0 : i32
        %dma_start3A_99 = tpu.memref_slice %arg14[%add3A_96, %dma_start3A_98] : memref<10240x64xf32, #tpu.memory_space<vmem_shared>> -> memref<128x64xf32, #tpu.memory_space<vmem_shared>>
        %dma_start3A_100 = arith.constant 0 : i32
        %dma_start3A_101 = tpu.memref_slice %arg14[%add3A_96, %dma_start3A_100] : memref<10240x64xf32, #tpu.memory_space<vmem_shared>> -> memref<128x64xf32, #tpu.memory_space<vmem_shared>>
        tpu.enqueue_dma source(%arg8 : memref<128x64xf32, #tpu.memory_space<vmem>>) target(%dma_start3A_101 : memref<128x64xf32, #tpu.memory_space<vmem_shared>>) target_semaphore(%run_scoped3A : memref<!tpu.dma_semaphore, #tpu.memory_space<semaphore_mem>>)
        %dma_wait3A_102 = arith.constant 0 : i32
        %dma_wait3A_103 = tpu.memref_slice %arg14[%add3A_96, %dma_wait3A_102] : memref<10240x64xf32, #tpu.memory_space<vmem_shared>> -> memref<128x64xf32, #tpu.memory_space<vmem_shared>>
        %dma_wait3A_104 = arith.constant 0 : i32
        %dma_wait3A_105 = tpu.memref_slice %arg14[%add3A_96, %dma_wait3A_104] : memref<10240x64xf32, #tpu.memory_space<vmem_shared>> -> memref<128x64xf32, #tpu.memory_space<vmem_shared>>
        tpu.wait_dma2 semaphore(%run_scoped3A : memref<!tpu.dma_semaphore, #tpu.memory_space<semaphore_mem>>) src(%arg8 : memref<128x64xf32, #tpu.memory_space<vmem>>) dst(%dma_wait3A_105 : memref<128x64xf32, #tpu.memory_space<vmem_shared>>)
        tpu.yield
      }) : () -> ()
      %scan3A_97 = arith.constant 0 : i32
      scf.yield %scan3A_97 : i32
    }
    %scan3A_15 = arith.constant 5 : i32
    %barrier3A = arith.constant 0 : index
    tpu.barrier barrier_id(%barrier3A)
    %dma_start3A = arith.constant 0 : i32
    %dma_start3A_16 = arith.constant 0 : i32
    %dma_start3A_17 = tpu.memref_slice %arg6[%dma_start3A, %dma_start3A_16] : memref<79x128xi32, #tpu.memory_space<vmem>> -> memref<1x128xi32, #tpu.memory_space<vmem>>
    %dma_start3A_18 = tpu.memref_squeeze %dma_start3A_17 : memref<1x128xi32, #tpu.memory_space<vmem>> -> memref<128xi32, #tpu.memory_space<vmem>>
    %dma_start3A_19 = arith.constant 0 : i32
    %dma_start3A_20 = arith.constant 0 : i32
    %dma_start3A_21 = tpu.memref_slice %arg2[%dma_start3A_19, %dma_start3A_20] : memref<10240x64xf32, #tpu.memory_space<hbm>> -> memref<10240x64xf32, #tpu.memory_space<hbm>>
    tpu.enqueue_indirect_dma source(%dma_start3A_21 : memref<10240x64xf32, #tpu.memory_space<hbm>>) target(%arg8 : memref<128x64xf32, #tpu.memory_space<vmem>>) offsets(%dma_start3A_18 : memref<128xi32, #tpu.memory_space<vmem>>) semaphore(%arg15 : memref<!tpu.dma_semaphore, #tpu.memory_space<semaphore_mem>>)
    %dma_start3A_22 = arith.constant 1 : i32
    %dma_start3A_23 = arith.constant 0 : i32
    %dma_start3A_24 = tpu.memref_slice %arg6[%dma_start3A_22, %dma_start3A_23] : memref<79x128xi32, #tpu.memory_space<vmem>> -> memref<1x128xi32, #tpu.memory_space<vmem>>
    %dma_start3A_25 = tpu.memref_squeeze %dma_start3A_24 : memref<1x128xi32, #tpu.memory_space<vmem>> -> memref<128xi32, #tpu.memory_space<vmem>>
    %dma_start3A_26 = arith.constant 0 : i32
    %dma_start3A_27 = arith.constant 0 : i32
    %dma_start3A_28 = tpu.memref_slice %arg2[%dma_start3A_26, %dma_start3A_27] : memref<10240x64xf32, #tpu.memory_space<hbm>> -> memref<10240x64xf32, #tpu.memory_space<hbm>>
    tpu.enqueue_indirect_dma source(%dma_start3A_28 : memref<10240x64xf32, #tpu.memory_space<hbm>>) target(%arg9 : memref<128x64xf32, #tpu.memory_space<vmem>>) offsets(%dma_start3A_25 : memref<128xi32, #tpu.memory_space<vmem>>) semaphore(%arg16 : memref<!tpu.dma_semaphore, #tpu.memory_space<semaphore_mem>>)
    %dma_start3A_29 = arith.constant 2 : i32
    %dma_start3A_30 = arith.constant 0 : i32
    %dma_start3A_31 = tpu.memref_slice %arg6[%dma_start3A_29, %dma_start3A_30] : memref<79x128xi32, #tpu.memory_space<vmem>> -> memref<1x128xi32, #tpu.memory_space<vmem>>
    %dma_start3A_32 = tpu.memref_squeeze %dma_start3A_31 : memref<1x128xi32, #tpu.memory_space<vmem>> -> memref<128xi32, #tpu.memory_space<vmem>>
    %dma_start3A_33 = arith.constant 0 : i32
    %dma_start3A_34 = arith.constant 0 : i32
    %dma_start3A_35 = tpu.memref_slice %arg2[%dma_start3A_33, %dma_start3A_34] : memref<10240x64xf32, #tpu.memory_space<hbm>> -> memref<10240x64xf32, #tpu.memory_space<hbm>>
    tpu.enqueue_indirect_dma source(%dma_start3A_35 : memref<10240x64xf32, #tpu.memory_space<hbm>>) target(%arg10 : memref<128x64xf32, #tpu.memory_space<vmem>>) offsets(%dma_start3A_32 : memref<128xi32, #tpu.memory_space<vmem>>) semaphore(%arg17 : memref<!tpu.dma_semaphore, #tpu.memory_space<semaphore_mem>>)
    %scan3A_36 = arith.constant 0 : i32
    %scan3A_37 = arith.constant 0 : i32
    %scan3A_38 = arith.constant 13 : i32
    %scan3A_39 = arith.addi %scan3A_37, %scan3A_38 : i32
    %scan3A_40 = arith.constant 1 : i32
    %scan3A_41 = scf.for %scan3A_92 = %scan3A_37 to %scan3A_39 step %scan3A_40 iter_args(%scan3A_93 = %scan3A_36) -> (i32)  : i32 {
      %mul3A_94 = arith.constant 6 : i32
      %mul3A_95 = arith.muli %mul3A_94, %scan3A_92 : i32
      %add3A_96 = arith.constant 0 : i32
      %add3A_97 = arith.addi %mul3A_95, %add3A_96 : i32
      %ge3A = arith.constant 3 : i32
      %ge3A_98 = arith.cmpi sge, %add3A_97, %ge3A : i32
      %convert_element_type3A = arith.extui %ge3A_98 : i1 to i32
      %cond3A = arith.constant 0 : i32
      %cond3A_99 = arith.cmpi ne, %convert_element_type3A, %cond3A : i32
      scf.if %cond3A_99 {
        %dma_wait3A_265 = arith.constant 0 : i32
        %dma_wait3A_266 = arith.constant 0 : i32
        %dma_wait3A_267 = tpu.memref_slice %arg7[%dma_wait3A_265, %dma_wait3A_266] : memref<79x128xi32, #tpu.memory_space<vmem>> -> memref<1x128xi32, #tpu.memory_space<vmem>>
        %dma_wait3A_268 = tpu.memref_squeeze %dma_wait3A_267 : memref<1x128xi32, #tpu.memory_space<vmem>> -> memref<128xi32, #tpu.memory_space<vmem>>
        %dma_wait3A_269 = arith.constant 0 : i32
        %dma_wait3A_270 = arith.constant 0 : i32
        %dma_wait3A_271 = tpu.memref_slice %arg14[%dma_wait3A_269, %dma_wait3A_270] : memref<10240x64xf32, #tpu.memory_space<vmem_shared>> -> memref<10240x64xf32, #tpu.memory_space<vmem_shared>>
        tpu.wait_indirect_dma semaphore(%arg24 : memref<!tpu.dma_semaphore, #tpu.memory_space<semaphore_mem>>) src(%arg11 : memref<128x64xf32, #tpu.memory_space<vmem>>) dst(%dma_wait3A_271 : memref<10240x64xf32, #tpu.memory_space<vmem_shared>>)
      } else {
      }
      %add3A_100 = arith.constant 3 : i32
      %add3A_101 = arith.addi %add3A_97, %add3A_100 : i32
      %lt3A = arith.constant 79 : i32
      %lt3A_102 = arith.cmpi slt, %add3A_101, %lt3A : i32
      %convert_element_type3A_103 = arith.extui %lt3A_102 : i1 to i32
      %cond3A_104 = arith.constant 0 : i32
      %cond3A_105 = arith.cmpi ne, %convert_element_type3A_103, %cond3A_104 : i32
      scf.if %cond3A_105 {
        %add3A_265 = arith.constant 3 : i32
        %add3A_266 = arith.addi %add3A_97, %add3A_265 : i32
        %dma_start3A_267 = arith.constant 0 : i32
        %dma_start3A_268 = tpu.memref_slice %arg6[%add3A_266, %dma_start3A_267] : memref<79x128xi32, #tpu.memory_space<vmem>> -> memref<1x128xi32, #tpu.memory_space<vmem>>
        %dma_start3A_269 = tpu.memref_squeeze %dma_start3A_268 : memref<1x128xi32, #tpu.memory_space<vmem>> -> memref<128xi32, #tpu.memory_space<vmem>>
        %dma_start3A_270 = arith.constant 0 : i32
        %dma_start3A_271 = arith.constant 0 : i32
        %dma_start3A_272 = tpu.memref_slice %arg2[%dma_start3A_270, %dma_start3A_271] : memref<10240x64xf32, #tpu.memory_space<hbm>> -> memref<10240x64xf32, #tpu.memory_space<hbm>>
        tpu.enqueue_indirect_dma source(%dma_start3A_272 : memref<10240x64xf32, #tpu.memory_space<hbm>>) target(%arg11 : memref<128x64xf32, #tpu.memory_space<vmem>>) offsets(%dma_start3A_269 : memref<128xi32, #tpu.memory_space<vmem>>) semaphore(%arg18 : memref<!tpu.dma_semaphore, #tpu.memory_space<semaphore_mem>>)
      } else {
      }
      %dma_wait3A_106 = arith.constant 0 : i32
      %dma_wait3A_107 = arith.constant 0 : i32
      %dma_wait3A_108 = tpu.memref_slice %arg6[%dma_wait3A_106, %dma_wait3A_107] : memref<79x128xi32, #tpu.memory_space<vmem>> -> memref<1x128xi32, #tpu.memory_space<vmem>>
      %dma_wait3A_109 = tpu.memref_squeeze %dma_wait3A_108 : memref<1x128xi32, #tpu.memory_space<vmem>> -> memref<128xi32, #tpu.memory_space<vmem>>
      %dma_wait3A_110 = arith.constant 0 : i32
      %dma_wait3A_111 = arith.constant 0 : i32
      %dma_wait3A_112 = tpu.memref_slice %arg2[%dma_wait3A_110, %dma_wait3A_111] : memref<10240x64xf32, #tpu.memory_space<hbm>> -> memref<10240x64xf32, #tpu.memory_space<hbm>>
      tpu.wait_indirect_dma semaphore(%arg15 : memref<!tpu.dma_semaphore, #tpu.memory_space<semaphore_mem>>) src(%dma_wait3A_112 : memref<10240x64xf32, #tpu.memory_space<hbm>>) dst(%arg8 : memref<128x64xf32, #tpu.memory_space<vmem>>)
      %dma_start3A_113 = arith.constant 0 : i32
      %dma_start3A_114 = tpu.memref_slice %arg7[%add3A_97, %dma_start3A_113] : memref<79x128xi32, #tpu.memory_space<vmem>> -> memref<1x128xi32, #tpu.memory_space<vmem>>
      %dma_start3A_115 = tpu.memref_squeeze %dma_start3A_114 : memref<1x128xi32, #tpu.memory_space<vmem>> -> memref<128xi32, #tpu.memory_space<vmem>>
      %dma_start3A_116 = arith.constant 0 : i32
      %dma_start3A_117 = arith.constant 0 : i32
      %dma_start3A_118 = tpu.memref_slice %arg14[%dma_start3A_116, %dma_start3A_117] : memref<10240x64xf32, #tpu.memory_space<vmem_shared>> -> memref<10240x64xf32, #tpu.memory_space<vmem_shared>>
      tpu.enqueue_indirect_dma source(%arg8 : memref<128x64xf32, #tpu.memory_space<vmem>>) target(%dma_start3A_118 : memref<10240x64xf32, #tpu.memory_space<vmem_shared>>) offsets(%dma_start3A_115 : memref<128xi32, #tpu.memory_space<vmem>>) semaphore(%arg21 : memref<!tpu.dma_semaphore, #tpu.memory_space<semaphore_mem>>) {add = true}
      %mul3A_119 = arith.constant 6 : i32
      %mul3A_120 = arith.muli %mul3A_119, %scan3A_92 : i32
      %add3A_121 = arith.constant 1 : i32
      %add3A_122 = arith.addi %mul3A_120, %add3A_121 : i32
      %ge3A_123 = arith.constant 3 : i32
      %ge3A_124 = arith.cmpi sge, %add3A_122, %ge3A_123 : i32
      %convert_element_type3A_125 = arith.extui %ge3A_124 : i1 to i32
      %cond3A_126 = arith.constant 0 : i32
      %cond3A_127 = arith.cmpi ne, %convert_element_type3A_125, %cond3A_126 : i32
      scf.if %cond3A_127 {
        %dma_wait3A_265 = arith.constant 0 : i32
        %dma_wait3A_266 = arith.constant 0 : i32
        %dma_wait3A_267 = tpu.memref_slice %arg7[%dma_wait3A_265, %dma_wait3A_266] : memref<79x128xi32, #tpu.memory_space<vmem>> -> memref<1x128xi32, #tpu.memory_space<vmem>>
        %dma_wait3A_268 = tpu.memref_squeeze %dma_wait3A_267 : memref<1x128xi32, #tpu.memory_space<vmem>> -> memref<128xi32, #tpu.memory_space<vmem>>
        %dma_wait3A_269 = arith.constant 0 : i32
        %dma_wait3A_270 = arith.constant 0 : i32
        %dma_wait3A_271 = tpu.memref_slice %arg14[%dma_wait3A_269, %dma_wait3A_270] : memref<10240x64xf32, #tpu.memory_space<vmem_shared>> -> memref<10240x64xf32, #tpu.memory_space<vmem_shared>>
        tpu.wait_indirect_dma semaphore(%arg25 : memref<!tpu.dma_semaphore, #tpu.memory_space<semaphore_mem>>) src(%arg12 : memref<128x64xf32, #tpu.memory_space<vmem>>) dst(%dma_wait3A_271 : memref<10240x64xf32, #tpu.memory_space<vmem_shared>>)
      } else {
      }
      %add3A_128 = arith.constant 3 : i32
      %add3A_129 = arith.addi %add3A_122, %add3A_128 : i32
      %lt3A_130 = arith.constant 79 : i32
      %lt3A_131 = arith.cmpi slt, %add3A_129, %lt3A_130 : i32
      %convert_element_type3A_132 = arith.extui %lt3A_131 : i1 to i32
      %cond3A_133 = arith.constant 0 : i32
      %cond3A_134 = arith.cmpi ne, %convert_element_type3A_132, %cond3A_133 : i32
      scf.if %cond3A_134 {
        %add3A_265 = arith.constant 3 : i32
        %add3A_266 = arith.addi %add3A_122, %add3A_265 : i32
        %dma_start3A_267 = arith.constant 0 : i32
        %dma_start3A_268 = tpu.memref_slice %arg6[%add3A_266, %dma_start3A_267] : memref<79x128xi32, #tpu.memory_space<vmem>> -> memref<1x128xi32, #tpu.memory_space<vmem>>
        %dma_start3A_269 = tpu.memref_squeeze %dma_start3A_268 : memref<1x128xi32, #tpu.memory_space<vmem>> -> memref<128xi32, #tpu.memory_space<vmem>>
        %dma_start3A_270 = arith.constant 0 : i32
        %dma_start3A_271 = arith.constant 0 : i32
        %dma_start3A_272 = tpu.memref_slice %arg2[%dma_start3A_270, %dma_start3A_271] : memref<10240x64xf32, #tpu.memory_space<hbm>> -> memref<10240x64xf32, #tpu.memory_space<hbm>>
        tpu.enqueue_indirect_dma source(%dma_start3A_272 : memref<10240x64xf32, #tpu.memory_space<hbm>>) target(%arg12 : memref<128x64xf32, #tpu.memory_space<vmem>>) offsets(%dma_start3A_269 : memref<128xi32, #tpu.memory_space<vmem>>) semaphore(%arg19 : memref<!tpu.dma_semaphore, #tpu.memory_space<semaphore_mem>>)
      } else {
      }
      %dma_wait3A_135 = arith.constant 0 : i32
      %dma_wait3A_136 = arith.constant 0 : i32
      %dma_wait3A_137 = tpu.memref_slice %arg6[%dma_wait3A_135, %dma_wait3A_136] : memref<79x128xi32, #tpu.memory_space<vmem>> -> memref<1x128xi32, #tpu.memory_space<vmem>>
      %dma_wait3A_138 = tpu.memref_squeeze %dma_wait3A_137 : memref<1x128xi32, #tpu.memory_space<vmem>> -> memref<128xi32, #tpu.memory_space<vmem>>
      %dma_wait3A_139 = arith.constant 0 : i32
      %dma_wait3A_140 = arith.constant 0 : i32
      %dma_wait3A_141 = tpu.memref_slice %arg2[%dma_wait3A_139, %dma_wait3A_140] : memref<10240x64xf32, #tpu.memory_space<hbm>> -> memref<10240x64xf32, #tpu.memory_space<hbm>>
      tpu.wait_indirect_dma semaphore(%arg16 : memref<!tpu.dma_semaphore, #tpu.memory_space<semaphore_mem>>) src(%dma_wait3A_141 : memref<10240x64xf32, #tpu.memory_space<hbm>>) dst(%arg9 : memref<128x64xf32, #tpu.memory_space<vmem>>)
      %dma_start3A_142 = arith.constant 0 : i32
      %dma_start3A_143 = tpu.memref_slice %arg7[%add3A_122, %dma_start3A_142] : memref<79x128xi32, #tpu.memory_space<vmem>> -> memref<1x128xi32, #tpu.memory_space<vmem>>
      %dma_start3A_144 = tpu.memref_squeeze %dma_start3A_143 : memref<1x128xi32, #tpu.memory_space<vmem>> -> memref<128xi32, #tpu.memory_space<vmem>>
      %dma_start3A_145 = arith.constant 0 : i32
      %dma_start3A_146 = arith.constant 0 : i32
      %dma_start3A_147 = tpu.memref_slice %arg14[%dma_start3A_145, %dma_start3A_146] : memref<10240x64xf32, #tpu.memory_space<vmem_shared>> -> memref<10240x64xf32, #tpu.memory_space<vmem_shared>>
      tpu.enqueue_indirect_dma source(%arg9 : memref<128x64xf32, #tpu.memory_space<vmem>>) target(%dma_start3A_147 : memref<10240x64xf32, #tpu.memory_space<vmem_shared>>) offsets(%dma_start3A_144 : memref<128xi32, #tpu.memory_space<vmem>>) semaphore(%arg22 : memref<!tpu.dma_semaphore, #tpu.memory_space<semaphore_mem>>) {add = true}
      %mul3A_148 = arith.constant 6 : i32
      %mul3A_149 = arith.muli %mul3A_148, %scan3A_92 : i32
      %add3A_150 = arith.constant 2 : i32
      %add3A_151 = arith.addi %mul3A_149, %add3A_150 : i32
      %ge3A_152 = arith.constant 3 : i32
      %ge3A_153 = arith.cmpi sge, %add3A_151, %ge3A_152 : i32
      %convert_element_type3A_154 = arith.extui %ge3A_153 : i1 to i32
      %cond3A_155 = arith.constant 0 : i32
      %cond3A_156 = arith.cmpi ne, %convert_element_type3A_154, %cond3A_155 : i32
      scf.if %cond3A_156 {
        %dma_wait3A_265 = arith.constant 0 : i32
        %dma_wait3A_266 = arith.constant 0 : i32
        %dma_wait3A_267 = tpu.memref_slice %arg7[%dma_wait3A_265, %dma_wait3A_266] : memref<79x128xi32, #tpu.memory_space<vmem>> -> memref<1x128xi32, #tpu.memory_space<vmem>>
        %dma_wait3A_268 = tpu.memref_squeeze %dma_wait3A_267 : memref<1x128xi32, #tpu.memory_space<vmem>> -> memref<128xi32, #tpu.memory_space<vmem>>
        %dma_wait3A_269 = arith.constant 0 : i32
        %dma_wait3A_270 = arith.constant 0 : i32
        %dma_wait3A_271 = tpu.memref_slice %arg14[%dma_wait3A_269, %dma_wait3A_270] : memref<10240x64xf32, #tpu.memory_space<vmem_shared>> -> memref<10240x64xf32, #tpu.memory_space<vmem_shared>>
        tpu.wait_indirect_dma semaphore(%arg26 : memref<!tpu.dma_semaphore, #tpu.memory_space<semaphore_mem>>) src(%arg13 : memref<128x64xf32, #tpu.memory_space<vmem>>) dst(%dma_wait3A_271 : memref<10240x64xf32, #tpu.memory_space<vmem_shared>>)
      } else {
      }
      %add3A_157 = arith.constant 3 : i32
      %add3A_158 = arith.addi %add3A_151, %add3A_157 : i32
      %lt3A_159 = arith.constant 79 : i32
      %lt3A_160 = arith.cmpi slt, %add3A_158, %lt3A_159 : i32
      %convert_element_type3A_161 = arith.extui %lt3A_160 : i1 to i32
      %cond3A_162 = arith.constant 0 : i32
      %cond3A_163 = arith.cmpi ne, %convert_element_type3A_161, %cond3A_162 : i32
      scf.if %cond3A_163 {
        %add3A_265 = arith.constant 3 : i32
        %add3A_266 = arith.addi %add3A_151, %add3A_265 : i32
        %dma_start3A_267 = arith.constant 0 : i32
        %dma_start3A_268 = tpu.memref_slice %arg6[%add3A_266, %dma_start3A_267] : memref<79x128xi32, #tpu.memory_space<vmem>> -> memref<1x128xi32, #tpu.memory_space<vmem>>
        %dma_start3A_269 = tpu.memref_squeeze %dma_start3A_268 : memref<1x128xi32, #tpu.memory_space<vmem>> -> memref<128xi32, #tpu.memory_space<vmem>>
        %dma_start3A_270 = arith.constant 0 : i32
        %dma_start3A_271 = arith.constant 0 : i32
        %dma_start3A_272 = tpu.memref_slice %arg2[%dma_start3A_270, %dma_start3A_271] : memref<10240x64xf32, #tpu.memory_space<hbm>> -> memref<10240x64xf32, #tpu.memory_space<hbm>>
        tpu.enqueue_indirect_dma source(%dma_start3A_272 : memref<10240x64xf32, #tpu.memory_space<hbm>>) target(%arg13 : memref<128x64xf32, #tpu.memory_space<vmem>>) offsets(%dma_start3A_269 : memref<128xi32, #tpu.memory_space<vmem>>) semaphore(%arg20 : memref<!tpu.dma_semaphore, #tpu.memory_space<semaphore_mem>>)
      } else {
      }
      %dma_wait3A_164 = arith.constant 0 : i32
      %dma_wait3A_165 = arith.constant 0 : i32
      %dma_wait3A_166 = tpu.memref_slice %arg6[%dma_wait3A_164, %dma_wait3A_165] : memref<79x128xi32, #tpu.memory_space<vmem>> -> memref<1x128xi32, #tpu.memory_space<vmem>>
      %dma_wait3A_167 = tpu.memref_squeeze %dma_wait3A_166 : memref<1x128xi32, #tpu.memory_space<vmem>> -> memref<128xi32, #tpu.memory_space<vmem>>
      %dma_wait3A_168 = arith.constant 0 : i32
      %dma_wait3A_169 = arith.constant 0 : i32
      %dma_wait3A_170 = tpu.memref_slice %arg2[%dma_wait3A_168, %dma_wait3A_169] : memref<10240x64xf32, #tpu.memory_space<hbm>> -> memref<10240x64xf32, #tpu.memory_space<hbm>>
      tpu.wait_indirect_dma semaphore(%arg17 : memref<!tpu.dma_semaphore, #tpu.memory_space<semaphore_mem>>) src(%dma_wait3A_170 : memref<10240x64xf32, #tpu.memory_space<hbm>>) dst(%arg10 : memref<128x64xf32, #tpu.memory_space<vmem>>)
      %dma_start3A_171 = arith.constant 0 : i32
      %dma_start3A_172 = tpu.memref_slice %arg7[%add3A_151, %dma_start3A_171] : memref<79x128xi32, #tpu.memory_space<vmem>> -> memref<1x128xi32, #tpu.memory_space<vmem>>
      %dma_start3A_173 = tpu.memref_squeeze %dma_start3A_172 : memref<1x128xi32, #tpu.memory_space<vmem>> -> memref<128xi32, #tpu.memory_space<vmem>>
      %dma_start3A_174 = arith.constant 0 : i32
      %dma_start3A_175 = arith.constant 0 : i32
      %dma_start3A_176 = tpu.memref_slice %arg14[%dma_start3A_174, %dma_start3A_175] : memref<10240x64xf32, #tpu.memory_space<vmem_shared>> -> memref<10240x64xf32, #tpu.memory_space<vmem_shared>>
      tpu.enqueue_indirect_dma source(%arg10 : memref<128x64xf32, #tpu.memory_space<vmem>>) target(%dma_start3A_176 : memref<10240x64xf32, #tpu.memory_space<vmem_shared>>) offsets(%dma_start3A_173 : memref<128xi32, #tpu.memory_space<vmem>>) semaphore(%arg23 : memref<!tpu.dma_semaphore, #tpu.memory_space<semaphore_mem>>) {add = true}
      %mul3A_177 = arith.constant 6 : i32
      %mul3A_178 = arith.muli %mul3A_177, %scan3A_92 : i32
      %add3A_179 = arith.constant 3 : i32
      %add3A_180 = arith.addi %mul3A_178, %add3A_179 : i32
      %ge3A_181 = arith.constant 3 : i32
      %ge3A_182 = arith.cmpi sge, %add3A_180, %ge3A_181 : i32
      %convert_element_type3A_183 = arith.extui %ge3A_182 : i1 to i32
      %cond3A_184 = arith.constant 0 : i32
      %cond3A_185 = arith.cmpi ne, %convert_element_type3A_183, %cond3A_184 : i32
      scf.if %cond3A_185 {
        %dma_wait3A_265 = arith.constant 0 : i32
        %dma_wait3A_266 = arith.constant 0 : i32
        %dma_wait3A_267 = tpu.memref_slice %arg7[%dma_wait3A_265, %dma_wait3A_266] : memref<79x128xi32, #tpu.memory_space<vmem>> -> memref<1x128xi32, #tpu.memory_space<vmem>>
        %dma_wait3A_268 = tpu.memref_squeeze %dma_wait3A_267 : memref<1x128xi32, #tpu.memory_space<vmem>> -> memref<128xi32, #tpu.memory_space<vmem>>
        %dma_wait3A_269 = arith.constant 0 : i32
        %dma_wait3A_270 = arith.constant 0 : i32
        %dma_wait3A_271 = tpu.memref_slice %arg14[%dma_wait3A_269, %dma_wait3A_270] : memref<10240x64xf32, #tpu.memory_space<vmem_shared>> -> memref<10240x64xf32, #tpu.memory_space<vmem_shared>>
        tpu.wait_indirect_dma semaphore(%arg21 : memref<!tpu.dma_semaphore, #tpu.memory_space<semaphore_mem>>) src(%arg8 : memref<128x64xf32, #tpu.memory_space<vmem>>) dst(%dma_wait3A_271 : memref<10240x64xf32, #tpu.memory_space<vmem_shared>>)
      } else {
      }
      %add3A_186 = arith.constant 3 : i32
      %add3A_187 = arith.addi %add3A_180, %add3A_186 : i32
      %lt3A_188 = arith.constant 79 : i32
      %lt3A_189 = arith.cmpi slt, %add3A_187, %lt3A_188 : i32
      %convert_element_type3A_190 = arith.extui %lt3A_189 : i1 to i32
      %cond3A_191 = arith.constant 0 : i32
      %cond3A_192 = arith.cmpi ne, %convert_element_type3A_190, %cond3A_191 : i32
      scf.if %cond3A_192 {
        %add3A_265 = arith.constant 3 : i32
        %add3A_266 = arith.addi %add3A_180, %add3A_265 : i32
        %dma_start3A_267 = arith.constant 0 : i32
        %dma_start3A_268 = tpu.memref_slice %arg6[%add3A_266, %dma_start3A_267] : memref<79x128xi32, #tpu.memory_space<vmem>> -> memref<1x128xi32, #tpu.memory_space<vmem>>
        %dma_start3A_269 = tpu.memref_squeeze %dma_start3A_268 : memref<1x128xi32, #tpu.memory_space<vmem>> -> memref<128xi32, #tpu.memory_space<vmem>>
        %dma_start3A_270 = arith.constant 0 : i32
        %dma_start3A_271 = arith.constant 0 : i32
        %dma_start3A_272 = tpu.memref_slice %arg2[%dma_start3A_270, %dma_start3A_271] : memref<10240x64xf32, #tpu.memory_space<hbm>> -> memref<10240x64xf32, #tpu.memory_space<hbm>>
        tpu.enqueue_indirect_dma source(%dma_start3A_272 : memref<10240x64xf32, #tpu.memory_space<hbm>>) target(%arg8 : memref<128x64xf32, #tpu.memory_space<vmem>>) offsets(%dma_start3A_269 : memref<128xi32, #tpu.memory_space<vmem>>) semaphore(%arg15 : memref<!tpu.dma_semaphore, #tpu.memory_space<semaphore_mem>>)
      } else {
      }
      %dma_wait3A_193 = arith.constant 0 : i32
      %dma_wait3A_194 = arith.constant 0 : i32
      %dma_wait3A_195 = tpu.memref_slice %arg6[%dma_wait3A_193, %dma_wait3A_194] : memref<79x128xi32, #tpu.memory_space<vmem>> -> memref<1x128xi32, #tpu.memory_space<vmem>>
      %dma_wait3A_196 = tpu.memref_squeeze %dma_wait3A_195 : memref<1x128xi32, #tpu.memory_space<vmem>> -> memref<128xi32, #tpu.memory_space<vmem>>
      %dma_wait3A_197 = arith.constant 0 : i32
      %dma_wait3A_198 = arith.constant 0 : i32
      %dma_wait3A_199 = tpu.memref_slice %arg2[%dma_wait3A_197, %dma_wait3A_198] : memref<10240x64xf32, #tpu.memory_space<hbm>> -> memref<10240x64xf32, #tpu.memory_space<hbm>>
      tpu.wait_indirect_dma semaphore(%arg18 : memref<!tpu.dma_semaphore, #tpu.memory_space<semaphore_mem>>) src(%dma_wait3A_199 : memref<10240x64xf32, #tpu.memory_space<hbm>>) dst(%arg11 : memref<128x64xf32, #tpu.memory_space<vmem>>)
      %dma_start3A_200 = arith.constant 0 : i32
      %dma_start3A_201 = tpu.memref_slice %arg7[%add3A_180, %dma_start3A_200] : memref<79x128xi32, #tpu.memory_space<vmem>> -> memref<1x128xi32, #tpu.memory_space<vmem>>
      %dma_start3A_202 = tpu.memref_squeeze %dma_start3A_201 : memref<1x128xi32, #tpu.memory_space<vmem>> -> memref<128xi32, #tpu.memory_space<vmem>>
      %dma_start3A_203 = arith.constant 0 : i32
      %dma_start3A_204 = arith.constant 0 : i32
      %dma_start3A_205 = tpu.memref_slice %arg14[%dma_start3A_203, %dma_start3A_204] : memref<10240x64xf32, #tpu.memory_space<vmem_shared>> -> memref<10240x64xf32, #tpu.memory_space<vmem_shared>>
      tpu.enqueue_indirect_dma source(%arg11 : memref<128x64xf32, #tpu.memory_space<vmem>>) target(%dma_start3A_205 : memref<10240x64xf32, #tpu.memory_space<vmem_shared>>) offsets(%dma_start3A_202 : memref<128xi32, #tpu.memory_space<vmem>>) semaphore(%arg24 : memref<!tpu.dma_semaphore, #tpu.memory_space<semaphore_mem>>) {add = true}
      %mul3A_206 = arith.constant 6 : i32
      %mul3A_207 = arith.muli %mul3A_206, %scan3A_92 : i32
      %add3A_208 = arith.constant 4 : i32
      %add3A_209 = arith.addi %mul3A_207, %add3A_208 : i32
      %ge3A_210 = arith.constant 3 : i32
      %ge3A_211 = arith.cmpi sge, %add3A_209, %ge3A_210 : i32
      %convert_element_type3A_212 = arith.extui %ge3A_211 : i1 to i32
      %cond3A_213 = arith.constant 0 : i32
      %cond3A_214 = arith.cmpi ne, %convert_element_type3A_212, %cond3A_213 : i32
      scf.if %cond3A_214 {
        %dma_wait3A_265 = arith.constant 0 : i32
        %dma_wait3A_266 = arith.constant 0 : i32
        %dma_wait3A_267 = tpu.memref_slice %arg7[%dma_wait3A_265, %dma_wait3A_266] : memref<79x128xi32, #tpu.memory_space<vmem>> -> memref<1x128xi32, #tpu.memory_space<vmem>>
        %dma_wait3A_268 = tpu.memref_squeeze %dma_wait3A_267 : memref<1x128xi32, #tpu.memory_space<vmem>> -> memref<128xi32, #tpu.memory_space<vmem>>
        %dma_wait3A_269 = arith.constant 0 : i32
        %dma_wait3A_270 = arith.constant 0 : i32
        %dma_wait3A_271 = tpu.memref_slice %arg14[%dma_wait3A_269, %dma_wait3A_270] : memref<10240x64xf32, #tpu.memory_space<vmem_shared>> -> memref<10240x64xf32, #tpu.memory_space<vmem_shared>>
        tpu.wait_indirect_dma semaphore(%arg22 : memref<!tpu.dma_semaphore, #tpu.memory_space<semaphore_mem>>) src(%arg9 : memref<128x64xf32, #tpu.memory_space<vmem>>) dst(%dma_wait3A_271 : memref<10240x64xf32, #tpu.memory_space<vmem_shared>>)
      } else {
      }
      %add3A_215 = arith.constant 3 : i32
      %add3A_216 = arith.addi %add3A_209, %add3A_215 : i32
      %lt3A_217 = arith.constant 79 : i32
      %lt3A_218 = arith.cmpi slt, %add3A_216, %lt3A_217 : i32
      %convert_element_type3A_219 = arith.extui %lt3A_218 : i1 to i32
      %cond3A_220 = arith.constant 0 : i32
      %cond3A_221 = arith.cmpi ne, %convert_element_type3A_219, %cond3A_220 : i32
      scf.if %cond3A_221 {
        %add3A_265 = arith.constant 3 : i32
        %add3A_266 = arith.addi %add3A_209, %add3A_265 : i32
        %dma_start3A_267 = arith.constant 0 : i32
        %dma_start3A_268 = tpu.memref_slice %arg6[%add3A_266, %dma_start3A_267] : memref<79x128xi32, #tpu.memory_space<vmem>> -> memref<1x128xi32, #tpu.memory_space<vmem>>
        %dma_start3A_269 = tpu.memref_squeeze %dma_start3A_268 : memref<1x128xi32, #tpu.memory_space<vmem>> -> memref<128xi32, #tpu.memory_space<vmem>>
        %dma_start3A_270 = arith.constant 0 : i32
        %dma_start3A_271 = arith.constant 0 : i32
        %dma_start3A_272 = tpu.memref_slice %arg2[%dma_start3A_270, %dma_start3A_271] : memref<10240x64xf32, #tpu.memory_space<hbm>> -> memref<10240x64xf32, #tpu.memory_space<hbm>>
        tpu.enqueue_indirect_dma source(%dma_start3A_272 : memref<10240x64xf32, #tpu.memory_space<hbm>>) target(%arg9 : memref<128x64xf32, #tpu.memory_space<vmem>>) offsets(%dma_start3A_269 : memref<128xi32, #tpu.memory_space<vmem>>) semaphore(%arg16 : memref<!tpu.dma_semaphore, #tpu.memory_space<semaphore_mem>>)
      } else {
      }
      %dma_wait3A_222 = arith.constant 0 : i32
      %dma_wait3A_223 = arith.constant 0 : i32
      %dma_wait3A_224 = tpu.memref_slice %arg6[%dma_wait3A_222, %dma_wait3A_223] : memref<79x128xi32, #tpu.memory_space<vmem>> -> memref<1x128xi32, #tpu.memory_space<vmem>>
      %dma_wait3A_225 = tpu.memref_squeeze %dma_wait3A_224 : memref<1x128xi32, #tpu.memory_space<vmem>> -> memref<128xi32, #tpu.memory_space<vmem>>
      %dma_wait3A_226 = arith.constant 0 : i32
      %dma_wait3A_227 = arith.constant 0 : i32
      %dma_wait3A_228 = tpu.memref_slice %arg2[%dma_wait3A_226, %dma_wait3A_227] : memref<10240x64xf32, #tpu.memory_space<hbm>> -> memref<10240x64xf32, #tpu.memory_space<hbm>>
      tpu.wait_indirect_dma semaphore(%arg19 : memref<!tpu.dma_semaphore, #tpu.memory_space<semaphore_mem>>) src(%dma_wait3A_228 : memref<10240x64xf32, #tpu.memory_space<hbm>>) dst(%arg12 : memref<128x64xf32, #tpu.memory_space<vmem>>)
      %dma_start3A_229 = arith.constant 0 : i32
      %dma_start3A_230 = tpu.memref_slice %arg7[%add3A_209, %dma_start3A_229] : memref<79x128xi32, #tpu.memory_space<vmem>> -> memref<1x128xi32, #tpu.memory_space<vmem>>
      %dma_start3A_231 = tpu.memref_squeeze %dma_start3A_230 : memref<1x128xi32, #tpu.memory_space<vmem>> -> memref<128xi32, #tpu.memory_space<vmem>>
      %dma_start3A_232 = arith.constant 0 : i32
      %dma_start3A_233 = arith.constant 0 : i32
      %dma_start3A_234 = tpu.memref_slice %arg14[%dma_start3A_232, %dma_start3A_233] : memref<10240x64xf32, #tpu.memory_space<vmem_shared>> -> memref<10240x64xf32, #tpu.memory_space<vmem_shared>>
      tpu.enqueue_indirect_dma source(%arg12 : memref<128x64xf32, #tpu.memory_space<vmem>>) target(%dma_start3A_234 : memref<10240x64xf32, #tpu.memory_space<vmem_shared>>) offsets(%dma_start3A_231 : memref<128xi32, #tpu.memory_space<vmem>>) semaphore(%arg25 : memref<!tpu.dma_semaphore, #tpu.memory_space<semaphore_mem>>) {add = true}
      %mul3A_235 = arith.constant 6 : i32
      %mul3A_236 = arith.muli %mul3A_235, %scan3A_92 : i32
      %add3A_237 = arith.constant 5 : i32
      %add3A_238 = arith.addi %mul3A_236, %add3A_237 : i32
      %ge3A_239 = arith.constant 3 : i32
      %ge3A_240 = arith.cmpi sge, %add3A_238, %ge3A_239 : i32
      %convert_element_type3A_241 = arith.extui %ge3A_240 : i1 to i32
      %cond3A_242 = arith.constant 0 : i32
      %cond3A_243 = arith.cmpi ne, %convert_element_type3A_241, %cond3A_242 : i32
      scf.if %cond3A_243 {
        %dma_wait3A_265 = arith.constant 0 : i32
        %dma_wait3A_266 = arith.constant 0 : i32
        %dma_wait3A_267 = tpu.memref_slice %arg7[%dma_wait3A_265, %dma_wait3A_266] : memref<79x128xi32, #tpu.memory_space<vmem>> -> memref<1x128xi32, #tpu.memory_space<vmem>>
        %dma_wait3A_268 = tpu.memref_squeeze %dma_wait3A_267 : memref<1x128xi32, #tpu.memory_space<vmem>> -> memref<128xi32, #tpu.memory_space<vmem>>
        %dma_wait3A_269 = arith.constant 0 : i32
        %dma_wait3A_270 = arith.constant 0 : i32
        %dma_wait3A_271 = tpu.memref_slice %arg14[%dma_wait3A_269, %dma_wait3A_270] : memref<10240x64xf32, #tpu.memory_space<vmem_shared>> -> memref<10240x64xf32, #tpu.memory_space<vmem_shared>>
        tpu.wait_indirect_dma semaphore(%arg23 : memref<!tpu.dma_semaphore, #tpu.memory_space<semaphore_mem>>) src(%arg10 : memref<128x64xf32, #tpu.memory_space<vmem>>) dst(%dma_wait3A_271 : memref<10240x64xf32, #tpu.memory_space<vmem_shared>>)
      } else {
      }
      %add3A_244 = arith.constant 3 : i32
      %add3A_245 = arith.addi %add3A_238, %add3A_244 : i32
      %lt3A_246 = arith.constant 79 : i32
      %lt3A_247 = arith.cmpi slt, %add3A_245, %lt3A_246 : i32
      %convert_element_type3A_248 = arith.extui %lt3A_247 : i1 to i32
      %cond3A_249 = arith.constant 0 : i32
      %cond3A_250 = arith.cmpi ne, %convert_element_type3A_248, %cond3A_249 : i32
      scf.if %cond3A_250 {
        %add3A_265 = arith.constant 3 : i32
        %add3A_266 = arith.addi %add3A_238, %add3A_265 : i32
        %dma_start3A_267 = arith.constant 0 : i32
        %dma_start3A_268 = tpu.memref_slice %arg6[%add3A_266, %dma_start3A_267] : memref<79x128xi32, #tpu.memory_space<vmem>> -> memref<1x128xi32, #tpu.memory_space<vmem>>
        %dma_start3A_269 = tpu.memref_squeeze %dma_start3A_268 : memref<1x128xi32, #tpu.memory_space<vmem>> -> memref<128xi32, #tpu.memory_space<vmem>>
        %dma_start3A_270 = arith.constant 0 : i32
        %dma_start3A_271 = arith.constant 0 : i32
        %dma_start3A_272 = tpu.memref_slice %arg2[%dma_start3A_270, %dma_start3A_271] : memref<10240x64xf32, #tpu.memory_space<hbm>> -> memref<10240x64xf32, #tpu.memory_space<hbm>>
        tpu.enqueue_indirect_dma source(%dma_start3A_272 : memref<10240x64xf32, #tpu.memory_space<hbm>>) target(%arg10 : memref<128x64xf32, #tpu.memory_space<vmem>>) offsets(%dma_start3A_269 : memref<128xi32, #tpu.memory_space<vmem>>) semaphore(%arg17 : memref<!tpu.dma_semaphore, #tpu.memory_space<semaphore_mem>>)
      } else {
      }
      %dma_wait3A_251 = arith.constant 0 : i32
      %dma_wait3A_252 = arith.constant 0 : i32
      %dma_wait3A_253 = tpu.memref_slice %arg6[%dma_wait3A_251, %dma_wait3A_252] : memref<79x128xi32, #tpu.memory_space<vmem>> -> memref<1x128xi32, #tpu.memory_space<vmem>>
      %dma_wait3A_254 = tpu.memref_squeeze %dma_wait3A_253 : memref<1x128xi32, #tpu.memory_space<vmem>> -> memref<128xi32, #tpu.memory_space<vmem>>
      %dma_wait3A_255 = arith.constant 0 : i32
      %dma_wait3A_256 = arith.constant 0 : i32
      %dma_wait3A_257 = tpu.memref_slice %arg2[%dma_wait3A_255, %dma_wait3A_256] : memref<10240x64xf32, #tpu.memory_space<hbm>> -> memref<10240x64xf32, #tpu.memory_space<hbm>>
      tpu.wait_indirect_dma semaphore(%arg20 : memref<!tpu.dma_semaphore, #tpu.memory_space<semaphore_mem>>) src(%dma_wait3A_257 : memref<10240x64xf32, #tpu.memory_space<hbm>>) dst(%arg13 : memref<128x64xf32, #tpu.memory_space<vmem>>)
      %dma_start3A_258 = arith.constant 0 : i32
      %dma_start3A_259 = tpu.memref_slice %arg7[%add3A_238, %dma_start3A_258] : memref<79x128xi32, #tpu.memory_space<vmem>> -> memref<1x128xi32, #tpu.memory_space<vmem>>
      %dma_start3A_260 = tpu.memref_squeeze %dma_start3A_259 : memref<1x128xi32, #tpu.memory_space<vmem>> -> memref<128xi32, #tpu.memory_space<vmem>>
      %dma_start3A_261 = arith.constant 0 : i32
      %dma_start3A_262 = arith.constant 0 : i32
      %dma_start3A_263 = tpu.memref_slice %arg14[%dma_start3A_261, %dma_start3A_262] : memref<10240x64xf32, #tpu.memory_space<vmem_shared>> -> memref<10240x64xf32, #tpu.memory_space<vmem_shared>>
      tpu.enqueue_indirect_dma source(%arg13 : memref<128x64xf32, #tpu.memory_space<vmem>>) target(%dma_start3A_263 : memref<10240x64xf32, #tpu.memory_space<vmem_shared>>) offsets(%dma_start3A_260 : memref<128xi32, #tpu.memory_space<vmem>>) semaphore(%arg26 : memref<!tpu.dma_semaphore, #tpu.memory_space<semaphore_mem>>) {add = true}
      %scan3A_264 = arith.constant 0 : i32
      scf.yield %scan3A_264 : i32
    }
    %scan3A_42 = arith.constant 13 : i32
    %dma_wait3A = arith.constant 0 : i32
    %dma_wait3A_43 = arith.constant 0 : i32
    %dma_wait3A_44 = tpu.memref_slice %arg7[%dma_wait3A, %dma_wait3A_43] : memref<79x128xi32, #tpu.memory_space<vmem>> -> memref<1x128xi32, #tpu.memory_space<vmem>>
    %dma_wait3A_45 = tpu.memref_squeeze %dma_wait3A_44 : memref<1x128xi32, #tpu.memory_space<vmem>> -> memref<128xi32, #tpu.memory_space<vmem>>
    %dma_wait3A_46 = arith.constant 0 : i32
    %dma_wait3A_47 = arith.constant 0 : i32
    %dma_wait3A_48 = tpu.memref_slice %arg14[%dma_wait3A_46, %dma_wait3A_47] : memref<10240x64xf32, #tpu.memory_space<vmem_shared>> -> memref<10240x64xf32, #tpu.memory_space<vmem_shared>>
    tpu.wait_indirect_dma semaphore(%arg24 : memref<!tpu.dma_semaphore, #tpu.memory_space<semaphore_mem>>) src(%arg11 : memref<128x64xf32, #tpu.memory_space<vmem>>) dst(%dma_wait3A_48 : memref<10240x64xf32, #tpu.memory_space<vmem_shared>>)
    %dma_wait3A_49 = arith.constant 0 : i32
    %dma_wait3A_50 = arith.constant 0 : i32
    %dma_wait3A_51 = tpu.memref_slice %arg6[%dma_wait3A_49, %dma_wait3A_50] : memref<79x128xi32, #tpu.memory_space<vmem>> -> memref<1x128xi32, #tpu.memory_space<vmem>>
    %dma_wait3A_52 = tpu.memref_squeeze %dma_wait3A_51 : memref<1x128xi32, #tpu.memory_space<vmem>> -> memref<128xi32, #tpu.memory_space<vmem>>
    %dma_wait3A_53 = arith.constant 0 : i32
    %dma_wait3A_54 = arith.constant 0 : i32
    %dma_wait3A_55 = tpu.memref_slice %arg2[%dma_wait3A_53, %dma_wait3A_54] : memref<10240x64xf32, #tpu.memory_space<hbm>> -> memref<10240x64xf32, #tpu.memory_space<hbm>>
    tpu.wait_indirect_dma semaphore(%arg15 : memref<!tpu.dma_semaphore, #tpu.memory_space<semaphore_mem>>) src(%dma_wait3A_55 : memref<10240x64xf32, #tpu.memory_space<hbm>>) dst(%arg8 : memref<128x64xf32, #tpu.memory_space<vmem>>)
    %dma_start3A_56 = arith.constant 78 : i32
    %dma_start3A_57 = arith.constant 0 : i32
    %dma_start3A_58 = tpu.memref_slice %arg7[%dma_start3A_56, %dma_start3A_57] : memref<79x128xi32, #tpu.memory_space<vmem>> -> memref<1x128xi32, #tpu.memory_space<vmem>>
    %dma_start3A_59 = tpu.memref_squeeze %dma_start3A_58 : memref<1x128xi32, #tpu.memory_space<vmem>> -> memref<128xi32, #tpu.memory_space<vmem>>
    %dma_start3A_60 = arith.constant 0 : i32
    %dma_start3A_61 = arith.constant 0 : i32
    %dma_start3A_62 = tpu.memref_slice %arg14[%dma_start3A_60, %dma_start3A_61] : memref<10240x64xf32, #tpu.memory_space<vmem_shared>> -> memref<10240x64xf32, #tpu.memory_space<vmem_shared>>
    tpu.enqueue_indirect_dma source(%arg8 : memref<128x64xf32, #tpu.memory_space<vmem>>) target(%dma_start3A_62 : memref<10240x64xf32, #tpu.memory_space<vmem_shared>>) offsets(%dma_start3A_59 : memref<128xi32, #tpu.memory_space<vmem>>) semaphore(%arg21 : memref<!tpu.dma_semaphore, #tpu.memory_space<semaphore_mem>>) {add = true}
    %dma_wait3A_63 = arith.constant 0 : i32
    %dma_wait3A_64 = arith.constant 0 : i32
    %dma_wait3A_65 = tpu.memref_slice %arg7[%dma_wait3A_63, %dma_wait3A_64] : memref<79x128xi32, #tpu.memory_space<vmem>> -> memref<1x128xi32, #tpu.memory_space<vmem>>
    %dma_wait3A_66 = tpu.memref_squeeze %dma_wait3A_65 : memref<1x128xi32, #tpu.memory_space<vmem>> -> memref<128xi32, #tpu.memory_space<vmem>>
    %dma_wait3A_67 = arith.constant 0 : i32
    %dma_wait3A_68 = arith.constant 0 : i32
    %dma_wait3A_69 = tpu.memref_slice %arg14[%dma_wait3A_67, %dma_wait3A_68] : memref<10240x64xf32, #tpu.memory_space<vmem_shared>> -> memref<10240x64xf32, #tpu.memory_space<vmem_shared>>
    tpu.wait_indirect_dma semaphore(%arg25 : memref<!tpu.dma_semaphore, #tpu.memory_space<semaphore_mem>>) src(%arg12 : memref<128x64xf32, #tpu.memory_space<vmem>>) dst(%dma_wait3A_69 : memref<10240x64xf32, #tpu.memory_space<vmem_shared>>)
    %dma_wait3A_70 = arith.constant 0 : i32
    %dma_wait3A_71 = arith.constant 0 : i32
    %dma_wait3A_72 = tpu.memref_slice %arg7[%dma_wait3A_70, %dma_wait3A_71] : memref<79x128xi32, #tpu.memory_space<vmem>> -> memref<1x128xi32, #tpu.memory_space<vmem>>
    %dma_wait3A_73 = tpu.memref_squeeze %dma_wait3A_72 : memref<1x128xi32, #tpu.memory_space<vmem>> -> memref<128xi32, #tpu.memory_space<vmem>>
    %dma_wait3A_74 = arith.constant 0 : i32
    %dma_wait3A_75 = arith.constant 0 : i32
    %dma_wait3A_76 = tpu.memref_slice %arg14[%dma_wait3A_74, %dma_wait3A_75] : memref<10240x64xf32, #tpu.memory_space<vmem_shared>> -> memref<10240x64xf32, #tpu.memory_space<vmem_shared>>
    tpu.wait_indirect_dma semaphore(%arg26 : memref<!tpu.dma_semaphore, #tpu.memory_space<semaphore_mem>>) src(%arg13 : memref<128x64xf32, #tpu.memory_space<vmem>>) dst(%dma_wait3A_76 : memref<10240x64xf32, #tpu.memory_space<vmem_shared>>)
    %dma_wait3A_77 = arith.constant 0 : i32
    %dma_wait3A_78 = arith.constant 0 : i32
    %dma_wait3A_79 = tpu.memref_slice %arg7[%dma_wait3A_77, %dma_wait3A_78] : memref<79x128xi32, #tpu.memory_space<vmem>> -> memref<1x128xi32, #tpu.memory_space<vmem>>
    %dma_wait3A_80 = tpu.memref_squeeze %dma_wait3A_79 : memref<1x128xi32, #tpu.memory_space<vmem>> -> memref<128xi32, #tpu.memory_space<vmem>>
    %dma_wait3A_81 = arith.constant 0 : i32
    %dma_wait3A_82 = arith.constant 0 : i32
    %dma_wait3A_83 = tpu.memref_slice %arg14[%dma_wait3A_81, %dma_wait3A_82] : memref<10240x64xf32, #tpu.memory_space<vmem_shared>> -> memref<10240x64xf32, #tpu.memory_space<vmem_shared>>
    tpu.wait_indirect_dma semaphore(%arg21 : memref<!tpu.dma_semaphore, #tpu.memory_space<semaphore_mem>>) src(%arg8 : memref<128x64xf32, #tpu.memory_space<vmem>>) dst(%dma_wait3A_83 : memref<10240x64xf32, #tpu.memory_space<vmem_shared>>)
    %barrier3A_84 = arith.constant 0 : index
    tpu.barrier barrier_id(%barrier3A_84)
    %scan3A_85 = arith.constant 0 : i32
    %scan3A_86 = arith.constant 0 : i32
    %scan3A_87 = arith.constant 8 : i32
    %scan3A_88 = arith.addi %scan3A_86, %scan3A_87 : i32
    %scan3A_89 = arith.constant 1 : i32
    %scan3A_90 = scf.for %scan3A_92 = %scan3A_86 to %scan3A_88 step %scan3A_89 iter_args(%scan3A_93 = %scan3A_85) -> (i32)  : i32 {
      %mul3A_94 = arith.constant 80 : i32
      %mul3A_95 = arith.muli %scan3A_92, %mul3A_94 : i32
      %add3A_96 = arith.addi %mul3A_2, %mul3A_95 : i32
      "tpu.region"() ({
        %run_scoped3A = tpu.sem_alloc : memref<!tpu.dma_semaphore, #tpu.memory_space<semaphore_mem>>
        %dma_start3A_98 = arith.constant 0 : i32
        %dma_start3A_99 = tpu.memref_slice %arg5[%arg0, %add3A_96, %dma_start3A_98] : memref<2x10240x64xf32, #tpu.memory_space<hbm>> -> memref<1x80x64xf32, #tpu.memory_space<hbm>>
        %dma_start3A_100 = tpu.memref_squeeze %dma_start3A_99 : memref<1x80x64xf32, #tpu.memory_space<hbm>> -> memref<80x64xf32, #tpu.memory_space<hbm>>
        %dma_start3A_101 = arith.constant 0 : i32
        %dma_start3A_102 = tpu.memref_slice %arg14[%add3A_96, %dma_start3A_101] : memref<10240x64xf32, #tpu.memory_space<vmem_shared>> -> memref<80x64xf32, #tpu.memory_space<vmem_shared>>
        tpu.enqueue_dma source(%dma_start3A_102 : memref<80x64xf32, #tpu.memory_space<vmem_shared>>) target(%dma_start3A_100 : memref<80x64xf32, #tpu.memory_space<hbm>>) target_semaphore(%run_scoped3A : memref<!tpu.dma_semaphore, #tpu.memory_space<semaphore_mem>>)
        %dma_wait3A_103 = arith.constant 0 : i32
        %dma_wait3A_104 = tpu.memref_slice %arg5[%arg0, %add3A_96, %dma_wait3A_103] : memref<2x10240x64xf32, #tpu.memory_space<hbm>> -> memref<1x80x64xf32, #tpu.memory_space<hbm>>
        %dma_wait3A_105 = tpu.memref_squeeze %dma_wait3A_104 : memref<1x80x64xf32, #tpu.memory_space<hbm>> -> memref<80x64xf32, #tpu.memory_space<hbm>>
        %dma_wait3A_106 = arith.constant 0 : i32
        %dma_wait3A_107 = tpu.memref_slice %arg14[%add3A_96, %dma_wait3A_106] : memref<10240x64xf32, #tpu.memory_space<vmem_shared>> -> memref<80x64xf32, #tpu.memory_space<vmem_shared>>
        tpu.wait_dma2 semaphore(%run_scoped3A : memref<!tpu.dma_semaphore, #tpu.memory_space<semaphore_mem>>) src(%dma_wait3A_107 : memref<80x64xf32, #tpu.memory_space<vmem_shared>>) dst(%dma_wait3A_105 : memref<80x64xf32, #tpu.memory_space<hbm>>)
        tpu.yield
      }) : () -> ()
      %scan3A_97 = arith.constant 0 : i32
      scf.yield %scan3A_97 : i32
    }
    %scan3A_91 = arith.constant 8 : i32
    return
  }
}

module attributes {stable_mosaic.version = 14 : i64} {
  func.func @body(%arg0: memref<2x10240x16xf32, #tpu.memory_space<vmem>>, %arg1: memref<10240x1xf32, #tpu.memory_space<vmem>>) attributes {dimension_semantics = [], scalar_prefetch = 0 : i64, scratch_operands = 0 : i64, tpu.core_type = #tpu.core_type<tc>} {
    %get3A = arith.constant 0 : index
    %get3A_0 = arith.constant 0 : index
    %get3A_1 = arith.constant 0 : index
    %get3A_2 = vector.load %arg0[%get3A, %get3A_0, %get3A_1] : memref<2x10240x16xf32, #tpu.memory_space<vmem>>, vector<1x10240x16xf32>
    %get3A_3 = vector.shape_cast %get3A_2 : vector<1x10240x16xf32> to vector<10240x16xf32>
    %get3A_4 = arith.constant 1 : index
    %get3A_5 = arith.constant 0 : index
    %get3A_6 = arith.constant 0 : index
    %get3A_7 = vector.load %arg0[%get3A_4, %get3A_5, %get3A_6] : memref<2x10240x16xf32, #tpu.memory_space<vmem>>, vector<1x10240x16xf32>
    %get3A_8 = vector.shape_cast %get3A_7 : vector<1x10240x16xf32> to vector<10240x16xf32>
    %add3A = arith.addf %get3A_3, %get3A_8 : vector<10240x16xf32>
    %slice3A = vector.extract_strided_slice %add3A {offsets = [0, 0], sizes = [10240, 1], strides = [1, 1]} : vector<10240x16xf32> to vector<10240x1xf32>
    %add3A_9 = arith.constant 1.000000e+00 : f32
    %add3A_10 = vector.broadcast %add3A_9 : f32 to vector<10240x1xf32>
    %add3A_11 = arith.addf %slice3A, %add3A_10 : vector<10240x1xf32>
    %rsqrt3A = math.rsqrt %add3A_11 : vector<10240x1xf32>
    %swap3A = arith.constant 0 : index
    %swap3A_12 = arith.constant 0 : index
    %swap3A_13 = vector.load %arg1[%swap3A, %swap3A_12] : memref<10240x1xf32, #tpu.memory_space<vmem>>, vector<10240x1xf32>
    tpu.vector_store %arg1[%swap3A, %swap3A_12], %rsqrt3A {strides = array<i32>} : memref<10240x1xf32, #tpu.memory_space<vmem>>, vector<10240x1xf32>,
    return
  }
}

module attributes {stable_mosaic.version = 14 : i64} {
  func.func @body(%arg0: i32, %arg1: memref<1024x128xf32, #tpu.memory_space<vmem>>, %arg2: memref<128x128xf32, #tpu.memory_space<vmem>>, %arg3: memref<1024x1xf32, #tpu.memory_space<vmem>>, %arg4: memref<1024x64xf32, #tpu.memory_space<vmem>>, %arg5: memref<1024x64xf32, #tpu.memory_space<vmem>>) attributes {dimension_semantics = [#tpu.dimension_semantics<arbitrary>], iteration_bounds = array<i64: 10>, scalar_prefetch = 0 : i64, scratch_operands = 0 : i64, tpu.core_type = #tpu.core_type<tc>, window_params = [{transform_indices = @transform_0, window_bounds = array<i64: 1024, 128>}, {pipeline_mode = #tpu.pipeline_mode<synchronous>, transform_indices = @transform_1, window_bounds = array<i64: 128, 128>}, {transform_indices = @transform_2, window_bounds = array<i64: 1024, 1>}, {transform_indices = @transform_3, window_bounds = array<i64: 1024, 64>}, {transform_indices = @transform_4, window_bounds = array<i64: 1024, 64>}]} {
    %get3A = arith.constant 0 : index
    %get3A_0 = arith.constant 0 : index
    %get3A_1 = vector.load %arg3[%get3A, %get3A_0] : memref<1024x1xf32, #tpu.memory_space<vmem>>, vector<1024x1xf32>
    %get3A_2 = arith.constant 0 : index
    %get3A_3 = arith.constant 0 : index
    %get3A_4 = vector.load %arg1[%get3A_2, %get3A_3] : memref<1024x128xf32, #tpu.memory_space<vmem>>, vector<1024x128xf32>
    %get3A_5 = arith.constant 0 : index
    %get3A_6 = arith.constant 0 : index
    %get3A_7 = vector.load %arg2[%get3A_5, %get3A_6] : memref<128x128xf32, #tpu.memory_space<vmem>>, vector<128x128xf32>
    %dot_general3A = arith.constant dense<0.000000e+00> : vector<1024x128xf32>
    %dot_general3A_8 = tpu.matmul %get3A_4, %get3A_7, %dot_general3A {dimension_numbers = #tpu.dot_dimension_numbers<[1], [0], [0], [1], [0, 0, 1, 1], [], []>, transpose_lhs_hint = false} : vector<1024x128xf32>, vector<128x128xf32>, vector<1024x128xf32> -> vector<1024x128xf32>
    %mul3A = vector.broadcast %get3A_1 : vector<1024x1xf32> to vector<1024x128xf32>
    %mul3A_9 = arith.mulf %mul3A, %dot_general3A_8 : vector<1024x128xf32>
    %slice3A = vector.extract_strided_slice %mul3A_9 {offsets = [0, 0], sizes = [1024, 64], strides = [1, 1]} : vector<1024x128xf32> to vector<1024x64xf32>
    %swap3A = arith.constant 0 : index
    %swap3A_10 = arith.constant 0 : index
    %swap3A_11 = vector.load %arg4[%swap3A, %swap3A_10] : memref<1024x64xf32, #tpu.memory_space<vmem>>, vector<1024x64xf32>
    tpu.vector_store %arg4[%swap3A, %swap3A_10], %slice3A {strides = array<i32>} : memref<1024x64xf32, #tpu.memory_space<vmem>>, vector<1024x64xf32>,
    %slice3A_12 = vector.extract_strided_slice %mul3A_9 {offsets = [0, 64], sizes = [1024, 64], strides = [1, 1]} : vector<1024x128xf32> to vector<1024x64xf32>
    %swap3A_13 = arith.constant 0 : index
    %swap3A_14 = arith.constant 0 : index
    %swap3A_15 = vector.load %arg5[%swap3A_13, %swap3A_14] : memref<1024x64xf32, #tpu.memory_space<vmem>>, vector<1024x64xf32>
    tpu.vector_store %arg5[%swap3A_13, %swap3A_14], %slice3A_12 {strides = array<i32>} : memref<1024x64xf32, #tpu.memory_space<vmem>>, vector<1024x64xf32>,
    return
  }
  func.func @transform_0(%arg0: i32) -> (i32, i32) {
    %c0_i32 = arith.constant 0 : i32
    %c0_i32_0 = arith.constant 0 : i32
    return %arg0, %c0_i32 : i32, i32
  }
  func.func @transform_1(%arg0: i32) -> (i32, i32) {
    %c0_i32 = arith.constant 0 : i32
    %c0_i32_0 = arith.constant 0 : i32
    %c0_i32_1 = arith.constant 0 : i32
    return %c0_i32, %c0_i32_0 : i32, i32
  }
  func.func @transform_2(%arg0: i32) -> (i32, i32) {
    %c0_i32 = arith.constant 0 : i32
    %c0_i32_0 = arith.constant 0 : i32
    return %arg0, %c0_i32 : i32, i32
  }
  func.func @transform_3(%arg0: i32) -> (i32, i32) {
    %c0_i32 = arith.constant 0 : i32
    %c0_i32_0 = arith.constant 0 : i32
    return %arg0, %c0_i32 : i32, i32
  }
  func.func @transform_4(%arg0: i32) -> (i32, i32) {
    %c0_i32 = arith.constant 0 : i32
    %c0_i32_0 = arith.constant 0 : i32
    return %arg0, %c0_i32 : i32, i32
  }
}

module attributes {stable_mosaic.version = 14 : i64} {
  func.func @body(%arg0: i32, %arg1: memref<2x1024x64xf32, #tpu.memory_space<vmem>>, %arg2: memref<1024x64xf32, #tpu.memory_space<vmem>>, %arg3: memref<1024x64xf32, #tpu.memory_space<vmem>>, %arg4: memref<1024x1xf32, #tpu.memory_space<vmem>>, %arg5: memref<1x128xf32, #tpu.memory_space<vmem>>, %arg6: memref<1024x128xf32, #tpu.memory_space<vmem>>) attributes {dimension_semantics = [#tpu.dimension_semantics<arbitrary>], iteration_bounds = array<i64: 10>, scalar_prefetch = 0 : i64, scratch_operands = 0 : i64, tpu.core_type = #tpu.core_type<tc>, window_params = [{transform_indices = @transform_0, window_bounds = array<i64: 2, 1024, 64>}, {transform_indices = @transform_1, window_bounds = array<i64: 1024, 64>}, {transform_indices = @transform_2, window_bounds = array<i64: 1024, 64>}, {transform_indices = @transform_3, window_bounds = array<i64: 1024, 1>}, {pipeline_mode = #tpu.pipeline_mode<synchronous>, transform_indices = @transform_4, window_bounds = array<i64: 1, 128>}, {transform_indices = @transform_5, window_bounds = array<i64: 1024, 128>}]} {
    %get3A = arith.constant 0 : index
    %get3A_0 = arith.constant 0 : index
    %get3A_1 = arith.constant 0 : index
    %get3A_2 = vector.load %arg1[%get3A, %get3A_0, %get3A_1] : memref<2x1024x64xf32, #tpu.memory_space<vmem>>, vector<1x1024x64xf32>
    %get3A_3 = vector.shape_cast %get3A_2 : vector<1x1024x64xf32> to vector<1024x64xf32>
    %get3A_4 = arith.constant 0 : index
    %get3A_5 = arith.constant 0 : index
    %get3A_6 = vector.load %arg2[%get3A_4, %get3A_5] : memref<1024x64xf32, #tpu.memory_space<vmem>>, vector<1024x64xf32>
    %add3A = arith.addf %get3A_3, %get3A_6 : vector<1024x64xf32>
    %get3A_7 = arith.constant 1 : index
    %get3A_8 = arith.constant 0 : index
    %get3A_9 = arith.constant 0 : index
    %get3A_10 = vector.load %arg1[%get3A_7, %get3A_8, %get3A_9] : memref<2x1024x64xf32, #tpu.memory_space<vmem>>, vector<1x1024x64xf32>
    %get3A_11 = vector.shape_cast %get3A_10 : vector<1x1024x64xf32> to vector<1024x64xf32>
    %get3A_12 = arith.constant 0 : index
    %get3A_13 = arith.constant 0 : index
    %get3A_14 = vector.load %arg3[%get3A_12, %get3A_13] : memref<1024x64xf32, #tpu.memory_space<vmem>>, vector<1024x64xf32>
    %add3A_15 = arith.addf %get3A_11, %get3A_14 : vector<1024x64xf32>
    %concatenate3A = tpu.concatenate %add3A, %add3A_15 in 1 : vector<1024x64xf32>, vector<1024x64xf32> -> vector<1024x128xf32>
    %get3A_16 = arith.constant 0 : index
    %get3A_17 = arith.constant 0 : index
    %get3A_18 = vector.load %arg4[%get3A_16, %get3A_17] : memref<1024x1xf32, #tpu.memory_space<vmem>>, vector<1024x1xf32>
    %mul3A = vector.broadcast %get3A_18 : vector<1024x1xf32> to vector<1024x128xf32>
    %mul3A_19 = arith.mulf %mul3A, %concatenate3A : vector<1024x128xf32>
    %get3A_20 = arith.constant 0 : index
    %get3A_21 = arith.constant 0 : index
    %get3A_22 = vector.load %arg5[%get3A_20, %get3A_21] : memref<1x128xf32, #tpu.memory_space<vmem>>, vector<1x128xf32>
    %add3A_23 = vector.broadcast %get3A_22 : vector<1x128xf32> to vector<1024x128xf32>
    %add3A_24 = arith.addf %mul3A_19, %add3A_23 : vector<1024x128xf32>
    %max3A = arith.constant 0.000000e+00 : f32
    %max3A_25 = vector.broadcast %max3A : f32 to vector<1024x128xf32>
    %max3A_26 = arith.maximumf %add3A_24, %max3A_25 : vector<1024x128xf32>
    %swap3A = arith.constant 0 : index
    %swap3A_27 = arith.constant 0 : index
    %swap3A_28 = vector.load %arg6[%swap3A, %swap3A_27] : memref<1024x128xf32, #tpu.memory_space<vmem>>, vector<1024x128xf32>
    tpu.vector_store %arg6[%swap3A, %swap3A_27], %max3A_26 {strides = array<i32>} : memref<1024x128xf32, #tpu.memory_space<vmem>>, vector<1024x128xf32>,
    return
  }
  func.func @transform_0(%arg0: i32) -> (i32, i32, i32) {
    %c0_i32 = arith.constant 0 : i32
    %c0_i32_0 = arith.constant 0 : i32
    %c0_i32_1 = arith.constant 0 : i32
    return %c0_i32, %arg0, %c0_i32_0 : i32, i32, i32
  }
  func.func @transform_1(%arg0: i32) -> (i32, i32) {
    %c0_i32 = arith.constant 0 : i32
    %c0_i32_0 = arith.constant 0 : i32
    return %arg0, %c0_i32 : i32, i32
  }
  func.func @transform_2(%arg0: i32) -> (i32, i32) {
    %c0_i32 = arith.constant 0 : i32
    %c0_i32_0 = arith.constant 0 : i32
    return %arg0, %c0_i32 : i32, i32
  }
  func.func @transform_3(%arg0: i32) -> (i32, i32) {
    %c0_i32 = arith.constant 0 : i32
    %c0_i32_0 = arith.constant 0 : i32
    return %arg0, %c0_i32 : i32, i32
  }
  func.func @transform_4(%arg0: i32) -> (i32, i32) {
    %c0_i32 = arith.constant 0 : i32
    %c0_i32_0 = arith.constant 0 : i32
    %c0_i32_1 = arith.constant 0 : i32
    return %c0_i32, %c0_i32_0 : i32, i32
  }
  func.func @transform_5(%arg0: i32) -> (i32, i32) {
    %c0_i32 = arith.constant 0 : i32
    %c0_i32_0 = arith.constant 0 : i32
    return %arg0, %c0_i32 : i32, i32
  }
}

module attributes {stable_mosaic.version = 14 : i64} {
  func.func @body(%arg0: i32, %arg1: memref<1024x128xf32, #tpu.memory_space<vmem>>, %arg2: memref<128x64xf32, #tpu.memory_space<vmem>>, %arg3: memref<1024x1xf32, #tpu.memory_space<vmem>>, %arg4: memref<1024x64xf32, #tpu.memory_space<vmem>>) attributes {dimension_semantics = [#tpu.dimension_semantics<arbitrary>], iteration_bounds = array<i64: 10>, scalar_prefetch = 0 : i64, scratch_operands = 0 : i64, tpu.core_type = #tpu.core_type<tc>, window_params = [{transform_indices = @transform_0, window_bounds = array<i64: 1024, 128>}, {pipeline_mode = #tpu.pipeline_mode<synchronous>, transform_indices = @transform_1, window_bounds = array<i64: 128, 64>}, {transform_indices = @transform_2, window_bounds = array<i64: 1024, 1>}, {transform_indices = @transform_3, window_bounds = array<i64: 1024, 64>}]} {
    %get3A = arith.constant 0 : index
    %get3A_0 = arith.constant 0 : index
    %get3A_1 = vector.load %arg3[%get3A, %get3A_0] : memref<1024x1xf32, #tpu.memory_space<vmem>>, vector<1024x1xf32>
    %get3A_2 = arith.constant 0 : index
    %get3A_3 = arith.constant 0 : index
    %get3A_4 = vector.load %arg1[%get3A_2, %get3A_3] : memref<1024x128xf32, #tpu.memory_space<vmem>>, vector<1024x128xf32>
    %get3A_5 = arith.constant 0 : index
    %get3A_6 = arith.constant 0 : index
    %get3A_7 = vector.load %arg2[%get3A_5, %get3A_6] : memref<128x64xf32, #tpu.memory_space<vmem>>, vector<128x64xf32>
    %dot_general3A = arith.constant dense<0.000000e+00> : vector<1024x64xf32>
    %dot_general3A_8 = tpu.matmul %get3A_4, %get3A_7, %dot_general3A {dimension_numbers = #tpu.dot_dimension_numbers<[1], [0], [0], [1], [0, 0, 1, 1], [], []>, transpose_lhs_hint = false} : vector<1024x128xf32>, vector<128x64xf32>, vector<1024x64xf32> -> vector<1024x64xf32>
    %mul3A = vector.broadcast %get3A_1 : vector<1024x1xf32> to vector<1024x64xf32>
    %mul3A_9 = arith.mulf %mul3A, %dot_general3A_8 : vector<1024x64xf32>
    %swap3A = arith.constant 0 : index
    %swap3A_10 = arith.constant 0 : index
    %swap3A_11 = vector.load %arg4[%swap3A, %swap3A_10] : memref<1024x64xf32, #tpu.memory_space<vmem>>, vector<1024x64xf32>
    tpu.vector_store %arg4[%swap3A, %swap3A_10], %mul3A_9 {strides = array<i32>} : memref<1024x64xf32, #tpu.memory_space<vmem>>, vector<1024x64xf32>,
    return
  }
  func.func @transform_0(%arg0: i32) -> (i32, i32) {
    %c0_i32 = arith.constant 0 : i32
    %c0_i32_0 = arith.constant 0 : i32
    return %arg0, %c0_i32 : i32, i32
  }
  func.func @transform_1(%arg0: i32) -> (i32, i32) {
    %c0_i32 = arith.constant 0 : i32
    %c0_i32_0 = arith.constant 0 : i32
    %c0_i32_1 = arith.constant 0 : i32
    return %c0_i32, %c0_i32_0 : i32, i32
  }
  func.func @transform_2(%arg0: i32) -> (i32, i32) {
    %c0_i32 = arith.constant 0 : i32
    %c0_i32_0 = arith.constant 0 : i32
    return %arg0, %c0_i32 : i32, i32
  }
  func.func @transform_3(%arg0: i32) -> (i32, i32) {
    %c0_i32 = arith.constant 0 : i32
    %c0_i32_0 = arith.constant 0 : i32
    return %arg0, %c0_i32 : i32, i32
  }
}

module attributes {stable_mosaic.version = 14 : i64} {
  func.func @body(%arg0: i32, %arg1: memref<2x1024x64xf32, #tpu.memory_space<vmem>>, %arg2: memref<1024x64xf32, #tpu.memory_space<vmem>>, %arg3: memref<1024x1xf32, #tpu.memory_space<vmem>>, %arg4: memref<1x64xf32, #tpu.memory_space<vmem>>, %arg5: memref<1024x64xf32, #tpu.memory_space<vmem>>) attributes {dimension_semantics = [#tpu.dimension_semantics<arbitrary>], iteration_bounds = array<i64: 10>, scalar_prefetch = 0 : i64, scratch_operands = 0 : i64, tpu.core_type = #tpu.core_type<tc>, window_params = [{transform_indices = @transform_0, window_bounds = array<i64: 2, 1024, 64>}, {transform_indices = @transform_1, window_bounds = array<i64: 1024, 64>}, {transform_indices = @transform_2, window_bounds = array<i64: 1024, 1>}, {pipeline_mode = #tpu.pipeline_mode<synchronous>, transform_indices = @transform_3, window_bounds = array<i64: 1, 64>}, {transform_indices = @transform_4, window_bounds = array<i64: 1024, 64>}]} {
    %get3A = arith.constant 0 : index
    %get3A_0 = arith.constant 0 : index
    %get3A_1 = arith.constant 0 : index
    %get3A_2 = vector.load %arg1[%get3A, %get3A_0, %get3A_1] : memref<2x1024x64xf32, #tpu.memory_space<vmem>>, vector<1x1024x64xf32>
    %get3A_3 = vector.shape_cast %get3A_2 : vector<1x1024x64xf32> to vector<1024x64xf32>
    %get3A_4 = arith.constant 1 : index
    %get3A_5 = arith.constant 0 : index
    %get3A_6 = arith.constant 0 : index
    %get3A_7 = vector.load %arg1[%get3A_4, %get3A_5, %get3A_6] : memref<2x1024x64xf32, #tpu.memory_space<vmem>>, vector<1x1024x64xf32>
    %get3A_8 = vector.shape_cast %get3A_7 : vector<1x1024x64xf32> to vector<1024x64xf32>
    %add3A = arith.addf %get3A_3, %get3A_8 : vector<1024x64xf32>
    %get3A_9 = arith.constant 0 : index
    %get3A_10 = arith.constant 0 : index
    %get3A_11 = vector.load %arg2[%get3A_9, %get3A_10] : memref<1024x64xf32, #tpu.memory_space<vmem>>, vector<1024x64xf32>
    %add3A_12 = arith.addf %add3A, %get3A_11 : vector<1024x64xf32>
    %get3A_13 = arith.constant 0 : index
    %get3A_14 = arith.constant 0 : index
    %get3A_15 = vector.load %arg3[%get3A_13, %get3A_14] : memref<1024x1xf32, #tpu.memory_space<vmem>>, vector<1024x1xf32>
    %mul3A = vector.broadcast %get3A_15 : vector<1024x1xf32> to vector<1024x64xf32>
    %mul3A_16 = arith.mulf %mul3A, %add3A_12 : vector<1024x64xf32>
    %get3A_17 = arith.constant 0 : index
    %get3A_18 = arith.constant 0 : index
    %get3A_19 = vector.load %arg4[%get3A_17, %get3A_18] : memref<1x64xf32, #tpu.memory_space<vmem>>, vector<1x64xf32>
    %add3A_20 = vector.broadcast %get3A_19 : vector<1x64xf32> to vector<1024x64xf32>
    %add3A_21 = arith.addf %mul3A_16, %add3A_20 : vector<1024x64xf32>
    %max3A = arith.constant 0.000000e+00 : f32
    %max3A_22 = vector.broadcast %max3A : f32 to vector<1024x64xf32>
    %max3A_23 = arith.maximumf %add3A_21, %max3A_22 : vector<1024x64xf32>
    %swap3A = arith.constant 0 : index
    %swap3A_24 = arith.constant 0 : index
    %swap3A_25 = vector.load %arg5[%swap3A, %swap3A_24] : memref<1024x64xf32, #tpu.memory_space<vmem>>, vector<1024x64xf32>
    tpu.vector_store %arg5[%swap3A, %swap3A_24], %max3A_23 {strides = array<i32>} : memref<1024x64xf32, #tpu.memory_space<vmem>>, vector<1024x64xf32>,
    return
  }
  func.func @transform_0(%arg0: i32) -> (i32, i32, i32) {
    %c0_i32 = arith.constant 0 : i32
    %c0_i32_0 = arith.constant 0 : i32
    %c0_i32_1 = arith.constant 0 : i32
    return %c0_i32, %arg0, %c0_i32_0 : i32, i32, i32
  }
  func.func @transform_1(%arg0: i32) -> (i32, i32) {
    %c0_i32 = arith.constant 0 : i32
    %c0_i32_0 = arith.constant 0 : i32
    return %arg0, %c0_i32 : i32, i32
  }
  func.func @transform_2(%arg0: i32) -> (i32, i32) {
    %c0_i32 = arith.constant 0 : i32
    %c0_i32_0 = arith.constant 0 : i32
    return %arg0, %c0_i32 : i32, i32
  }
  func.func @transform_3(%arg0: i32) -> (i32, i32) {
    %c0_i32 = arith.constant 0 : i32
    %c0_i32_0 = arith.constant 0 : i32
    %c0_i32_1 = arith.constant 0 : i32
    return %c0_i32, %c0_i32_0 : i32, i32
  }
  func.func @transform_4(%arg0: i32) -> (i32, i32) {
    %c0_i32 = arith.constant 0 : i32
    %c0_i32_0 = arith.constant 0 : i32
    return %arg0, %c0_i32 : i32, i32
  }
}

module attributes {stable_mosaic.version = 14 : i64} {
  func.func @body(%arg0: i32, %arg1: memref<1024x64xf32, #tpu.memory_space<vmem>>, %arg2: memref<64x64xf32, #tpu.memory_space<vmem>>, %arg3: memref<1024x1xf32, #tpu.memory_space<vmem>>, %arg4: memref<1024x64xf32, #tpu.memory_space<vmem>>) attributes {dimension_semantics = [#tpu.dimension_semantics<arbitrary>], iteration_bounds = array<i64: 10>, scalar_prefetch = 0 : i64, scratch_operands = 0 : i64, tpu.core_type = #tpu.core_type<tc>, window_params = [{transform_indices = @transform_0, window_bounds = array<i64: 1024, 64>}, {pipeline_mode = #tpu.pipeline_mode<synchronous>, transform_indices = @transform_1, window_bounds = array<i64: 64, 64>}, {transform_indices = @transform_2, window_bounds = array<i64: 1024, 1>}, {transform_indices = @transform_3, window_bounds = array<i64: 1024, 64>}]} {
    %get3A = arith.constant 0 : index
    %get3A_0 = arith.constant 0 : index
    %get3A_1 = vector.load %arg3[%get3A, %get3A_0] : memref<1024x1xf32, #tpu.memory_space<vmem>>, vector<1024x1xf32>
    %get3A_2 = arith.constant 0 : index
    %get3A_3 = arith.constant 0 : index
    %get3A_4 = vector.load %arg1[%get3A_2, %get3A_3] : memref<1024x64xf32, #tpu.memory_space<vmem>>, vector<1024x64xf32>
    %get3A_5 = arith.constant 0 : index
    %get3A_6 = arith.constant 0 : index
    %get3A_7 = vector.load %arg2[%get3A_5, %get3A_6] : memref<64x64xf32, #tpu.memory_space<vmem>>, vector<64x64xf32>
    %dot_general3A = arith.constant dense<0.000000e+00> : vector<1024x64xf32>
    %dot_general3A_8 = tpu.matmul %get3A_4, %get3A_7, %dot_general3A {dimension_numbers = #tpu.dot_dimension_numbers<[1], [0], [0], [1], [0, 0, 1, 1], [], []>, transpose_lhs_hint = false} : vector<1024x64xf32>, vector<64x64xf32>, vector<1024x64xf32> -> vector<1024x64xf32>
    %mul3A = vector.broadcast %get3A_1 : vector<1024x1xf32> to vector<1024x64xf32>
    %mul3A_9 = arith.mulf %mul3A, %dot_general3A_8 : vector<1024x64xf32>
    %swap3A = arith.constant 0 : index
    %swap3A_10 = arith.constant 0 : index
    %swap3A_11 = vector.load %arg4[%swap3A, %swap3A_10] : memref<1024x64xf32, #tpu.memory_space<vmem>>, vector<1024x64xf32>
    tpu.vector_store %arg4[%swap3A, %swap3A_10], %mul3A_9 {strides = array<i32>} : memref<1024x64xf32, #tpu.memory_space<vmem>>, vector<1024x64xf32>,
    return
  }
  func.func @transform_0(%arg0: i32) -> (i32, i32) {
    %c0_i32 = arith.constant 0 : i32
    %c0_i32_0 = arith.constant 0 : i32
    return %arg0, %c0_i32 : i32, i32
  }
  func.func @transform_1(%arg0: i32) -> (i32, i32) {
    %c0_i32 = arith.constant 0 : i32
    %c0_i32_0 = arith.constant 0 : i32
    %c0_i32_1 = arith.constant 0 : i32
    return %c0_i32, %c0_i32_0 : i32, i32
  }
  func.func @transform_2(%arg0: i32) -> (i32, i32) {
    %c0_i32 = arith.constant 0 : i32
    %c0_i32_0 = arith.constant 0 : i32
    return %arg0, %c0_i32 : i32, i32
  }
  func.func @transform_3(%arg0: i32) -> (i32, i32) {
    %c0_i32 = arith.constant 0 : i32
    %c0_i32_0 = arith.constant 0 : i32
    return %arg0, %c0_i32 : i32, i32
  }
}

module attributes {stable_mosaic.version = 14 : i64} {
  func.func @body(%arg0: memref<10240x64xf32, #tpu.memory_space<vmem>>, %arg1: memref<10240x1xi32, #tpu.memory_space<vmem>>, %arg2: memref<64x64xf32, #tpu.memory_space<vmem>>) attributes {dimension_semantics = [], scalar_prefetch = 0 : i64, scratch_operands = 0 : i64, tpu.core_type = #tpu.core_type<tc>} {
    %get3A = arith.constant 0 : index
    %get3A_0 = arith.constant 0 : index
    %get3A_1 = vector.load %arg0[%get3A, %get3A_0] : memref<10240x64xf32, #tpu.memory_space<vmem>>, vector<10240x64xf32>
    %get3A_2 = arith.constant 0 : index
    %get3A_3 = arith.constant 0 : index
    %get3A_4 = vector.load %arg1[%get3A_2, %get3A_3] : memref<10240x1xi32, #tpu.memory_space<vmem>>, vector<10240x1xi32>
    %scan3A = arith.constant 0 : i32
    %scan3A_5 = arith.constant 64 : i32
    %scan3A_6 = arith.addi %scan3A, %scan3A_5 : i32
    %scan3A_7 = arith.constant 1 : i32
    scf.for %scan3A_9 = %scan3A to %scan3A_6 step %scan3A_7  : i32 {
      %eq3A = vector.broadcast %scan3A_9 : i32 to vector<10240x1xi32>
      %eq3A_10 = arith.cmpi eq, %get3A_4, %eq3A : vector<10240x1xi32>
      %jit3A = arith.constant 0xFF800000 : f32
      %broadcast_in_dim3A = vector.shape_cast %eq3A_10 : vector<10240x1xi1> to vector<10240x1xi1>
      %broadcast_in_dim3A_11 = vector.broadcast %broadcast_in_dim3A : vector<10240x1xi1> to vector<10240x64xi1>
      %broadcast_in_dim3A_12 = vector.broadcast %jit3A : f32 to vector<10240x64xf32>
      %select_n3A = arith.select %broadcast_in_dim3A_11, %get3A_1, %broadcast_in_dim3A_12 : vector<10240x64xi1>, vector<10240x64xf32>
      %reduce_max3A = arith.constant dense<0xFF800000> : vector<64xf32>
      %reduce_max3A_13 = vector.multi_reduction <maximumf>, %select_n3A, %reduce_max3A [0] : vector<10240x64xf32> to vector<64xf32>
      %broadcast_in_dim3A_14 = vector.shape_cast %reduce_max3A_13 : vector<64xf32> to vector<1x64xf32>
      %swap3A = arith.index_cast %scan3A_9 : i32 to index
      %swap3A_15 = arith.constant 0 : index
      %swap3A_16 = vector.load %arg2[%swap3A, %swap3A_15] : memref<64x64xf32, #tpu.memory_space<vmem>>, vector<1x64xf32>
      tpu.vector_store %arg2[%swap3A, %swap3A_15], %broadcast_in_dim3A_14 {strides = array<i32>} : memref<64x64xf32, #tpu.memory_space<vmem>>, vector<1x64xf32>,
    }
    %scan3A_8 = arith.constant 64 : i32
    return
  }
}

</mosaic_0001>

<sc_bundles>
// kernel: kernel.17.cloned.1.call-start
scs
__scs_entry_jumppad:
0x0: {  	(pc) =	sbr.rel $0x88, $3  }
0x1: {  	(tag) =	ssettag $0x0;
	lr =	simm.s32 $0x1  }
0x2: {  	[smem:$0x3F96] =	sst lr;
	_ =	strace $0xD0000000  }
0x3: {  	_ = 	snop  }
0x4: {  	_ = 	snop  }
0x5: {  	_ = 	snop  }
0x6: {  	_ = 	snop  }
0x7: {  	_ = 	snop  }
__scs_overlays_trampoline_lowered:
0x8: {  	[smem:$0x3FA5] =	sst s0  }
0x9: {  	[smem:$0x3FA6] =	sst s1  }
0xa: {  	[smem:$0x3FA7] =	sst s2  }
0xb: {  	[smem:$0x3FA8] =	sst s3  }
0xc: {  	[smem:$0x3FA9] =	sst s4  }
0xd: {  	[smem:$0x3FAA] =	sst s5  }
0xe: {  	[smem:$0x3FAB] =	sst s6  }
0xf: {  	[smem:$0x3FAC] =	sst s7  }
0x10: {  	[smem:$0x3FAD] =	sst s8  }
0x11: {  	[smem:$0x3FAE] =	sst s9;
	s0 =	simm.s32 @!p0 $0x0  }
0x12: {  	s1 =	sld [smem:$0x3F94];
	s0 =	simm.s32 @p0 $0x1  }
0x13: {  	[smem:$0x3FAF] =	sst s0;
	s0 =	simm.s32 @!p1 $0x0  }
0x14: {  	s2 =	sld [smem:$0x3F93];
	s0 =	simm.s32 @p1 $0x1  }
0x15: {  	[smem:$0x3FB0] =	sst s0;
	s0 =	simm.s32 @!p2 $0x0  }
0x16: {  	s3 =	sld [smem:$0x3FDB];
	s0 =	simm.s32 @p2 $0x1  }
0x17: {  	s4 =	simm.s32 $0x1BF5;
	[smem:$0x3FB2] =	sst s0  }
0x18: {  	s0 =	sld [smem:$0x3F95];
	_ =	swait.ge [sflag:s4], $0x0  }
0x19: {  	s7 =	sld [smem:$0x3F96]  }
0x1a: {  	s8 =	sadd.s32 $0xFFFFE003, lr  }
0x1b: {  	s9 =	sadd.s32 $0xFFFFFEF7, lr;
	s5 =	simm.s32 $0xFFFFFFFF;
	p2 =	slt.u32 s8, $0xFFFFF086  }
0x1c: {  	p1 =	slt.u32 s9, $0xF7A;
	s5 =	simm.s32 @!p2 $0x0  }
0x1d: {  	s5 =	simm.s32 @p1 $0x1;
	p0 =	seq.s32 s7, s2  }
0x1e: {  	s7 =	smul.u32 @!p0 $0xF7A, s2;
	p2 =	seq.s32 @!p0 s5, $0x0  }
0x1f: {  	s9 =	smul.u32 $0xF7A, s1;
	s8 =	simm.s32 @!p0 $0x1BF5;
	p2 =	por !p2, p0  }
0x20: {  	[sflag:s8] =	ssyncset.s32 @!p0 $0xFFFFF086;
	s6 =	sadd.s32 @!p0 s3, s7;
	s7 =	simm.s32 @!p0 $0x108  }
0x21: {  	s3 =	sadd.s32 s3, s9;
	s6 =	sadd.s32 @!p0 $0x88, s6;
	s7 =	simm.s32 @p2 $0x1082  }
0x22: {  	[simem:s7], [sflag:s8] =	dma.local @!p0 [hbm:s6], $0xF7A  }
0x23: {  	s9 =	sor.u32 $0xD0000000, s2;
	s6 =	simm.s32 $0x108;
	_ =	swait.ge @!p0 [sflag:s8], $0x0  }
0x24: {  	s3 =	sadd.s32 $0x88, s3;
	s6 =	simm.s32 @!p1 $0x1082;
	[sflag:s4] =	ssyncset.s32 $0xFFFFF086  }
0x25: {  	[simem:s6], [sflag:s4] =	dma.local [hbm:s3], $0xF7A  }
0x26: {  	[smem:$0x3F96] =	sst s1;
	(tag) =	ssettag s2;
	_ =	strace s9  }
0x27: {  	s1 =	sld [smem:$0x3FA6]  }
0x28: {  	s2 =	sld [smem:$0x3FA7]  }
0x29: {  	s4 =	sld [smem:$0x3FA9]  }
0x2a: {  	p0 =	seq.s32 s5, $0x0;
	s5 =	sld [smem:$0x3FAA]  }
0x2b: {  	s6 =	sld [smem:$0x3FAB]  }
0x2c: {  	s7 =	sld [smem:$0x3FAC]  }
0x2d: {  	s3 =	simm.s32 $0x108;
	s8 =	sld [smem:$0x3FAD]  }
0x2e: {  	s3 =	simm.s32 @!p0 $0x1082;
	s9 =	sld [smem:$0x3FAE]  }
0x2f: {  	lr =	sadd.s32 s0, s3;
	s0 =	sld [smem:$0x3FA5]  }
0x30: {  	s3 =	sld [smem:$0x3FA8]  }
0x31: {  	[smem:$0x3FB1] =	sst s10  }
0x32: {  	s10 =	sld [smem:$0x3FAF];
	_ =	sdelay $0x3  }
0x33: {  	p0 =	seq.s32 s10, $0x1;
	s10 =	sld [smem:$0x3FB1];
	_ =	sdelay $0x3  }
0x34: {  	[smem:$0x3FB1] =	sst s10  }
0x35: {  	s10 =	sld [smem:$0x3FB0];
	_ =	sdelay $0x3  }
0x36: {  	p1 =	seq.s32 s10, $0x1;
	s10 =	sld [smem:$0x3FB1];
	_ =	sdelay $0x3  }
0x37: {  	[smem:$0x3FB1] =	sst s10  }
0x38: {  	s10 =	sld [smem:$0x3FB2]  }
0x39: {  	_ = 	snop;
	(pc) =	sbr.ind lr, $3  }
0x3a: {  	_ = 	snop  }
0x3b: {  	_ = 	snop  }
0x3c: {  	p2 =	seq.s32 s10, $0x1;
	s10 =	sld [smem:$0x3FB1]  }
0x3d: {  	_ =	shalt  }
0x3e: {  	_ =	shalt  }
0x3f: {  	_ =	shalt  }
0x40: {  	_ =	shalt  }
0x41: {  	_ =	shalt  }
0x42: {  	_ =	shalt  }
0x43: {  	_ =	shalt  }
0x44: {  	_ =	shalt  }
0x45: {  	_ =	shalt  }
0x46: {  	_ =	shalt  }
0x47: {  	_ =	shalt  }
0x48: {  	_ =	shalt  }
0x49: {  	_ =	shalt  }
0x4a: {  	_ =	shalt  }
0x4b: {  	_ =	shalt  }
0x4c: {  	_ =	shalt  }
0x4d: {  	_ =	shalt  }
0x4e: {  	_ =	shalt  }
0x4f: {  	_ =	shalt  }
0x50: {  	_ =	shalt  }
0x51: {  	_ =	shalt  }
0x52: {  	_ =	shalt  }
0x53: {  	_ =	shalt  }
0x54: {  	_ =	shalt  }
0x55: {  	_ =	shalt  }
0x56: {  	_ =	shalt  }
0x57: {  	_ =	shalt  }
0x58: {  	_ =	shalt  }
0x59: {  	_ =	shalt  }
0x5a: {  	_ =	shalt  }
0x5b: {  	_ =	shalt  }
0x5c: {  	_ =	shalt  }
0x5d: {  	_ =	shalt  }
0x5e: {  	_ =	shalt  }
0x5f: {  	_ =	shalt  }
0x60: {  	_ =	shalt  }
0x61: {  	_ =	shalt  }
0x62: {  	_ =	shalt  }
0x63: {  	_ =	shalt  }
0x64: {  	_ =	shalt  }
0x65: {  	_ =	shalt  }
0x66: {  	_ =	shalt  }
0x67: {  	_ =	shalt  }
0x68: {  	_ =	shalt  }
0x69: {  	_ =	shalt  }
0x6a: {  	_ =	shalt  }
0x6b: {  	_ =	shalt  }
0x6c: {  	_ =	shalt  }
0x6d: {  	_ =	shalt  }
0x6e: {  	_ =	shalt  }
0x6f: {  	_ =	shalt  }
0x70: {  	_ =	shalt  }
0x71: {  	_ =	shalt  }
0x72: {  	_ =	shalt  }
0x73: {  	_ =	shalt  }
0x74: {  	_ =	shalt  }
0x75: {  	_ =	shalt  }
0x76: {  	_ =	shalt  }
0x77: {  	_ =	shalt  }
0x78: {  	_ =	shalt  }
0x79: {  	_ =	shalt  }
0x7a: {  	_ =	shalt  }
0x7b: {  	_ =	shalt  }
0x7c: {  	_ =	shalt  }
0x7d: {  	_ =	shalt  }
0x7e: {  	_ =	shalt  }
0x7f: {  	_ =	shalt  }
0x80: {  	_ =	shalt  }
0x81: {  	_ =	shalt  }
0x82: {  	_ =	shalt  }
0x83: {  	_ =	shalt  }
0x84: {  	_ =	shalt  }
0x85: {  	_ =	shalt  }
0x86: {  	_ =	shalt  }
0x87: {  	_ =	shalt  }
.Lfunc_end0:
.L_simem_size_0:
called_computation_lowered:
.L_overlay_start_0:
0x88: {  	s2 =	sld [smem:$0x3FD9]  }
0x89: {  	s3 =	sld [smem:$0x3FFE];
	_ =	sdelay $0x1  }
0x8a: {  	s1 =	srdreg.scid  }
0x8b: {  	s0 =	sand.u32 $0x1, s1  }
0x8c: {  	s16 =	sshll.u32 s0, $0xA;
	s2 =	sadd.s32 s3, s2  }
0x8d: {  	s2 =	sadd.s32 s2, s16  }
0x8e: {  	[smem:$0x3FBD] =	sst s2  }
0x8f: {  	_ = 	snop  }
0x90: {  	(tm) =	ssettm $0x1  }
0x91: {  	s17 =	sld [smem:$0x3FFB];
	_ =	sdelay $0x3  }
0x92: {  	_ =	strace s17  }
0x93: {  	s2 =	sld [smem:$0x3FFC];
	_ =	sdelay $0x3  }
0x94: {  	_ =	strace s2  }
0x95: {  	s2 =	sld [smem:$0x3FFD];
	_ =	sdelay $0x3  }
0x96: {  	_ =	strace s2  }
0x97: {  	_ =	strace $0x8FFFFFFF  }
0x98: {  	s18 =	sld [smem:$0x3FDB];
	_ =	sdelay $0x1  }
0x99: {  	s19 =	simm.s32 $_scs_section_size  }
0x9a: {  	s4 =	simm.s32 $_size__tile_overlayer_lowered;
	s5 =	simm.s32 $_tile_overlayer_lowered  }
0x9b: {  	s22 =	simm.s32 $0x1BFF;
	s21 =	sshll.u32 s5, $0x1;
	s2 =	sadd.s32 s19, s18  }
0x9c: {  	s6 =	simm.s32 $0x0;
	s20 =	sshll.u32 s4, $0x1;
	s4 =	sadd.s32 s21, s2  }
0x9d: {  	[timem:s6], [sflag:s22] =	dma.local [hbm:s4], s20  }
0x9e: {  	_ =	swait.ge [sflag:s22], s20  }
0x9f: {  	s3 =	ssub.s32 $0x0, s20;
	[sflag:s22] =	ssyncset.done $0x0  }
0xa0: {  	[sflag:s22] =	ssyncadd.s32 s3;
	_ =	sdelay $0x1  }
0xa1: {  	s23 =	simm.s32 $0x1B8B  }
0xa2: {  	_ =	swait.ge [sflag:s23], $0x1  }
0xa3: {  	[sflag:s23] =	ssyncset.done $0x0  }
0xa4: {  	s25 =	simm.s32 $0x1B8E;
	s24 =	sld [smem:$0x3FFE];
	[sflag:s23] =	ssyncadd.s32 $0xFFFFFFFF  }
0xa5: {  	s26 =	simm.s32 $execute0_lowered;
	[smem:$0x3FD2] =	sst s25  }
0xa6: {  	s4 =	sshll.u32 s26, $0x1;
	_ =	strace $0x80000046;
	[dreg:$0x1] =	wrdreg $0xFFFFFFFF  }
0xa7: {  	s28 =	simm.s32 $_size_execute0_lowered;
	s2 =	sadd.s32 s2, s4;
	[dreg:$0x0] =	wrdreg $0x0  }
0xa8: {  	s4 =	sshll.u32 s28, $0x1;
	[dreg:$0x2] =	wrdreg s2  }
0xa9: {  	[dreg:$0x3] =	wrdreg s4  }
0xaa: {  	[dreg:$0x4] =	wrdreg $0xC0  }
0xab: {  	_ =	task [dreg:s6], $0x5FFFF  }
0xac: {  	[dreg:$0x1] =	wrdreg $0xFFFFFFFF  }
0xad: {  	[dreg:$0x0] =	wrdreg $0x60  }
0xae: {  	[dreg:$0x2] =	wrdreg s24  }
0xaf: {  	[dreg:$0x3] =	wrdreg $0x34800  }
0xb0: {  	[dreg:$0x4] =	wrdreg $0x9  }
0xb1: {  	_ =	task.clear_ibuf [dreg:s6], $0x5FFFF;
	_ =	strace $0x90000046  }
0xb2: {  	s29 =	simm.s32 $0x9;
	_ =	strace $0x80000048  }
0xb3: {  	_ =	swait.ge [sflag:s29], $0x1  }
0xb4: {  	[sflag:s29] =	ssyncadd.s32 $0xFFFFFFFF  }
0xb5: {  	_ =	strace $0x90000048  }
0xb6: {  	_ =	sfence  }
0xb7: {  	s30 =	sld [smem:$0x0];
	_ =	sdelay $0x2  }
0xb8: {  	s31 =	sshll.u32 s1, $0xD;
	s1 =	sshrl.u32 s1, $0x2  }
0xb9: {  	s3 =	sand.u32 $0x4000, s31;
	s1 =	sadd.s32 s1, s30  }
0xba: {  	s0 =	sor.u32 s3, s0;
	s1 =	sshll.u32 s1, $0x11  }
0xbb: {  	s0 =	sor.u32 s1, s0  }
0xbc: {  	s0 =	sadd.s32 $0x8F2B, s0  }
0xbd: {  	[sflag:s0] =	ssyncadd.remote.s32 $0x1  }
0xbe: {  	_ =	sfence.sel $0xFFFF  }
0xbf: {  	[dreg:$0x0] =	wrdreg $0xFFFFFFFF;
	(pc) =	sbr.abs _section_cstart, $3  }
0xc0: {  	[dreg:$0x1] =	wrdreg $0xFFFFFFFF  }
0xc1: {  	_ =	task.clear_ibuf [dreg:s6], $0x2FFFF;
	_ =	strace $0x9FFFFFFF  }
0xc2: {  	(tm) =	ssettm $0x7FFFFFFF  }
0xc3: {  	_ =	shalt  }
tec
execute0_lowered:
.L_overlay_start_1:
0x0: {  	(tag) =	ssettag $0x1  }
0x1: {  	s1 =	srdreg.scid;
	s5 =	rddreg [dreg:$0x0]  }
0x2: {  	s0 =	stileid.u32;
	s2 =	rddreg [dreg:$0x1]  }
0x3: {  	s3 =	simm.s32 $0x0;
	s28 =	simm.s32 $0x1;
	s29 =	simm.s32 $0x0  }
0x4: {  	s4 =	sand.u32 $0x1, s1;
	s23 =	sshll.u32 s0, $0x1;
	s15 =	smul.u32 $0x2800, s0  }
0x5: {  	[smem:$0x7FF] =	sst s3;
	s21 =	sadd.s32 $0xC600, s5;
	s26 =	smul.u32 $0xA000, s0  }
0x6: {  	s1 =	sor.u32 s4, s23;
	s19 =	smul.u32 $0x28000, s4;
	s4 =	ssub.s32 $0x2, s4  }
0x7: {  	s6 =	smul.u32 $0x4F0, s1;
	s1 =	rddreg [dreg:$0x2];
	_ =	strace $0x80000047  }
0x8: {  	s24 =	sshrl.u32 s4, $0x1;
	s13 =	sor.u32 $0x500, s15;
	s16 =	sadd.s32 $0xA00, s15  }
0x9: {  	s17 =	sadd.s32 $0xF00, s15;
	s18 =	sadd.s32 $0x1400, s15;
	s20 =	sadd.s32 $0x1900, s15  }
0xa: {  	s22 =	sadd.s32 $0x1E00, s15;
	s23 =	sadd.s32 $0x2300, s15;
	s7 =	sadd.s32 s19, s15  }
0xb: {  	s8 =	ssub.s32 s4, s24;
	s9 =	sadd.s32 s16, s2;
	s10 =	sadd.s32 s17, s2  }
0xc: {  	s11 =	sadd.s32 s18, s2;
	s12 =	sadd.s32 s20, s2;
	s24 =	sadd.s32 s19, s13  }
0xd: {  	s14 =	sadd.s32 s23, s2;
	s16 =	sadd.s32 s19, s16;
	s17 =	sadd.s32 s19, s17  }
0xe: {  	s18 =	sadd.s32 s19, s18;
	s20 =	sadd.s32 s19, s20;
	s23 =	sadd.s32 s19, s23  }
0xf: {  	s6 =	sadd.s32 s6, s5;
	s25 =	sshrl.u32 s7, $0x3;
	s7 =	sshrl.u32 s26, $0x2  }
0x10: {  	s24 =	sshrl.u32 s24, $0x3;
	s16 =	sshrl.u32 s16, $0x3;
	s17 =	sshrl.u32 s17, $0x3  }
0x11: {  	s18 =	sshrl.u32 s18, $0x3;
	s20 =	sshrl.u32 s20, $0x3;
	s31 =	sshrl.u32 s23, $0x3  }
0x12: {  	s23 =	simm.s32 $0x2F80;
	s26 =	simm.s32 $0x2780;
	s4 =	sadd.s32 $0x2800, s6  }
0x13: {  	s5 =	sadd.s32 s21, s25;
	s6 =	smax.u32 s8, $0x1;
	s7 =	sadd.s32 s7, s2  }
0x14: {  	s8 =	sadd.s32 s13, s2;
	s13 =	sadd.s32 s22, s2;
	s25 =	sadd.s32 s15, s2  }
0x15: {  	s15 =	sadd.s32 s21, s24;
	s16 =	sadd.s32 s21, s16;
	s17 =	sadd.s32 s21, s17  }
0x16: {  	s18 =	sadd.s32 s21, s18;
	s22 =	sadd.s32 s19, s22;
	s19 =	sadd.s32 s21, s20  }
0x17: {  	s24 =	simm.s32 $0x80;
	s30 =	sshrl.u32 s22, $0x3;
	s22 =	simm.s32 $0x2  }
0x18: {  	v0 =	vimm.f32 $1.000000000e+00;
	v1 =	vimm.f32 $0.0e+00;
	s25 =	sshrl.u32 s25, $0x3;
	s20 =	sadd.s32 s21, s30;
	s21 =	sadd.s32 s21, s31  }
.LBB2_1:
0x19: {  	[tilespmem:s3], [sflag:$0x2] =	stream.linear.gather [hbm4b:s4+s3], $0x2780, $0x38;
	[tilespmem:$0x5C80] =	vst v63  }
0x1a: {  	_ =	swait.ge [sflag:s22], $0x2780  }
0x1b: {  	[sflag:s22] =	ssyncset.done $0x0  }
0x1c: {  	s30 =	simm.s32 $0x0;
	[sflag:s22] =	ssyncadd.s32 $0xFFFFD880  }
.LBB2_2:
0x1d: {  	p0 =	sne.s32 s30, $0x1FC0  }
.Ltmp0:
0x1e: {  	_ = 	snop;
	(pc) =	sbr.rel @p0 .LBB2_2-.Ltmp0, $3  }
0x1f: {  	_ =	sdelay $0x1  }
0x20: {  	s31 =	sshra.s32 s30, $0x2  }
0x21: {  	s30 =	sadd.s32 $0x40, s30;
	[tilespmem:s31+$0x2780] =	vst v0  }
0x22: {  	s30 =	simm.s32 $0x40;
	s31 =	simm.s32 $0x0  }
.LBB2_4:
0x23: {  	p0 =	sne.s32 s30, $0x13C0;
	[tilespmem:s31+$0x2F80] =	vst v1;
	s31 =	smov.u32 s30;
	s30 =	sadd.s32 $0x40, s30  }
.Ltmp1:
0x24: {  	(pc) =	sbr.rel @p0 .LBB2_4-.Ltmp1, $2  }
0x25: {  	_ =	sdelay $0x2  }
0x26: {  	s31 =	sshra.s32 s31, $0x2  }
0x27: {  	[tilespmem:s31+$0x2F80] =	vst v1  }
0x28: {  	[spmem:s7] =	stream.linear.scatter [tilespmem:s23], [sflag:$0x2], $0x500, $0x38;
	[tilespmem:$0x5C80] =	vst v63  }
0x29: {  	_ =	swait.ge [sflag:s22], $0x500  }
0x2a: {  	[sflag:s22] =	ssyncset.done $0x0  }
0x2b: {  	[sflag:s22] =	ssyncadd.s32 $0xFFFFFB00  }
0x2c: {  	[spmem:s8] =	stream.linear.scatter [tilespmem:s23], [sflag:$0x2], $0x500, $0x38;
	[tilespmem:$0x5C80] =	vst v63  }
0x2d: {  	_ =	swait.ge [sflag:s22], $0x500  }
0x2e: {  	[sflag:s22] =	ssyncset.done $0x0  }
0x2f: {  	[sflag:s22] =	ssyncadd.s32 $0xFFFFFB00  }
0x30: {  	[spmem:s9] =	stream.linear.scatter [tilespmem:s23], [sflag:$0x2], $0x500, $0x38;
	[tilespmem:$0x5C80] =	vst v63  }
0x31: {  	_ =	swait.ge [sflag:s22], $0x500  }
0x32: {  	[sflag:s22] =	ssyncset.done $0x0  }
0x33: {  	[sflag:s22] =	ssyncadd.s32 $0xFFFFFB00  }
0x34: {  	[spmem:s10] =	stream.linear.scatter [tilespmem:s23], [sflag:$0x2], $0x500, $0x38;
	[tilespmem:$0x5C80] =	vst v63  }
0x35: {  	_ =	swait.ge [sflag:s22], $0x500  }
0x36: {  	[sflag:s22] =	ssyncset.done $0x0  }
0x37: {  	[sflag:s22] =	ssyncadd.s32 $0xFFFFFB00  }
0x38: {  	[spmem:s11] =	stream.linear.scatter [tilespmem:s23], [sflag:$0x2], $0x500, $0x38;
	[tilespmem:$0x5C80] =	vst v63  }
0x39: {  	_ =	swait.ge [sflag:s22], $0x500  }
0x3a: {  	[sflag:s22] =	ssyncset.done $0x0  }
0x3b: {  	[sflag:s22] =	ssyncadd.s32 $0xFFFFFB00  }
0x3c: {  	[spmem:s12] =	stream.linear.scatter [tilespmem:s23], [sflag:$0x2], $0x500, $0x38;
	[tilespmem:$0x5C80] =	vst v63  }
0x3d: {  	_ =	swait.ge [sflag:s22], $0x500  }
0x3e: {  	[sflag:s22] =	ssyncset.done $0x0  }
0x3f: {  	[sflag:s22] =	ssyncadd.s32 $0xFFFFFB00  }
0x40: {  	[spmem:s13] =	stream.linear.scatter [tilespmem:s23], [sflag:$0x2], $0x500, $0x38;
	[tilespmem:$0x5C80] =	vst v63  }
0x41: {  	_ =	swait.ge [sflag:s22], $0x500  }
0x42: {  	[sflag:s22] =	ssyncset.done $0x0  }
0x43: {  	[sflag:s22] =	ssyncadd.s32 $0xFFFFFB00  }
0x44: {  	[spmem:s14] =	stream.linear.scatter [tilespmem:s23], [sflag:$0x2], $0x500, $0x38;
	[tilespmem:$0x5C80] =	vst v63  }
0x45: {  	_ =	swait.ge [sflag:s22], $0x500  }
0x46: {  	[sflag:s22] =	ssyncset.done $0x0  }
0x47: {  	[sflag:s22] =	ssyncadd.s32 $0xFFFFFB00  }
0x48: {  	s30 =	simm.s32 $0x0;
	[bflag:$0x0] =	sbarrier.arrive $0xFFFF  }
.LBB2_6:
0x49: {  	p0 =	sne.s32 s30, $0x9C00  }
.Ltmp2:
0x4a: {  	_ = 	snop;
	(pc) =	sbr.rel @p0 .LBB2_6-.Ltmp2, $3  }
0x4b: {  	_ =	sdelay $0x1  }
0x4c: {  	s31 =	sshra.s32 s30, $0x2;
	s30 =	sadd.s32 $0x200, s30  }
0x4d: {  	[spmem:s2] =	stream.indirect.scatter.add.f32 [tilespmem:s26], [sflag:$0x1], $0x10, s31, s24, $0xb8;
	[tilespmem:$0x5C80] =	vst v63  }
0x4e: {  	_ =	swait.ge [sflag:s28], $0x800  }
0x4f: {  	s30 =	simm.s32 $0x4E;
	[sflag:s28] =	ssyncset.done $0x0  }
.LBB2_8:
0x50: {  	p0 =	sne.s32 s30, $0x1;
	s30 =	sadd.s32 $0xFFFFFFFF, s30;
	[sflag:s28] =	ssyncadd.s32 $0xFFFFF800  }
.Ltmp3:
0x51: {  	(pc) =	sbr.rel @p0 .LBB2_8-.Ltmp3, $3  }
0x52: {  	_ =	sdelay $0x1  }
0x53: {  	_ =	swait.ge [sflag:s28], $0x800  }
0x54: {  	[sflag:s28] =	ssyncset.done $0x0  }
0x55: {  	[sflag:s28] =	ssyncadd.s32 $0xFFFFF800;
	s30 =	sshll.u32 s0, $0x6  }
0x56: {  	[bflag:$0x0] =	sbarrier.arrive $0xFFFF;
	s30 =	sor.u32 $0x1C02, s30  }
0x57: {  	[hbm:s5], [sflag:s30] =	dma.local [spmem:s25], $0xA0  }
0x58: {  	_ =	swait.ge [sflag:s22], $0xA0  }
0x59: {  	[sflag:s22] =	ssyncset.done $0x0  }
0x5a: {  	s31 =	sshrl.u32 s8, $0x3;
	[sflag:s22] =	ssyncadd.s32 $0xFFFFFF60  }
0x5b: {  	[hbm:s15], [sflag:s30] =	dma.local [spmem:s31], $0xA0  }
0x5c: {  	_ =	swait.ge [sflag:s22], $0xA0  }
0x5d: {  	[sflag:s22] =	ssyncset.done $0x0  }
0x5e: {  	s31 =	sshrl.u32 s9, $0x3;
	[sflag:s22] =	ssyncadd.s32 $0xFFFFFF60  }
0x5f: {  	[hbm:s16], [sflag:s30] =	dma.local [spmem:s31], $0xA0  }
0x60: {  	_ =	swait.ge [sflag:s22], $0xA0  }
0x61: {  	[sflag:s22] =	ssyncset.done $0x0  }
0x62: {  	s31 =	sshrl.u32 s10, $0x3;
	[sflag:s22] =	ssyncadd.s32 $0xFFFFFF60  }
0x63: {  	[hbm:s17], [sflag:s30] =	dma.local [spmem:s31], $0xA0  }
0x64: {  	_ =	swait.ge [sflag:s22], $0xA0  }
0x65: {  	[sflag:s22] =	ssyncset.done $0x0  }
0x66: {  	s31 =	sshrl.u32 s11, $0x3;
	[sflag:s22] =	ssyncadd.s32 $0xFFFFFF60  }
0x67: {  	[hbm:s18], [sflag:s30] =	dma.local [spmem:s31], $0xA0  }
0x68: {  	_ =	swait.ge [sflag:s22], $0xA0  }
0x69: {  	[sflag:s22] =	ssyncset.done $0x0  }
0x6a: {  	s31 =	sshrl.u32 s12, $0x3;
	[sflag:s22] =	ssyncadd.s32 $0xFFFFFF60  }
0x6b: {  	[hbm:s19], [sflag:s30] =	dma.local [spmem:s31], $0xA0  }
0x6c: {  	_ =	swait.ge [sflag:s22], $0xA0  }
0x6d: {  	[sflag:s22] =	ssyncset.done $0x0  }
0x6e: {  	s31 =	sshrl.u32 s13, $0x3;
	[sflag:s22] =	ssyncadd.s32 $0xFFFFFF60  }
0x6f: {  	[hbm:s20], [sflag:s30] =	dma.local [spmem:s31], $0xA0  }
0x70: {  	s29 =	sadd.s32 $0x1, s29;
	_ =	swait.ge [sflag:s22], $0xA0  }
0x71: {  	p0 =	sne.s32 s29, s6;
	[sflag:s22] =	ssyncset.done $0x0  }
.Ltmp4:
0x72: {  	s31 =	sshrl.u32 s14, $0x3;
	[sflag:s22] =	ssyncadd.s32 $0xFFFFFF60;
	(pc) =	sbr.rel @p0 .LBB2_1-.Ltmp4, $4  }
0x73: {  	[hbm:s21], [sflag:s30] =	dma.local [spmem:s31], $0xA0  }
0x74: {  	_ =	swait.ge [sflag:s22], $0xA0  }
0x75: {  	[sflag:s22] =	ssyncset.done $0x0  }
0x76: {  	[sflag:s22] =	ssyncadd.s32 $0xFFFFFF60  }
0x77: {  	_ =	sfence.sel $0x180000  }
0x78: {  	[bflag:$0x0] =	sbarrier.arrive $0xFFFF  }
0x79: {  	p0 =	sne.s32 s0, $0x0;
	_ =	strace $0x90000047  }
0x7a: {  	s0 =	sadd.s32 @!p0 $0x100000, s1;
	[bflag:$0x2] =	sbarrier.arrive $0xFFFF  }
0x7b: {  	[sflag:s0] =	ssyncadd.tile.s32 @!p0 $0x1;
	_ =	shalt  }
.Lfunc_end2:
_tile_overlayer_lowered:
.L_overlay_start_2:
0x7c: {  	(tag) =	ssettag $0x2  }
0x7d: {  	s0 =	rddreg [dreg:$0x0];
	s2 =	stileid.u32  }
0x7e: {  	s1 =	rddreg [dreg:$0x1];
	p0 =	sne.s32 s2, $0x0  }
0x7f: {  	s3 =	rddreg [dreg:$0x2];
	[bflag:$0x3] =	sbarrier.arrive $0xFFFF;
	s2 =	simm.s32 @!p0 $0x1C02  }
0x80: {  	[timem:s3], [sflag:s2] =	dma.local @!p0 [hbm:s0], s1  }
0x81: {  	s0 =	simm.s32 @!p0 $0x2  }
0x82: {  	_ =	swait.ge @!p0 [sflag:s0], s1  }
0x83: {  	s1 =	ssub.s32 @!p0 $0x0, s1;
	[sflag:s0] =	ssyncset.done @!p0 $0x0  }
0x84: {  	[sflag:s0] =	ssyncadd.s32 @!p0 s1  }
0x85: {  	[bflag:$0x3] =	sbarrier.arrive $0xFFFF  }
0x86: {  	_ =	shalt  }

// kernel: kernel.20.cloned.1.call-start
scs
__scs_entry_jumppad:
0x0: {  	(pc) =	sbr.rel $0x88, $3  }
0x1: {  	(tag) =	ssettag $0x0;
	lr =	simm.s32 $0x1  }
0x2: {  	[smem:$0x3F96] =	sst lr;
	_ =	strace $0xD0000000  }
0x3: {  	_ = 	snop  }
0x4: {  	_ = 	snop  }
0x5: {  	_ = 	snop  }
0x6: {  	_ = 	snop  }
0x7: {  	_ = 	snop  }
__scs_overlays_trampoline_lowered:
0x8: {  	[smem:$0x3FA5] =	sst s0  }
0x9: {  	[smem:$0x3FA6] =	sst s1  }
0xa: {  	[smem:$0x3FA7] =	sst s2  }
0xb: {  	[smem:$0x3FA8] =	sst s3  }
0xc: {  	[smem:$0x3FA9] =	sst s4  }
0xd: {  	[smem:$0x3FAA] =	sst s5  }
0xe: {  	[smem:$0x3FAB] =	sst s6  }
0xf: {  	[smem:$0x3FAC] =	sst s7  }
0x10: {  	[smem:$0x3FAD] =	sst s8  }
0x11: {  	[smem:$0x3FAE] =	sst s9;
	s0 =	simm.s32 @!p0 $0x0  }
0x12: {  	s1 =	sld [smem:$0x3F94];
	s0 =	simm.s32 @p0 $0x1  }
0x13: {  	[smem:$0x3FAF] =	sst s0;
	s0 =	simm.s32 @!p1 $0x0  }
0x14: {  	s2 =	sld [smem:$0x3F93];
	s0 =	simm.s32 @p1 $0x1  }
0x15: {  	[smem:$0x3FB0] =	sst s0;
	s0 =	simm.s32 @!p2 $0x0  }
0x16: {  	s3 =	sld [smem:$0x3FDB];
	s0 =	simm.s32 @p2 $0x1  }
0x17: {  	s4 =	simm.s32 $0x1BF5;
	[smem:$0x3FB2] =	sst s0  }
0x18: {  	s0 =	sld [smem:$0x3F95];
	_ =	swait.ge [sflag:s4], $0x0  }
0x19: {  	s7 =	sld [smem:$0x3F96]  }
0x1a: {  	s8 =	sadd.s32 $0xFFFFE003, lr  }
0x1b: {  	s9 =	sadd.s32 $0xFFFFFEF7, lr;
	s5 =	simm.s32 $0xFFFFFFFF;
	p2 =	slt.u32 s8, $0xFFFFF086  }
0x1c: {  	p1 =	slt.u32 s9, $0xF7A;
	s5 =	simm.s32 @!p2 $0x0  }
0x1d: {  	s5 =	simm.s32 @p1 $0x1;
	p0 =	seq.s32 s7, s2  }
0x1e: {  	s7 =	smul.u32 @!p0 $0xF7A, s2;
	p2 =	seq.s32 @!p0 s5, $0x0  }
0x1f: {  	s9 =	smul.u32 $0xF7A, s1;
	s8 =	simm.s32 @!p0 $0x1BF5;
	p2 =	por !p2, p0  }
0x20: {  	[sflag:s8] =	ssyncset.s32 @!p0 $0xFFFFF086;
	s6 =	sadd.s32 @!p0 s3, s7;
	s7 =	simm.s32 @!p0 $0x108  }
0x21: {  	s3 =	sadd.s32 s3, s9;
	s6 =	sadd.s32 @!p0 $0x88, s6;
	s7 =	simm.s32 @p2 $0x1082  }
0x22: {  	[simem:s7], [sflag:s8] =	dma.local @!p0 [hbm:s6], $0xF7A  }
0x23: {  	s9 =	sor.u32 $0xD0000000, s2;
	s6 =	simm.s32 $0x108;
	_ =	swait.ge @!p0 [sflag:s8], $0x0  }
0x24: {  	s3 =	sadd.s32 $0x88, s3;
	s6 =	simm.s32 @!p1 $0x1082;
	[sflag:s4] =	ssyncset.s32 $0xFFFFF086  }
0x25: {  	[simem:s6], [sflag:s4] =	dma.local [hbm:s3], $0xF7A  }
0x26: {  	[smem:$0x3F96] =	sst s1;
	(tag) =	ssettag s2;
	_ =	strace s9  }
0x27: {  	s1 =	sld [smem:$0x3FA6]  }
0x28: {  	s2 =	sld [smem:$0x3FA7]  }
0x29: {  	s4 =	sld [smem:$0x3FA9]  }
0x2a: {  	p0 =	seq.s32 s5, $0x0;
	s5 =	sld [smem:$0x3FAA]  }
0x2b: {  	s6 =	sld [smem:$0x3FAB]  }
0x2c: {  	s7 =	sld [smem:$0x3FAC]  }
0x2d: {  	s3 =	simm.s32 $0x108;
	s8 =	sld [smem:$0x3FAD]  }
0x2e: {  	s3 =	simm.s32 @!p0 $0x1082;
	s9 =	sld [smem:$0x3FAE]  }
0x2f: {  	lr =	sadd.s32 s0, s3;
	s0 =	sld [smem:$0x3FA5]  }
0x30: {  	s3 =	sld [smem:$0x3FA8]  }
0x31: {  	[smem:$0x3FB1] =	sst s10  }
0x32: {  	s10 =	sld [smem:$0x3FAF];
	_ =	sdelay $0x3  }
0x33: {  	p0 =	seq.s32 s10, $0x1;
	s10 =	sld [smem:$0x3FB1];
	_ =	sdelay $0x3  }
0x34: {  	[smem:$0x3FB1] =	sst s10  }
0x35: {  	s10 =	sld [smem:$0x3FB0];
	_ =	sdelay $0x3  }
0x36: {  	p1 =	seq.s32 s10, $0x1;
	s10 =	sld [smem:$0x3FB1];
	_ =	sdelay $0x3  }
0x37: {  	[smem:$0x3FB1] =	sst s10  }
0x38: {  	s10 =	sld [smem:$0x3FB2]  }
0x39: {  	_ = 	snop;
	(pc) =	sbr.ind lr, $3  }
0x3a: {  	_ = 	snop  }
0x3b: {  	_ = 	snop  }
0x3c: {  	p2 =	seq.s32 s10, $0x1;
	s10 =	sld [smem:$0x3FB1]  }
0x3d: {  	_ =	shalt  }
0x3e: {  	_ =	shalt  }
0x3f: {  	_ =	shalt  }
0x40: {  	_ =	shalt  }
0x41: {  	_ =	shalt  }
0x42: {  	_ =	shalt  }
0x43: {  	_ =	shalt  }
0x44: {  	_ =	shalt  }
0x45: {  	_ =	shalt  }
0x46: {  	_ =	shalt  }
0x47: {  	_ =	shalt  }
0x48: {  	_ =	shalt  }
0x49: {  	_ =	shalt  }
0x4a: {  	_ =	shalt  }
0x4b: {  	_ =	shalt  }
0x4c: {  	_ =	shalt  }
0x4d: {  	_ =	shalt  }
0x4e: {  	_ =	shalt  }
0x4f: {  	_ =	shalt  }
0x50: {  	_ =	shalt  }
0x51: {  	_ =	shalt  }
0x52: {  	_ =	shalt  }
0x53: {  	_ =	shalt  }
0x54: {  	_ =	shalt  }
0x55: {  	_ =	shalt  }
0x56: {  	_ =	shalt  }
0x57: {  	_ =	shalt  }
0x58: {  	_ =	shalt  }
0x59: {  	_ =	shalt  }
0x5a: {  	_ =	shalt  }
0x5b: {  	_ =	shalt  }
0x5c: {  	_ =	shalt  }
0x5d: {  	_ =	shalt  }
0x5e: {  	_ =	shalt  }
0x5f: {  	_ =	shalt  }
0x60: {  	_ =	shalt  }
0x61: {  	_ =	shalt  }
0x62: {  	_ =	shalt  }
0x63: {  	_ =	shalt  }
0x64: {  	_ =	shalt  }
0x65: {  	_ =	shalt  }
0x66: {  	_ =	shalt  }
0x67: {  	_ =	shalt  }
0x68: {  	_ =	shalt  }
0x69: {  	_ =	shalt  }
0x6a: {  	_ =	shalt  }
0x6b: {  	_ =	shalt  }
0x6c: {  	_ =	shalt  }
0x6d: {  	_ =	shalt  }
0x6e: {  	_ =	shalt  }
0x6f: {  	_ =	shalt  }
0x70: {  	_ =	shalt  }
0x71: {  	_ =	shalt  }
0x72: {  	_ =	shalt  }
0x73: {  	_ =	shalt  }
0x74: {  	_ =	shalt  }
0x75: {  	_ =	shalt  }
0x76: {  	_ =	shalt  }
0x77: {  	_ =	shalt  }
0x78: {  	_ =	shalt  }
0x79: {  	_ =	shalt  }
0x7a: {  	_ =	shalt  }
0x7b: {  	_ =	shalt  }
0x7c: {  	_ =	shalt  }
0x7d: {  	_ =	shalt  }
0x7e: {  	_ =	shalt  }
0x7f: {  	_ =	shalt  }
0x80: {  	_ =	shalt  }
0x81: {  	_ =	shalt  }
0x82: {  	_ =	shalt  }
0x83: {  	_ =	shalt  }
0x84: {  	_ =	shalt  }
0x85: {  	_ =	shalt  }
0x86: {  	_ =	shalt  }
0x87: {  	_ =	shalt  }
.Lfunc_end0:
.L_simem_size_0:
called_computation.1_lowered:
.L_overlay_start_0:
0x88: {  	s2 =	sld [smem:$0x3FD9]  }
0x89: {  	s3 =	sld [smem:$0x3FFE];
	_ =	sdelay $0x1  }
0x8a: {  	s1 =	srdreg.scid  }
0x8b: {  	s0 =	sand.u32 $0x1, s1  }
0x8c: {  	s16 =	sshll.u32 s0, $0xA;
	s2 =	sadd.s32 s3, s2  }
0x8d: {  	s2 =	sadd.s32 s2, s16  }
0x8e: {  	[smem:$0x3FBD] =	sst s2  }
0x8f: {  	_ = 	snop  }
0x90: {  	(tm) =	ssettm $0x1  }
0x91: {  	s17 =	sld [smem:$0x3FFB];
	_ =	sdelay $0x3  }
0x92: {  	_ =	strace s17  }
0x93: {  	s2 =	sld [smem:$0x3FFC];
	_ =	sdelay $0x3  }
0x94: {  	_ =	strace s2  }
0x95: {  	s2 =	sld [smem:$0x3FFD];
	_ =	sdelay $0x3  }
0x96: {  	_ =	strace s2  }
0x97: {  	_ =	strace $0x8FFFFFFF  }
0x98: {  	s18 =	sld [smem:$0x3FDB];
	_ =	sdelay $0x1  }
0x99: {  	s19 =	simm.s32 $_scs_section_size  }
0x9a: {  	s4 =	simm.s32 $_size__tile_overlayer_lowered;
	s5 =	simm.s32 $_tile_overlayer_lowered  }
0x9b: {  	s22 =	simm.s32 $0x1BFF;
	s21 =	sshll.u32 s5, $0x1;
	s2 =	sadd.s32 s19, s18  }
0x9c: {  	s6 =	simm.s32 $0x0;
	s20 =	sshll.u32 s4, $0x1;
	s4 =	sadd.s32 s21, s2  }
0x9d: {  	[timem:s6], [sflag:s22] =	dma.local [hbm:s4], s20  }
0x9e: {  	_ =	swait.ge [sflag:s22], s20  }
0x9f: {  	s3 =	ssub.s32 $0x0, s20;
	[sflag:s22] =	ssyncset.done $0x0  }
0xa0: {  	[sflag:s22] =	ssyncadd.s32 s3;
	_ =	sdelay $0x1  }
0xa1: {  	s23 =	simm.s32 $0x1B8B  }
0xa2: {  	_ =	swait.ge [sflag:s23], $0x1  }
0xa3: {  	[sflag:s23] =	ssyncset.done $0x0  }
0xa4: {  	s25 =	simm.s32 $0x1B8E;
	s24 =	sld [smem:$0x3FFE];
	[sflag:s23] =	ssyncadd.s32 $0xFFFFFFFF  }
0xa5: {  	s26 =	simm.s32 $execute0_lowered;
	[smem:$0x3FD2] =	sst s25  }
0xa6: {  	s4 =	sshll.u32 s26, $0x1;
	_ =	strace $0x80000049;
	[dreg:$0x1] =	wrdreg $0xFFFFFFFF  }
0xa7: {  	s28 =	simm.s32 $_size_execute0_lowered;
	s2 =	sadd.s32 s2, s4;
	[dreg:$0x0] =	wrdreg $0x0  }
0xa8: {  	s4 =	sshll.u32 s28, $0x1;
	[dreg:$0x2] =	wrdreg s2  }
0xa9: {  	[dreg:$0x3] =	wrdreg s4  }
0xaa: {  	[dreg:$0x4] =	wrdreg $0xC0  }
0xab: {  	_ =	task [dreg:s6], $0x5FFFF  }
0xac: {  	[dreg:$0x1] =	wrdreg $0xFFFFFFFF  }
0xad: {  	[dreg:$0x0] =	wrdreg $0x60  }
0xae: {  	[dreg:$0x2] =	wrdreg s24  }
0xaf: {  	[dreg:$0x3] =	wrdreg $0x11E000  }
0xb0: {  	[dreg:$0x4] =	wrdreg $0x9  }
0xb1: {  	_ =	task.clear_ibuf [dreg:s6], $0x5FFFF;
	_ =	strace $0x90000049  }
0xb2: {  	s29 =	simm.s32 $0x9;
	_ =	strace $0x8000004B  }
0xb3: {  	_ =	swait.ge [sflag:s29], $0x1  }
0xb4: {  	[sflag:s29] =	ssyncadd.s32 $0xFFFFFFFF  }
0xb5: {  	_ =	strace $0x9000004B  }
0xb6: {  	_ =	sfence  }
0xb7: {  	s30 =	sld [smem:$0x0];
	_ =	sdelay $0x2  }
0xb8: {  	s31 =	sshll.u32 s1, $0xD;
	s1 =	sshrl.u32 s1, $0x2  }
0xb9: {  	s3 =	sand.u32 $0x4000, s31;
	s1 =	sadd.s32 s1, s30  }
0xba: {  	s0 =	sor.u32 s3, s0;
	s1 =	sshll.u32 s1, $0x11  }
0xbb: {  	s0 =	sor.u32 s1, s0  }
0xbc: {  	s0 =	sadd.s32 $0x8F2B, s0  }
0xbd: {  	[sflag:s0] =	ssyncadd.remote.s32 $0x1  }
0xbe: {  	_ =	sfence.sel $0xFFFF  }
0xbf: {  	[dreg:$0x0] =	wrdreg $0xFFFFFFFF;
	(pc) =	sbr.abs _section_cstart, $3  }
0xc0: {  	[dreg:$0x1] =	wrdreg $0xFFFFFFFF  }
0xc1: {  	_ =	task.clear_ibuf [dreg:s6], $0x2FFFF;
	_ =	strace $0x9FFFFFFF  }
0xc2: {  	(tm) =	ssettm $0x7FFFFFFF  }
0xc3: {  	_ =	shalt  }
tec
execute0_lowered:
.L_overlay_start_1:
0x0: {  	(tag) =	ssettag $0x1  }
0x1: {  	s0 =	rddreg [dreg:$0x0]  }
0x2: {  	s2 =	rddreg [dreg:$0x1];
	s11 =	stileid.u32  }
0x3: {  	s3 =	simm.s32 $0x0;
	s1 =	srdreg.scid;
	s23 =	smul.u32 $0x9E0, s11  }
0x4: {  	s31 =	simm.s32 $0x9;
	[smem:$0x7FF] =	sst s3;
	s8 =	smul.u32 $0xA000, s11  }
0x5: {  	s1 =	sand.u32 $0x1, s1;
	s4 =	sadd.s32 $0x34400, s0;
	s11 =	smul.u32 $0x28000, s11  }
0x6: {  	s5 =	sadd.s32 $0x20400, s0;
	_ =	strace $0x8000004A;
	s6 =	smul.u32 $0xA0000, s1  }
0x7: {  	s7 =	ssub.s32 $0x2, s1;
	p0 =	seq.s32 s1, $0x1;
	s3 =	sadd.s32 s23, s0  }
0x8: {  	s0 =	sadd.s32 $0x48400, s0;
	s9 =	sshrl.u32 s7, $0x1;
	s10 =	sor.u32 $0x1400, s8  }
0x9: {  	s18 =	sadd.s32 $0x3C00, s8;
	s14 =	sadd.s32 $0x5000, s8;
	s22 =	sadd.s32 $0x6400, s8  }
0xa: {  	s23 =	sadd.s32 $0x7800, s8;
	s17 =	sadd.s32 $0x8C00, s8;
	s7 =	ssub.s32 s7, s9  }
0xb: {  	s24 =	sadd.s32 s6, s8;
	s12 =	sadd.s32 s6, s10;
	s13 =	sadd.s32 s6, s18  }
0xc: {  	s15 =	sadd.s32 s6, s14;
	s16 =	sadd.s32 s6, s23;
	s9 =	sshrl.u32 s24, $0x3  }
0xd: {  	s26 =	sshrl.u32 s12, $0x3;
	s13 =	sshrl.u32 s13, $0x3;
	s21 =	sshrl.u32 s15, $0x3  }
0xe: {  	s24 =	sadd.s32 s6, s22;
	s16 =	sshrl.u32 s16, $0x3;
	s7 =	smax.u32 s7, $0x1  }
0xf: {  	s25 =	sadd.s32 s0, s9;
	s1 =	sadd.s32 s0, s26;
	s9 =	sadd.s32 $0x2800, s8  }
0x10: {  	s20 =	sadd.s32 s0, s13;
	s15 =	sshrl.u32 s24, $0x3;
	[dreg:$0xd] =	wrdreg s7  }
0x11: {  	s26 =	sadd.s32 $0x16600, s3;
	s3 =	sadd.s32 $0x2800, s3;
	[dreg:$0x3] =	wrdreg s25  }
0x12: {  	s8 =	sadd.s32 s8, s2;
	s7 =	simm.s32 $0xDE00;
	[dreg:$0x4] =	wrdreg s1  }
0x13: {  	s13 =	simm.s32 $0x6;
	s19 =	sadd.s32 s6, s9;
	[dreg:$0x6] =	wrdreg s20  }
0x14: {  	s6 =	sadd.s32 s6, s17;
	s15 =	sadd.s32 s0, s15;
	[dreg:$0xb] =	wrdreg s26  }
0x15: {  	s25 =	sadd.s32 s0, s16;
	[dreg:$0xc] =	wrdreg s3;
	s1 =	sadd.s32 s9, s2  }
0x16: {  	s20 =	sadd.s32 s23, s2;
	s3 =	simm.s32 $0x80;
	[dreg:$0x8] =	wrdreg s15  }
0x17: {  	s9 =	simm.s32 $0xFE00;
	s12 =	sshrl.u32 s19, $0x3;
	[dreg:$0x9] =	wrdreg s25  }
0x18: {  	s6 =	sshrl.u32 s6, $0x3;
	s15 =	sadd.s32 s18, s2;
	s18 =	sadd.s32 s14, s2  }
0x19: {  	s19 =	sadd.s32 s22, s2;
	s25 =	sshrl.u32 s1, $0x3;
	s1 =	simm.s32 $0x9E00  }
0x1a: {  	s14 =	simm.s32 $0x4;
	s12 =	sadd.s32 s0, s12;
	[dreg:$0x10] =	wrdreg s25  }
0x1b: {  	s26 =	sshrl.u32 s15, $0x3;
	s22 =	sshrl.u32 s18, $0x3;
	s23 =	sshrl.u32 s19, $0x3  }
0x1c: {  	s15 =	simm.s32 $0x7;
	s18 =	simm.s32 $0x0;
	[dreg:$0x5] =	wrdreg s12  }
0x1d: {  	s12 =	sadd.s32 s0, s21;
	s0 =	sadd.s32 s0, s6;
	s6 =	sshrl.u32 s11, $0x2  }
0x1e: {  	s11 =	sadd.s32 s10, s2;
	s21 =	sadd.s32 s17, s2;
	[dreg:$0x11] =	wrdreg s26  }
0x1f: {  	s10 =	simm.s32 $0x2;
	s17 =	simm.s32 $0x8;
	[dreg:$0x7] =	wrdreg s12  }
0x20: {  	[dreg:$0xa] =	wrdreg s0;
	s16 =	sadd.s32 s6, s2;
	s0 =	sshrl.u32 s8, $0x3  }
.Ltmp0:
0x21: {  	s24 =	sshrl.u32 s11, $0x3;
	s25 =	sshrl.u32 s21, $0x3;
	(pc) =	sbr.rel .LBB2_1-.Ltmp0, $4  }
0x22: {  	s6 =	simm.s32 $0xBE00;
	s8 =	simm.s32 $0x1;
	[dreg:$0xe] =	wrdreg s0  }
0x23: {  	s11 =	simm.s32 $0x5;
	s12 =	simm.s32 $0x3;
	[dreg:$0xf] =	wrdreg s24  }
0x24: {  	s24 =	sshrl.u32 s20, $0x3;
	s26 =	sadd.s32 $0x2000, s16;
	s28 =	sadd.s32 $0x4000, s16  }
0x25: {  	v0 =	vimm.f32 $0.0e+00;
	s29 =	sadd.s32 $0x6000, s16;
	s30 =	sadd.s32 $0x8000, s16;
	s0 =	simm.s32 $0x4F00  }
.LBB2_6:
0x26: {  	[spmem:s2] =	stream.indirect.scatter.add.f32 [tilespmem:s9], [sflag:$0x8], $0x40, s20, s3, $0xb8;
	[tilespmem:$0x1BE00] =	vst v63  }
.LBB2_10:
0x27: {  	_ =	swait.ge [sflag:s15], $0x2000  }
0x28: {  	[sflag:s15] =	ssyncset.done $0x0  }
0x29: {  	[sflag:s15] =	ssyncadd.s32 $0xFFFFE000  }
0x2a: {  	_ =	swait.ge [sflag:s8], $0x2000  }
0x2b: {  	[sflag:s8] =	ssyncset.done $0x0  }
0x2c: {  	s19 =	simm.s32 $0x9D00;
	[sflag:s8] =	ssyncadd.s32 $0xFFFFE000  }
0x2d: {  	[spmem:s2] =	stream.indirect.scatter.add.f32 [tilespmem:s1], [sflag:$0x5], $0x40, s19, s3, $0xb8;
	[tilespmem:$0x1BE00] =	vst v63  }
0x2e: {  	_ =	swait.ge [sflag:s17], $0x2000  }
0x2f: {  	[sflag:s17] =	ssyncset.done $0x0  }
0x30: {  	[sflag:s17] =	ssyncadd.s32 $0xFFFFE000  }
0x31: {  	_ =	swait.ge [sflag:s10], $0x2000  }
0x32: {  	[sflag:s10] =	ssyncset.done $0x0  }
0x33: {  	s21 =	simm.s32 $0x9D80;
	[sflag:s10] =	ssyncadd.s32 $0xFFFFE000  }
0x34: {  	[spmem:s2] =	stream.indirect.scatter.add.f32 [tilespmem:s6], [sflag:$0x6], $0x40, s21, s3, $0xb8;
	[tilespmem:$0x1BE00] =	vst v63  }
0x35: {  	_ =	swait.ge [sflag:s11], $0x2000  }
0x36: {  	[sflag:s11] =	ssyncset.done $0x0  }
0x37: {  	[sflag:s11] =	ssyncadd.s32 $0xFFFFE000  }
0x38: {  	_ =	swait.ge [sflag:s13], $0x2000  }
0x39: {  	[sflag:s13] =	ssyncset.done $0x0  }
0x3a: {  	[sflag:s13] =	ssyncadd.s32 $0xFFFFE000  }
0x3b: {  	s20 =	stileid.u32;
	[bflag:$0x0] =	sbarrier.arrive $0xFFFF  }
0x3c: {  	s19 =	sshll.u32 s20, $0x6;
	s20 =	rddreg [dreg:$0x3]  }
0x3d: {  	s19 =	sor.u32 $0x1C09, s19;
	s21 =	rddreg [dreg:$0xe]  }
0x3e: {  	[hbm:s20], [sflag:s19] =	dma.local [spmem:s21], $0x280  }
0x3f: {  	_ =	swait.ge [sflag:s31], $0x280  }
0x40: {  	[sflag:s31] =	ssyncset.done $0x0;
	s20 =	rddreg [dreg:$0x4]  }
0x41: {  	s21 =	rddreg [dreg:$0xf];
	[sflag:s31] =	ssyncadd.s32 $0xFFFFFD80  }
0x42: {  	[hbm:s20], [sflag:s19] =	dma.local [spmem:s21], $0x280  }
0x43: {  	_ =	swait.ge [sflag:s31], $0x280  }
0x44: {  	[sflag:s31] =	ssyncset.done $0x0;
	s20 =	rddreg [dreg:$0x5]  }
0x45: {  	s21 =	rddreg [dreg:$0x10];
	[sflag:s31] =	ssyncadd.s32 $0xFFFFFD80  }
0x46: {  	[hbm:s20], [sflag:s19] =	dma.local [spmem:s21], $0x280  }
0x47: {  	_ =	swait.ge [sflag:s31], $0x280  }
0x48: {  	[sflag:s31] =	ssyncset.done $0x0;
	s20 =	rddreg [dreg:$0x6]  }
0x49: {  	s21 =	rddreg [dreg:$0x11];
	[sflag:s31] =	ssyncadd.s32 $0xFFFFFD80  }
0x4a: {  	[hbm:s20], [sflag:s19] =	dma.local [spmem:s21], $0x280  }
0x4b: {  	_ =	swait.ge [sflag:s31], $0x280  }
0x4c: {  	[sflag:s31] =	ssyncset.done $0x0  }
0x4d: {  	s21 =	rddreg [dreg:$0x7];
	[sflag:s31] =	ssyncadd.s32 $0xFFFFFD80  }
0x4e: {  	[hbm:s21], [sflag:s19] =	dma.local [spmem:s22], $0x280  }
0x4f: {  	_ =	swait.ge [sflag:s31], $0x280  }
0x50: {  	[sflag:s31] =	ssyncset.done $0x0  }
0x51: {  	s21 =	rddreg [dreg:$0x8];
	[sflag:s31] =	ssyncadd.s32 $0xFFFFFD80  }
0x52: {  	[hbm:s21], [sflag:s19] =	dma.local [spmem:s23], $0x280  }
0x53: {  	_ =	swait.ge [sflag:s31], $0x280  }
0x54: {  	[sflag:s31] =	ssyncset.done $0x0  }
0x55: {  	s21 =	rddreg [dreg:$0x9];
	[sflag:s31] =	ssyncadd.s32 $0xFFFFFD80  }
0x56: {  	[hbm:s21], [sflag:s19] =	dma.local [spmem:s24], $0x280  }
0x57: {  	_ =	swait.ge [sflag:s31], $0x280  }
0x58: {  	[sflag:s31] =	ssyncset.done $0x0  }
0x59: {  	s21 =	rddreg [dreg:$0xa];
	[sflag:s31] =	ssyncadd.s32 $0xFFFFFD80  }
0x5a: {  	[hbm:s21], [sflag:s19] =	dma.local [spmem:s25], $0x280  }
0x5b: {  	_ =	swait.ge [sflag:s31], $0x280  }
0x5c: {  	s18 =	sadd.s32 $0x1, s18;
	s21 =	rddreg [dreg:$0xd]  }
0x5d: {  	p1 =	sne.s32 s18, s21  }
.Ltmp1:
0x5e: {  	_ = 	snop;
	(pc) =	sbr.rel @!p1 .LBB2_11-.Ltmp1, $3  }
0x5f: {  	_ =	sdelay $0x1  }
0x60: {  	[sflag:s31] =	ssyncset.done $0x0  }
0x61: {  	[sflag:s31] =	ssyncadd.s32 $0xFFFFFD80  }
.LBB2_1:
0x62: {  	s19 =	simm.s32 $0x0;
	s20 =	rddreg [dreg:$0xb]  }
0x63: {  	[tilespmem:s19], [sflag:$0x9] =	stream.linear.gather [hbm4b:s20+s19], $0x4F00, $0x38;
	[tilespmem:$0x1BE00] =	vst v63  }
0x64: {  	_ =	swait.ge [sflag:s31], $0x4F00  }
0x65: {  	[sflag:s31] =	ssyncset.done $0x0  }
0x66: {  	s21 =	rddreg [dreg:$0xc];
	[sflag:s31] =	ssyncadd.s32 $0xFFFFB100  }
0x67: {  	[tilespmem:s0], [sflag:$0x9] =	stream.linear.gather [hbm4b:s21+s19], $0x4F00, $0x38;
	[tilespmem:$0x1BE00] =	vst v63  }
0x68: {  	_ =	swait.ge [sflag:s31], $0x4F00  }
0x69: {  	[sflag:s31] =	ssyncset.done $0x0  }
0x6a: {  	s20 =	simm.s32 $0x100;
	s19 =	simm.s32 $0x0;
	[sflag:s31] =	ssyncadd.s32 $0xFFFFB100  }
.LBB2_2:
0x6b: {  	p1 =	sne.s32 s20, $0x7F00;
	[tilespmem:s19+$0x9E30] =	vst v0;
	s21 =	smov.u32 s20;
	s20 =	sadd.s32 $0x100, s20  }
.Ltmp2:
0x6c: {  	[tilespmem:s19+$0x9E20] =	vst v0;
	(pc) =	sbr.rel @p1 .LBB2_2-.Ltmp2, $3  }
0x6d: {  	[tilespmem:s19+$0x9E00] =	vst v0  }
0x6e: {  	[tilespmem:s19+$0x9E10] =	vst v0;
	_ =	sdelay $0x1  }
0x6f: {  	s19 =	sshra.s32 s21, $0x2  }
0x70: {  	[tilespmem:s19+$0x9E30] =	vst v0  }
0x71: {  	[tilespmem:s19+$0x9E20] =	vst v0  }
0x72: {  	[tilespmem:s19+$0x9E00] =	vst v0  }
0x73: {  	[tilespmem:s19+$0x9E10] =	vst v0  }
0x74: {  	[spmem:s16] =	stream.linear.scatter [tilespmem:s1], [sflag:$0x9], $0x2000, $0x38;
	[tilespmem:$0x1BE00] =	vst v63  }
0x75: {  	_ =	swait.ge [sflag:s31], $0x2000  }
0x76: {  	[sflag:s31] =	ssyncset.done $0x0  }
0x77: {  	[sflag:s31] =	ssyncadd.s32 $0xFFFFE000  }
0x78: {  	[spmem:s26] =	stream.linear.scatter [tilespmem:s1], [sflag:$0x9], $0x2000, $0x38;
	[tilespmem:$0x1BE00] =	vst v63  }
0x79: {  	_ =	swait.ge [sflag:s31], $0x2000  }
0x7a: {  	[sflag:s31] =	ssyncset.done $0x0  }
0x7b: {  	[sflag:s31] =	ssyncadd.s32 $0xFFFFE000  }
0x7c: {  	[spmem:s28] =	stream.linear.scatter [tilespmem:s1], [sflag:$0x9], $0x2000, $0x38;
	[tilespmem:$0x1BE00] =	vst v63  }
0x7d: {  	_ =	swait.ge [sflag:s31], $0x2000  }
0x7e: {  	[sflag:s31] =	ssyncset.done $0x0  }
0x7f: {  	[sflag:s31] =	ssyncadd.s32 $0xFFFFE000  }
0x80: {  	[spmem:s29] =	stream.linear.scatter [tilespmem:s1], [sflag:$0x9], $0x2000, $0x38;
	[tilespmem:$0x1BE00] =	vst v63  }
0x81: {  	_ =	swait.ge [sflag:s31], $0x2000  }
0x82: {  	[sflag:s31] =	ssyncset.done $0x0  }
0x83: {  	[sflag:s31] =	ssyncadd.s32 $0xFFFFE000  }
0x84: {  	[spmem:s30] =	stream.linear.scatter [tilespmem:s1], [sflag:$0x9], $0x2000, $0x38;
	[tilespmem:$0x1BE00] =	vst v63  }
.Ltmp3:
0x85: {  	_ =	swait.ge [sflag:s31], $0x2000;
	(pc) =	sbr.rel @!p0 .LBB2_4-.Ltmp3, $4  }
0x86: {  	[sflag:s31] =	ssyncset.done $0x0  }
0x87: {  	[sflag:s31] =	ssyncadd.s32 $0xFFFFE000  }
0x88: {  	[bflag:$0x0] =	sbarrier.arrive $0xFFFF  }
0x89: {  	s19 =	simm.s32 $0x0  }
0x8a: {  	[tilespmem:s1], [sflag:$0x1] =	stream.indirect.gather [hbm4b:s5+s3], $0x40, s19, s3, $0xb8;
	[tilespmem:$0x1BE00] =	vst v63  }
0x8b: {  	_ = 	snop  }
0x8c: {  	[tilespmem:s6], [sflag:$0x2] =	stream.indirect.gather [hbm4b:s5+s3], $0x40, s3, s3, $0xb8;
	[tilespmem:$0x1BE00] =	vst v63  }
0x8d: {  	s20 =	simm.s32 $0x100  }
0x8e: {  	[tilespmem:s7], [sflag:$0x3] =	stream.indirect.gather [hbm4b:s5+s3], $0x40, s20, s3, $0xb8;
	[tilespmem:$0x1BE00] =	vst v63  }
0x8f: {  	_ =	swait.ge [sflag:s8], $0x2000  }
0x90: {  	[sflag:s8] =	ssyncset.done $0x0  }
0x91: {  	[sflag:s8] =	ssyncadd.s32 $0xFFFFE000  }
0x92: {  	[spmem:s2] =	stream.indirect.scatter.add.f32 [tilespmem:s1], [sflag:$0x5], $0x40, s0, s3, $0xb8;
	[tilespmem:$0x1BE00] =	vst v63  }
0x93: {  	s21 =	simm.s32 $0x180  }
0x94: {  	[tilespmem:s9], [sflag:$0x4] =	stream.indirect.gather [hbm4b:s5+s3], $0x40, s21, s3, $0xb8;
	[tilespmem:$0x1BE00] =	vst v63  }
0x95: {  	_ =	swait.ge [sflag:s10], $0x2000  }
0x96: {  	[sflag:s10] =	ssyncset.done $0x0  }
0x97: {  	s20 =	simm.s32 $0x4F80;
	[sflag:s10] =	ssyncadd.s32 $0xFFFFE000  }
0x98: {  	[spmem:s2] =	stream.indirect.scatter.add.f32 [tilespmem:s6], [sflag:$0x6], $0x40, s20, s3, $0xb8;
	[tilespmem:$0x1BE00] =	vst v63  }
0x99: {  	_ =	swait.ge [sflag:s11], $0x2000  }
0x9a: {  	[sflag:s11] =	ssyncset.done $0x0  }
0x9b: {  	s21 =	simm.s32 $0x200;
	[sflag:s11] =	ssyncadd.s32 $0xFFFFE000  }
0x9c: {  	[tilespmem:s1], [sflag:$0x1] =	stream.indirect.gather [hbm4b:s5+s3], $0x40, s21, s3, $0xb8;
	[tilespmem:$0x1BE00] =	vst v63  }
0x9d: {  	_ =	swait.ge [sflag:s12], $0x2000  }
0x9e: {  	[sflag:s12] =	ssyncset.done $0x0  }
0x9f: {  	s20 =	simm.s32 $0x5000;
	[sflag:s12] =	ssyncadd.s32 $0xFFFFE000  }
0xa0: {  	[spmem:s2] =	stream.indirect.scatter.add.f32 [tilespmem:s7], [sflag:$0x7], $0x40, s20, s3, $0xb8;
	[tilespmem:$0x1BE00] =	vst v63  }
0xa1: {  	_ =	swait.ge [sflag:s13], $0x2000  }
0xa2: {  	[sflag:s13] =	ssyncset.done $0x0  }
0xa3: {  	s21 =	simm.s32 $0x280;
	[sflag:s13] =	ssyncadd.s32 $0xFFFFE000  }
0xa4: {  	[tilespmem:s6], [sflag:$0x2] =	stream.indirect.gather [hbm4b:s5+s3], $0x40, s21, s3, $0xb8;
	[tilespmem:$0x1BE00] =	vst v63  }
0xa5: {  	_ =	swait.ge [sflag:s14], $0x2000  }
0xa6: {  	[sflag:s14] =	ssyncset.done $0x0  }
0xa7: {  	s20 =	simm.s32 $0x5080;
	[sflag:s14] =	ssyncadd.s32 $0xFFFFE000  }
0xa8: {  	[spmem:s2] =	stream.indirect.scatter.add.f32 [tilespmem:s9], [sflag:$0x8], $0x40, s20, s3, $0xb8;
	[tilespmem:$0x1BE00] =	vst v63  }
0xa9: {  	_ =	swait.ge [sflag:s15], $0x2000  }
0xaa: {  	[sflag:s15] =	ssyncset.done $0x0  }
0xab: {  	s21 =	simm.s32 $0x300;
	[sflag:s15] =	ssyncadd.s32 $0xFFFFE000  }
0xac: {  	[tilespmem:s7], [sflag:$0x3] =	stream.indirect.gather [hbm4b:s5+s3], $0x40, s21, s3, $0xb8;
	[tilespmem:$0x1BE00] =	vst v63  }
0xad: {  	_ =	swait.ge [sflag:s8], $0x2000  }
0xae: {  	[sflag:s8] =	ssyncset.done $0x0  }
0xaf: {  	s20 =	simm.s32 $0x5100;
	[sflag:s8] =	ssyncadd.s32 $0xFFFFE000  }
0xb0: {  	[spmem:s2] =	stream.indirect.scatter.add.f32 [tilespmem:s1], [sflag:$0x5], $0x40, s20, s3, $0xb8;
	[tilespmem:$0x1BE00] =	vst v63  }
0xb1: {  	_ =	swait.ge [sflag:s17], $0x2000  }
0xb2: {  	[sflag:s17] =	ssyncset.done $0x0  }
0xb3: {  	s21 =	simm.s32 $0x380;
	[sflag:s17] =	ssyncadd.s32 $0xFFFFE000  }
0xb4: {  	[tilespmem:s9], [sflag:$0x4] =	stream.indirect.gather [hbm4b:s5+s3], $0x40, s21, s3, $0xb8;
	[tilespmem:$0x1BE00] =	vst v63  }
0xb5: {  	_ =	swait.ge [sflag:s10], $0x2000  }
0xb6: {  	[sflag:s10] =	ssyncset.done $0x0  }
0xb7: {  	s20 =	simm.s32 $0x5180;
	[sflag:s10] =	ssyncadd.s32 $0xFFFFE000  }
0xb8: {  	[spmem:s2] =	stream.indirect.scatter.add.f32 [tilespmem:s6], [sflag:$0x6], $0x40, s20, s3, $0xb8;
	[tilespmem:$0x1BE00] =	vst v63  }
0xb9: {  	_ =	swait.ge [sflag:s11], $0x2000  }
0xba: {  	[sflag:s11] =	ssyncset.done $0x0  }
0xbb: {  	s21 =	simm.s32 $0x400;
	[sflag:s11] =	ssyncadd.s32 $0xFFFFE000  }
0xbc: {  	[tilespmem:s1], [sflag:$0x1] =	stream.indirect.gather [hbm4b:s5+s3], $0x40, s21, s3, $0xb8;
	[tilespmem:$0x1BE00] =	vst v63  }
0xbd: {  	_ =	swait.ge [sflag:s12], $0x2000  }
0xbe: {  	[sflag:s12] =	ssyncset.done $0x0  }
0xbf: {  	s20 =	simm.s32 $0x5200;
	[sflag:s12] =	ssyncadd.s32 $0xFFFFE000  }
0xc0: {  	[spmem:s2] =	stream.indirect.scatter.add.f32 [tilespmem:s7], [sflag:$0x7], $0x40, s20, s3, $0xb8;
	[tilespmem:$0x1BE00] =	vst v63  }
0xc1: {  	_ =	swait.ge [sflag:s13], $0x2000  }
0xc2: {  	[sflag:s13] =	ssyncset.done $0x0  }
0xc3: {  	s21 =	simm.s32 $0x480;
	[sflag:s13] =	ssyncadd.s32 $0xFFFFE000  }
0xc4: {  	[tilespmem:s6], [sflag:$0x2] =	stream.indirect.gather [hbm4b:s5+s3], $0x40, s21, s3, $0xb8;
	[tilespmem:$0x1BE00] =	vst v63  }
0xc5: {  	_ =	swait.ge [sflag:s14], $0x2000  }
0xc6: {  	[sflag:s14] =	ssyncset.done $0x0  }
0xc7: {  	s19 =	simm.s32 $0x800;
	s20 =	simm.s32 $0x5280;
	[sflag:s14] =	ssyncadd.s32 $0xFFFFE000  }
.LBB2_8:
0xc8: {  	[spmem:s2] =	stream.indirect.scatter.add.f32 [tilespmem:s9], [sflag:$0x8], $0x40, s20, s3, $0xb8;
	[tilespmem:$0x1BE00] =	vst v63  }
0xc9: {  	s20 =	smov.u32 s19  }
0xca: {  	p1 =	sne.s32 s19, $0x12800;
	s19 =	sadd.s32 $0x800, s19;
	_ =	swait.ge [sflag:s15], $0x2000  }
0xcb: {  	s20 =	sshra.s32 s20, $0x2;
	[sflag:s15] =	ssyncset.done $0x0  }
0xcc: {  	s21 =	sadd.s32 $0x300, s20;
	[sflag:s15] =	ssyncadd.s32 $0xFFFFE000  }
0xcd: {  	[tilespmem:s7], [sflag:$0x3] =	stream.indirect.gather [hbm4b:s5+s3], $0x40, s21, s3, $0xb8;
	[tilespmem:$0x1BE00] =	vst v63  }
0xce: {  	_ =	swait.ge [sflag:s8], $0x2000  }
0xcf: {  	[sflag:s8] =	ssyncset.done $0x0  }
0xd0: {  	s21 =	sadd.s32 $0x5100, s20;
	[sflag:s8] =	ssyncadd.s32 $0xFFFFE000  }
0xd1: {  	[spmem:s2] =	stream.indirect.scatter.add.f32 [tilespmem:s1], [sflag:$0x5], $0x40, s21, s3, $0xb8;
	[tilespmem:$0x1BE00] =	vst v63  }
0xd2: {  	_ =	swait.ge [sflag:s17], $0x2000  }
0xd3: {  	[sflag:s17] =	ssyncset.done $0x0  }
0xd4: {  	s21 =	sadd.s32 $0x380, s20;
	[sflag:s17] =	ssyncadd.s32 $0xFFFFE000  }
0xd5: {  	[tilespmem:s9], [sflag:$0x4] =	stream.indirect.gather [hbm4b:s5+s3], $0x40, s21, s3, $0xb8;
	[tilespmem:$0x1BE00] =	vst v63  }
0xd6: {  	_ =	swait.ge [sflag:s10], $0x2000  }
0xd7: {  	[sflag:s10] =	ssyncset.done $0x0  }
0xd8: {  	s21 =	sadd.s32 $0x5180, s20;
	[sflag:s10] =	ssyncadd.s32 $0xFFFFE000  }
0xd9: {  	[spmem:s2] =	stream.indirect.scatter.add.f32 [tilespmem:s6], [sflag:$0x6], $0x40, s21, s3, $0xb8;
	[tilespmem:$0x1BE00] =	vst v63  }
0xda: {  	_ =	swait.ge [sflag:s11], $0x2000  }
0xdb: {  	[sflag:s11] =	ssyncset.done $0x0  }
0xdc: {  	s21 =	sadd.s32 $0x400, s20;
	[sflag:s11] =	ssyncadd.s32 $0xFFFFE000  }
0xdd: {  	[tilespmem:s1], [sflag:$0x1] =	stream.indirect.gather [hbm4b:s5+s3], $0x40, s21, s3, $0xb8;
	[tilespmem:$0x1BE00] =	vst v63  }
0xde: {  	_ =	swait.ge [sflag:s12], $0x2000  }
0xdf: {  	[sflag:s12] =	ssyncset.done $0x0  }
0xe0: {  	s21 =	sadd.s32 $0x5200, s20;
	[sflag:s12] =	ssyncadd.s32 $0xFFFFE000  }
0xe1: {  	[spmem:s2] =	stream.indirect.scatter.add.f32 [tilespmem:s7], [sflag:$0x7], $0x40, s21, s3, $0xb8;
	[tilespmem:$0x1BE00] =	vst v63  }
0xe2: {  	_ =	swait.ge [sflag:s13], $0x2000  }
0xe3: {  	[sflag:s13] =	ssyncset.done $0x0  }
.Ltmp4:
0xe4: {  	s21 =	sadd.s32 $0x480, s20;
	[sflag:s13] =	ssyncadd.s32 $0xFFFFE000;
	(pc) =	sbr.rel @p1 .LBB2_8-.Ltmp4, $4  }
0xe5: {  	[tilespmem:s6], [sflag:$0x2] =	stream.indirect.gather [hbm4b:s5+s3], $0x40, s21, s3, $0xb8;
	[tilespmem:$0x1BE00] =	vst v63  }
0xe6: {  	_ =	swait.ge [sflag:s14], $0x2000  }
0xe7: {  	[sflag:s14] =	ssyncset.done $0x0  }
0xe8: {  	s20 =	sadd.s32 $0x5280, s20;
	[sflag:s14] =	ssyncadd.s32 $0xFFFFE000  }
.Ltmp5:
0xe9: {  	(pc) =	sbr.rel .LBB2_10-.Ltmp5, $2  }
0xea: {  	_ =	sdelay $0x2  }
0xeb: {  	[spmem:s2] =	stream.indirect.scatter.add.f32 [tilespmem:s9], [sflag:$0x8], $0x40, s20, s3, $0xb8;
	[tilespmem:$0x1BE00] =	vst v63  }
.LBB2_4:
0xec: {  	[tilespmem:s1], [sflag:$0x1] =	stream.indirect.gather [hbm4b:s4+s3], $0x40, s19, s3, $0xb8;
	[tilespmem:$0x1BE00] =	vst v63  }
0xed: {  	_ = 	snop  }
0xee: {  	[tilespmem:s6], [sflag:$0x2] =	stream.indirect.gather [hbm4b:s4+s3], $0x40, s3, s3, $0xb8;
	[tilespmem:$0x1BE00] =	vst v63  }
0xef: {  	s20 =	simm.s32 $0x100  }
0xf0: {  	[tilespmem:s7], [sflag:$0x3] =	stream.indirect.gather [hbm4b:s4+s3], $0x40, s20, s3, $0xb8;
	[tilespmem:$0x1BE00] =	vst v63  }
0xf1: {  	_ =	swait.ge [sflag:s8], $0x2000  }
0xf2: {  	[sflag:s8] =	ssyncset.done $0x0  }
0xf3: {  	[sflag:s8] =	ssyncadd.s32 $0xFFFFE000  }
0xf4: {  	[spmem:s2] =	stream.indirect.scatter.add.f32 [tilespmem:s1], [sflag:$0x5], $0x40, s0, s3, $0xb8;
	[tilespmem:$0x1BE00] =	vst v63  }
0xf5: {  	s21 =	simm.s32 $0x180  }
0xf6: {  	[tilespmem:s9], [sflag:$0x4] =	stream.indirect.gather [hbm4b:s4+s3], $0x40, s21, s3, $0xb8;
	[tilespmem:$0x1BE00] =	vst v63  }
0xf7: {  	_ =	swait.ge [sflag:s10], $0x2000  }
0xf8: {  	[sflag:s10] =	ssyncset.done $0x0  }
0xf9: {  	s20 =	simm.s32 $0x4F80;
	[sflag:s10] =	ssyncadd.s32 $0xFFFFE000  }
0xfa: {  	[spmem:s2] =	stream.indirect.scatter.add.f32 [tilespmem:s6], [sflag:$0x6], $0x40, s20, s3, $0xb8;
	[tilespmem:$0x1BE00] =	vst v63  }
0xfb: {  	_ =	swait.ge [sflag:s11], $0x2000  }
0xfc: {  	[sflag:s11] =	ssyncset.done $0x0  }
0xfd: {  	s21 =	simm.s32 $0x200;
	[sflag:s11] =	ssyncadd.s32 $0xFFFFE000  }
0xfe: {  	[tilespmem:s1], [sflag:$0x1] =	stream.indirect.gather [hbm4b:s4+s3], $0x40, s21, s3, $0xb8;
	[tilespmem:$0x1BE00] =	vst v63  }
0xff: {  	_ =	swait.ge [sflag:s12], $0x2000  }
0x100: {  	[sflag:s12] =	ssyncset.done $0x0  }
0x101: {  	s20 =	simm.s32 $0x5000;
	[sflag:s12] =	ssyncadd.s32 $0xFFFFE000  }
0x102: {  	[spmem:s2] =	stream.indirect.scatter.add.f32 [tilespmem:s7], [sflag:$0x7], $0x40, s20, s3, $0xb8;
	[tilespmem:$0x1BE00] =	vst v63  }
0x103: {  	_ =	swait.ge [sflag:s13], $0x2000  }
0x104: {  	[sflag:s13] =	ssyncset.done $0x0  }
0x105: {  	s21 =	simm.s32 $0x280;
	[sflag:s13] =	ssyncadd.s32 $0xFFFFE000  }
0x106: {  	[tilespmem:s6], [sflag:$0x2] =	stream.indirect.gather [hbm4b:s4+s3], $0x40, s21, s3, $0xb8;
	[tilespmem:$0x1BE00] =	vst v63  }
0x107: {  	_ =	swait.ge [sflag:s14], $0x2000  }
0x108: {  	[sflag:s14] =	ssyncset.done $0x0  }
0x109: {  	s20 =	simm.s32 $0x5080;
	[sflag:s14] =	ssyncadd.s32 $0xFFFFE000  }
0x10a: {  	[spmem:s2] =	stream.indirect.scatter.add.f32 [tilespmem:s9], [sflag:$0x8], $0x40, s20, s3, $0xb8;
	[tilespmem:$0x1BE00] =	vst v63  }
0x10b: {  	_ =	swait.ge [sflag:s15], $0x2000  }
0x10c: {  	[sflag:s15] =	ssyncset.done $0x0  }
0x10d: {  	s21 =	simm.s32 $0x300;
	[sflag:s15] =	ssyncadd.s32 $0xFFFFE000  }
0x10e: {  	[tilespmem:s7], [sflag:$0x3] =	stream.indirect.gather [hbm4b:s4+s3], $0x40, s21, s3, $0xb8;
	[tilespmem:$0x1BE00] =	vst v63  }
0x10f: {  	_ =	swait.ge [sflag:s8], $0x2000  }
0x110: {  	[sflag:s8] =	ssyncset.done $0x0  }
0x111: {  	s20 =	simm.s32 $0x5100;
	[sflag:s8] =	ssyncadd.s32 $0xFFFFE000  }
0x112: {  	[spmem:s2] =	stream.indirect.scatter.add.f32 [tilespmem:s1], [sflag:$0x5], $0x40, s20, s3, $0xb8;
	[tilespmem:$0x1BE00] =	vst v63  }
0x113: {  	_ =	swait.ge [sflag:s17], $0x2000  }
0x114: {  	[sflag:s17] =	ssyncset.done $0x0  }
0x115: {  	s21 =	simm.s32 $0x380;
	[sflag:s17] =	ssyncadd.s32 $0xFFFFE000  }
0x116: {  	[tilespmem:s9], [sflag:$0x4] =	stream.indirect.gather [hbm4b:s4+s3], $0x40, s21, s3, $0xb8;
	[tilespmem:$0x1BE00] =	vst v63  }
0x117: {  	_ =	swait.ge [sflag:s10], $0x2000  }
0x118: {  	[sflag:s10] =	ssyncset.done $0x0  }
0x119: {  	s20 =	simm.s32 $0x5180;
	[sflag:s10] =	ssyncadd.s32 $0xFFFFE000  }
0x11a: {  	[spmem:s2] =	stream.indirect.scatter.add.f32 [tilespmem:s6], [sflag:$0x6], $0x40, s20, s3, $0xb8;
	[tilespmem:$0x1BE00] =	vst v63  }
0x11b: {  	_ =	swait.ge [sflag:s11], $0x2000  }
0x11c: {  	[sflag:s11] =	ssyncset.done $0x0  }
0x11d: {  	s21 =	simm.s32 $0x400;
	[sflag:s11] =	ssyncadd.s32 $0xFFFFE000  }
0x11e: {  	[tilespmem:s1], [sflag:$0x1] =	stream.indirect.gather [hbm4b:s4+s3], $0x40, s21, s3, $0xb8;
	[tilespmem:$0x1BE00] =	vst v63  }
0x11f: {  	_ =	swait.ge [sflag:s12], $0x2000  }
0x120: {  	[sflag:s12] =	ssyncset.done $0x0  }
0x121: {  	s20 =	simm.s32 $0x5200;
	[sflag:s12] =	ssyncadd.s32 $0xFFFFE000  }
0x122: {  	[spmem:s2] =	stream.indirect.scatter.add.f32 [tilespmem:s7], [sflag:$0x7], $0x40, s20, s3, $0xb8;
	[tilespmem:$0x1BE00] =	vst v63  }
0x123: {  	_ =	swait.ge [sflag:s13], $0x2000  }
0x124: {  	[sflag:s13] =	ssyncset.done $0x0  }
0x125: {  	s21 =	simm.s32 $0x480;
	[sflag:s13] =	ssyncadd.s32 $0xFFFFE000  }
0x126: {  	[tilespmem:s6], [sflag:$0x2] =	stream.indirect.gather [hbm4b:s4+s3], $0x40, s21, s3, $0xb8;
	[tilespmem:$0x1BE00] =	vst v63  }
0x127: {  	_ =	swait.ge [sflag:s14], $0x2000  }
0x128: {  	[sflag:s14] =	ssyncset.done $0x0  }
0x129: {  	s19 =	simm.s32 $0x800;
	s20 =	simm.s32 $0x5280;
	[sflag:s14] =	ssyncadd.s32 $0xFFFFE000  }
.LBB2_5:
0x12a: {  	[spmem:s2] =	stream.indirect.scatter.add.f32 [tilespmem:s9], [sflag:$0x8], $0x40, s20, s3, $0xb8;
	[tilespmem:$0x1BE00] =	vst v63  }
0x12b: {  	s20 =	smov.u32 s19  }
0x12c: {  	p1 =	seq.s32 s19, $0x12800;
	s19 =	sadd.s32 $0x800, s19;
	_ =	swait.ge [sflag:s15], $0x2000  }
0x12d: {  	s20 =	sshra.s32 s20, $0x2;
	[sflag:s15] =	ssyncset.done $0x0  }
0x12e: {  	s21 =	sadd.s32 $0x300, s20;
	[sflag:s15] =	ssyncadd.s32 $0xFFFFE000  }
0x12f: {  	[tilespmem:s7], [sflag:$0x3] =	stream.indirect.gather [hbm4b:s4+s3], $0x40, s21, s3, $0xb8;
	[tilespmem:$0x1BE00] =	vst v63  }
0x130: {  	_ =	swait.ge [sflag:s8], $0x2000  }
0x131: {  	[sflag:s8] =	ssyncset.done $0x0  }
0x132: {  	s21 =	sadd.s32 $0x5100, s20;
	[sflag:s8] =	ssyncadd.s32 $0xFFFFE000  }
0x133: {  	[spmem:s2] =	stream.indirect.scatter.add.f32 [tilespmem:s1], [sflag:$0x5], $0x40, s21, s3, $0xb8;
	[tilespmem:$0x1BE00] =	vst v63  }
0x134: {  	_ =	swait.ge [sflag:s17], $0x2000  }
0x135: {  	[sflag:s17] =	ssyncset.done $0x0  }
0x136: {  	s21 =	sadd.s32 $0x380, s20;
	[sflag:s17] =	ssyncadd.s32 $0xFFFFE000  }
0x137: {  	[tilespmem:s9], [sflag:$0x4] =	stream.indirect.gather [hbm4b:s4+s3], $0x40, s21, s3, $0xb8;
	[tilespmem:$0x1BE00] =	vst v63  }
0x138: {  	_ =	swait.ge [sflag:s10], $0x2000  }
0x139: {  	[sflag:s10] =	ssyncset.done $0x0  }
0x13a: {  	s21 =	sadd.s32 $0x5180, s20;
	[sflag:s10] =	ssyncadd.s32 $0xFFFFE000  }
0x13b: {  	[spmem:s2] =	stream.indirect.scatter.add.f32 [tilespmem:s6], [sflag:$0x6], $0x40, s21, s3, $0xb8;
	[tilespmem:$0x1BE00] =	vst v63  }
0x13c: {  	_ =	swait.ge [sflag:s11], $0x2000  }
0x13d: {  	[sflag:s11] =	ssyncset.done $0x0  }
0x13e: {  	s21 =	sadd.s32 $0x400, s20;
	[sflag:s11] =	ssyncadd.s32 $0xFFFFE000  }
0x13f: {  	[tilespmem:s1], [sflag:$0x1] =	stream.indirect.gather [hbm4b:s4+s3], $0x40, s21, s3, $0xb8;
	[tilespmem:$0x1BE00] =	vst v63  }
0x140: {  	_ =	swait.ge [sflag:s12], $0x2000  }
0x141: {  	[sflag:s12] =	ssyncset.done $0x0  }
0x142: {  	s21 =	sadd.s32 $0x5200, s20;
	[sflag:s12] =	ssyncadd.s32 $0xFFFFE000  }
0x143: {  	[spmem:s2] =	stream.indirect.scatter.add.f32 [tilespmem:s7], [sflag:$0x7], $0x40, s21, s3, $0xb8;
	[tilespmem:$0x1BE00] =	vst v63  }
0x144: {  	_ =	swait.ge [sflag:s13], $0x2000  }
0x145: {  	[sflag:s13] =	ssyncset.done $0x0  }
.Ltmp6:
0x146: {  	s21 =	sadd.s32 $0x480, s20;
	[sflag:s13] =	ssyncadd.s32 $0xFFFFE000;
	(pc) =	sbr.rel @!p1 .LBB2_5-.Ltmp6, $4  }
0x147: {  	[tilespmem:s6], [sflag:$0x2] =	stream.indirect.gather [hbm4b:s4+s3], $0x40, s21, s3, $0xb8;
	[tilespmem:$0x1BE00] =	vst v63  }
0x148: {  	_ =	swait.ge [sflag:s14], $0x2000  }
0x149: {  	[sflag:s14] =	ssyncset.done $0x0  }
0x14a: {  	s20 =	sadd.s32 $0x5280, s20;
	[sflag:s14] =	ssyncadd.s32 $0xFFFFE000  }
.Ltmp7:
0x14b: {  	_ = 	snop;
	(pc) =	sbr.rel .LBB2_6-.Ltmp7, $1  }
0x14c: {  	_ =	sdelay $0x3  }
.LBB2_11:
0x14d: {  	_ =	sfence.sel $0x180000  }
0x14e: {  	[bflag:$0x0] =	sbarrier.arrive $0xFFFF  }
0x14f: {  	_ =	strace $0x9000004A  }
0x150: {  	s0 =	stileid.u32;
	[bflag:$0x2] =	sbarrier.arrive $0xFFFF  }
0x151: {  	p0 =	sne.s32 s0, $0x0;
	s0 =	rddreg [dreg:$0x2]  }
0x152: {  	s0 =	sadd.s32 @!p0 $0x100000, s0  }
0x153: {  	[sflag:s0] =	ssyncadd.tile.s32 @!p0 $0x1;
	_ =	shalt  }
.Lfunc_end2:
_tile_overlayer_lowered:
.L_overlay_start_2:
0x154: {  	(tag) =	ssettag $0x2  }
0x155: {  	s0 =	rddreg [dreg:$0x0];
	s2 =	stileid.u32  }
0x156: {  	s1 =	rddreg [dreg:$0x1];
	p0 =	sne.s32 s2, $0x0  }
0x157: {  	s3 =	rddreg [dreg:$0x2];
	[bflag:$0x3] =	sbarrier.arrive $0xFFFF;
	s2 =	simm.s32 @!p0 $0x1C09  }
0x158: {  	[timem:s3], [sflag:s2] =	dma.local @!p0 [hbm:s0], s1  }
0x159: {  	s0 =	simm.s32 @!p0 $0x9  }
0x15a: {  	_ =	swait.ge @!p0 [sflag:s0], s1  }
0x15b: {  	s1 =	ssub.s32 @!p0 $0x0, s1;
	[sflag:s0] =	ssyncset.done @!p0 $0x0  }
0x15c: {  	[sflag:s0] =	ssyncadd.s32 @!p0 s1  }
0x15d: {  	[bflag:$0x3] =	sbarrier.arrive $0xFFFF  }
0x15e: {  	_ =	shalt  }

// kernel: kernel.23.cloned.1.call-start
scs
__scs_entry_jumppad:
0x0: {  	(pc) =	sbr.rel $0x88, $3  }
0x1: {  	(tag) =	ssettag $0x0;
	lr =	simm.s32 $0x1  }
0x2: {  	[smem:$0x3F96] =	sst lr;
	_ =	strace $0xD0000000  }
0x3: {  	_ = 	snop  }
0x4: {  	_ = 	snop  }
0x5: {  	_ = 	snop  }
0x6: {  	_ = 	snop  }
0x7: {  	_ = 	snop  }
__scs_overlays_trampoline_lowered:
0x8: {  	[smem:$0x3FA5] =	sst s0  }
0x9: {  	[smem:$0x3FA6] =	sst s1  }
0xa: {  	[smem:$0x3FA7] =	sst s2  }
0xb: {  	[smem:$0x3FA8] =	sst s3  }
0xc: {  	[smem:$0x3FA9] =	sst s4  }
0xd: {  	[smem:$0x3FAA] =	sst s5  }
0xe: {  	[smem:$0x3FAB] =	sst s6  }
0xf: {  	[smem:$0x3FAC] =	sst s7  }
0x10: {  	[smem:$0x3FAD] =	sst s8  }
0x11: {  	[smem:$0x3FAE] =	sst s9;
	s0 =	simm.s32 @!p0 $0x0  }
0x12: {  	s1 =	sld [smem:$0x3F94];
	s0 =	simm.s32 @p0 $0x1  }
0x13: {  	[smem:$0x3FAF] =	sst s0;
	s0 =	simm.s32 @!p1 $0x0  }
0x14: {  	s2 =	sld [smem:$0x3F93];
	s0 =	simm.s32 @p1 $0x1  }
0x15: {  	[smem:$0x3FB0] =	sst s0;
	s0 =	simm.s32 @!p2 $0x0  }
0x16: {  	s3 =	sld [smem:$0x3FDB];
	s0 =	simm.s32 @p2 $0x1  }
0x17: {  	s4 =	simm.s32 $0x1BF5;
	[smem:$0x3FB2] =	sst s0  }
0x18: {  	s0 =	sld [smem:$0x3F95];
	_ =	swait.ge [sflag:s4], $0x0  }
0x19: {  	s7 =	sld [smem:$0x3F96]  }
0x1a: {  	s8 =	sadd.s32 $0xFFFFE003, lr  }
0x1b: {  	s9 =	sadd.s32 $0xFFFFFEF7, lr;
	s5 =	simm.s32 $0xFFFFFFFF;
	p2 =	slt.u32 s8, $0xFFFFF086  }
0x1c: {  	p1 =	slt.u32 s9, $0xF7A;
	s5 =	simm.s32 @!p2 $0x0  }
0x1d: {  	s5 =	simm.s32 @p1 $0x1;
	p0 =	seq.s32 s7, s2  }
0x1e: {  	s7 =	smul.u32 @!p0 $0xF7A, s2;
	p2 =	seq.s32 @!p0 s5, $0x0  }
0x1f: {  	s9 =	smul.u32 $0xF7A, s1;
	s8 =	simm.s32 @!p0 $0x1BF5;
	p2 =	por !p2, p0  }
0x20: {  	[sflag:s8] =	ssyncset.s32 @!p0 $0xFFFFF086;
	s6 =	sadd.s32 @!p0 s3, s7;
	s7 =	simm.s32 @!p0 $0x108  }
0x21: {  	s3 =	sadd.s32 s3, s9;
	s6 =	sadd.s32 @!p0 $0x88, s6;
	s7 =	simm.s32 @p2 $0x1082  }
0x22: {  	[simem:s7], [sflag:s8] =	dma.local @!p0 [hbm:s6], $0xF7A  }
0x23: {  	s9 =	sor.u32 $0xD0000000, s2;
	s6 =	simm.s32 $0x108;
	_ =	swait.ge @!p0 [sflag:s8], $0x0  }
0x24: {  	s3 =	sadd.s32 $0x88, s3;
	s6 =	simm.s32 @!p1 $0x1082;
	[sflag:s4] =	ssyncset.s32 $0xFFFFF086  }
0x25: {  	[simem:s6], [sflag:s4] =	dma.local [hbm:s3], $0xF7A  }
0x26: {  	[smem:$0x3F96] =	sst s1;
	(tag) =	ssettag s2;
	_ =	strace s9  }
0x27: {  	s1 =	sld [smem:$0x3FA6]  }
0x28: {  	s2 =	sld [smem:$0x3FA7]  }
0x29: {  	s4 =	sld [smem:$0x3FA9]  }
0x2a: {  	p0 =	seq.s32 s5, $0x0;
	s5 =	sld [smem:$0x3FAA]  }
0x2b: {  	s6 =	sld [smem:$0x3FAB]  }
0x2c: {  	s7 =	sld [smem:$0x3FAC]  }
0x2d: {  	s3 =	simm.s32 $0x108;
	s8 =	sld [smem:$0x3FAD]  }
0x2e: {  	s3 =	simm.s32 @!p0 $0x1082;
	s9 =	sld [smem:$0x3FAE]  }
0x2f: {  	lr =	sadd.s32 s0, s3;
	s0 =	sld [smem:$0x3FA5]  }
0x30: {  	s3 =	sld [smem:$0x3FA8]  }
0x31: {  	[smem:$0x3FB1] =	sst s10  }
0x32: {  	s10 =	sld [smem:$0x3FAF];
	_ =	sdelay $0x3  }
0x33: {  	p0 =	seq.s32 s10, $0x1;
	s10 =	sld [smem:$0x3FB1];
	_ =	sdelay $0x3  }
0x34: {  	[smem:$0x3FB1] =	sst s10  }
0x35: {  	s10 =	sld [smem:$0x3FB0];
	_ =	sdelay $0x3  }
0x36: {  	p1 =	seq.s32 s10, $0x1;
	s10 =	sld [smem:$0x3FB1];
	_ =	sdelay $0x3  }
0x37: {  	[smem:$0x3FB1] =	sst s10  }
0x38: {  	s10 =	sld [smem:$0x3FB2]  }
0x39: {  	_ = 	snop;
	(pc) =	sbr.ind lr, $3  }
0x3a: {  	_ = 	snop  }
0x3b: {  	_ = 	snop  }
0x3c: {  	p2 =	seq.s32 s10, $0x1;
	s10 =	sld [smem:$0x3FB1]  }
0x3d: {  	_ =	shalt  }
0x3e: {  	_ =	shalt  }
0x3f: {  	_ =	shalt  }
0x40: {  	_ =	shalt  }
0x41: {  	_ =	shalt  }
0x42: {  	_ =	shalt  }
0x43: {  	_ =	shalt  }
0x44: {  	_ =	shalt  }
0x45: {  	_ =	shalt  }
0x46: {  	_ =	shalt  }
0x47: {  	_ =	shalt  }
0x48: {  	_ =	shalt  }
0x49: {  	_ =	shalt  }
0x4a: {  	_ =	shalt  }
0x4b: {  	_ =	shalt  }
0x4c: {  	_ =	shalt  }
0x4d: {  	_ =	shalt  }
0x4e: {  	_ =	shalt  }
0x4f: {  	_ =	shalt  }
0x50: {  	_ =	shalt  }
0x51: {  	_ =	shalt  }
0x52: {  	_ =	shalt  }
0x53: {  	_ =	shalt  }
0x54: {  	_ =	shalt  }
0x55: {  	_ =	shalt  }
0x56: {  	_ =	shalt  }
0x57: {  	_ =	shalt  }
0x58: {  	_ =	shalt  }
0x59: {  	_ =	shalt  }
0x5a: {  	_ =	shalt  }
0x5b: {  	_ =	shalt  }
0x5c: {  	_ =	shalt  }
0x5d: {  	_ =	shalt  }
0x5e: {  	_ =	shalt  }
0x5f: {  	_ =	shalt  }
0x60: {  	_ =	shalt  }
0x61: {  	_ =	shalt  }
0x62: {  	_ =	shalt  }
0x63: {  	_ =	shalt  }
0x64: {  	_ =	shalt  }
0x65: {  	_ =	shalt  }
0x66: {  	_ =	shalt  }
0x67: {  	_ =	shalt  }
0x68: {  	_ =	shalt  }
0x69: {  	_ =	shalt  }
0x6a: {  	_ =	shalt  }
0x6b: {  	_ =	shalt  }
0x6c: {  	_ =	shalt  }
0x6d: {  	_ =	shalt  }
0x6e: {  	_ =	shalt  }
0x6f: {  	_ =	shalt  }
0x70: {  	_ =	shalt  }
0x71: {  	_ =	shalt  }
0x72: {  	_ =	shalt  }
0x73: {  	_ =	shalt  }
0x74: {  	_ =	shalt  }
0x75: {  	_ =	shalt  }
0x76: {  	_ =	shalt  }
0x77: {  	_ =	shalt  }
0x78: {  	_ =	shalt  }
0x79: {  	_ =	shalt  }
0x7a: {  	_ =	shalt  }
0x7b: {  	_ =	shalt  }
0x7c: {  	_ =	shalt  }
0x7d: {  	_ =	shalt  }
0x7e: {  	_ =	shalt  }
0x7f: {  	_ =	shalt  }
0x80: {  	_ =	shalt  }
0x81: {  	_ =	shalt  }
0x82: {  	_ =	shalt  }
0x83: {  	_ =	shalt  }
0x84: {  	_ =	shalt  }
0x85: {  	_ =	shalt  }
0x86: {  	_ =	shalt  }
0x87: {  	_ =	shalt  }
.Lfunc_end0:
.L_simem_size_0:
called_computation.2_lowered:
.L_overlay_start_0:
0x88: {  	s2 =	sld [smem:$0x3FD9]  }
0x89: {  	s3 =	sld [smem:$0x3FFE];
	_ =	sdelay $0x1  }
0x8a: {  	s1 =	srdreg.scid  }
0x8b: {  	s0 =	sand.u32 $0x1, s1  }
0x8c: {  	s16 =	sshll.u32 s0, $0xA;
	s2 =	sadd.s32 s3, s2  }
0x8d: {  	s2 =	sadd.s32 s2, s16  }
0x8e: {  	[smem:$0x3FBD] =	sst s2  }
0x8f: {  	_ = 	snop  }
0x90: {  	(tm) =	ssettm $0x1  }
0x91: {  	s17 =	sld [smem:$0x3FFB];
	_ =	sdelay $0x3  }
0x92: {  	_ =	strace s17  }
0x93: {  	s2 =	sld [smem:$0x3FFC];
	_ =	sdelay $0x3  }
0x94: {  	_ =	strace s2  }
0x95: {  	s2 =	sld [smem:$0x3FFD];
	_ =	sdelay $0x3  }
0x96: {  	_ =	strace s2  }
0x97: {  	_ =	strace $0x8FFFFFFF  }
0x98: {  	s18 =	sld [smem:$0x3FDB];
	_ =	sdelay $0x1  }
0x99: {  	s19 =	simm.s32 $_scs_section_size  }
0x9a: {  	s4 =	simm.s32 $_size__tile_overlayer_lowered;
	s5 =	simm.s32 $_tile_overlayer_lowered  }
0x9b: {  	s22 =	simm.s32 $0x1BFF;
	s21 =	sshll.u32 s5, $0x1;
	s2 =	sadd.s32 s19, s18  }
0x9c: {  	s6 =	simm.s32 $0x0;
	s20 =	sshll.u32 s4, $0x1;
	s4 =	sadd.s32 s21, s2  }
0x9d: {  	[timem:s6], [sflag:s22] =	dma.local [hbm:s4], s20  }
0x9e: {  	_ =	swait.ge [sflag:s22], s20  }
0x9f: {  	s3 =	ssub.s32 $0x0, s20;
	[sflag:s22] =	ssyncset.done $0x0  }
0xa0: {  	[sflag:s22] =	ssyncadd.s32 s3;
	_ =	sdelay $0x1  }
0xa1: {  	s23 =	simm.s32 $0x1B8B  }
0xa2: {  	_ =	swait.ge [sflag:s23], $0x1  }
0xa3: {  	[sflag:s23] =	ssyncset.done $0x0  }
0xa4: {  	s25 =	simm.s32 $0x1B8E;
	s24 =	sld [smem:$0x3FFE];
	[sflag:s23] =	ssyncadd.s32 $0xFFFFFFFF  }
0xa5: {  	s26 =	simm.s32 $execute0_lowered;
	[smem:$0x3FD2] =	sst s25  }
0xa6: {  	s4 =	sshll.u32 s26, $0x1;
	_ =	strace $0x8000004C;
	[dreg:$0x1] =	wrdreg $0xFFFFFFFF  }
0xa7: {  	s28 =	simm.s32 $_size_execute0_lowered;
	s2 =	sadd.s32 s2, s4;
	[dreg:$0x0] =	wrdreg $0x0  }
0xa8: {  	s4 =	sshll.u32 s28, $0x1;
	[dreg:$0x2] =	wrdreg s2  }
0xa9: {  	[dreg:$0x3] =	wrdreg s4  }
0xaa: {  	[dreg:$0x4] =	wrdreg $0xC0  }
0xab: {  	_ =	task [dreg:s6], $0x5FFFF  }
0xac: {  	[dreg:$0x1] =	wrdreg $0xFFFFFFFF  }
0xad: {  	[dreg:$0x0] =	wrdreg $0x60  }
0xae: {  	[dreg:$0x2] =	wrdreg s24  }
0xaf: {  	[dreg:$0x3] =	wrdreg $0x10F000  }
0xb0: {  	[dreg:$0x4] =	wrdreg $0x9  }
0xb1: {  	_ =	task.clear_ibuf [dreg:s6], $0x5FFFF;
	_ =	strace $0x9000004C  }
0xb2: {  	s29 =	simm.s32 $0x9;
	_ =	strace $0x8000004E  }
0xb3: {  	_ =	swait.ge [sflag:s29], $0x1  }
0xb4: {  	[sflag:s29] =	ssyncadd.s32 $0xFFFFFFFF  }
0xb5: {  	_ =	strace $0x9000004E  }
0xb6: {  	_ =	sfence  }
0xb7: {  	s30 =	sld [smem:$0x0];
	_ =	sdelay $0x2  }
0xb8: {  	s31 =	sshll.u32 s1, $0xD;
	s1 =	sshrl.u32 s1, $0x2  }
0xb9: {  	s3 =	sand.u32 $0x4000, s31;
	s1 =	sadd.s32 s1, s30  }
0xba: {  	s0 =	sor.u32 s3, s0;
	s1 =	sshll.u32 s1, $0x11  }
0xbb: {  	s0 =	sor.u32 s1, s0  }
0xbc: {  	s0 =	sadd.s32 $0x8F2B, s0  }
0xbd: {  	[sflag:s0] =	ssyncadd.remote.s32 $0x1  }
0xbe: {  	_ =	sfence.sel $0xFFFF  }
0xbf: {  	[dreg:$0x0] =	wrdreg $0xFFFFFFFF;
	(pc) =	sbr.abs _section_cstart, $3  }
0xc0: {  	[dreg:$0x1] =	wrdreg $0xFFFFFFFF  }
0xc1: {  	_ =	task.clear_ibuf [dreg:s6], $0x2FFFF;
	_ =	strace $0x9FFFFFFF  }
0xc2: {  	(tm) =	ssettm $0x7FFFFFFF  }
0xc3: {  	_ =	shalt  }
tec
execute0_lowered:
.L_overlay_start_1:
0x0: {  	(tag) =	ssettag $0x1  }
0x1: {  	s0 =	rddreg [dreg:$0x0];
	s1 =	srdreg.scid  }
0x2: {  	s7 =	stileid.u32;
	s2 =	rddreg [dreg:$0x1];
	s4 =	simm.s32 $0x0  }
0x3: {  	s30 =	simm.s32 $0xD;
	s1 =	sand.u32 $0x1, s1;
	s8 =	smul.u32 $0xA000, s7  }
0x4: {  	s3 =	sshll.u32 s7, $0x1;
	[smem:$0x7FF] =	sst s4;
	s16 =	smul.u32 $0x28000, s7  }
0x5: {  	s3 =	sor.u32 s1, s3;
	s5 =	ssub.s32 $0x2, s1;
	s1 =	smul.u32 $0xA0000, s1  }
0x6: {  	s4 =	sadd.s32 $0x20400, s0;
	_ =	strace $0x8000004D;
	s3 =	smul.u32 $0x4F0, s3  }
0x7: {  	s6 =	sshrl.u32 s5, $0x1;
	s9 =	sor.u32 $0x1400, s8;
	s19 =	sadd.s32 $0x2800, s8  }
0x8: {  	s21 =	sadd.s32 $0x3C00, s8;
	s22 =	sadd.s32 $0x5000, s8;
	s26 =	sadd.s32 $0x6400, s8  }
0x9: {  	s29 =	sadd.s32 $0x7800, s8;
	s13 =	sadd.s32 $0x8C00, s8;
	s5 =	ssub.s32 s5, s6  }
0xa: {  	s17 =	sadd.s32 s1, s8;
	s6 =	sshrl.u32 s16, $0x2;
	s10 =	sadd.s32 s1, s9  }
0xb: {  	s20 =	sadd.s32 s1, s19;
	s11 =	sadd.s32 s1, s21;
	s12 =	sadd.s32 s1, s22  }
0xc: {  	s28 =	sadd.s32 s1, s26;
	s14 =	sadd.s32 s1, s29;
	s1 =	sadd.s32 s1, s13  }
0xd: {  	s16 =	sadd.s32 s9, s2;
	s9 =	simm.s32 $0xCF00;
	s3 =	sadd.s32 s3, s0  }
0xe: {  	s0 =	sadd.s32 $0x34400, s0;
	s7 =	sadd.s32 s6, s2;
	s18 =	sshrl.u32 s10, $0x3  }
0xf: {  	s5 =	smax.u32 s5, $0x1;
	s23 =	sshrl.u32 s11, $0x3;
	s24 =	sshrl.u32 s12, $0x3  }
0x10: {  	s11 =	sshrl.u32 s28, $0x3;
	s31 =	sshrl.u32 s14, $0x3;
	s1 =	sshrl.u32 s1, $0x3  }
0x11: {  	s6 =	sadd.s32 s21, s2;
	s10 =	simm.s32 $0x2;
	[dreg:$0x7] =	wrdreg s5  }
0x12: {  	s12 =	simm.s32 $0x3;
	s15 =	sadd.s32 $0x16600, s3;
	[dreg:$0x5] =	wrdreg s7  }
0x13: {  	s3 =	sadd.s32 $0x2800, s3;
	s5 =	sshrl.u32 s20, $0x3;
	[dreg:$0x3] =	wrdreg s15  }
0x14: {  	s25 =	sadd.s32 s0, s24;
	s11 =	sadd.s32 s0, s11;
	[dreg:$0x4] =	wrdreg s3  }
0x15: {  	s14 =	sadd.s32 $0x2000, s7;
	s20 =	sshrl.u32 s16, $0x3;
	[dreg:$0xb] =	wrdreg s25  }
0x16: {  	s28 =	sadd.s32 $0x4000, s7;
	s16 =	simm.s32 $0x5;
	[dreg:$0xc] =	wrdreg s11  }
0x17: {  	s3 =	sshrl.u32 s17, $0x3;
	s5 =	sadd.s32 s0, s5;
	[dreg:$0xf] =	wrdreg s14  }
0x18: {  	s11 =	sadd.s32 s0, s31;
	s15 =	sadd.s32 s8, s2;
	[dreg:$0x11] =	wrdreg s20  }
0x19: {  	s17 =	sadd.s32 s22, s2;
	s22 =	sshrl.u32 s6, $0x3;
	[dreg:$0x18] =	wrdreg s28  }
0x1a: {  	s31 =	sadd.s32 $0x8000, s7;
	s6 =	simm.s32 $0xAF00;
	[dreg:$0x9] =	wrdreg s5  }
0x1b: {  	s8 =	simm.s32 $0x1;
	s14 =	simm.s32 $0x4;
	[dreg:$0xd] =	wrdreg s11  }
0x1c: {  	s20 =	simm.s32 $0xB;
	s3 =	sadd.s32 s0, s3;
	[dreg:$0x13] =	wrdreg s22  }
0x1d: {  	s5 =	sadd.s32 s0, s23;
	s23 =	sshrl.u32 s17, $0x3;
	[dreg:$0x1a] =	wrdreg s31  }
0x1e: {  	s11 =	simm.s32 $0xEF00;
	s17 =	simm.s32 $0x9;
	[dreg:$0x6] =	wrdreg s3  }
0x1f: {  	s22 =	simm.s32 $0x0;
	s3 =	sadd.s32 s0, s18;
	[dreg:$0xa] =	wrdreg s5  }
0x20: {  	s0 =	sadd.s32 s0, s1;
	s5 =	sadd.s32 s26, s2;
	[dreg:$0x14] =	wrdreg s23  }
0x21: {  	s18 =	sadd.s32 s29, s2;
	s29 =	sadd.s32 $0x6000, s7;
	[dreg:$0x8] =	wrdreg s3  }
0x22: {  	s1 =	simm.s32 $0x4F00;
	[dreg:$0xe] =	wrdreg s0;
	s3 =	sadd.s32 s19, s2  }
0x23: {  	s19 =	sadd.s32 s13, s2;
	s0 =	sshrl.u32 s15, $0x3;
	s24 =	sshrl.u32 s5, $0x3  }
0x24: {  	s25 =	sshrl.u32 s18, $0x3;
	[dreg:$0x19] =	wrdreg s29;
	s5 =	simm.s32 $0x8F00  }
0x25: {  	s13 =	simm.s32 $0x7;
	s15 =	simm.s32 $0x8;
	[dreg:$0x10] =	wrdreg s0  }
0x26: {  	s18 =	simm.s32 $0x6;
	s21 =	sshrl.u32 s3, $0x3;
	[dreg:$0x15] =	wrdreg s24  }
0x27: {  	[dreg:$0x16] =	wrdreg s25;
	s26 =	sshrl.u32 s19, $0x3;
	s25 =	simm.s32 $0x2780  }
0x28: {  	s0 =	simm.s32 $0x80;
	s3 =	simm.s32 $0x6F00;
	[dreg:$0x12] =	wrdreg s21  }
0x29: {  	v0 =	vimm.f32 $0.0e+00;
	s19 =	simm.s32 $0xA;
	[dreg:$0x17] =	wrdreg s26;
	s21 =	simm.s32 $0xC  }
.LBB2_1:
0x2a: {  	s7 =	simm.s32 $0x0;
	s23 =	rddreg [dreg:$0x3]  }
0x2b: {  	[tilespmem:s7], [sflag:$0xD] =	stream.linear.gather [hbm4b:s23+s7], $0x2780, $0x38;
	[tilespmem:$0x1AF00] =	vst v63  }
0x2c: {  	_ =	swait.ge [sflag:s30], $0x2780  }
0x2d: {  	[sflag:s30] =	ssyncset.done $0x0  }
0x2e: {  	s31 =	rddreg [dreg:$0x4];
	[sflag:s30] =	ssyncadd.s32 $0xFFFFD880  }
0x2f: {  	[tilespmem:s25], [sflag:$0xD] =	stream.linear.gather [hbm4b:s31+s7], $0x2780, $0x38;
	[tilespmem:$0x1AF00] =	vst v63  }
0x30: {  	_ =	swait.ge [sflag:s30], $0x2780  }
0x31: {  	[sflag:s30] =	ssyncset.done $0x0  }
0x32: {  	s24 =	simm.s32 $0x100;
	s23 =	simm.s32 $0x0;
	[sflag:s30] =	ssyncadd.s32 $0xFFFFD880  }
.LBB2_2:
0x33: {  	p0 =	sne.s32 s24, $0x7F00;
	[tilespmem:s23+$0x4F30] =	vst v0;
	s31 =	smov.u32 s24;
	s24 =	sadd.s32 $0x100, s24  }
.Ltmp0:
0x34: {  	[tilespmem:s23+$0x4F20] =	vst v0;
	(pc) =	sbr.rel @p0 .LBB2_2-.Ltmp0, $3  }
0x35: {  	[tilespmem:s23+$0x4F00] =	vst v0  }
0x36: {  	[tilespmem:s23+$0x4F10] =	vst v0;
	_ =	sdelay $0x1  }
0x37: {  	s23 =	sshra.s32 s31, $0x2  }
0x38: {  	[tilespmem:s23+$0x4F30] =	vst v0  }
0x39: {  	[tilespmem:s23+$0x4F20] =	vst v0  }
0x3a: {  	[tilespmem:s23+$0x4F00] =	vst v0  }
0x3b: {  	[tilespmem:s23+$0x4F10] =	vst v0;
	s7 =	rddreg [dreg:$0x5]  }
0x3c: {  	[spmem:s7] =	stream.linear.scatter [tilespmem:s1], [sflag:$0xD], $0x2000, $0x38;
	[tilespmem:$0x1AF00] =	vst v63  }
0x3d: {  	_ =	swait.ge [sflag:s30], $0x2000  }
0x3e: {  	[sflag:s30] =	ssyncset.done $0x0  }
0x3f: {  	s26 =	rddreg [dreg:$0xf];
	[sflag:s30] =	ssyncadd.s32 $0xFFFFE000  }
0x40: {  	[spmem:s26] =	stream.linear.scatter [tilespmem:s1], [sflag:$0xD], $0x2000, $0x38;
	[tilespmem:$0x1AF00] =	vst v63  }
0x41: {  	_ =	swait.ge [sflag:s30], $0x2000  }
0x42: {  	[sflag:s30] =	ssyncset.done $0x0  }
0x43: {  	s28 =	rddreg [dreg:$0x18];
	[sflag:s30] =	ssyncadd.s32 $0xFFFFE000  }
0x44: {  	[spmem:s28] =	stream.linear.scatter [tilespmem:s1], [sflag:$0xD], $0x2000, $0x38;
	[tilespmem:$0x1AF00] =	vst v63  }
0x45: {  	_ =	swait.ge [sflag:s30], $0x2000  }
0x46: {  	[sflag:s30] =	ssyncset.done $0x0  }
0x47: {  	s29 =	rddreg [dreg:$0x19];
	[sflag:s30] =	ssyncadd.s32 $0xFFFFE000  }
0x48: {  	[spmem:s29] =	stream.linear.scatter [tilespmem:s1], [sflag:$0xD], $0x2000, $0x38;
	[tilespmem:$0x1AF00] =	vst v63  }
0x49: {  	_ =	swait.ge [sflag:s30], $0x2000  }
0x4a: {  	[sflag:s30] =	ssyncset.done $0x0  }
0x4b: {  	s31 =	rddreg [dreg:$0x1a];
	[sflag:s30] =	ssyncadd.s32 $0xFFFFE000  }
0x4c: {  	[spmem:s31] =	stream.linear.scatter [tilespmem:s1], [sflag:$0xD], $0x2000, $0x38;
	[tilespmem:$0x1AF00] =	vst v63  }
0x4d: {  	_ =	swait.ge [sflag:s30], $0x2000  }
0x4e: {  	[sflag:s30] =	ssyncset.done $0x0  }
0x4f: {  	[sflag:s30] =	ssyncadd.s32 $0xFFFFE000  }
0x50: {  	s7 =	simm.s32 $0x0;
	[bflag:$0x0] =	sbarrier.arrive $0xFFFF  }
0x51: {  	[tilespmem:s1], [sflag:$0x1] =	stream.indirect.gather [hbm4b:s4+s0], $0x40, s7, s0, $0xb8;
	[tilespmem:$0x1AF00] =	vst v63  }
0x52: {  	_ = 	snop  }
0x53: {  	[tilespmem:s3], [sflag:$0x2] =	stream.indirect.gather [hbm4b:s4+s0], $0x40, s0, s0, $0xb8;
	[tilespmem:$0x1AF00] =	vst v63  }
0x54: {  	s23 =	simm.s32 $0x100  }
0x55: {  	[tilespmem:s5], [sflag:$0x3] =	stream.indirect.gather [hbm4b:s4+s0], $0x40, s23, s0, $0xb8;
	[tilespmem:$0x1AF00] =	vst v63  }
0x56: {  	s24 =	simm.s32 $0x180  }
0x57: {  	[tilespmem:s6], [sflag:$0x4] =	stream.indirect.gather [hbm4b:s4+s0], $0x40, s24, s0, $0xb8;
	[tilespmem:$0x1AF00] =	vst v63  }
0x58: {  	_ =	swait.ge [sflag:s8], $0x2000  }
0x59: {  	[sflag:s8] =	ssyncset.done $0x0  }
0x5a: {  	[sflag:s8] =	ssyncadd.s32 $0xFFFFE000  }
0x5b: {  	[spmem:s2] =	stream.indirect.scatter.add.f32 [tilespmem:s1], [sflag:$0x7], $0x40, s25, s0, $0xb8;
	[tilespmem:$0x1AF00] =	vst v63  }
0x5c: {  	s26 =	simm.s32 $0x200  }
0x5d: {  	[tilespmem:s9], [sflag:$0x5] =	stream.indirect.gather [hbm4b:s4+s0], $0x40, s26, s0, $0xb8;
	[tilespmem:$0x1AF00] =	vst v63  }
0x5e: {  	_ =	swait.ge [sflag:s10], $0x2000  }
0x5f: {  	[sflag:s10] =	ssyncset.done $0x0  }
0x60: {  	s28 =	simm.s32 $0x2800;
	[sflag:s10] =	ssyncadd.s32 $0xFFFFE000  }
0x61: {  	[spmem:s2] =	stream.indirect.scatter.add.f32 [tilespmem:s3], [sflag:$0x8], $0x40, s28, s0, $0xb8;
	[tilespmem:$0x1AF00] =	vst v63  }
0x62: {  	s29 =	simm.s32 $0x280  }
0x63: {  	[tilespmem:s11], [sflag:$0x6] =	stream.indirect.gather [hbm4b:s4+s0], $0x40, s29, s0, $0xb8;
	[tilespmem:$0x1AF00] =	vst v63  }
0x64: {  	_ =	swait.ge [sflag:s12], $0x2000  }
0x65: {  	[sflag:s12] =	ssyncset.done $0x0  }
0x66: {  	s31 =	simm.s32 $0x2880;
	[sflag:s12] =	ssyncadd.s32 $0xFFFFE000  }
0x67: {  	[spmem:s2] =	stream.indirect.scatter.add.f32 [tilespmem:s5], [sflag:$0x9], $0x40, s31, s0, $0xb8;
	[tilespmem:$0x1AF00] =	vst v63  }
0x68: {  	_ =	swait.ge [sflag:s13], $0x2000  }
0x69: {  	[sflag:s13] =	ssyncset.done $0x0  }
0x6a: {  	s23 =	simm.s32 $0x300;
	[sflag:s13] =	ssyncadd.s32 $0xFFFFE000  }
0x6b: {  	[tilespmem:s1], [sflag:$0x1] =	stream.indirect.gather [hbm4b:s4+s0], $0x40, s23, s0, $0xb8;
	[tilespmem:$0x1AF00] =	vst v63  }
0x6c: {  	_ =	swait.ge [sflag:s14], $0x2000  }
0x6d: {  	[sflag:s14] =	ssyncset.done $0x0  }
0x6e: {  	s24 =	simm.s32 $0x2900;
	[sflag:s14] =	ssyncadd.s32 $0xFFFFE000  }
0x6f: {  	[spmem:s2] =	stream.indirect.scatter.add.f32 [tilespmem:s6], [sflag:$0xA], $0x40, s24, s0, $0xb8;
	[tilespmem:$0x1AF00] =	vst v63  }
0x70: {  	_ =	swait.ge [sflag:s15], $0x2000  }
0x71: {  	[sflag:s15] =	ssyncset.done $0x0  }
0x72: {  	s25 =	simm.s32 $0x380;
	[sflag:s15] =	ssyncadd.s32 $0xFFFFE000  }
0x73: {  	[tilespmem:s3], [sflag:$0x2] =	stream.indirect.gather [hbm4b:s4+s0], $0x40, s25, s0, $0xb8;
	[tilespmem:$0x1AF00] =	vst v63  }
0x74: {  	_ =	swait.ge [sflag:s16], $0x2000  }
0x75: {  	[sflag:s16] =	ssyncset.done $0x0  }
0x76: {  	s26 =	simm.s32 $0x2980;
	[sflag:s16] =	ssyncadd.s32 $0xFFFFE000  }
0x77: {  	[spmem:s2] =	stream.indirect.scatter.add.f32 [tilespmem:s9], [sflag:$0xB], $0x40, s26, s0, $0xb8;
	[tilespmem:$0x1AF00] =	vst v63  }
0x78: {  	_ =	swait.ge [sflag:s17], $0x2000  }
0x79: {  	[sflag:s17] =	ssyncset.done $0x0  }
0x7a: {  	s28 =	simm.s32 $0x400;
	[sflag:s17] =	ssyncadd.s32 $0xFFFFE000  }
0x7b: {  	[tilespmem:s5], [sflag:$0x3] =	stream.indirect.gather [hbm4b:s4+s0], $0x40, s28, s0, $0xb8;
	[tilespmem:$0x1AF00] =	vst v63  }
0x7c: {  	_ =	swait.ge [sflag:s18], $0x2000  }
0x7d: {  	[sflag:s18] =	ssyncset.done $0x0  }
0x7e: {  	s29 =	simm.s32 $0x2A00;
	[sflag:s18] =	ssyncadd.s32 $0xFFFFE000  }
0x7f: {  	[spmem:s2] =	stream.indirect.scatter.add.f32 [tilespmem:s11], [sflag:$0xC], $0x40, s29, s0, $0xb8;
	[tilespmem:$0x1AF00] =	vst v63  }
0x80: {  	_ =	swait.ge [sflag:s19], $0x2000  }
0x81: {  	[sflag:s19] =	ssyncset.done $0x0  }
0x82: {  	s31 =	simm.s32 $0x480;
	[sflag:s19] =	ssyncadd.s32 $0xFFFFE000  }
0x83: {  	[tilespmem:s6], [sflag:$0x4] =	stream.indirect.gather [hbm4b:s4+s0], $0x40, s31, s0, $0xb8;
	[tilespmem:$0x1AF00] =	vst v63  }
0x84: {  	_ =	swait.ge [sflag:s8], $0x2000  }
0x85: {  	[sflag:s8] =	ssyncset.done $0x0  }
0x86: {  	s7 =	simm.s32 $0x2A80;
	[sflag:s8] =	ssyncadd.s32 $0xFFFFE000  }
0x87: {  	[spmem:s2] =	stream.indirect.scatter.add.f32 [tilespmem:s1], [sflag:$0x7], $0x40, s7, s0, $0xb8;
	[tilespmem:$0x1AF00] =	vst v63  }
0x88: {  	_ =	swait.ge [sflag:s20], $0x2000  }
0x89: {  	[sflag:s20] =	ssyncset.done $0x0  }
0x8a: {  	s24 =	simm.s32 $0x500;
	[sflag:s20] =	ssyncadd.s32 $0xFFFFE000  }
0x8b: {  	[tilespmem:s9], [sflag:$0x5] =	stream.indirect.gather [hbm4b:s4+s0], $0x40, s24, s0, $0xb8;
	[tilespmem:$0x1AF00] =	vst v63  }
0x8c: {  	_ =	swait.ge [sflag:s10], $0x2000  }
0x8d: {  	[sflag:s10] =	ssyncset.done $0x0  }
0x8e: {  	s25 =	simm.s32 $0x2B00;
	[sflag:s10] =	ssyncadd.s32 $0xFFFFE000  }
0x8f: {  	[spmem:s2] =	stream.indirect.scatter.add.f32 [tilespmem:s3], [sflag:$0x8], $0x40, s25, s0, $0xb8;
	[tilespmem:$0x1AF00] =	vst v63  }
0x90: {  	_ =	swait.ge [sflag:s21], $0x2000  }
0x91: {  	[sflag:s21] =	ssyncset.done $0x0  }
0x92: {  	s26 =	simm.s32 $0x580;
	[sflag:s21] =	ssyncadd.s32 $0xFFFFE000  }
0x93: {  	[tilespmem:s11], [sflag:$0x6] =	stream.indirect.gather [hbm4b:s4+s0], $0x40, s26, s0, $0xb8;
	[tilespmem:$0x1AF00] =	vst v63  }
0x94: {  	_ =	swait.ge [sflag:s12], $0x2000  }
0x95: {  	[sflag:s12] =	ssyncset.done $0x0  }
0x96: {  	s28 =	simm.s32 $0x2B80;
	[sflag:s12] =	ssyncadd.s32 $0xFFFFE000  }
0x97: {  	[spmem:s2] =	stream.indirect.scatter.add.f32 [tilespmem:s5], [sflag:$0x9], $0x40, s28, s0, $0xb8;
	[tilespmem:$0x1AF00] =	vst v63  }
0x98: {  	_ =	swait.ge [sflag:s13], $0x2000  }
0x99: {  	[sflag:s13] =	ssyncset.done $0x0  }
0x9a: {  	s29 =	simm.s32 $0x600;
	[sflag:s13] =	ssyncadd.s32 $0xFFFFE000  }
0x9b: {  	[tilespmem:s1], [sflag:$0x1] =	stream.indirect.gather [hbm4b:s4+s0], $0x40, s29, s0, $0xb8;
	[tilespmem:$0x1AF00] =	vst v63  }
0x9c: {  	_ =	swait.ge [sflag:s14], $0x2000  }
0x9d: {  	[sflag:s14] =	ssyncset.done $0x0  }
0x9e: {  	s31 =	simm.s32 $0x2C00;
	[sflag:s14] =	ssyncadd.s32 $0xFFFFE000  }
0x9f: {  	[spmem:s2] =	stream.indirect.scatter.add.f32 [tilespmem:s6], [sflag:$0xA], $0x40, s31, s0, $0xb8;
	[tilespmem:$0x1AF00] =	vst v63  }
0xa0: {  	_ =	swait.ge [sflag:s15], $0x2000  }
0xa1: {  	p0 =	por $0x0, $0x0;
	[sflag:s15] =	ssyncset.done $0x0  }
0xa2: {  	s23 =	simm.s32 @p0 $0x5;
	[sflag:s15] =	ssyncadd.s32 $0xFFFFE000  }
0xa3: {  	_ =	swait.ge @p0 [sflag:s23], $0x2000  }
0xa4: {  	s24 =	simm.s32 @p0 $0x2C80;
	[sflag:s23] =	ssyncset.done @p0 $0x0  }
0xa5: {  	s31 =	simm.s32 @p0 $0xCF00;
	[sflag:s23] =	ssyncadd.s32 @p0 $0xFFFFE000;
	s23 =	simm.s32 @p0 $0x80  }
0xa6: {  	[spmem:s2] =	stream.indirect.scatter.add.f32 @p0 [tilespmem:s31], [sflag:$0xB], $0x40, s24, s23, $0xb8;
	[tilespmem:$0x1AF00] =	vst v63  }
0xa7: {  	s23 =	simm.s32 @p0 $0x9  }
0xa8: {  	_ =	swait.ge @p0 [sflag:s23], $0x2000  }
0xa9: {  	s24 =	simm.s32 @!p0 $0x680;
	[sflag:s23] =	ssyncset.done @p0 $0x0  }
0xaa: {  	s31 =	simm.s32 @!p0 $0x6F00;
	[sflag:s23] =	ssyncadd.s32 @p0 $0xFFFFE000;
	s23 =	simm.s32 @!p0 $0x80  }
0xab: {  	[tilespmem:s31], [sflag:$0x2] =	stream.indirect.gather @!p0 [hbm4b:s4+s23], $0x40, s24, s23, $0xb8;
	[tilespmem:$0x1AF00] =	vst v63  }
0xac: {  	s24 =	simm.s32 @!p0 $0x5  }
0xad: {  	_ =	swait.ge @!p0 [sflag:s24], $0x2000  }
0xae: {  	[sflag:s24] =	ssyncset.done @!p0 $0x0  }
0xaf: {  	s31 =	simm.s32 @!p0 $0x2C80;
	[sflag:s24] =	ssyncadd.s32 @!p0 $0xFFFFE000;
	s24 =	simm.s32 @!p0 $0xCF00  }
0xb0: {  	[spmem:s2] =	stream.indirect.scatter.add.f32 @!p0 [tilespmem:s24], [sflag:$0xB], $0x40, s31, s23, $0xb8;
	[tilespmem:$0x1AF00] =	vst v63  }
0xb1: {  	s24 =	simm.s32 @!p0 $0x9  }
0xb2: {  	_ =	swait.ge @!p0 [sflag:s24], $0x2000  }
0xb3: {  	[sflag:s24] =	ssyncset.done @!p0 $0x0  }
0xb4: {  	s31 =	simm.s32 @!p0 $0x700;
	[sflag:s24] =	ssyncadd.s32 @!p0 $0xFFFFE000;
	s24 =	simm.s32 @!p0 $0x8F00  }
0xb5: {  	[tilespmem:s24], [sflag:$0x3] =	stream.indirect.gather @!p0 [hbm4b:s4+s23], $0x40, s31, s23, $0xb8;
	[tilespmem:$0x1AF00] =	vst v63  }
0xb6: {  	_ =	swait.ge [sflag:s18], $0x2000  }
0xb7: {  	[sflag:s18] =	ssyncset.done $0x0  }
0xb8: {  	s23 =	simm.s32 $0xC00;
	s24 =	simm.s32 $0x2D00;
	[sflag:s18] =	ssyncadd.s32 $0xFFFFE000  }
.LBB2_4:
0xb9: {  	[spmem:s2] =	stream.indirect.scatter.add.f32 [tilespmem:s11], [sflag:$0xC], $0x40, s24, s0, $0xb8;
	[tilespmem:$0x1AF00] =	vst v63  }
0xba: {  	s24 =	smov.u32 s23;
	s23 =	sadd.s32 $0xC00, s23;
	_ =	swait.ge [sflag:s19], $0x2000  }
0xbb: {  	s31 =	sshra.s32 s24, $0x2;
	p0 =	sne.s32 s23, $0x9000;
	[sflag:s19] =	ssyncset.done $0x0  }
0xbc: {  	s25 =	sadd.s32 $0x480, s31;
	[sflag:s19] =	ssyncadd.s32 $0xFFFFE000  }
0xbd: {  	[tilespmem:s6], [sflag:$0x4] =	stream.indirect.gather [hbm4b:s4+s0], $0x40, s25, s0, $0xb8;
	[tilespmem:$0x1AF00] =	vst v63  }
0xbe: {  	_ =	swait.ge [sflag:s8], $0x2000  }
0xbf: {  	[sflag:s8] =	ssyncset.done $0x0  }
0xc0: {  	s25 =	sadd.s32 $0x2A80, s31;
	[sflag:s8] =	ssyncadd.s32 $0xFFFFE000  }
0xc1: {  	[spmem:s2] =	stream.indirect.scatter.add.f32 [tilespmem:s1], [sflag:$0x7], $0x40, s25, s0, $0xb8;
	[tilespmem:$0x1AF00] =	vst v63  }
0xc2: {  	_ =	swait.ge [sflag:s20], $0x2000  }
0xc3: {  	[sflag:s20] =	ssyncset.done $0x0  }
0xc4: {  	s25 =	sadd.s32 $0x500, s31;
	[sflag:s20] =	ssyncadd.s32 $0xFFFFE000  }
0xc5: {  	[tilespmem:s9], [sflag:$0x5] =	stream.indirect.gather [hbm4b:s4+s0], $0x40, s25, s0, $0xb8;
	[tilespmem:$0x1AF00] =	vst v63  }
0xc6: {  	_ =	swait.ge [sflag:s10], $0x2000  }
0xc7: {  	[sflag:s10] =	ssyncset.done $0x0  }
0xc8: {  	s25 =	sadd.s32 $0x2B00, s31;
	[sflag:s10] =	ssyncadd.s32 $0xFFFFE000  }
0xc9: {  	[spmem:s2] =	stream.indirect.scatter.add.f32 [tilespmem:s3], [sflag:$0x8], $0x40, s25, s0, $0xb8;
	[tilespmem:$0x1AF00] =	vst v63  }
0xca: {  	_ =	swait.ge [sflag:s21], $0x2000  }
0xcb: {  	[sflag:s21] =	ssyncset.done $0x0  }
0xcc: {  	s25 =	sadd.s32 $0x580, s31;
	[sflag:s21] =	ssyncadd.s32 $0xFFFFE000  }
0xcd: {  	[tilespmem:s11], [sflag:$0x6] =	stream.indirect.gather [hbm4b:s4+s0], $0x40, s25, s0, $0xb8;
	[tilespmem:$0x1AF00] =	vst v63  }
0xce: {  	_ =	swait.ge [sflag:s12], $0x2000  }
0xcf: {  	[sflag:s12] =	ssyncset.done $0x0  }
0xd0: {  	s25 =	sadd.s32 $0x2B80, s31;
	[sflag:s12] =	ssyncadd.s32 $0xFFFFE000  }
0xd1: {  	[spmem:s2] =	stream.indirect.scatter.add.f32 [tilespmem:s5], [sflag:$0x9], $0x40, s25, s0, $0xb8;
	[tilespmem:$0x1AF00] =	vst v63  }
0xd2: {  	_ =	swait.ge [sflag:s13], $0x2000  }
0xd3: {  	[sflag:s13] =	ssyncset.done $0x0  }
0xd4: {  	s25 =	sadd.s32 $0x600, s31;
	[sflag:s13] =	ssyncadd.s32 $0xFFFFE000  }
0xd5: {  	[tilespmem:s1], [sflag:$0x1] =	stream.indirect.gather [hbm4b:s4+s0], $0x40, s25, s0, $0xb8;
	[tilespmem:$0x1AF00] =	vst v63  }
0xd6: {  	_ =	swait.ge [sflag:s14], $0x2000  }
0xd7: {  	[sflag:s14] =	ssyncset.done $0x0  }
0xd8: {  	s25 =	sadd.s32 $0x2C00, s31;
	[sflag:s14] =	ssyncadd.s32 $0xFFFFE000  }
0xd9: {  	[spmem:s2] =	stream.indirect.scatter.add.f32 [tilespmem:s6], [sflag:$0xA], $0x40, s25, s0, $0xb8;
	[tilespmem:$0x1AF00] =	vst v63  }
0xda: {  	_ =	swait.ge [sflag:s15], $0x2000  }
0xdb: {  	p1 =	seq.s32 s24, $0x8400;
	[sflag:s15] =	ssyncset.done $0x0  }
0xdc: {  	s26 =	sshra.s32 @p1 s24, $0x2;
	s25 =	simm.s32 @p1 $0x5;
	[sflag:s15] =	ssyncadd.s32 $0xFFFFE000  }
0xdd: {  	s24 =	sshra.s32 @!p1 s24, $0x2;
	s26 =	sadd.s32 @p1 $0x2C80, s26;
	_ =	swait.ge @p1 [sflag:s25], $0x2000  }
0xde: {  	s28 =	simm.s32 @p1 $0x9;
	s29 =	sadd.s32 @!p1 $0x680, s24;
	[sflag:s25] =	ssyncset.done @p1 $0x0  }
0xdf: {  	s7 =	simm.s32 @p1 $0xCF00;
	[sflag:s25] =	ssyncadd.s32 @p1 $0xFFFFE000;
	s25 =	simm.s32 @p1 $0x80  }
0xe0: {  	[spmem:s2] =	stream.indirect.scatter.add.f32 @p1 [tilespmem:s7], [sflag:$0xB], $0x40, s26, s25, $0xb8;
	[tilespmem:$0x1AF00] =	vst v63  }
0xe1: {  	s7 =	sadd.s32 @!p1 $0x2C80, s24;
	s24 =	sadd.s32 @!p1 $0x700, s24;
	_ =	swait.ge @p1 [sflag:s28], $0x2000  }
0xe2: {  	s25 =	simm.s32 @!p1 $0x5;
	[sflag:s28] =	ssyncset.done @p1 $0x0  }
0xe3: {  	s26 =	simm.s32 @!p1 $0x80;
	[sflag:s28] =	ssyncadd.s32 @p1 $0xFFFFE000;
	s28 =	simm.s32 @!p1 $0x6F00  }
0xe4: {  	[tilespmem:s28], [sflag:$0x2] =	stream.indirect.gather @!p1 [hbm4b:s4+s26], $0x40, s29, s26, $0xb8;
	[tilespmem:$0x1AF00] =	vst v63  }
0xe5: {  	_ =	swait.ge @!p1 [sflag:s25], $0x2000  }
0xe6: {  	[sflag:s25] =	ssyncset.done @!p1 $0x0  }
0xe7: {  	s28 =	simm.s32 @!p1 $0x9;
	[sflag:s25] =	ssyncadd.s32 @!p1 $0xFFFFE000;
	s25 =	simm.s32 @!p1 $0xCF00  }
0xe8: {  	[spmem:s2] =	stream.indirect.scatter.add.f32 @!p1 [tilespmem:s25], [sflag:$0xB], $0x40, s7, s26, $0xb8;
	[tilespmem:$0x1AF00] =	vst v63  }
0xe9: {  	_ =	swait.ge @!p1 [sflag:s28], $0x2000  }
0xea: {  	[sflag:s28] =	ssyncset.done @!p1 $0x0  }
.Ltmp1:
0xeb: {  	s7 =	simm.s32 @!p1 $0x8F00;
	[sflag:s28] =	ssyncadd.s32 @!p1 $0xFFFFE000;
	(pc) =	sbr.rel @p0 .LBB2_4-.Ltmp1, $4  }
0xec: {  	[tilespmem:s7], [sflag:$0x3] =	stream.indirect.gather @!p1 [hbm4b:s4+s26], $0x40, s24, s26, $0xb8;
	[tilespmem:$0x1AF00] =	vst v63  }
0xed: {  	_ =	swait.ge [sflag:s18], $0x2000  }
0xee: {  	[sflag:s18] =	ssyncset.done $0x0  }
0xef: {  	s24 =	sadd.s32 $0x2D00, s31;
	[sflag:s18] =	ssyncadd.s32 $0xFFFFE000  }
0xf0: {  	[spmem:s2] =	stream.indirect.scatter.add.f32 [tilespmem:s11], [sflag:$0xC], $0x40, s24, s0, $0xb8;
	[tilespmem:$0x1AF00] =	vst v63  }
0xf1: {  	_ =	swait.ge [sflag:s19], $0x2000  }
0xf2: {  	[sflag:s19] =	ssyncset.done $0x0  }
0xf3: {  	[sflag:s19] =	ssyncadd.s32 $0xFFFFE000  }
0xf4: {  	_ =	swait.ge [sflag:s8], $0x2000  }
0xf5: {  	[sflag:s8] =	ssyncset.done $0x0  }
0xf6: {  	s7 =	simm.s32 $0x4E80;
	[sflag:s8] =	ssyncadd.s32 $0xFFFFE000  }
0xf7: {  	[spmem:s2] =	stream.indirect.scatter.add.f32 [tilespmem:s1], [sflag:$0x7], $0x40, s7, s0, $0xb8;
	[tilespmem:$0x1AF00] =	vst v63  }
0xf8: {  	_ =	swait.ge [sflag:s20], $0x2000  }
0xf9: {  	[sflag:s20] =	ssyncset.done $0x0  }
0xfa: {  	[sflag:s20] =	ssyncadd.s32 $0xFFFFE000  }
0xfb: {  	_ =	swait.ge [sflag:s21], $0x2000  }
0xfc: {  	[sflag:s21] =	ssyncset.done $0x0  }
0xfd: {  	[sflag:s21] =	ssyncadd.s32 $0xFFFFE000  }
0xfe: {  	_ =	swait.ge [sflag:s13], $0x2000  }
0xff: {  	[sflag:s13] =	ssyncset.done $0x0  }
0x100: {  	[sflag:s13] =	ssyncadd.s32 $0xFFFFE000  }
0x101: {  	s24 =	stileid.u32;
	[bflag:$0x0] =	sbarrier.arrive $0xFFFF  }
0x102: {  	s7 =	sshll.u32 s24, $0x6;
	s23 =	rddreg [dreg:$0x6]  }
0x103: {  	s7 =	sor.u32 $0x1C0D, s7;
	s25 =	rddreg [dreg:$0x10]  }
0x104: {  	[hbm:s23], [sflag:s7] =	dma.local [spmem:s25], $0x280  }
0x105: {  	_ =	swait.ge [sflag:s30], $0x280  }
0x106: {  	[sflag:s30] =	ssyncset.done $0x0;
	s26 =	rddreg [dreg:$0x8]  }
0x107: {  	s28 =	rddreg [dreg:$0x11];
	[sflag:s30] =	ssyncadd.s32 $0xFFFFFD80  }
0x108: {  	[hbm:s26], [sflag:s7] =	dma.local [spmem:s28], $0x280  }
0x109: {  	_ =	swait.ge [sflag:s30], $0x280  }
0x10a: {  	[sflag:s30] =	ssyncset.done $0x0;
	s29 =	rddreg [dreg:$0x9]  }
0x10b: {  	s31 =	rddreg [dreg:$0x12];
	[sflag:s30] =	ssyncadd.s32 $0xFFFFFD80  }
0x10c: {  	[hbm:s29], [sflag:s7] =	dma.local [spmem:s31], $0x280  }
0x10d: {  	_ =	swait.ge [sflag:s30], $0x280  }
0x10e: {  	[sflag:s30] =	ssyncset.done $0x0;
	s24 =	rddreg [dreg:$0xa]  }
0x10f: {  	s25 =	rddreg [dreg:$0x13];
	[sflag:s30] =	ssyncadd.s32 $0xFFFFFD80  }
0x110: {  	[hbm:s24], [sflag:s7] =	dma.local [spmem:s25], $0x280  }
0x111: {  	_ =	swait.ge [sflag:s30], $0x280  }
0x112: {  	[sflag:s30] =	ssyncset.done $0x0;
	s26 =	rddreg [dreg:$0xb]  }
0x113: {  	s28 =	rddreg [dreg:$0x14];
	[sflag:s30] =	ssyncadd.s32 $0xFFFFFD80  }
0x114: {  	[hbm:s26], [sflag:s7] =	dma.local [spmem:s28], $0x280  }
0x115: {  	_ =	swait.ge [sflag:s30], $0x280  }
0x116: {  	[sflag:s30] =	ssyncset.done $0x0;
	s29 =	rddreg [dreg:$0xc]  }
0x117: {  	s31 =	rddreg [dreg:$0x15];
	[sflag:s30] =	ssyncadd.s32 $0xFFFFFD80  }
0x118: {  	[hbm:s29], [sflag:s7] =	dma.local [spmem:s31], $0x280  }
0x119: {  	_ =	swait.ge [sflag:s30], $0x280  }
0x11a: {  	[sflag:s30] =	ssyncset.done $0x0;
	s25 =	rddreg [dreg:$0xd]  }
0x11b: {  	s26 =	rddreg [dreg:$0x16];
	[sflag:s30] =	ssyncadd.s32 $0xFFFFFD80  }
0x11c: {  	[hbm:s25], [sflag:s7] =	dma.local [spmem:s26], $0x280  }
0x11d: {  	_ =	swait.ge [sflag:s30], $0x280  }
0x11e: {  	[sflag:s30] =	ssyncset.done $0x0;
	s28 =	rddreg [dreg:$0xe]  }
0x11f: {  	s29 =	rddreg [dreg:$0x17];
	[sflag:s30] =	ssyncadd.s32 $0xFFFFFD80  }
0x120: {  	[hbm:s28], [sflag:s7] =	dma.local [spmem:s29], $0x280  }
0x121: {  	_ =	swait.ge [sflag:s30], $0x280  }
0x122: {  	s22 =	sadd.s32 $0x1, s22;
	s31 =	rddreg [dreg:$0x7]  }
0x123: {  	p0 =	sne.s32 s22, s31  }
.Ltmp2:
0x124: {  	_ = 	snop;
	(pc) =	sbr.rel @p0 .LBB2_1-.Ltmp2, $3  }
0x125: {  	_ =	sdelay $0x1  }
0x126: {  	[sflag:s30] =	ssyncset.done $0x0  }
0x127: {  	s25 =	simm.s32 $0x2780;
	[sflag:s30] =	ssyncadd.s32 $0xFFFFFD80  }
0x128: {  	_ =	sfence.sel $0x180000  }
0x129: {  	[bflag:$0x0] =	sbarrier.arrive $0xFFFF  }
0x12a: {  	_ =	strace $0x9000004D  }
0x12b: {  	s0 =	stileid.u32;
	[bflag:$0x2] =	sbarrier.arrive $0xFFFF  }
0x12c: {  	p0 =	sne.s32 s0, $0x0;
	s0 =	rddreg [dreg:$0x2]  }
0x12d: {  	s0 =	sadd.s32 @!p0 $0x100000, s0  }
0x12e: {  	[sflag:s0] =	ssyncadd.tile.s32 @!p0 $0x1;
	_ =	shalt  }
.Lfunc_end2:
_tile_overlayer_lowered:
.L_overlay_start_2:
0x12f: {  	(tag) =	ssettag $0x2  }
0x130: {  	s0 =	rddreg [dreg:$0x0];
	s2 =	stileid.u32  }
0x131: {  	s1 =	rddreg [dreg:$0x1];
	p0 =	sne.s32 s2, $0x0  }
0x132: {  	s3 =	rddreg [dreg:$0x2];
	[bflag:$0x3] =	sbarrier.arrive $0xFFFF;
	s2 =	simm.s32 @!p0 $0x1C0D  }
0x133: {  	[timem:s3], [sflag:s2] =	dma.local @!p0 [hbm:s0], s1  }
0x134: {  	s0 =	simm.s32 @!p0 $0xD  }
0x135: {  	_ =	swait.ge @!p0 [sflag:s0], s1  }
0x136: {  	s1 =	ssub.s32 @!p0 $0x0, s1;
	[sflag:s0] =	ssyncset.done @!p0 $0x0  }
0x137: {  	[sflag:s0] =	ssyncadd.s32 @!p0 s1  }
0x138: {  	[bflag:$0x3] =	sbarrier.arrive $0xFFFF  }
0x139: {  	_ =	shalt  }

// kernel: kernel.26.cloned.1.call-start
scs
__scs_entry_jumppad:
0x0: {  	(pc) =	sbr.rel $0x88, $3  }
0x1: {  	(tag) =	ssettag $0x0;
	lr =	simm.s32 $0x1  }
0x2: {  	[smem:$0x3F96] =	sst lr;
	_ =	strace $0xD0000000  }
0x3: {  	_ = 	snop  }
0x4: {  	_ = 	snop  }
0x5: {  	_ = 	snop  }
0x6: {  	_ = 	snop  }
0x7: {  	_ = 	snop  }
__scs_overlays_trampoline_lowered:
0x8: {  	[smem:$0x3FA5] =	sst s0  }
0x9: {  	[smem:$0x3FA6] =	sst s1  }
0xa: {  	[smem:$0x3FA7] =	sst s2  }
0xb: {  	[smem:$0x3FA8] =	sst s3  }
0xc: {  	[smem:$0x3FA9] =	sst s4  }
0xd: {  	[smem:$0x3FAA] =	sst s5  }
0xe: {  	[smem:$0x3FAB] =	sst s6  }
0xf: {  	[smem:$0x3FAC] =	sst s7  }
0x10: {  	[smem:$0x3FAD] =	sst s8  }
0x11: {  	[smem:$0x3FAE] =	sst s9;
	s0 =	simm.s32 @!p0 $0x0  }
0x12: {  	s1 =	sld [smem:$0x3F94];
	s0 =	simm.s32 @p0 $0x1  }
0x13: {  	[smem:$0x3FAF] =	sst s0;
	s0 =	simm.s32 @!p1 $0x0  }
0x14: {  	s2 =	sld [smem:$0x3F93];
	s0 =	simm.s32 @p1 $0x1  }
0x15: {  	[smem:$0x3FB0] =	sst s0;
	s0 =	simm.s32 @!p2 $0x0  }
0x16: {  	s3 =	sld [smem:$0x3FDB];
	s0 =	simm.s32 @p2 $0x1  }
0x17: {  	s4 =	simm.s32 $0x1BF5;
	[smem:$0x3FB2] =	sst s0  }
0x18: {  	s0 =	sld [smem:$0x3F95];
	_ =	swait.ge [sflag:s4], $0x0  }
0x19: {  	s7 =	sld [smem:$0x3F96]  }
0x1a: {  	s8 =	sadd.s32 $0xFFFFE003, lr  }
0x1b: {  	s9 =	sadd.s32 $0xFFFFFEF7, lr;
	s5 =	simm.s32 $0xFFFFFFFF;
	p2 =	slt.u32 s8, $0xFFFFF086  }
0x1c: {  	p1 =	slt.u32 s9, $0xF7A;
	s5 =	simm.s32 @!p2 $0x0  }
0x1d: {  	s5 =	simm.s32 @p1 $0x1;
	p0 =	seq.s32 s7, s2  }
0x1e: {  	s7 =	smul.u32 @!p0 $0xF7A, s2;
	p2 =	seq.s32 @!p0 s5, $0x0  }
0x1f: {  	s9 =	smul.u32 $0xF7A, s1;
	s8 =	simm.s32 @!p0 $0x1BF5;
	p2 =	por !p2, p0  }
0x20: {  	[sflag:s8] =	ssyncset.s32 @!p0 $0xFFFFF086;
	s6 =	sadd.s32 @!p0 s3, s7;
	s7 =	simm.s32 @!p0 $0x108  }
0x21: {  	s3 =	sadd.s32 s3, s9;
	s6 =	sadd.s32 @!p0 $0x88, s6;
	s7 =	simm.s32 @p2 $0x1082  }
0x22: {  	[simem:s7], [sflag:s8] =	dma.local @!p0 [hbm:s6], $0xF7A  }
0x23: {  	s9 =	sor.u32 $0xD0000000, s2;
	s6 =	simm.s32 $0x108;
	_ =	swait.ge @!p0 [sflag:s8], $0x0  }
0x24: {  	s3 =	sadd.s32 $0x88, s3;
	s6 =	simm.s32 @!p1 $0x1082;
	[sflag:s4] =	ssyncset.s32 $0xFFFFF086  }
0x25: {  	[simem:s6], [sflag:s4] =	dma.local [hbm:s3], $0xF7A  }
0x26: {  	[smem:$0x3F96] =	sst s1;
	(tag) =	ssettag s2;
	_ =	strace s9  }
0x27: {  	s1 =	sld [smem:$0x3FA6]  }
0x28: {  	s2 =	sld [smem:$0x3FA7]  }
0x29: {  	s4 =	sld [smem:$0x3FA9]  }
0x2a: {  	p0 =	seq.s32 s5, $0x0;
	s5 =	sld [smem:$0x3FAA]  }
0x2b: {  	s6 =	sld [smem:$0x3FAB]  }
0x2c: {  	s7 =	sld [smem:$0x3FAC]  }
0x2d: {  	s3 =	simm.s32 $0x108;
	s8 =	sld [smem:$0x3FAD]  }
0x2e: {  	s3 =	simm.s32 @!p0 $0x1082;
	s9 =	sld [smem:$0x3FAE]  }
0x2f: {  	lr =	sadd.s32 s0, s3;
	s0 =	sld [smem:$0x3FA5]  }
0x30: {  	s3 =	sld [smem:$0x3FA8]  }
0x31: {  	[smem:$0x3FB1] =	sst s10  }
0x32: {  	s10 =	sld [smem:$0x3FAF];
	_ =	sdelay $0x3  }
0x33: {  	p0 =	seq.s32 s10, $0x1;
	s10 =	sld [smem:$0x3FB1];
	_ =	sdelay $0x3  }
0x34: {  	[smem:$0x3FB1] =	sst s10  }
0x35: {  	s10 =	sld [smem:$0x3FB0];
	_ =	sdelay $0x3  }
0x36: {  	p1 =	seq.s32 s10, $0x1;
	s10 =	sld [smem:$0x3FB1];
	_ =	sdelay $0x3  }
0x37: {  	[smem:$0x3FB1] =	sst s10  }
0x38: {  	s10 =	sld [smem:$0x3FB2]  }
0x39: {  	_ = 	snop;
	(pc) =	sbr.ind lr, $3  }
0x3a: {  	_ = 	snop  }
0x3b: {  	_ = 	snop  }
0x3c: {  	p2 =	seq.s32 s10, $0x1;
	s10 =	sld [smem:$0x3FB1]  }
0x3d: {  	_ =	shalt  }
0x3e: {  	_ =	shalt  }
0x3f: {  	_ =	shalt  }
0x40: {  	_ =	shalt  }
0x41: {  	_ =	shalt  }
0x42: {  	_ =	shalt  }
0x43: {  	_ =	shalt  }
0x44: {  	_ =	shalt  }
0x45: {  	_ =	shalt  }
0x46: {  	_ =	shalt  }
0x47: {  	_ =	shalt  }
0x48: {  	_ =	shalt  }
0x49: {  	_ =	shalt  }
0x4a: {  	_ =	shalt  }
0x4b: {  	_ =	shalt  }
0x4c: {  	_ =	shalt  }
0x4d: {  	_ =	shalt  }
0x4e: {  	_ =	shalt  }
0x4f: {  	_ =	shalt  }
0x50: {  	_ =	shalt  }
0x51: {  	_ =	shalt  }
0x52: {  	_ =	shalt  }
0x53: {  	_ =	shalt  }
0x54: {  	_ =	shalt  }
0x55: {  	_ =	shalt  }
0x56: {  	_ =	shalt  }
0x57: {  	_ =	shalt  }
0x58: {  	_ =	shalt  }
0x59: {  	_ =	shalt  }
0x5a: {  	_ =	shalt  }
0x5b: {  	_ =	shalt  }
0x5c: {  	_ =	shalt  }
0x5d: {  	_ =	shalt  }
0x5e: {  	_ =	shalt  }
0x5f: {  	_ =	shalt  }
0x60: {  	_ =	shalt  }
0x61: {  	_ =	shalt  }
0x62: {  	_ =	shalt  }
0x63: {  	_ =	shalt  }
0x64: {  	_ =	shalt  }
0x65: {  	_ =	shalt  }
0x66: {  	_ =	shalt  }
0x67: {  	_ =	shalt  }
0x68: {  	_ =	shalt  }
0x69: {  	_ =	shalt  }
0x6a: {  	_ =	shalt  }
0x6b: {  	_ =	shalt  }
0x6c: {  	_ =	shalt  }
0x6d: {  	_ =	shalt  }
0x6e: {  	_ =	shalt  }
0x6f: {  	_ =	shalt  }
0x70: {  	_ =	shalt  }
0x71: {  	_ =	shalt  }
0x72: {  	_ =	shalt  }
0x73: {  	_ =	shalt  }
0x74: {  	_ =	shalt  }
0x75: {  	_ =	shalt  }
0x76: {  	_ =	shalt  }
0x77: {  	_ =	shalt  }
0x78: {  	_ =	shalt  }
0x79: {  	_ =	shalt  }
0x7a: {  	_ =	shalt  }
0x7b: {  	_ =	shalt  }
0x7c: {  	_ =	shalt  }
0x7d: {  	_ =	shalt  }
0x7e: {  	_ =	shalt  }
0x7f: {  	_ =	shalt  }
0x80: {  	_ =	shalt  }
0x81: {  	_ =	shalt  }
0x82: {  	_ =	shalt  }
0x83: {  	_ =	shalt  }
0x84: {  	_ =	shalt  }
0x85: {  	_ =	shalt  }
0x86: {  	_ =	shalt  }
0x87: {  	_ =	shalt  }
.Lfunc_end0:
.L_simem_size_0:
called_computation.3_lowered:
.L_overlay_start_0:
0x88: {  	s2 =	sld [smem:$0x3FD9]  }
0x89: {  	s3 =	sld [smem:$0x3FFE];
	_ =	sdelay $0x1  }
0x8a: {  	s1 =	srdreg.scid  }
0x8b: {  	s0 =	sand.u32 $0x1, s1  }
0x8c: {  	s16 =	sshll.u32 s0, $0xA;
	s2 =	sadd.s32 s3, s2  }
0x8d: {  	s2 =	sadd.s32 s2, s16  }
0x8e: {  	[smem:$0x3FBD] =	sst s2  }
0x8f: {  	_ = 	snop  }
0x90: {  	(tm) =	ssettm $0x1  }
0x91: {  	s17 =	sld [smem:$0x3FFB];
	_ =	sdelay $0x3  }
0x92: {  	_ =	strace s17  }
0x93: {  	s2 =	sld [smem:$0x3FFC];
	_ =	sdelay $0x3  }
0x94: {  	_ =	strace s2  }
0x95: {  	s2 =	sld [smem:$0x3FFD];
	_ =	sdelay $0x3  }
0x96: {  	_ =	strace s2  }
0x97: {  	_ =	strace $0x8FFFFFFF  }
0x98: {  	s18 =	sld [smem:$0x3FDB];
	_ =	sdelay $0x1  }
0x99: {  	s19 =	simm.s32 $_scs_section_size  }
0x9a: {  	s4 =	simm.s32 $_size__tile_overlayer_lowered;
	s5 =	simm.s32 $_tile_overlayer_lowered  }
0x9b: {  	s22 =	simm.s32 $0x1BFF;
	s21 =	sshll.u32 s5, $0x1;
	s2 =	sadd.s32 s19, s18  }
0x9c: {  	s6 =	simm.s32 $0x0;
	s20 =	sshll.u32 s4, $0x1;
	s4 =	sadd.s32 s21, s2  }
0x9d: {  	[timem:s6], [sflag:s22] =	dma.local [hbm:s4], s20  }
0x9e: {  	_ =	swait.ge [sflag:s22], s20  }
0x9f: {  	s3 =	ssub.s32 $0x0, s20;
	[sflag:s22] =	ssyncset.done $0x0  }
0xa0: {  	[sflag:s22] =	ssyncadd.s32 s3;
	_ =	sdelay $0x1  }
0xa1: {  	s23 =	simm.s32 $0x1B8B  }
0xa2: {  	_ =	swait.ge [sflag:s23], $0x1  }
0xa3: {  	[sflag:s23] =	ssyncset.done $0x0  }
0xa4: {  	s25 =	simm.s32 $0x1B8E;
	s24 =	sld [smem:$0x3FFE];
	[sflag:s23] =	ssyncadd.s32 $0xFFFFFFFF  }
0xa5: {  	s26 =	simm.s32 $execute0_lowered;
	[smem:$0x3FD2] =	sst s25  }
0xa6: {  	s4 =	sshll.u32 s26, $0x1;
	_ =	strace $0x8000004F;
	[dreg:$0x1] =	wrdreg $0xFFFFFFFF  }
0xa7: {  	s28 =	simm.s32 $_size_execute0_lowered;
	s2 =	sadd.s32 s2, s4;
	[dreg:$0x0] =	wrdreg $0x0  }
0xa8: {  	s4 =	sshll.u32 s28, $0x1;
	[dreg:$0x2] =	wrdreg s2  }
0xa9: {  	[dreg:$0x3] =	wrdreg s4  }
0xaa: {  	[dreg:$0x4] =	wrdreg $0xC0  }
0xab: {  	_ =	task [dreg:s6], $0x5FFFF  }
0xac: {  	[dreg:$0x1] =	wrdreg $0xFFFFFFFF  }
0xad: {  	[dreg:$0x0] =	wrdreg $0x60  }
0xae: {  	[dreg:$0x2] =	wrdreg s24  }
0xaf: {  	[dreg:$0x3] =	wrdreg $0x10F000  }
0xb0: {  	[dreg:$0x4] =	wrdreg $0x9  }
0xb1: {  	_ =	task.clear_ibuf [dreg:s6], $0x5FFFF;
	_ =	strace $0x9000004F  }
0xb2: {  	s29 =	simm.s32 $0x9;
	_ =	strace $0x80000051  }
0xb3: {  	_ =	swait.ge [sflag:s29], $0x1  }
0xb4: {  	[sflag:s29] =	ssyncadd.s32 $0xFFFFFFFF  }
0xb5: {  	_ =	strace $0x90000051  }
0xb6: {  	_ =	sfence  }
0xb7: {  	s30 =	sld [smem:$0x0];
	_ =	sdelay $0x2  }
0xb8: {  	s31 =	sshll.u32 s1, $0xD;
	s1 =	sshrl.u32 s1, $0x2  }
0xb9: {  	s3 =	sand.u32 $0x4000, s31;
	s1 =	sadd.s32 s1, s30  }
0xba: {  	s0 =	sor.u32 s3, s0;
	s1 =	sshll.u32 s1, $0x11  }
0xbb: {  	s0 =	sor.u32 s1, s0  }
0xbc: {  	s0 =	sadd.s32 $0x8F2B, s0  }
0xbd: {  	[sflag:s0] =	ssyncadd.remote.s32 $0x1  }
0xbe: {  	_ =	sfence.sel $0xFFFF  }
0xbf: {  	[dreg:$0x0] =	wrdreg $0xFFFFFFFF;
	(pc) =	sbr.abs _section_cstart, $3  }
0xc0: {  	[dreg:$0x1] =	wrdreg $0xFFFFFFFF  }
0xc1: {  	_ =	task.clear_ibuf [dreg:s6], $0x2FFFF;
	_ =	strace $0x9FFFFFFF  }
0xc2: {  	(tm) =	ssettm $0x7FFFFFFF  }
0xc3: {  	_ =	shalt  }
tec
execute0_lowered:
.L_overlay_start_1:
0x0: {  	(tag) =	ssettag $0x1  }
0x1: {  	s0 =	rddreg [dreg:$0x0];
	s1 =	srdreg.scid  }
0x2: {  	s7 =	stileid.u32;
	s2 =	rddreg [dreg:$0x1];
	s4 =	simm.s32 $0x0  }
0x3: {  	s30 =	simm.s32 $0xD;
	s1 =	sand.u32 $0x1, s1;
	s8 =	smul.u32 $0xA000, s7  }
0x4: {  	s3 =	sshll.u32 s7, $0x1;
	[smem:$0x7FF] =	sst s4;
	s16 =	smul.u32 $0x28000, s7  }
0x5: {  	s3 =	sor.u32 s1, s3;
	s5 =	ssub.s32 $0x2, s1;
	s1 =	smul.u32 $0xA0000, s1  }
0x6: {  	s4 =	sadd.s32 $0x20400, s0;
	_ =	strace $0x80000050;
	s3 =	smul.u32 $0x4F0, s3  }
0x7: {  	s6 =	sshrl.u32 s5, $0x1;
	s9 =	sor.u32 $0x1400, s8;
	s19 =	sadd.s32 $0x2800, s8  }
0x8: {  	s21 =	sadd.s32 $0x3C00, s8;
	s22 =	sadd.s32 $0x5000, s8;
	s26 =	sadd.s32 $0x6400, s8  }
0x9: {  	s29 =	sadd.s32 $0x7800, s8;
	s13 =	sadd.s32 $0x8C00, s8;
	s5 =	ssub.s32 s5, s6  }
0xa: {  	s17 =	sadd.s32 s1, s8;
	s6 =	sshrl.u32 s16, $0x2;
	s10 =	sadd.s32 s1, s9  }
0xb: {  	s20 =	sadd.s32 s1, s19;
	s11 =	sadd.s32 s1, s21;
	s12 =	sadd.s32 s1, s22  }
0xc: {  	s28 =	sadd.s32 s1, s26;
	s14 =	sadd.s32 s1, s29;
	s1 =	sadd.s32 s1, s13  }
0xd: {  	s16 =	sadd.s32 s9, s2;
	s9 =	simm.s32 $0xCF00;
	s3 =	sadd.s32 s3, s0  }
0xe: {  	s0 =	sadd.s32 $0x34400, s0;
	s7 =	sadd.s32 s6, s2;
	s18 =	sshrl.u32 s10, $0x3  }
0xf: {  	s5 =	smax.u32 s5, $0x1;
	s23 =	sshrl.u32 s11, $0x3;
	s24 =	sshrl.u32 s12, $0x3  }
0x10: {  	s11 =	sshrl.u32 s28, $0x3;
	s31 =	sshrl.u32 s14, $0x3;
	s1 =	sshrl.u32 s1, $0x3  }
0x11: {  	s6 =	sadd.s32 s21, s2;
	s10 =	simm.s32 $0x2;
	[dreg:$0x7] =	wrdreg s5  }
0x12: {  	s12 =	simm.s32 $0x3;
	s15 =	sadd.s32 $0x16600, s3;
	[dreg:$0x5] =	wrdreg s7  }
0x13: {  	s3 =	sadd.s32 $0x2800, s3;
	s5 =	sshrl.u32 s20, $0x3;
	[dreg:$0x3] =	wrdreg s15  }
0x14: {  	s25 =	sadd.s32 s0, s24;
	s11 =	sadd.s32 s0, s11;
	[dreg:$0x4] =	wrdreg s3  }
0x15: {  	s14 =	sadd.s32 $0x2000, s7;
	s20 =	sshrl.u32 s16, $0x3;
	[dreg:$0xb] =	wrdreg s25  }
0x16: {  	s28 =	sadd.s32 $0x4000, s7;
	s16 =	simm.s32 $0x5;
	[dreg:$0xc] =	wrdreg s11  }
0x17: {  	s3 =	sshrl.u32 s17, $0x3;
	s5 =	sadd.s32 s0, s5;
	[dreg:$0xf] =	wrdreg s14  }
0x18: {  	s11 =	sadd.s32 s0, s31;
	s15 =	sadd.s32 s8, s2;
	[dreg:$0x11] =	wrdreg s20  }
0x19: {  	s17 =	sadd.s32 s22, s2;
	s22 =	sshrl.u32 s6, $0x3;
	[dreg:$0x18] =	wrdreg s28  }
0x1a: {  	s31 =	sadd.s32 $0x8000, s7;
	s6 =	simm.s32 $0xAF00;
	[dreg:$0x9] =	wrdreg s5  }
0x1b: {  	s8 =	simm.s32 $0x1;
	s14 =	simm.s32 $0x4;
	[dreg:$0xd] =	wrdreg s11  }
0x1c: {  	s20 =	simm.s32 $0xB;
	s3 =	sadd.s32 s0, s3;
	[dreg:$0x13] =	wrdreg s22  }
0x1d: {  	s5 =	sadd.s32 s0, s23;
	s23 =	sshrl.u32 s17, $0x3;
	[dreg:$0x1a] =	wrdreg s31  }
0x1e: {  	s11 =	simm.s32 $0xEF00;
	s17 =	simm.s32 $0x9;
	[dreg:$0x6] =	wrdreg s3  }
0x1f: {  	s22 =	simm.s32 $0x0;
	s3 =	sadd.s32 s0, s18;
	[dreg:$0xa] =	wrdreg s5  }
0x20: {  	s0 =	sadd.s32 s0, s1;
	s5 =	sadd.s32 s26, s2;
	[dreg:$0x14] =	wrdreg s23  }
0x21: {  	s18 =	sadd.s32 s29, s2;
	s29 =	sadd.s32 $0x6000, s7;
	[dreg:$0x8] =	wrdreg s3  }
0x22: {  	s1 =	simm.s32 $0x4F00;
	[dreg:$0xe] =	wrdreg s0;
	s3 =	sadd.s32 s19, s2  }
0x23: {  	s19 =	sadd.s32 s13, s2;
	s0 =	sshrl.u32 s15, $0x3;
	s24 =	sshrl.u32 s5, $0x3  }
0x24: {  	s25 =	sshrl.u32 s18, $0x3;
	[dreg:$0x19] =	wrdreg s29;
	s5 =	simm.s32 $0x8F00  }
0x25: {  	s13 =	simm.s32 $0x7;
	s15 =	simm.s32 $0x8;
	[dreg:$0x10] =	wrdreg s0  }
0x26: {  	s18 =	simm.s32 $0x6;
	s21 =	sshrl.u32 s3, $0x3;
	[dreg:$0x15] =	wrdreg s24  }
0x27: {  	[dreg:$0x16] =	wrdreg s25;
	s26 =	sshrl.u32 s19, $0x3;
	s25 =	simm.s32 $0x2780  }
0x28: {  	s0 =	simm.s32 $0x80;
	s3 =	simm.s32 $0x6F00;
	[dreg:$0x12] =	wrdreg s21  }
0x29: {  	v0 =	vimm.f32 $0.0e+00;
	s19 =	simm.s32 $0xA;
	[dreg:$0x17] =	wrdreg s26;
	s21 =	simm.s32 $0xC  }
.LBB2_1:
0x2a: {  	s7 =	simm.s32 $0x0;
	s23 =	rddreg [dreg:$0x3]  }
0x2b: {  	[tilespmem:s7], [sflag:$0xD] =	stream.linear.gather [hbm4b:s23+s7], $0x2780, $0x38;
	[tilespmem:$0x1AF00] =	vst v63  }
0x2c: {  	_ =	swait.ge [sflag:s30], $0x2780  }
0x2d: {  	[sflag:s30] =	ssyncset.done $0x0  }
0x2e: {  	s31 =	rddreg [dreg:$0x4];
	[sflag:s30] =	ssyncadd.s32 $0xFFFFD880  }
0x2f: {  	[tilespmem:s25], [sflag:$0xD] =	stream.linear.gather [hbm4b:s31+s7], $0x2780, $0x38;
	[tilespmem:$0x1AF00] =	vst v63  }
0x30: {  	_ =	swait.ge [sflag:s30], $0x2780  }
0x31: {  	[sflag:s30] =	ssyncset.done $0x0  }
0x32: {  	s24 =	simm.s32 $0x100;
	s23 =	simm.s32 $0x0;
	[sflag:s30] =	ssyncadd.s32 $0xFFFFD880  }
.LBB2_2:
0x33: {  	p0 =	sne.s32 s24, $0x7F00;
	[tilespmem:s23+$0x4F30] =	vst v0;
	s31 =	smov.u32 s24;
	s24 =	sadd.s32 $0x100, s24  }
.Ltmp0:
0x34: {  	[tilespmem:s23+$0x4F20] =	vst v0;
	(pc) =	sbr.rel @p0 .LBB2_2-.Ltmp0, $3  }
0x35: {  	[tilespmem:s23+$0x4F00] =	vst v0  }
0x36: {  	[tilespmem:s23+$0x4F10] =	vst v0;
	_ =	sdelay $0x1  }
0x37: {  	s23 =	sshra.s32 s31, $0x2  }
0x38: {  	[tilespmem:s23+$0x4F30] =	vst v0  }
0x39: {  	[tilespmem:s23+$0x4F20] =	vst v0  }
0x3a: {  	[tilespmem:s23+$0x4F00] =	vst v0  }
0x3b: {  	[tilespmem:s23+$0x4F10] =	vst v0;
	s7 =	rddreg [dreg:$0x5]  }
0x3c: {  	[spmem:s7] =	stream.linear.scatter [tilespmem:s1], [sflag:$0xD], $0x2000, $0x38;
	[tilespmem:$0x1AF00] =	vst v63  }
0x3d: {  	_ =	swait.ge [sflag:s30], $0x2000  }
0x3e: {  	[sflag:s30] =	ssyncset.done $0x0  }
0x3f: {  	s26 =	rddreg [dreg:$0xf];
	[sflag:s30] =	ssyncadd.s32 $0xFFFFE000  }
0x40: {  	[spmem:s26] =	stream.linear.scatter [tilespmem:s1], [sflag:$0xD], $0x2000, $0x38;
	[tilespmem:$0x1AF00] =	vst v63  }
0x41: {  	_ =	swait.ge [sflag:s30], $0x2000  }
0x42: {  	[sflag:s30] =	ssyncset.done $0x0  }
0x43: {  	s28 =	rddreg [dreg:$0x18];
	[sflag:s30] =	ssyncadd.s32 $0xFFFFE000  }
0x44: {  	[spmem:s28] =	stream.linear.scatter [tilespmem:s1], [sflag:$0xD], $0x2000, $0x38;
	[tilespmem:$0x1AF00] =	vst v63  }
0x45: {  	_ =	swait.ge [sflag:s30], $0x2000  }
0x46: {  	[sflag:s30] =	ssyncset.done $0x0  }
0x47: {  	s29 =	rddreg [dreg:$0x19];
	[sflag:s30] =	ssyncadd.s32 $0xFFFFE000  }
0x48: {  	[spmem:s29] =	stream.linear.scatter [tilespmem:s1], [sflag:$0xD], $0x2000, $0x38;
	[tilespmem:$0x1AF00] =	vst v63  }
0x49: {  	_ =	swait.ge [sflag:s30], $0x2000  }
0x4a: {  	[sflag:s30] =	ssyncset.done $0x0  }
0x4b: {  	s31 =	rddreg [dreg:$0x1a];
	[sflag:s30] =	ssyncadd.s32 $0xFFFFE000  }
0x4c: {  	[spmem:s31] =	stream.linear.scatter [tilespmem:s1], [sflag:$0xD], $0x2000, $0x38;
	[tilespmem:$0x1AF00] =	vst v63  }
0x4d: {  	_ =	swait.ge [sflag:s30], $0x2000  }
0x4e: {  	[sflag:s30] =	ssyncset.done $0x0  }
0x4f: {  	[sflag:s30] =	ssyncadd.s32 $0xFFFFE000  }
0x50: {  	s7 =	simm.s32 $0x0;
	[bflag:$0x0] =	sbarrier.arrive $0xFFFF  }
0x51: {  	[tilespmem:s1], [sflag:$0x1] =	stream.indirect.gather [hbm4b:s4+s0], $0x40, s7, s0, $0xb8;
	[tilespmem:$0x1AF00] =	vst v63  }
0x52: {  	_ = 	snop  }
0x53: {  	[tilespmem:s3], [sflag:$0x2] =	stream.indirect.gather [hbm4b:s4+s0], $0x40, s0, s0, $0xb8;
	[tilespmem:$0x1AF00] =	vst v63  }
0x54: {  	s23 =	simm.s32 $0x100  }
0x55: {  	[tilespmem:s5], [sflag:$0x3] =	stream.indirect.gather [hbm4b:s4+s0], $0x40, s23, s0, $0xb8;
	[tilespmem:$0x1AF00] =	vst v63  }
0x56: {  	s24 =	simm.s32 $0x180  }
0x57: {  	[tilespmem:s6], [sflag:$0x4] =	stream.indirect.gather [hbm4b:s4+s0], $0x40, s24, s0, $0xb8;
	[tilespmem:$0x1AF00] =	vst v63  }
0x58: {  	_ =	swait.ge [sflag:s8], $0x2000  }
0x59: {  	[sflag:s8] =	ssyncset.done $0x0  }
0x5a: {  	[sflag:s8] =	ssyncadd.s32 $0xFFFFE000  }
0x5b: {  	[spmem:s2] =	stream.indirect.scatter.add.f32 [tilespmem:s1], [sflag:$0x7], $0x40, s25, s0, $0xb8;
	[tilespmem:$0x1AF00] =	vst v63  }
0x5c: {  	s26 =	simm.s32 $0x200  }
0x5d: {  	[tilespmem:s9], [sflag:$0x5] =	stream.indirect.gather [hbm4b:s4+s0], $0x40, s26, s0, $0xb8;
	[tilespmem:$0x1AF00] =	vst v63  }
0x5e: {  	_ =	swait.ge [sflag:s10], $0x2000  }
0x5f: {  	[sflag:s10] =	ssyncset.done $0x0  }
0x60: {  	s28 =	simm.s32 $0x2800;
	[sflag:s10] =	ssyncadd.s32 $0xFFFFE000  }
0x61: {  	[spmem:s2] =	stream.indirect.scatter.add.f32 [tilespmem:s3], [sflag:$0x8], $0x40, s28, s0, $0xb8;
	[tilespmem:$0x1AF00] =	vst v63  }
0x62: {  	s29 =	simm.s32 $0x280  }
0x63: {  	[tilespmem:s11], [sflag:$0x6] =	stream.indirect.gather [hbm4b:s4+s0], $0x40, s29, s0, $0xb8;
	[tilespmem:$0x1AF00] =	vst v63  }
0x64: {  	_ =	swait.ge [sflag:s12], $0x2000  }
0x65: {  	[sflag:s12] =	ssyncset.done $0x0  }
0x66: {  	s31 =	simm.s32 $0x2880;
	[sflag:s12] =	ssyncadd.s32 $0xFFFFE000  }
0x67: {  	[spmem:s2] =	stream.indirect.scatter.add.f32 [tilespmem:s5], [sflag:$0x9], $0x40, s31, s0, $0xb8;
	[tilespmem:$0x1AF00] =	vst v63  }
0x68: {  	_ =	swait.ge [sflag:s13], $0x2000  }
0x69: {  	[sflag:s13] =	ssyncset.done $0x0  }
0x6a: {  	s23 =	simm.s32 $0x300;
	[sflag:s13] =	ssyncadd.s32 $0xFFFFE000  }
0x6b: {  	[tilespmem:s1], [sflag:$0x1] =	stream.indirect.gather [hbm4b:s4+s0], $0x40, s23, s0, $0xb8;
	[tilespmem:$0x1AF00] =	vst v63  }
0x6c: {  	_ =	swait.ge [sflag:s14], $0x2000  }
0x6d: {  	[sflag:s14] =	ssyncset.done $0x0  }
0x6e: {  	s24 =	simm.s32 $0x2900;
	[sflag:s14] =	ssyncadd.s32 $0xFFFFE000  }
0x6f: {  	[spmem:s2] =	stream.indirect.scatter.add.f32 [tilespmem:s6], [sflag:$0xA], $0x40, s24, s0, $0xb8;
	[tilespmem:$0x1AF00] =	vst v63  }
0x70: {  	_ =	swait.ge [sflag:s15], $0x2000  }
0x71: {  	[sflag:s15] =	ssyncset.done $0x0  }
0x72: {  	s25 =	simm.s32 $0x380;
	[sflag:s15] =	ssyncadd.s32 $0xFFFFE000  }
0x73: {  	[tilespmem:s3], [sflag:$0x2] =	stream.indirect.gather [hbm4b:s4+s0], $0x40, s25, s0, $0xb8;
	[tilespmem:$0x1AF00] =	vst v63  }
0x74: {  	_ =	swait.ge [sflag:s16], $0x2000  }
0x75: {  	[sflag:s16] =	ssyncset.done $0x0  }
0x76: {  	s26 =	simm.s32 $0x2980;
	[sflag:s16] =	ssyncadd.s32 $0xFFFFE000  }
0x77: {  	[spmem:s2] =	stream.indirect.scatter.add.f32 [tilespmem:s9], [sflag:$0xB], $0x40, s26, s0, $0xb8;
	[tilespmem:$0x1AF00] =	vst v63  }
0x78: {  	_ =	swait.ge [sflag:s17], $0x2000  }
0x79: {  	[sflag:s17] =	ssyncset.done $0x0  }
0x7a: {  	s28 =	simm.s32 $0x400;
	[sflag:s17] =	ssyncadd.s32 $0xFFFFE000  }
0x7b: {  	[tilespmem:s5], [sflag:$0x3] =	stream.indirect.gather [hbm4b:s4+s0], $0x40, s28, s0, $0xb8;
	[tilespmem:$0x1AF00] =	vst v63  }
0x7c: {  	_ =	swait.ge [sflag:s18], $0x2000  }
0x7d: {  	[sflag:s18] =	ssyncset.done $0x0  }
0x7e: {  	s29 =	simm.s32 $0x2A00;
	[sflag:s18] =	ssyncadd.s32 $0xFFFFE000  }
0x7f: {  	[spmem:s2] =	stream.indirect.scatter.add.f32 [tilespmem:s11], [sflag:$0xC], $0x40, s29, s0, $0xb8;
	[tilespmem:$0x1AF00] =	vst v63  }
0x80: {  	_ =	swait.ge [sflag:s19], $0x2000  }
0x81: {  	[sflag:s19] =	ssyncset.done $0x0  }
0x82: {  	s31 =	simm.s32 $0x480;
	[sflag:s19] =	ssyncadd.s32 $0xFFFFE000  }
0x83: {  	[tilespmem:s6], [sflag:$0x4] =	stream.indirect.gather [hbm4b:s4+s0], $0x40, s31, s0, $0xb8;
	[tilespmem:$0x1AF00] =	vst v63  }
0x84: {  	_ =	swait.ge [sflag:s8], $0x2000  }
0x85: {  	[sflag:s8] =	ssyncset.done $0x0  }
0x86: {  	s7 =	simm.s32 $0x2A80;
	[sflag:s8] =	ssyncadd.s32 $0xFFFFE000  }
0x87: {  	[spmem:s2] =	stream.indirect.scatter.add.f32 [tilespmem:s1], [sflag:$0x7], $0x40, s7, s0, $0xb8;
	[tilespmem:$0x1AF00] =	vst v63  }
0x88: {  	_ =	swait.ge [sflag:s20], $0x2000  }
0x89: {  	[sflag:s20] =	ssyncset.done $0x0  }
0x8a: {  	s24 =	simm.s32 $0x500;
	[sflag:s20] =	ssyncadd.s32 $0xFFFFE000  }
0x8b: {  	[tilespmem:s9], [sflag:$0x5] =	stream.indirect.gather [hbm4b:s4+s0], $0x40, s24, s0, $0xb8;
	[tilespmem:$0x1AF00] =	vst v63  }
0x8c: {  	_ =	swait.ge [sflag:s10], $0x2000  }
0x8d: {  	[sflag:s10] =	ssyncset.done $0x0  }
0x8e: {  	s25 =	simm.s32 $0x2B00;
	[sflag:s10] =	ssyncadd.s32 $0xFFFFE000  }
0x8f: {  	[spmem:s2] =	stream.indirect.scatter.add.f32 [tilespmem:s3], [sflag:$0x8], $0x40, s25, s0, $0xb8;
	[tilespmem:$0x1AF00] =	vst v63  }
0x90: {  	_ =	swait.ge [sflag:s21], $0x2000  }
0x91: {  	[sflag:s21] =	ssyncset.done $0x0  }
0x92: {  	s26 =	simm.s32 $0x580;
	[sflag:s21] =	ssyncadd.s32 $0xFFFFE000  }
0x93: {  	[tilespmem:s11], [sflag:$0x6] =	stream.indirect.gather [hbm4b:s4+s0], $0x40, s26, s0, $0xb8;
	[tilespmem:$0x1AF00] =	vst v63  }
0x94: {  	_ =	swait.ge [sflag:s12], $0x2000  }
0x95: {  	[sflag:s12] =	ssyncset.done $0x0  }
0x96: {  	s28 =	simm.s32 $0x2B80;
	[sflag:s12] =	ssyncadd.s32 $0xFFFFE000  }
0x97: {  	[spmem:s2] =	stream.indirect.scatter.add.f32 [tilespmem:s5], [sflag:$0x9], $0x40, s28, s0, $0xb8;
	[tilespmem:$0x1AF00] =	vst v63  }
0x98: {  	_ =	swait.ge [sflag:s13], $0x2000  }
0x99: {  	[sflag:s13] =	ssyncset.done $0x0  }
0x9a: {  	s29 =	simm.s32 $0x600;
	[sflag:s13] =	ssyncadd.s32 $0xFFFFE000  }
0x9b: {  	[tilespmem:s1], [sflag:$0x1] =	stream.indirect.gather [hbm4b:s4+s0], $0x40, s29, s0, $0xb8;
	[tilespmem:$0x1AF00] =	vst v63  }
0x9c: {  	_ =	swait.ge [sflag:s14], $0x2000  }
0x9d: {  	[sflag:s14] =	ssyncset.done $0x0  }
0x9e: {  	s31 =	simm.s32 $0x2C00;
	[sflag:s14] =	ssyncadd.s32 $0xFFFFE000  }
0x9f: {  	[spmem:s2] =	stream.indirect.scatter.add.f32 [tilespmem:s6], [sflag:$0xA], $0x40, s31, s0, $0xb8;
	[tilespmem:$0x1AF00] =	vst v63  }
0xa0: {  	_ =	swait.ge [sflag:s15], $0x2000  }
0xa1: {  	p0 =	por $0x0, $0x0;
	[sflag:s15] =	ssyncset.done $0x0  }
0xa2: {  	s23 =	simm.s32 @p0 $0x5;
	[sflag:s15] =	ssyncadd.s32 $0xFFFFE000  }
0xa3: {  	_ =	swait.ge @p0 [sflag:s23], $0x2000  }
0xa4: {  	s24 =	simm.s32 @p0 $0x2C80;
	[sflag:s23] =	ssyncset.done @p0 $0x0  }
0xa5: {  	s31 =	simm.s32 @p0 $0xCF00;
	[sflag:s23] =	ssyncadd.s32 @p0 $0xFFFFE000;
	s23 =	simm.s32 @p0 $0x80  }
0xa6: {  	[spmem:s2] =	stream.indirect.scatter.add.f32 @p0 [tilespmem:s31], [sflag:$0xB], $0x40, s24, s23, $0xb8;
	[tilespmem:$0x1AF00] =	vst v63  }
0xa7: {  	s23 =	simm.s32 @p0 $0x9  }
0xa8: {  	_ =	swait.ge @p0 [sflag:s23], $0x2000  }
0xa9: {  	s24 =	simm.s32 @!p0 $0x680;
	[sflag:s23] =	ssyncset.done @p0 $0x0  }
0xaa: {  	s31 =	simm.s32 @!p0 $0x6F00;
	[sflag:s23] =	ssyncadd.s32 @p0 $0xFFFFE000;
	s23 =	simm.s32 @!p0 $0x80  }
0xab: {  	[tilespmem:s31], [sflag:$0x2] =	stream.indirect.gather @!p0 [hbm4b:s4+s23], $0x40, s24, s23, $0xb8;
	[tilespmem:$0x1AF00] =	vst v63  }
0xac: {  	s24 =	simm.s32 @!p0 $0x5  }
0xad: {  	_ =	swait.ge @!p0 [sflag:s24], $0x2000  }
0xae: {  	[sflag:s24] =	ssyncset.done @!p0 $0x0  }
0xaf: {  	s31 =	simm.s32 @!p0 $0x2C80;
	[sflag:s24] =	ssyncadd.s32 @!p0 $0xFFFFE000;
	s24 =	simm.s32 @!p0 $0xCF00  }
0xb0: {  	[spmem:s2] =	stream.indirect.scatter.add.f32 @!p0 [tilespmem:s24], [sflag:$0xB], $0x40, s31, s23, $0xb8;
	[tilespmem:$0x1AF00] =	vst v63  }
0xb1: {  	s24 =	simm.s32 @!p0 $0x9  }
0xb2: {  	_ =	swait.ge @!p0 [sflag:s24], $0x2000  }
0xb3: {  	[sflag:s24] =	ssyncset.done @!p0 $0x0  }
0xb4: {  	s31 =	simm.s32 @!p0 $0x700;
	[sflag:s24] =	ssyncadd.s32 @!p0 $0xFFFFE000;
	s24 =	simm.s32 @!p0 $0x8F00  }
0xb5: {  	[tilespmem:s24], [sflag:$0x3] =	stream.indirect.gather @!p0 [hbm4b:s4+s23], $0x40, s31, s23, $0xb8;
	[tilespmem:$0x1AF00] =	vst v63  }
0xb6: {  	_ =	swait.ge [sflag:s18], $0x2000  }
0xb7: {  	[sflag:s18] =	ssyncset.done $0x0  }
0xb8: {  	s23 =	simm.s32 $0xC00;
	s24 =	simm.s32 $0x2D00;
	[sflag:s18] =	ssyncadd.s32 $0xFFFFE000  }
.LBB2_4:
0xb9: {  	[spmem:s2] =	stream.indirect.scatter.add.f32 [tilespmem:s11], [sflag:$0xC], $0x40, s24, s0, $0xb8;
	[tilespmem:$0x1AF00] =	vst v63  }
0xba: {  	s24 =	smov.u32 s23;
	s23 =	sadd.s32 $0xC00, s23;
	_ =	swait.ge [sflag:s19], $0x2000  }
0xbb: {  	s31 =	sshra.s32 s24, $0x2;
	p0 =	sne.s32 s23, $0x9000;
	[sflag:s19] =	ssyncset.done $0x0  }
0xbc: {  	s25 =	sadd.s32 $0x480, s31;
	[sflag:s19] =	ssyncadd.s32 $0xFFFFE000  }
0xbd: {  	[tilespmem:s6], [sflag:$0x4] =	stream.indirect.gather [hbm4b:s4+s0], $0x40, s25, s0, $0xb8;
	[tilespmem:$0x1AF00] =	vst v63  }
0xbe: {  	_ =	swait.ge [sflag:s8], $0x2000  }
0xbf: {  	[sflag:s8] =	ssyncset.done $0x0  }
0xc0: {  	s25 =	sadd.s32 $0x2A80, s31;
	[sflag:s8] =	ssyncadd.s32 $0xFFFFE000  }
0xc1: {  	[spmem:s2] =	stream.indirect.scatter.add.f32 [tilespmem:s1], [sflag:$0x7], $0x40, s25, s0, $0xb8;
	[tilespmem:$0x1AF00] =	vst v63  }
0xc2: {  	_ =	swait.ge [sflag:s20], $0x2000  }
0xc3: {  	[sflag:s20] =	ssyncset.done $0x0  }
0xc4: {  	s25 =	sadd.s32 $0x500, s31;
	[sflag:s20] =	ssyncadd.s32 $0xFFFFE000  }
0xc5: {  	[tilespmem:s9], [sflag:$0x5] =	stream.indirect.gather [hbm4b:s4+s0], $0x40, s25, s0, $0xb8;
	[tilespmem:$0x1AF00] =	vst v63  }
0xc6: {  	_ =	swait.ge [sflag:s10], $0x2000  }
0xc7: {  	[sflag:s10] =	ssyncset.done $0x0  }
0xc8: {  	s25 =	sadd.s32 $0x2B00, s31;
	[sflag:s10] =	ssyncadd.s32 $0xFFFFE000  }
0xc9: {  	[spmem:s2] =	stream.indirect.scatter.add.f32 [tilespmem:s3], [sflag:$0x8], $0x40, s25, s0, $0xb8;
	[tilespmem:$0x1AF00] =	vst v63  }
0xca: {  	_ =	swait.ge [sflag:s21], $0x2000  }
0xcb: {  	[sflag:s21] =	ssyncset.done $0x0  }
0xcc: {  	s25 =	sadd.s32 $0x580, s31;
	[sflag:s21] =	ssyncadd.s32 $0xFFFFE000  }
0xcd: {  	[tilespmem:s11], [sflag:$0x6] =	stream.indirect.gather [hbm4b:s4+s0], $0x40, s25, s0, $0xb8;
	[tilespmem:$0x1AF00] =	vst v63  }
0xce: {  	_ =	swait.ge [sflag:s12], $0x2000  }
0xcf: {  	[sflag:s12] =	ssyncset.done $0x0  }
0xd0: {  	s25 =	sadd.s32 $0x2B80, s31;
	[sflag:s12] =	ssyncadd.s32 $0xFFFFE000  }
0xd1: {  	[spmem:s2] =	stream.indirect.scatter.add.f32 [tilespmem:s5], [sflag:$0x9], $0x40, s25, s0, $0xb8;
	[tilespmem:$0x1AF00] =	vst v63  }
0xd2: {  	_ =	swait.ge [sflag:s13], $0x2000  }
0xd3: {  	[sflag:s13] =	ssyncset.done $0x0  }
0xd4: {  	s25 =	sadd.s32 $0x600, s31;
	[sflag:s13] =	ssyncadd.s32 $0xFFFFE000  }
0xd5: {  	[tilespmem:s1], [sflag:$0x1] =	stream.indirect.gather [hbm4b:s4+s0], $0x40, s25, s0, $0xb8;
	[tilespmem:$0x1AF00] =	vst v63  }
0xd6: {  	_ =	swait.ge [sflag:s14], $0x2000  }
0xd7: {  	[sflag:s14] =	ssyncset.done $0x0  }
0xd8: {  	s25 =	sadd.s32 $0x2C00, s31;
	[sflag:s14] =	ssyncadd.s32 $0xFFFFE000  }
0xd9: {  	[spmem:s2] =	stream.indirect.scatter.add.f32 [tilespmem:s6], [sflag:$0xA], $0x40, s25, s0, $0xb8;
	[tilespmem:$0x1AF00] =	vst v63  }
0xda: {  	_ =	swait.ge [sflag:s15], $0x2000  }
0xdb: {  	p1 =	seq.s32 s24, $0x8400;
	[sflag:s15] =	ssyncset.done $0x0  }
0xdc: {  	s26 =	sshra.s32 @p1 s24, $0x2;
	s25 =	simm.s32 @p1 $0x5;
	[sflag:s15] =	ssyncadd.s32 $0xFFFFE000  }
0xdd: {  	s24 =	sshra.s32 @!p1 s24, $0x2;
	s26 =	sadd.s32 @p1 $0x2C80, s26;
	_ =	swait.ge @p1 [sflag:s25], $0x2000  }
0xde: {  	s28 =	simm.s32 @p1 $0x9;
	s29 =	sadd.s32 @!p1 $0x680, s24;
	[sflag:s25] =	ssyncset.done @p1 $0x0  }
0xdf: {  	s7 =	simm.s32 @p1 $0xCF00;
	[sflag:s25] =	ssyncadd.s32 @p1 $0xFFFFE000;
	s25 =	simm.s32 @p1 $0x80  }
0xe0: {  	[spmem:s2] =	stream.indirect.scatter.add.f32 @p1 [tilespmem:s7], [sflag:$0xB], $0x40, s26, s25, $0xb8;
	[tilespmem:$0x1AF00] =	vst v63  }
0xe1: {  	s7 =	sadd.s32 @!p1 $0x2C80, s24;
	s24 =	sadd.s32 @!p1 $0x700, s24;
	_ =	swait.ge @p1 [sflag:s28], $0x2000  }
0xe2: {  	s25 =	simm.s32 @!p1 $0x5;
	[sflag:s28] =	ssyncset.done @p1 $0x0  }
0xe3: {  	s26 =	simm.s32 @!p1 $0x80;
	[sflag:s28] =	ssyncadd.s32 @p1 $0xFFFFE000;
	s28 =	simm.s32 @!p1 $0x6F00  }
0xe4: {  	[tilespmem:s28], [sflag:$0x2] =	stream.indirect.gather @!p1 [hbm4b:s4+s26], $0x40, s29, s26, $0xb8;
	[tilespmem:$0x1AF00] =	vst v63  }
0xe5: {  	_ =	swait.ge @!p1 [sflag:s25], $0x2000  }
0xe6: {  	[sflag:s25] =	ssyncset.done @!p1 $0x0  }
0xe7: {  	s28 =	simm.s32 @!p1 $0x9;
	[sflag:s25] =	ssyncadd.s32 @!p1 $0xFFFFE000;
	s25 =	simm.s32 @!p1 $0xCF00  }
0xe8: {  	[spmem:s2] =	stream.indirect.scatter.add.f32 @!p1 [tilespmem:s25], [sflag:$0xB], $0x40, s7, s26, $0xb8;
	[tilespmem:$0x1AF00] =	vst v63  }
0xe9: {  	_ =	swait.ge @!p1 [sflag:s28], $0x2000  }
0xea: {  	[sflag:s28] =	ssyncset.done @!p1 $0x0  }
.Ltmp1:
0xeb: {  	s7 =	simm.s32 @!p1 $0x8F00;
	[sflag:s28] =	ssyncadd.s32 @!p1 $0xFFFFE000;
	(pc) =	sbr.rel @p0 .LBB2_4-.Ltmp1, $4  }
0xec: {  	[tilespmem:s7], [sflag:$0x3] =	stream.indirect.gather @!p1 [hbm4b:s4+s26], $0x40, s24, s26, $0xb8;
	[tilespmem:$0x1AF00] =	vst v63  }
0xed: {  	_ =	swait.ge [sflag:s18], $0x2000  }
0xee: {  	[sflag:s18] =	ssyncset.done $0x0  }
0xef: {  	s24 =	sadd.s32 $0x2D00, s31;
	[sflag:s18] =	ssyncadd.s32 $0xFFFFE000  }
0xf0: {  	[spmem:s2] =	stream.indirect.scatter.add.f32 [tilespmem:s11], [sflag:$0xC], $0x40, s24, s0, $0xb8;
	[tilespmem:$0x1AF00] =	vst v63  }
0xf1: {  	_ =	swait.ge [sflag:s19], $0x2000  }
0xf2: {  	[sflag:s19] =	ssyncset.done $0x0  }
0xf3: {  	[sflag:s19] =	ssyncadd.s32 $0xFFFFE000  }
0xf4: {  	_ =	swait.ge [sflag:s8], $0x2000  }
0xf5: {  	[sflag:s8] =	ssyncset.done $0x0  }
0xf6: {  	s7 =	simm.s32 $0x4E80;
	[sflag:s8] =	ssyncadd.s32 $0xFFFFE000  }
0xf7: {  	[spmem:s2] =	stream.indirect.scatter.add.f32 [tilespmem:s1], [sflag:$0x7], $0x40, s7, s0, $0xb8;
	[tilespmem:$0x1AF00] =	vst v63  }
0xf8: {  	_ =	swait.ge [sflag:s20], $0x2000  }
0xf9: {  	[sflag:s20] =	ssyncset.done $0x0  }
0xfa: {  	[sflag:s20] =	ssyncadd.s32 $0xFFFFE000  }
0xfb: {  	_ =	swait.ge [sflag:s21], $0x2000  }
0xfc: {  	[sflag:s21] =	ssyncset.done $0x0  }
0xfd: {  	[sflag:s21] =	ssyncadd.s32 $0xFFFFE000  }
0xfe: {  	_ =	swait.ge [sflag:s13], $0x2000  }
0xff: {  	[sflag:s13] =	ssyncset.done $0x0  }
0x100: {  	[sflag:s13] =	ssyncadd.s32 $0xFFFFE000  }
0x101: {  	s24 =	stileid.u32;
	[bflag:$0x0] =	sbarrier.arrive $0xFFFF  }
0x102: {  	s7 =	sshll.u32 s24, $0x6;
	s23 =	rddreg [dreg:$0x6]  }
0x103: {  	s7 =	sor.u32 $0x1C0D, s7;
	s25 =	rddreg [dreg:$0x10]  }
0x104: {  	[hbm:s23], [sflag:s7] =	dma.local [spmem:s25], $0x280  }
0x105: {  	_ =	swait.ge [sflag:s30], $0x280  }
0x106: {  	[sflag:s30] =	ssyncset.done $0x0;
	s26 =	rddreg [dreg:$0x8]  }
0x107: {  	s28 =	rddreg [dreg:$0x11];
	[sflag:s30] =	ssyncadd.s32 $0xFFFFFD80  }
0x108: {  	[hbm:s26], [sflag:s7] =	dma.local [spmem:s28], $0x280  }
0x109: {  	_ =	swait.ge [sflag:s30], $0x280  }
0x10a: {  	[sflag:s30] =	ssyncset.done $0x0;
	s29 =	rddreg [dreg:$0x9]  }
0x10b: {  	s31 =	rddreg [dreg:$0x12];
	[sflag:s30] =	ssyncadd.s32 $0xFFFFFD80  }
0x10c: {  	[hbm:s29], [sflag:s7] =	dma.local [spmem:s31], $0x280  }
0x10d: {  	_ =	swait.ge [sflag:s30], $0x280  }
0x10e: {  	[sflag:s30] =	ssyncset.done $0x0;
	s24 =	rddreg [dreg:$0xa]  }
0x10f: {  	s25 =	rddreg [dreg:$0x13];
	[sflag:s30] =	ssyncadd.s32 $0xFFFFFD80  }
0x110: {  	[hbm:s24], [sflag:s7] =	dma.local [spmem:s25], $0x280  }
0x111: {  	_ =	swait.ge [sflag:s30], $0x280  }
0x112: {  	[sflag:s30] =	ssyncset.done $0x0;
	s26 =	rddreg [dreg:$0xb]  }
0x113: {  	s28 =	rddreg [dreg:$0x14];
	[sflag:s30] =	ssyncadd.s32 $0xFFFFFD80  }
0x114: {  	[hbm:s26], [sflag:s7] =	dma.local [spmem:s28], $0x280  }
0x115: {  	_ =	swait.ge [sflag:s30], $0x280  }
0x116: {  	[sflag:s30] =	ssyncset.done $0x0;
	s29 =	rddreg [dreg:$0xc]  }
0x117: {  	s31 =	rddreg [dreg:$0x15];
	[sflag:s30] =	ssyncadd.s32 $0xFFFFFD80  }
0x118: {  	[hbm:s29], [sflag:s7] =	dma.local [spmem:s31], $0x280  }
0x119: {  	_ =	swait.ge [sflag:s30], $0x280  }
0x11a: {  	[sflag:s30] =	ssyncset.done $0x0;
	s25 =	rddreg [dreg:$0xd]  }
0x11b: {  	s26 =	rddreg [dreg:$0x16];
	[sflag:s30] =	ssyncadd.s32 $0xFFFFFD80  }
0x11c: {  	[hbm:s25], [sflag:s7] =	dma.local [spmem:s26], $0x280  }
0x11d: {  	_ =	swait.ge [sflag:s30], $0x280  }
0x11e: {  	[sflag:s30] =	ssyncset.done $0x0;
	s28 =	rddreg [dreg:$0xe]  }
0x11f: {  	s29 =	rddreg [dreg:$0x17];
	[sflag:s30] =	ssyncadd.s32 $0xFFFFFD80  }
0x120: {  	[hbm:s28], [sflag:s7] =	dma.local [spmem:s29], $0x280  }
0x121: {  	_ =	swait.ge [sflag:s30], $0x280  }
0x122: {  	s22 =	sadd.s32 $0x1, s22;
	s31 =	rddreg [dreg:$0x7]  }
0x123: {  	p0 =	sne.s32 s22, s31  }
.Ltmp2:
0x124: {  	_ = 	snop;
	(pc) =	sbr.rel @p0 .LBB2_1-.Ltmp2, $3  }
0x125: {  	_ =	sdelay $0x1  }
0x126: {  	[sflag:s30] =	ssyncset.done $0x0  }
0x127: {  	s25 =	simm.s32 $0x2780;
	[sflag:s30] =	ssyncadd.s32 $0xFFFFFD80  }
0x128: {  	_ =	sfence.sel $0x180000  }
0x129: {  	[bflag:$0x0] =	sbarrier.arrive $0xFFFF  }
0x12a: {  	_ =	strace $0x90000050  }
0x12b: {  	s0 =	stileid.u32;
	[bflag:$0x2] =	sbarrier.arrive $0xFFFF  }
0x12c: {  	p0 =	sne.s32 s0, $0x0;
	s0 =	rddreg [dreg:$0x2]  }
0x12d: {  	s0 =	sadd.s32 @!p0 $0x100000, s0  }
0x12e: {  	[sflag:s0] =	ssyncadd.tile.s32 @!p0 $0x1;
	_ =	shalt  }
.Lfunc_end2:
_tile_overlayer_lowered:
.L_overlay_start_2:
0x12f: {  	(tag) =	ssettag $0x2  }
0x130: {  	s0 =	rddreg [dreg:$0x0];
	s2 =	stileid.u32  }
0x131: {  	s1 =	rddreg [dreg:$0x1];
	p0 =	sne.s32 s2, $0x0  }
0x132: {  	s3 =	rddreg [dreg:$0x2];
	[bflag:$0x3] =	sbarrier.arrive $0xFFFF;
	s2 =	simm.s32 @!p0 $0x1C0D  }
0x133: {  	[timem:s3], [sflag:s2] =	dma.local @!p0 [hbm:s0], s1  }
0x134: {  	s0 =	simm.s32 @!p0 $0xD  }
0x135: {  	_ =	swait.ge @!p0 [sflag:s0], s1  }
0x136: {  	s1 =	ssub.s32 @!p0 $0x0, s1;
	[sflag:s0] =	ssyncset.done @!p0 $0x0  }
0x137: {  	[sflag:s0] =	ssyncadd.s32 @!p0 s1  }
0x138: {  	[bflag:$0x3] =	sbarrier.arrive $0xFFFF  }
0x139: {  	_ =	shalt  }

// kernel: kernel.29.cloned.1.call-start
scs
__scs_entry_jumppad:
0x0: {  	(pc) =	sbr.rel $0x88, $3  }
0x1: {  	(tag) =	ssettag $0x0;
	lr =	simm.s32 $0x1  }
0x2: {  	[smem:$0x3F96] =	sst lr;
	_ =	strace $0xD0000000  }
0x3: {  	_ = 	snop  }
0x4: {  	_ = 	snop  }
0x5: {  	_ = 	snop  }
0x6: {  	_ = 	snop  }
0x7: {  	_ = 	snop  }
__scs_overlays_trampoline_lowered:
0x8: {  	[smem:$0x3FA5] =	sst s0  }
0x9: {  	[smem:$0x3FA6] =	sst s1  }
0xa: {  	[smem:$0x3FA7] =	sst s2  }
0xb: {  	[smem:$0x3FA8] =	sst s3  }
0xc: {  	[smem:$0x3FA9] =	sst s4  }
0xd: {  	[smem:$0x3FAA] =	sst s5  }
0xe: {  	[smem:$0x3FAB] =	sst s6  }
0xf: {  	[smem:$0x3FAC] =	sst s7  }
0x10: {  	[smem:$0x3FAD] =	sst s8  }
0x11: {  	[smem:$0x3FAE] =	sst s9;
	s0 =	simm.s32 @!p0 $0x0  }
0x12: {  	s1 =	sld [smem:$0x3F94];
	s0 =	simm.s32 @p0 $0x1  }
0x13: {  	[smem:$0x3FAF] =	sst s0;
	s0 =	simm.s32 @!p1 $0x0  }
0x14: {  	s2 =	sld [smem:$0x3F93];
	s0 =	simm.s32 @p1 $0x1  }
0x15: {  	[smem:$0x3FB0] =	sst s0;
	s0 =	simm.s32 @!p2 $0x0  }
0x16: {  	s3 =	sld [smem:$0x3FDB];
	s0 =	simm.s32 @p2 $0x1  }
0x17: {  	s4 =	simm.s32 $0x1BF5;
	[smem:$0x3FB2] =	sst s0  }
0x18: {  	s0 =	sld [smem:$0x3F95];
	_ =	swait.ge [sflag:s4], $0x0  }
0x19: {  	s7 =	sld [smem:$0x3F96]  }
0x1a: {  	s8 =	sadd.s32 $0xFFFFE003, lr  }
0x1b: {  	s9 =	sadd.s32 $0xFFFFFEF7, lr;
	s5 =	simm.s32 $0xFFFFFFFF;
	p2 =	slt.u32 s8, $0xFFFFF086  }
0x1c: {  	p1 =	slt.u32 s9, $0xF7A;
	s5 =	simm.s32 @!p2 $0x0  }
0x1d: {  	s5 =	simm.s32 @p1 $0x1;
	p0 =	seq.s32 s7, s2  }
0x1e: {  	s7 =	smul.u32 @!p0 $0xF7A, s2;
	p2 =	seq.s32 @!p0 s5, $0x0  }
0x1f: {  	s9 =	smul.u32 $0xF7A, s1;
	s8 =	simm.s32 @!p0 $0x1BF5;
	p2 =	por !p2, p0  }
0x20: {  	[sflag:s8] =	ssyncset.s32 @!p0 $0xFFFFF086;
	s6 =	sadd.s32 @!p0 s3, s7;
	s7 =	simm.s32 @!p0 $0x108  }
0x21: {  	s3 =	sadd.s32 s3, s9;
	s6 =	sadd.s32 @!p0 $0x88, s6;
	s7 =	simm.s32 @p2 $0x1082  }
0x22: {  	[simem:s7], [sflag:s8] =	dma.local @!p0 [hbm:s6], $0xF7A  }
0x23: {  	s9 =	sor.u32 $0xD0000000, s2;
	s6 =	simm.s32 $0x108;
	_ =	swait.ge @!p0 [sflag:s8], $0x0  }
0x24: {  	s3 =	sadd.s32 $0x88, s3;
	s6 =	simm.s32 @!p1 $0x1082;
	[sflag:s4] =	ssyncset.s32 $0xFFFFF086  }
0x25: {  	[simem:s6], [sflag:s4] =	dma.local [hbm:s3], $0xF7A  }
0x26: {  	[smem:$0x3F96] =	sst s1;
	(tag) =	ssettag s2;
	_ =	strace s9  }
0x27: {  	s1 =	sld [smem:$0x3FA6]  }
0x28: {  	s2 =	sld [smem:$0x3FA7]  }
0x29: {  	s4 =	sld [smem:$0x3FA9]  }
0x2a: {  	p0 =	seq.s32 s5, $0x0;
	s5 =	sld [smem:$0x3FAA]  }
0x2b: {  	s6 =	sld [smem:$0x3FAB]  }
0x2c: {  	s7 =	sld [smem:$0x3FAC]  }
0x2d: {  	s3 =	simm.s32 $0x108;
	s8 =	sld [smem:$0x3FAD]  }
0x2e: {  	s3 =	simm.s32 @!p0 $0x1082;
	s9 =	sld [smem:$0x3FAE]  }
0x2f: {  	lr =	sadd.s32 s0, s3;
	s0 =	sld [smem:$0x3FA5]  }
0x30: {  	s3 =	sld [smem:$0x3FA8]  }
0x31: {  	[smem:$0x3FB1] =	sst s10  }
0x32: {  	s10 =	sld [smem:$0x3FAF];
	_ =	sdelay $0x3  }
0x33: {  	p0 =	seq.s32 s10, $0x1;
	s10 =	sld [smem:$0x3FB1];
	_ =	sdelay $0x3  }
0x34: {  	[smem:$0x3FB1] =	sst s10  }
0x35: {  	s10 =	sld [smem:$0x3FB0];
	_ =	sdelay $0x3  }
0x36: {  	p1 =	seq.s32 s10, $0x1;
	s10 =	sld [smem:$0x3FB1];
	_ =	sdelay $0x3  }
0x37: {  	[smem:$0x3FB1] =	sst s10  }
0x38: {  	s10 =	sld [smem:$0x3FB2]  }
0x39: {  	_ = 	snop;
	(pc) =	sbr.ind lr, $3  }
0x3a: {  	_ = 	snop  }
0x3b: {  	_ = 	snop  }
0x3c: {  	p2 =	seq.s32 s10, $0x1;
	s10 =	sld [smem:$0x3FB1]  }
0x3d: {  	_ =	shalt  }
0x3e: {  	_ =	shalt  }
0x3f: {  	_ =	shalt  }
0x40: {  	_ =	shalt  }
0x41: {  	_ =	shalt  }
0x42: {  	_ =	shalt  }
0x43: {  	_ =	shalt  }
0x44: {  	_ =	shalt  }
0x45: {  	_ =	shalt  }
0x46: {  	_ =	shalt  }
0x47: {  	_ =	shalt  }
0x48: {  	_ =	shalt  }
0x49: {  	_ =	shalt  }
0x4a: {  	_ =	shalt  }
0x4b: {  	_ =	shalt  }
0x4c: {  	_ =	shalt  }
0x4d: {  	_ =	shalt  }
0x4e: {  	_ =	shalt  }
0x4f: {  	_ =	shalt  }
0x50: {  	_ =	shalt  }
0x51: {  	_ =	shalt  }
0x52: {  	_ =	shalt  }
0x53: {  	_ =	shalt  }
0x54: {  	_ =	shalt  }
0x55: {  	_ =	shalt  }
0x56: {  	_ =	shalt  }
0x57: {  	_ =	shalt  }
0x58: {  	_ =	shalt  }
0x59: {  	_ =	shalt  }
0x5a: {  	_ =	shalt  }
0x5b: {  	_ =	shalt  }
0x5c: {  	_ =	shalt  }
0x5d: {  	_ =	shalt  }
0x5e: {  	_ =	shalt  }
0x5f: {  	_ =	shalt  }
0x60: {  	_ =	shalt  }
0x61: {  	_ =	shalt  }
0x62: {  	_ =	shalt  }
0x63: {  	_ =	shalt  }
0x64: {  	_ =	shalt  }
0x65: {  	_ =	shalt  }
0x66: {  	_ =	shalt  }
0x67: {  	_ =	shalt  }
0x68: {  	_ =	shalt  }
0x69: {  	_ =	shalt  }
0x6a: {  	_ =	shalt  }
0x6b: {  	_ =	shalt  }
0x6c: {  	_ =	shalt  }
0x6d: {  	_ =	shalt  }
0x6e: {  	_ =	shalt  }
0x6f: {  	_ =	shalt  }
0x70: {  	_ =	shalt  }
0x71: {  	_ =	shalt  }
0x72: {  	_ =	shalt  }
0x73: {  	_ =	shalt  }
0x74: {  	_ =	shalt  }
0x75: {  	_ =	shalt  }
0x76: {  	_ =	shalt  }
0x77: {  	_ =	shalt  }
0x78: {  	_ =	shalt  }
0x79: {  	_ =	shalt  }
0x7a: {  	_ =	shalt  }
0x7b: {  	_ =	shalt  }
0x7c: {  	_ =	shalt  }
0x7d: {  	_ =	shalt  }
0x7e: {  	_ =	shalt  }
0x7f: {  	_ =	shalt  }
0x80: {  	_ =	shalt  }
0x81: {  	_ =	shalt  }
0x82: {  	_ =	shalt  }
0x83: {  	_ =	shalt  }
0x84: {  	_ =	shalt  }
0x85: {  	_ =	shalt  }
0x86: {  	_ =	shalt  }
0x87: {  	_ =	shalt  }
.Lfunc_end0:
.L_simem_size_0:
called_computation.4_lowered:
.L_overlay_start_0:
0x88: {  	s2 =	sld [smem:$0x3FD9]  }
0x89: {  	s3 =	sld [smem:$0x3FFE];
	_ =	sdelay $0x1  }
0x8a: {  	s1 =	srdreg.scid  }
0x8b: {  	s0 =	sand.u32 $0x1, s1  }
0x8c: {  	s16 =	sshll.u32 s0, $0xA;
	s2 =	sadd.s32 s3, s2  }
0x8d: {  	s2 =	sadd.s32 s2, s16  }
0x8e: {  	[smem:$0x3FBD] =	sst s2  }
0x8f: {  	_ = 	snop  }
0x90: {  	(tm) =	ssettm $0x1  }
0x91: {  	s17 =	sld [smem:$0x3FFB];
	_ =	sdelay $0x3  }
0x92: {  	_ =	strace s17  }
0x93: {  	s2 =	sld [smem:$0x3FFC];
	_ =	sdelay $0x3  }
0x94: {  	_ =	strace s2  }
0x95: {  	s2 =	sld [smem:$0x3FFD];
	_ =	sdelay $0x3  }
0x96: {  	_ =	strace s2  }
0x97: {  	_ =	strace $0x8FFFFFFF  }
0x98: {  	s18 =	sld [smem:$0x3FDB];
	_ =	sdelay $0x1  }
0x99: {  	s19 =	simm.s32 $_scs_section_size  }
0x9a: {  	s4 =	simm.s32 $_size__tile_overlayer_lowered;
	s5 =	simm.s32 $_tile_overlayer_lowered  }
0x9b: {  	s22 =	simm.s32 $0x1BFF;
	s21 =	sshll.u32 s5, $0x1;
	s2 =	sadd.s32 s19, s18  }
0x9c: {  	s6 =	simm.s32 $0x0;
	s20 =	sshll.u32 s4, $0x1;
	s4 =	sadd.s32 s21, s2  }
0x9d: {  	[timem:s6], [sflag:s22] =	dma.local [hbm:s4], s20  }
0x9e: {  	_ =	swait.ge [sflag:s22], s20  }
0x9f: {  	s3 =	ssub.s32 $0x0, s20;
	[sflag:s22] =	ssyncset.done $0x0  }
0xa0: {  	[sflag:s22] =	ssyncadd.s32 s3;
	_ =	sdelay $0x1  }
0xa1: {  	s23 =	simm.s32 $0x1B8B  }
0xa2: {  	_ =	swait.ge [sflag:s23], $0x1  }
0xa3: {  	[sflag:s23] =	ssyncset.done $0x0  }
0xa4: {  	s25 =	simm.s32 $0x1B8E;
	s24 =	sld [smem:$0x3FFE];
	[sflag:s23] =	ssyncadd.s32 $0xFFFFFFFF  }
0xa5: {  	s26 =	simm.s32 $execute0_lowered;
	[smem:$0x3FD2] =	sst s25  }
0xa6: {  	s4 =	sshll.u32 s26, $0x1;
	_ =	strace $0x80000052;
	[dreg:$0x1] =	wrdreg $0xFFFFFFFF  }
0xa7: {  	s28 =	simm.s32 $_size_execute0_lowered;
	s2 =	sadd.s32 s2, s4;
	[dreg:$0x0] =	wrdreg $0x0  }
0xa8: {  	s4 =	sshll.u32 s28, $0x1;
	[dreg:$0x2] =	wrdreg s2  }
0xa9: {  	[dreg:$0x3] =	wrdreg s4  }
0xaa: {  	[dreg:$0x4] =	wrdreg $0xC0  }
0xab: {  	_ =	task [dreg:s6], $0x5FFFF  }
0xac: {  	[dreg:$0x1] =	wrdreg $0xFFFFFFFF  }
0xad: {  	[dreg:$0x0] =	wrdreg $0x60  }
0xae: {  	[dreg:$0x2] =	wrdreg s24  }
0xaf: {  	[dreg:$0x3] =	wrdreg $0x10F000  }
0xb0: {  	[dreg:$0x4] =	wrdreg $0x9  }
0xb1: {  	_ =	task.clear_ibuf [dreg:s6], $0x5FFFF;
	_ =	strace $0x90000052  }
0xb2: {  	s29 =	simm.s32 $0x9;
	_ =	strace $0x80000054  }
0xb3: {  	_ =	swait.ge [sflag:s29], $0x1  }
0xb4: {  	[sflag:s29] =	ssyncadd.s32 $0xFFFFFFFF  }
0xb5: {  	_ =	strace $0x90000054  }
0xb6: {  	_ =	sfence  }
0xb7: {  	s30 =	sld [smem:$0x0];
	_ =	sdelay $0x2  }
0xb8: {  	s31 =	sshll.u32 s1, $0xD;
	s1 =	sshrl.u32 s1, $0x2  }
0xb9: {  	s3 =	sand.u32 $0x4000, s31;
	s1 =	sadd.s32 s1, s30  }
0xba: {  	s0 =	sor.u32 s3, s0;
	s1 =	sshll.u32 s1, $0x11  }
0xbb: {  	s0 =	sor.u32 s1, s0  }
0xbc: {  	s0 =	sadd.s32 $0x8F2B, s0  }
0xbd: {  	[sflag:s0] =	ssyncadd.remote.s32 $0x1  }
0xbe: {  	_ =	sfence.sel $0xFFFF  }
0xbf: {  	[dreg:$0x0] =	wrdreg $0xFFFFFFFF;
	(pc) =	sbr.abs _section_cstart, $3  }
0xc0: {  	[dreg:$0x1] =	wrdreg $0xFFFFFFFF  }
0xc1: {  	_ =	task.clear_ibuf [dreg:s6], $0x2FFFF;
	_ =	strace $0x9FFFFFFF  }
0xc2: {  	(tm) =	ssettm $0x7FFFFFFF  }
0xc3: {  	_ =	shalt  }
tec
execute0_lowered:
.L_overlay_start_1:
0x0: {  	(tag) =	ssettag $0x1  }
0x1: {  	s0 =	rddreg [dreg:$0x0];
	s1 =	srdreg.scid  }
0x2: {  	s7 =	stileid.u32;
	s2 =	rddreg [dreg:$0x1];
	s4 =	simm.s32 $0x0  }
0x3: {  	s30 =	simm.s32 $0xD;
	s1 =	sand.u32 $0x1, s1;
	s8 =	smul.u32 $0xA000, s7  }
0x4: {  	s3 =	sshll.u32 s7, $0x1;
	[smem:$0x7FF] =	sst s4;
	s16 =	smul.u32 $0x28000, s7  }
0x5: {  	s3 =	sor.u32 s1, s3;
	s5 =	ssub.s32 $0x2, s1;
	s1 =	smul.u32 $0xA0000, s1  }
0x6: {  	s4 =	sadd.s32 $0x20400, s0;
	_ =	strace $0x80000053;
	s3 =	smul.u32 $0x4F0, s3  }
0x7: {  	s6 =	sshrl.u32 s5, $0x1;
	s9 =	sor.u32 $0x1400, s8;
	s19 =	sadd.s32 $0x2800, s8  }
0x8: {  	s21 =	sadd.s32 $0x3C00, s8;
	s22 =	sadd.s32 $0x5000, s8;
	s26 =	sadd.s32 $0x6400, s8  }
0x9: {  	s29 =	sadd.s32 $0x7800, s8;
	s13 =	sadd.s32 $0x8C00, s8;
	s5 =	ssub.s32 s5, s6  }
0xa: {  	s17 =	sadd.s32 s1, s8;
	s6 =	sshrl.u32 s16, $0x2;
	s10 =	sadd.s32 s1, s9  }
0xb: {  	s20 =	sadd.s32 s1, s19;
	s11 =	sadd.s32 s1, s21;
	s12 =	sadd.s32 s1, s22  }
0xc: {  	s28 =	sadd.s32 s1, s26;
	s14 =	sadd.s32 s1, s29;
	s1 =	sadd.s32 s1, s13  }
0xd: {  	s16 =	sadd.s32 s9, s2;
	s9 =	simm.s32 $0xCF00;
	s3 =	sadd.s32 s3, s0  }
0xe: {  	s0 =	sadd.s32 $0x34400, s0;
	s7 =	sadd.s32 s6, s2;
	s18 =	sshrl.u32 s10, $0x3  }
0xf: {  	s5 =	smax.u32 s5, $0x1;
	s23 =	sshrl.u32 s11, $0x3;
	s24 =	sshrl.u32 s12, $0x3  }
0x10: {  	s11 =	sshrl.u32 s28, $0x3;
	s31 =	sshrl.u32 s14, $0x3;
	s1 =	sshrl.u32 s1, $0x3  }
0x11: {  	s6 =	sadd.s32 s21, s2;
	s10 =	simm.s32 $0x2;
	[dreg:$0x7] =	wrdreg s5  }
0x12: {  	s12 =	simm.s32 $0x3;
	s15 =	sadd.s32 $0x16600, s3;
	[dreg:$0x5] =	wrdreg s7  }
0x13: {  	s3 =	sadd.s32 $0x2800, s3;
	s5 =	sshrl.u32 s20, $0x3;
	[dreg:$0x3] =	wrdreg s15  }
0x14: {  	s25 =	sadd.s32 s0, s24;
	s11 =	sadd.s32 s0, s11;
	[dreg:$0x4] =	wrdreg s3  }
0x15: {  	s14 =	sadd.s32 $0x2000, s7;
	s20 =	sshrl.u32 s16, $0x3;
	[dreg:$0xb] =	wrdreg s25  }
0x16: {  	s28 =	sadd.s32 $0x4000, s7;
	s16 =	simm.s32 $0x5;
	[dreg:$0xc] =	wrdreg s11  }
0x17: {  	s3 =	sshrl.u32 s17, $0x3;
	s5 =	sadd.s32 s0, s5;
	[dreg:$0xf] =	wrdreg s14  }
0x18: {  	s11 =	sadd.s32 s0, s31;
	s15 =	sadd.s32 s8, s2;
	[dreg:$0x11] =	wrdreg s20  }
0x19: {  	s17 =	sadd.s32 s22, s2;
	s22 =	sshrl.u32 s6, $0x3;
	[dreg:$0x18] =	wrdreg s28  }
0x1a: {  	s31 =	sadd.s32 $0x8000, s7;
	s6 =	simm.s32 $0xAF00;
	[dreg:$0x9] =	wrdreg s5  }
0x1b: {  	s8 =	simm.s32 $0x1;
	s14 =	simm.s32 $0x4;
	[dreg:$0xd] =	wrdreg s11  }
0x1c: {  	s20 =	simm.s32 $0xB;
	s3 =	sadd.s32 s0, s3;
	[dreg:$0x13] =	wrdreg s22  }
0x1d: {  	s5 =	sadd.s32 s0, s23;
	s23 =	sshrl.u32 s17, $0x3;
	[dreg:$0x1a] =	wrdreg s31  }
0x1e: {  	s11 =	simm.s32 $0xEF00;
	s17 =	simm.s32 $0x9;
	[dreg:$0x6] =	wrdreg s3  }
0x1f: {  	s22 =	simm.s32 $0x0;
	s3 =	sadd.s32 s0, s18;
	[dreg:$0xa] =	wrdreg s5  }
0x20: {  	s0 =	sadd.s32 s0, s1;
	s5 =	sadd.s32 s26, s2;
	[dreg:$0x14] =	wrdreg s23  }
0x21: {  	s18 =	sadd.s32 s29, s2;
	s29 =	sadd.s32 $0x6000, s7;
	[dreg:$0x8] =	wrdreg s3  }
0x22: {  	s1 =	simm.s32 $0x4F00;
	[dreg:$0xe] =	wrdreg s0;
	s3 =	sadd.s32 s19, s2  }
0x23: {  	s19 =	sadd.s32 s13, s2;
	s0 =	sshrl.u32 s15, $0x3;
	s24 =	sshrl.u32 s5, $0x3  }
0x24: {  	s25 =	sshrl.u32 s18, $0x3;
	[dreg:$0x19] =	wrdreg s29;
	s5 =	simm.s32 $0x8F00  }
0x25: {  	s13 =	simm.s32 $0x7;
	s15 =	simm.s32 $0x8;
	[dreg:$0x10] =	wrdreg s0  }
0x26: {  	s18 =	simm.s32 $0x6;
	s21 =	sshrl.u32 s3, $0x3;
	[dreg:$0x15] =	wrdreg s24  }
0x27: {  	[dreg:$0x16] =	wrdreg s25;
	s26 =	sshrl.u32 s19, $0x3;
	s25 =	simm.s32 $0x2780  }
0x28: {  	s0 =	simm.s32 $0x80;
	s3 =	simm.s32 $0x6F00;
	[dreg:$0x12] =	wrdreg s21  }
0x29: {  	v0 =	vimm.f32 $0.0e+00;
	s19 =	simm.s32 $0xA;
	[dreg:$0x17] =	wrdreg s26;
	s21 =	simm.s32 $0xC  }
.LBB2_1:
0x2a: {  	s7 =	simm.s32 $0x0;
	s23 =	rddreg [dreg:$0x3]  }
0x2b: {  	[tilespmem:s7], [sflag:$0xD] =	stream.linear.gather [hbm4b:s23+s7], $0x2780, $0x38;
	[tilespmem:$0x1AF00] =	vst v63  }
0x2c: {  	_ =	swait.ge [sflag:s30], $0x2780  }
0x2d: {  	[sflag:s30] =	ssyncset.done $0x0  }
0x2e: {  	s31 =	rddreg [dreg:$0x4];
	[sflag:s30] =	ssyncadd.s32 $0xFFFFD880  }
0x2f: {  	[tilespmem:s25], [sflag:$0xD] =	stream.linear.gather [hbm4b:s31+s7], $0x2780, $0x38;
	[tilespmem:$0x1AF00] =	vst v63  }
0x30: {  	_ =	swait.ge [sflag:s30], $0x2780  }
0x31: {  	[sflag:s30] =	ssyncset.done $0x0  }
0x32: {  	s24 =	simm.s32 $0x100;
	s23 =	simm.s32 $0x0;
	[sflag:s30] =	ssyncadd.s32 $0xFFFFD880  }
.LBB2_2:
0x33: {  	p0 =	sne.s32 s24, $0x7F00;
	[tilespmem:s23+$0x4F30] =	vst v0;
	s31 =	smov.u32 s24;
	s24 =	sadd.s32 $0x100, s24  }
.Ltmp0:
0x34: {  	[tilespmem:s23+$0x4F20] =	vst v0;
	(pc) =	sbr.rel @p0 .LBB2_2-.Ltmp0, $3  }
0x35: {  	[tilespmem:s23+$0x4F00] =	vst v0  }
0x36: {  	[tilespmem:s23+$0x4F10] =	vst v0;
	_ =	sdelay $0x1  }
0x37: {  	s23 =	sshra.s32 s31, $0x2  }
0x38: {  	[tilespmem:s23+$0x4F30] =	vst v0  }
0x39: {  	[tilespmem:s23+$0x4F20] =	vst v0  }
0x3a: {  	[tilespmem:s23+$0x4F00] =	vst v0  }
0x3b: {  	[tilespmem:s23+$0x4F10] =	vst v0;
	s7 =	rddreg [dreg:$0x5]  }
0x3c: {  	[spmem:s7] =	stream.linear.scatter [tilespmem:s1], [sflag:$0xD], $0x2000, $0x38;
	[tilespmem:$0x1AF00] =	vst v63  }
0x3d: {  	_ =	swait.ge [sflag:s30], $0x2000  }
0x3e: {  	[sflag:s30] =	ssyncset.done $0x0  }
0x3f: {  	s26 =	rddreg [dreg:$0xf];
	[sflag:s30] =	ssyncadd.s32 $0xFFFFE000  }
0x40: {  	[spmem:s26] =	stream.linear.scatter [tilespmem:s1], [sflag:$0xD], $0x2000, $0x38;
	[tilespmem:$0x1AF00] =	vst v63  }
0x41: {  	_ =	swait.ge [sflag:s30], $0x2000  }
0x42: {  	[sflag:s30] =	ssyncset.done $0x0  }
0x43: {  	s28 =	rddreg [dreg:$0x18];
	[sflag:s30] =	ssyncadd.s32 $0xFFFFE000  }
0x44: {  	[spmem:s28] =	stream.linear.scatter [tilespmem:s1], [sflag:$0xD], $0x2000, $0x38;
	[tilespmem:$0x1AF00] =	vst v63  }
0x45: {  	_ =	swait.ge [sflag:s30], $0x2000  }
0x46: {  	[sflag:s30] =	ssyncset.done $0x0  }
0x47: {  	s29 =	rddreg [dreg:$0x19];
	[sflag:s30] =	ssyncadd.s32 $0xFFFFE000  }
0x48: {  	[spmem:s29] =	stream.linear.scatter [tilespmem:s1], [sflag:$0xD], $0x2000, $0x38;
	[tilespmem:$0x1AF00] =	vst v63  }
0x49: {  	_ =	swait.ge [sflag:s30], $0x2000  }
0x4a: {  	[sflag:s30] =	ssyncset.done $0x0  }
0x4b: {  	s31 =	rddreg [dreg:$0x1a];
	[sflag:s30] =	ssyncadd.s32 $0xFFFFE000  }
0x4c: {  	[spmem:s31] =	stream.linear.scatter [tilespmem:s1], [sflag:$0xD], $0x2000, $0x38;
	[tilespmem:$0x1AF00] =	vst v63  }
0x4d: {  	_ =	swait.ge [sflag:s30], $0x2000  }
0x4e: {  	[sflag:s30] =	ssyncset.done $0x0  }
0x4f: {  	[sflag:s30] =	ssyncadd.s32 $0xFFFFE000  }
0x50: {  	s7 =	simm.s32 $0x0;
	[bflag:$0x0] =	sbarrier.arrive $0xFFFF  }
0x51: {  	[tilespmem:s1], [sflag:$0x1] =	stream.indirect.gather [hbm4b:s4+s0], $0x40, s7, s0, $0xb8;
	[tilespmem:$0x1AF00] =	vst v63  }
0x52: {  	_ = 	snop  }
0x53: {  	[tilespmem:s3], [sflag:$0x2] =	stream.indirect.gather [hbm4b:s4+s0], $0x40, s0, s0, $0xb8;
	[tilespmem:$0x1AF00] =	vst v63  }
0x54: {  	s23 =	simm.s32 $0x100  }
0x55: {  	[tilespmem:s5], [sflag:$0x3] =	stream.indirect.gather [hbm4b:s4+s0], $0x40, s23, s0, $0xb8;
	[tilespmem:$0x1AF00] =	vst v63  }
0x56: {  	s24 =	simm.s32 $0x180  }
0x57: {  	[tilespmem:s6], [sflag:$0x4] =	stream.indirect.gather [hbm4b:s4+s0], $0x40, s24, s0, $0xb8;
	[tilespmem:$0x1AF00] =	vst v63  }
0x58: {  	_ =	swait.ge [sflag:s8], $0x2000  }
0x59: {  	[sflag:s8] =	ssyncset.done $0x0  }
0x5a: {  	[sflag:s8] =	ssyncadd.s32 $0xFFFFE000  }
0x5b: {  	[spmem:s2] =	stream.indirect.scatter.add.f32 [tilespmem:s1], [sflag:$0x7], $0x40, s25, s0, $0xb8;
	[tilespmem:$0x1AF00] =	vst v63  }
0x5c: {  	s26 =	simm.s32 $0x200  }
0x5d: {  	[tilespmem:s9], [sflag:$0x5] =	stream.indirect.gather [hbm4b:s4+s0], $0x40, s26, s0, $0xb8;
	[tilespmem:$0x1AF00] =	vst v63  }
0x5e: {  	_ =	swait.ge [sflag:s10], $0x2000  }
0x5f: {  	[sflag:s10] =	ssyncset.done $0x0  }
0x60: {  	s28 =	simm.s32 $0x2800;
	[sflag:s10] =	ssyncadd.s32 $0xFFFFE000  }
0x61: {  	[spmem:s2] =	stream.indirect.scatter.add.f32 [tilespmem:s3], [sflag:$0x8], $0x40, s28, s0, $0xb8;
	[tilespmem:$0x1AF00] =	vst v63  }
0x62: {  	s29 =	simm.s32 $0x280  }
0x63: {  	[tilespmem:s11], [sflag:$0x6] =	stream.indirect.gather [hbm4b:s4+s0], $0x40, s29, s0, $0xb8;
	[tilespmem:$0x1AF00] =	vst v63  }
0x64: {  	_ =	swait.ge [sflag:s12], $0x2000  }
0x65: {  	[sflag:s12] =	ssyncset.done $0x0  }
0x66: {  	s31 =	simm.s32 $0x2880;
	[sflag:s12] =	ssyncadd.s32 $0xFFFFE000  }
0x67: {  	[spmem:s2] =	stream.indirect.scatter.add.f32 [tilespmem:s5], [sflag:$0x9], $0x40, s31, s0, $0xb8;
	[tilespmem:$0x1AF00] =	vst v63  }
0x68: {  	_ =	swait.ge [sflag:s13], $0x2000  }
0x69: {  	[sflag:s13] =	ssyncset.done $0x0  }
0x6a: {  	s23 =	simm.s32 $0x300;
	[sflag:s13] =	ssyncadd.s32 $0xFFFFE000  }
0x6b: {  	[tilespmem:s1], [sflag:$0x1] =	stream.indirect.gather [hbm4b:s4+s0], $0x40, s23, s0, $0xb8;
	[tilespmem:$0x1AF00] =	vst v63  }
0x6c: {  	_ =	swait.ge [sflag:s14], $0x2000  }
0x6d: {  	[sflag:s14] =	ssyncset.done $0x0  }
0x6e: {  	s24 =	simm.s32 $0x2900;
	[sflag:s14] =	ssyncadd.s32 $0xFFFFE000  }
0x6f: {  	[spmem:s2] =	stream.indirect.scatter.add.f32 [tilespmem:s6], [sflag:$0xA], $0x40, s24, s0, $0xb8;
	[tilespmem:$0x1AF00] =	vst v63  }
0x70: {  	_ =	swait.ge [sflag:s15], $0x2000  }
0x71: {  	[sflag:s15] =	ssyncset.done $0x0  }
0x72: {  	s25 =	simm.s32 $0x380;
	[sflag:s15] =	ssyncadd.s32 $0xFFFFE000  }
0x73: {  	[tilespmem:s3], [sflag:$0x2] =	stream.indirect.gather [hbm4b:s4+s0], $0x40, s25, s0, $0xb8;
	[tilespmem:$0x1AF00] =	vst v63  }
0x74: {  	_ =	swait.ge [sflag:s16], $0x2000  }
0x75: {  	[sflag:s16] =	ssyncset.done $0x0  }
0x76: {  	s26 =	simm.s32 $0x2980;
	[sflag:s16] =	ssyncadd.s32 $0xFFFFE000  }
0x77: {  	[spmem:s2] =	stream.indirect.scatter.add.f32 [tilespmem:s9], [sflag:$0xB], $0x40, s26, s0, $0xb8;
	[tilespmem:$0x1AF00] =	vst v63  }
0x78: {  	_ =	swait.ge [sflag:s17], $0x2000  }
0x79: {  	[sflag:s17] =	ssyncset.done $0x0  }
0x7a: {  	s28 =	simm.s32 $0x400;
	[sflag:s17] =	ssyncadd.s32 $0xFFFFE000  }
0x7b: {  	[tilespmem:s5], [sflag:$0x3] =	stream.indirect.gather [hbm4b:s4+s0], $0x40, s28, s0, $0xb8;
	[tilespmem:$0x1AF00] =	vst v63  }
0x7c: {  	_ =	swait.ge [sflag:s18], $0x2000  }
0x7d: {  	[sflag:s18] =	ssyncset.done $0x0  }
0x7e: {  	s29 =	simm.s32 $0x2A00;
	[sflag:s18] =	ssyncadd.s32 $0xFFFFE000  }
0x7f: {  	[spmem:s2] =	stream.indirect.scatter.add.f32 [tilespmem:s11], [sflag:$0xC], $0x40, s29, s0, $0xb8;
	[tilespmem:$0x1AF00] =	vst v63  }
0x80: {  	_ =	swait.ge [sflag:s19], $0x2000  }
0x81: {  	[sflag:s19] =	ssyncset.done $0x0  }
0x82: {  	s31 =	simm.s32 $0x480;
	[sflag:s19] =	ssyncadd.s32 $0xFFFFE000  }
0x83: {  	[tilespmem:s6], [sflag:$0x4] =	stream.indirect.gather [hbm4b:s4+s0], $0x40, s31, s0, $0xb8;
	[tilespmem:$0x1AF00] =	vst v63  }
0x84: {  	_ =	swait.ge [sflag:s8], $0x2000  }
0x85: {  	[sflag:s8] =	ssyncset.done $0x0  }
0x86: {  	s7 =	simm.s32 $0x2A80;
	[sflag:s8] =	ssyncadd.s32 $0xFFFFE000  }
0x87: {  	[spmem:s2] =	stream.indirect.scatter.add.f32 [tilespmem:s1], [sflag:$0x7], $0x40, s7, s0, $0xb8;
	[tilespmem:$0x1AF00] =	vst v63  }
0x88: {  	_ =	swait.ge [sflag:s20], $0x2000  }
0x89: {  	[sflag:s20] =	ssyncset.done $0x0  }
0x8a: {  	s24 =	simm.s32 $0x500;
	[sflag:s20] =	ssyncadd.s32 $0xFFFFE000  }
0x8b: {  	[tilespmem:s9], [sflag:$0x5] =	stream.indirect.gather [hbm4b:s4+s0], $0x40, s24, s0, $0xb8;
	[tilespmem:$0x1AF00] =	vst v63  }
0x8c: {  	_ =	swait.ge [sflag:s10], $0x2000  }
0x8d: {  	[sflag:s10] =	ssyncset.done $0x0  }
0x8e: {  	s25 =	simm.s32 $0x2B00;
	[sflag:s10] =	ssyncadd.s32 $0xFFFFE000  }
0x8f: {  	[spmem:s2] =	stream.indirect.scatter.add.f32 [tilespmem:s3], [sflag:$0x8], $0x40, s25, s0, $0xb8;
	[tilespmem:$0x1AF00] =	vst v63  }
0x90: {  	_ =	swait.ge [sflag:s21], $0x2000  }
0x91: {  	[sflag:s21] =	ssyncset.done $0x0  }
0x92: {  	s26 =	simm.s32 $0x580;
	[sflag:s21] =	ssyncadd.s32 $0xFFFFE000  }
0x93: {  	[tilespmem:s11], [sflag:$0x6] =	stream.indirect.gather [hbm4b:s4+s0], $0x40, s26, s0, $0xb8;
	[tilespmem:$0x1AF00] =	vst v63  }
0x94: {  	_ =	swait.ge [sflag:s12], $0x2000  }
0x95: {  	[sflag:s12] =	ssyncset.done $0x0  }
0x96: {  	s28 =	simm.s32 $0x2B80;
	[sflag:s12] =	ssyncadd.s32 $0xFFFFE000  }
0x97: {  	[spmem:s2] =	stream.indirect.scatter.add.f32 [tilespmem:s5], [sflag:$0x9], $0x40, s28, s0, $0xb8;
	[tilespmem:$0x1AF00] =	vst v63  }
0x98: {  	_ =	swait.ge [sflag:s13], $0x2000  }
0x99: {  	[sflag:s13] =	ssyncset.done $0x0  }
0x9a: {  	s29 =	simm.s32 $0x600;
	[sflag:s13] =	ssyncadd.s32 $0xFFFFE000  }
0x9b: {  	[tilespmem:s1], [sflag:$0x1] =	stream.indirect.gather [hbm4b:s4+s0], $0x40, s29, s0, $0xb8;
	[tilespmem:$0x1AF00] =	vst v63  }
0x9c: {  	_ =	swait.ge [sflag:s14], $0x2000  }
0x9d: {  	[sflag:s14] =	ssyncset.done $0x0  }
0x9e: {  	s31 =	simm.s32 $0x2C00;
	[sflag:s14] =	ssyncadd.s32 $0xFFFFE000  }
0x9f: {  	[spmem:s2] =	stream.indirect.scatter.add.f32 [tilespmem:s6], [sflag:$0xA], $0x40, s31, s0, $0xb8;
	[tilespmem:$0x1AF00] =	vst v63  }
0xa0: {  	_ =	swait.ge [sflag:s15], $0x2000  }
0xa1: {  	p0 =	por $0x0, $0x0;
	[sflag:s15] =	ssyncset.done $0x0  }
0xa2: {  	s23 =	simm.s32 @p0 $0x5;
	[sflag:s15] =	ssyncadd.s32 $0xFFFFE000  }
0xa3: {  	_ =	swait.ge @p0 [sflag:s23], $0x2000  }
0xa4: {  	s24 =	simm.s32 @p0 $0x2C80;
	[sflag:s23] =	ssyncset.done @p0 $0x0  }
0xa5: {  	s31 =	simm.s32 @p0 $0xCF00;
	[sflag:s23] =	ssyncadd.s32 @p0 $0xFFFFE000;
	s23 =	simm.s32 @p0 $0x80  }
0xa6: {  	[spmem:s2] =	stream.indirect.scatter.add.f32 @p0 [tilespmem:s31], [sflag:$0xB], $0x40, s24, s23, $0xb8;
	[tilespmem:$0x1AF00] =	vst v63  }
0xa7: {  	s23 =	simm.s32 @p0 $0x9  }
0xa8: {  	_ =	swait.ge @p0 [sflag:s23], $0x2000  }
0xa9: {  	s24 =	simm.s32 @!p0 $0x680;
	[sflag:s23] =	ssyncset.done @p0 $0x0  }
0xaa: {  	s31 =	simm.s32 @!p0 $0x6F00;
	[sflag:s23] =	ssyncadd.s32 @p0 $0xFFFFE000;
	s23 =	simm.s32 @!p0 $0x80  }
0xab: {  	[tilespmem:s31], [sflag:$0x2] =	stream.indirect.gather @!p0 [hbm4b:s4+s23], $0x40, s24, s23, $0xb8;
	[tilespmem:$0x1AF00] =	vst v63  }
0xac: {  	s24 =	simm.s32 @!p0 $0x5  }
0xad: {  	_ =	swait.ge @!p0 [sflag:s24], $0x2000  }
0xae: {  	[sflag:s24] =	ssyncset.done @!p0 $0x0  }
0xaf: {  	s31 =	simm.s32 @!p0 $0x2C80;
	[sflag:s24] =	ssyncadd.s32 @!p0 $0xFFFFE000;
	s24 =	simm.s32 @!p0 $0xCF00  }
0xb0: {  	[spmem:s2] =	stream.indirect.scatter.add.f32 @!p0 [tilespmem:s24], [sflag:$0xB], $0x40, s31, s23, $0xb8;
	[tilespmem:$0x1AF00] =	vst v63  }
0xb1: {  	s24 =	simm.s32 @!p0 $0x9  }
0xb2: {  	_ =	swait.ge @!p0 [sflag:s24], $0x2000  }
0xb3: {  	[sflag:s24] =	ssyncset.done @!p0 $0x0  }
0xb4: {  	s31 =	simm.s32 @!p0 $0x700;
	[sflag:s24] =	ssyncadd.s32 @!p0 $0xFFFFE000;
	s24 =	simm.s32 @!p0 $0x8F00  }
0xb5: {  	[tilespmem:s24], [sflag:$0x3] =	stream.indirect.gather @!p0 [hbm4b:s4+s23], $0x40, s31, s23, $0xb8;
	[tilespmem:$0x1AF00] =	vst v63  }
0xb6: {  	_ =	swait.ge [sflag:s18], $0x2000  }
0xb7: {  	[sflag:s18] =	ssyncset.done $0x0  }
0xb8: {  	s23 =	simm.s32 $0xC00;
	s24 =	simm.s32 $0x2D00;
	[sflag:s18] =	ssyncadd.s32 $0xFFFFE000  }
.LBB2_4:
0xb9: {  	[spmem:s2] =	stream.indirect.scatter.add.f32 [tilespmem:s11], [sflag:$0xC], $0x40, s24, s0, $0xb8;
	[tilespmem:$0x1AF00] =	vst v63  }
0xba: {  	s24 =	smov.u32 s23;
	s23 =	sadd.s32 $0xC00, s23;
	_ =	swait.ge [sflag:s19], $0x2000  }
0xbb: {  	s31 =	sshra.s32 s24, $0x2;
	p0 =	sne.s32 s23, $0x9000;
	[sflag:s19] =	ssyncset.done $0x0  }
0xbc: {  	s25 =	sadd.s32 $0x480, s31;
	[sflag:s19] =	ssyncadd.s32 $0xFFFFE000  }
0xbd: {  	[tilespmem:s6], [sflag:$0x4] =	stream.indirect.gather [hbm4b:s4+s0], $0x40, s25, s0, $0xb8;
	[tilespmem:$0x1AF00] =	vst v63  }
0xbe: {  	_ =	swait.ge [sflag:s8], $0x2000  }
0xbf: {  	[sflag:s8] =	ssyncset.done $0x0  }
0xc0: {  	s25 =	sadd.s32 $0x2A80, s31;
	[sflag:s8] =	ssyncadd.s32 $0xFFFFE000  }
0xc1: {  	[spmem:s2] =	stream.indirect.scatter.add.f32 [tilespmem:s1], [sflag:$0x7], $0x40, s25, s0, $0xb8;
	[tilespmem:$0x1AF00] =	vst v63  }
0xc2: {  	_ =	swait.ge [sflag:s20], $0x2000  }
0xc3: {  	[sflag:s20] =	ssyncset.done $0x0  }
0xc4: {  	s25 =	sadd.s32 $0x500, s31;
	[sflag:s20] =	ssyncadd.s32 $0xFFFFE000  }
0xc5: {  	[tilespmem:s9], [sflag:$0x5] =	stream.indirect.gather [hbm4b:s4+s0], $0x40, s25, s0, $0xb8;
	[tilespmem:$0x1AF00] =	vst v63  }
0xc6: {  	_ =	swait.ge [sflag:s10], $0x2000  }
0xc7: {  	[sflag:s10] =	ssyncset.done $0x0  }
0xc8: {  	s25 =	sadd.s32 $0x2B00, s31;
	[sflag:s10] =	ssyncadd.s32 $0xFFFFE000  }
0xc9: {  	[spmem:s2] =	stream.indirect.scatter.add.f32 [tilespmem:s3], [sflag:$0x8], $0x40, s25, s0, $0xb8;
	[tilespmem:$0x1AF00] =	vst v63  }
0xca: {  	_ =	swait.ge [sflag:s21], $0x2000  }
0xcb: {  	[sflag:s21] =	ssyncset.done $0x0  }
0xcc: {  	s25 =	sadd.s32 $0x580, s31;
	[sflag:s21] =	ssyncadd.s32 $0xFFFFE000  }
0xcd: {  	[tilespmem:s11], [sflag:$0x6] =	stream.indirect.gather [hbm4b:s4+s0], $0x40, s25, s0, $0xb8;
	[tilespmem:$0x1AF00] =	vst v63  }
0xce: {  	_ =	swait.ge [sflag:s12], $0x2000  }
0xcf: {  	[sflag:s12] =	ssyncset.done $0x0  }
0xd0: {  	s25 =	sadd.s32 $0x2B80, s31;
	[sflag:s12] =	ssyncadd.s32 $0xFFFFE000  }
0xd1: {  	[spmem:s2] =	stream.indirect.scatter.add.f32 [tilespmem:s5], [sflag:$0x9], $0x40, s25, s0, $0xb8;
	[tilespmem:$0x1AF00] =	vst v63  }
0xd2: {  	_ =	swait.ge [sflag:s13], $0x2000  }
0xd3: {  	[sflag:s13] =	ssyncset.done $0x0  }
0xd4: {  	s25 =	sadd.s32 $0x600, s31;
	[sflag:s13] =	ssyncadd.s32 $0xFFFFE000  }
0xd5: {  	[tilespmem:s1], [sflag:$0x1] =	stream.indirect.gather [hbm4b:s4+s0], $0x40, s25, s0, $0xb8;
	[tilespmem:$0x1AF00] =	vst v63  }
0xd6: {  	_ =	swait.ge [sflag:s14], $0x2000  }
0xd7: {  	[sflag:s14] =	ssyncset.done $0x0  }
0xd8: {  	s25 =	sadd.s32 $0x2C00, s31;
	[sflag:s14] =	ssyncadd.s32 $0xFFFFE000  }
0xd9: {  	[spmem:s2] =	stream.indirect.scatter.add.f32 [tilespmem:s6], [sflag:$0xA], $0x40, s25, s0, $0xb8;
	[tilespmem:$0x1AF00] =	vst v63  }
0xda: {  	_ =	swait.ge [sflag:s15], $0x2000  }
0xdb: {  	p1 =	seq.s32 s24, $0x8400;
	[sflag:s15] =	ssyncset.done $0x0  }
0xdc: {  	s26 =	sshra.s32 @p1 s24, $0x2;
	s25 =	simm.s32 @p1 $0x5;
	[sflag:s15] =	ssyncadd.s32 $0xFFFFE000  }
0xdd: {  	s24 =	sshra.s32 @!p1 s24, $0x2;
	s26 =	sadd.s32 @p1 $0x2C80, s26;
	_ =	swait.ge @p1 [sflag:s25], $0x2000  }
0xde: {  	s28 =	simm.s32 @p1 $0x9;
	s29 =	sadd.s32 @!p1 $0x680, s24;
	[sflag:s25] =	ssyncset.done @p1 $0x0  }
0xdf: {  	s7 =	simm.s32 @p1 $0xCF00;
	[sflag:s25] =	ssyncadd.s32 @p1 $0xFFFFE000;
	s25 =	simm.s32 @p1 $0x80  }
0xe0: {  	[spmem:s2] =	stream.indirect.scatter.add.f32 @p1 [tilespmem:s7], [sflag:$0xB], $0x40, s26, s25, $0xb8;
	[tilespmem:$0x1AF00] =	vst v63  }
0xe1: {  	s7 =	sadd.s32 @!p1 $0x2C80, s24;
	s24 =	sadd.s32 @!p1 $0x700, s24;
	_ =	swait.ge @p1 [sflag:s28], $0x2000  }
0xe2: {  	s25 =	simm.s32 @!p1 $0x5;
	[sflag:s28] =	ssyncset.done @p1 $0x0  }
0xe3: {  	s26 =	simm.s32 @!p1 $0x80;
	[sflag:s28] =	ssyncadd.s32 @p1 $0xFFFFE000;
	s28 =	simm.s32 @!p1 $0x6F00  }
0xe4: {  	[tilespmem:s28], [sflag:$0x2] =	stream.indirect.gather @!p1 [hbm4b:s4+s26], $0x40, s29, s26, $0xb8;
	[tilespmem:$0x1AF00] =	vst v63  }
0xe5: {  	_ =	swait.ge @!p1 [sflag:s25], $0x2000  }
0xe6: {  	[sflag:s25] =	ssyncset.done @!p1 $0x0  }
0xe7: {  	s28 =	simm.s32 @!p1 $0x9;
	[sflag:s25] =	ssyncadd.s32 @!p1 $0xFFFFE000;
	s25 =	simm.s32 @!p1 $0xCF00  }
0xe8: {  	[spmem:s2] =	stream.indirect.scatter.add.f32 @!p1 [tilespmem:s25], [sflag:$0xB], $0x40, s7, s26, $0xb8;
	[tilespmem:$0x1AF00] =	vst v63  }
0xe9: {  	_ =	swait.ge @!p1 [sflag:s28], $0x2000  }
0xea: {  	[sflag:s28] =	ssyncset.done @!p1 $0x0  }
.Ltmp1:
0xeb: {  	s7 =	simm.s32 @!p1 $0x8F00;
	[sflag:s28] =	ssyncadd.s32 @!p1 $0xFFFFE000;
	(pc) =	sbr.rel @p0 .LBB2_4-.Ltmp1, $4  }
0xec: {  	[tilespmem:s7], [sflag:$0x3] =	stream.indirect.gather @!p1 [hbm4b:s4+s26], $0x40, s24, s26, $0xb8;
	[tilespmem:$0x1AF00] =	vst v63  }
0xed: {  	_ =	swait.ge [sflag:s18], $0x2000  }
0xee: {  	[sflag:s18] =	ssyncset.done $0x0  }
0xef: {  	s24 =	sadd.s32 $0x2D00, s31;
	[sflag:s18] =	ssyncadd.s32 $0xFFFFE000  }
0xf0: {  	[spmem:s2] =	stream.indirect.scatter.add.f32 [tilespmem:s11], [sflag:$0xC], $0x40, s24, s0, $0xb8;
	[tilespmem:$0x1AF00] =	vst v63  }
0xf1: {  	_ =	swait.ge [sflag:s19], $0x2000  }
0xf2: {  	[sflag:s19] =	ssyncset.done $0x0  }
0xf3: {  	[sflag:s19] =	ssyncadd.s32 $0xFFFFE000  }
0xf4: {  	_ =	swait.ge [sflag:s8], $0x2000  }
0xf5: {  	[sflag:s8] =	ssyncset.done $0x0  }
0xf6: {  	s7 =	simm.s32 $0x4E80;
	[sflag:s8] =	ssyncadd.s32 $0xFFFFE000  }
0xf7: {  	[spmem:s2] =	stream.indirect.scatter.add.f32 [tilespmem:s1], [sflag:$0x7], $0x40, s7, s0, $0xb8;
	[tilespmem:$0x1AF00] =	vst v63  }
0xf8: {  	_ =	swait.ge [sflag:s20], $0x2000  }
0xf9: {  	[sflag:s20] =	ssyncset.done $0x0  }
0xfa: {  	[sflag:s20] =	ssyncadd.s32 $0xFFFFE000  }
0xfb: {  	_ =	swait.ge [sflag:s21], $0x2000  }
0xfc: {  	[sflag:s21] =	ssyncset.done $0x0  }
0xfd: {  	[sflag:s21] =	ssyncadd.s32 $0xFFFFE000  }
0xfe: {  	_ =	swait.ge [sflag:s13], $0x2000  }
0xff: {  	[sflag:s13] =	ssyncset.done $0x0  }
0x100: {  	[sflag:s13] =	ssyncadd.s32 $0xFFFFE000  }
0x101: {  	s24 =	stileid.u32;
	[bflag:$0x0] =	sbarrier.arrive $0xFFFF  }
0x102: {  	s7 =	sshll.u32 s24, $0x6;
	s23 =	rddreg [dreg:$0x6]  }
0x103: {  	s7 =	sor.u32 $0x1C0D, s7;
	s25 =	rddreg [dreg:$0x10]  }
0x104: {  	[hbm:s23], [sflag:s7] =	dma.local [spmem:s25], $0x280  }
0x105: {  	_ =	swait.ge [sflag:s30], $0x280  }
0x106: {  	[sflag:s30] =	ssyncset.done $0x0;
	s26 =	rddreg [dreg:$0x8]  }
0x107: {  	s28 =	rddreg [dreg:$0x11];
	[sflag:s30] =	ssyncadd.s32 $0xFFFFFD80  }
0x108: {  	[hbm:s26], [sflag:s7] =	dma.local [spmem:s28], $0x280  }
0x109: {  	_ =	swait.ge [sflag:s30], $0x280  }
0x10a: {  	[sflag:s30] =	ssyncset.done $0x0;
	s29 =	rddreg [dreg:$0x9]  }
0x10b: {  	s31 =	rddreg [dreg:$0x12];
	[sflag:s30] =	ssyncadd.s32 $0xFFFFFD80  }
0x10c: {  	[hbm:s29], [sflag:s7] =	dma.local [spmem:s31], $0x280  }
0x10d: {  	_ =	swait.ge [sflag:s30], $0x280  }
0x10e: {  	[sflag:s30] =	ssyncset.done $0x0;
	s24 =	rddreg [dreg:$0xa]  }
0x10f: {  	s25 =	rddreg [dreg:$0x13];
	[sflag:s30] =	ssyncadd.s32 $0xFFFFFD80  }
0x110: {  	[hbm:s24], [sflag:s7] =	dma.local [spmem:s25], $0x280  }
0x111: {  	_ =	swait.ge [sflag:s30], $0x280  }
0x112: {  	[sflag:s30] =	ssyncset.done $0x0;
	s26 =	rddreg [dreg:$0xb]  }
0x113: {  	s28 =	rddreg [dreg:$0x14];
	[sflag:s30] =	ssyncadd.s32 $0xFFFFFD80  }
0x114: {  	[hbm:s26], [sflag:s7] =	dma.local [spmem:s28], $0x280  }
0x115: {  	_ =	swait.ge [sflag:s30], $0x280  }
0x116: {  	[sflag:s30] =	ssyncset.done $0x0;
	s29 =	rddreg [dreg:$0xc]  }
0x117: {  	s31 =	rddreg [dreg:$0x15];
	[sflag:s30] =	ssyncadd.s32 $0xFFFFFD80  }
0x118: {  	[hbm:s29], [sflag:s7] =	dma.local [spmem:s31], $0x280  }
0x119: {  	_ =	swait.ge [sflag:s30], $0x280  }
0x11a: {  	[sflag:s30] =	ssyncset.done $0x0;
	s25 =	rddreg [dreg:$0xd]  }
0x11b: {  	s26 =	rddreg [dreg:$0x16];
	[sflag:s30] =	ssyncadd.s32 $0xFFFFFD80  }
0x11c: {  	[hbm:s25], [sflag:s7] =	dma.local [spmem:s26], $0x280  }
0x11d: {  	_ =	swait.ge [sflag:s30], $0x280  }
0x11e: {  	[sflag:s30] =	ssyncset.done $0x0;
	s28 =	rddreg [dreg:$0xe]  }
0x11f: {  	s29 =	rddreg [dreg:$0x17];
	[sflag:s30] =	ssyncadd.s32 $0xFFFFFD80  }
0x120: {  	[hbm:s28], [sflag:s7] =	dma.local [spmem:s29], $0x280  }
0x121: {  	_ =	swait.ge [sflag:s30], $0x280  }
0x122: {  	s22 =	sadd.s32 $0x1, s22;
	s31 =	rddreg [dreg:$0x7]  }
0x123: {  	p0 =	sne.s32 s22, s31  }
.Ltmp2:
0x124: {  	_ = 	snop;
	(pc) =	sbr.rel @p0 .LBB2_1-.Ltmp2, $3  }
0x125: {  	_ =	sdelay $0x1  }
0x126: {  	[sflag:s30] =	ssyncset.done $0x0  }
0x127: {  	s25 =	simm.s32 $0x2780;
	[sflag:s30] =	ssyncadd.s32 $0xFFFFFD80  }
0x128: {  	_ =	sfence.sel $0x180000  }
0x129: {  	[bflag:$0x0] =	sbarrier.arrive $0xFFFF  }
0x12a: {  	_ =	strace $0x90000053  }
0x12b: {  	s0 =	stileid.u32;
	[bflag:$0x2] =	sbarrier.arrive $0xFFFF  }
0x12c: {  	p0 =	sne.s32 s0, $0x0;
	s0 =	rddreg [dreg:$0x2]  }
0x12d: {  	s0 =	sadd.s32 @!p0 $0x100000, s0  }
0x12e: {  	[sflag:s0] =	ssyncadd.tile.s32 @!p0 $0x1;
	_ =	shalt  }
.Lfunc_end2:
_tile_overlayer_lowered:
.L_overlay_start_2:
0x12f: {  	(tag) =	ssettag $0x2  }
0x130: {  	s0 =	rddreg [dreg:$0x0];
	s2 =	stileid.u32  }
0x131: {  	s1 =	rddreg [dreg:$0x1];
	p0 =	sne.s32 s2, $0x0  }
0x132: {  	s3 =	rddreg [dreg:$0x2];
	[bflag:$0x3] =	sbarrier.arrive $0xFFFF;
	s2 =	simm.s32 @!p0 $0x1C0D  }
0x133: {  	[timem:s3], [sflag:s2] =	dma.local @!p0 [hbm:s0], s1  }
0x134: {  	s0 =	simm.s32 @!p0 $0xD  }
0x135: {  	_ =	swait.ge @!p0 [sflag:s0], s1  }
0x136: {  	s1 =	ssub.s32 @!p0 $0x0, s1;
	[sflag:s0] =	ssyncset.done @!p0 $0x0  }
0x137: {  	[sflag:s0] =	ssyncadd.s32 @!p0 s1  }
0x138: {  	[bflag:$0x3] =	sbarrier.arrive $0xFFFF  }
0x139: {  	_ =	shalt  }

</sc_bundles>
